<compile_context>
chip_gen: v7x
topology: tpu7x:2x2x1
jax: 0.10.2.dev20260603
libtpu: 0.0.44.dev20260713+nightly
codegen_flags: <defaults>
</compile_context>

<pallas_src>
import jax
import jax.numpy as jnp
from jax import lax
from jax.experimental import pallas as pl
from jax.experimental.pallas import tpu as pltpu
from jax.experimental.pallas import tpu_sc as plsc

N = 50000
E = 800000
B = 512
EMB = 512
HID = 64

NC = 2
NS = 16
NW = NC * NS
CHUNK = 128
PER_W = 25088
E_PAD = PER_W * NW
NCHUNK = PER_W // CHUNK
NPAD = 50432
RPT = NPAD // NS
ZROWS = 394
YROWS = 50016
BLK = 2048
PBLK = BLK // 4
NPOOL = 51200
GRID = NPOOL // BLK
YR4 = YROWS // 4
NP4 = NPAD // 4
KB = 2
G = NCHUNK // KB
TOT_CHUNKS = E_PAD // CHUNK

_f32 = jnp.float32
_i32 = jnp.int32



def _deg_body(idx2_hbm, deg0_hbm, deg1_hbm, ones_v, idx_v, zbuf_v, acc_sh, sem_i):
    c = lax.axis_index("c")
    s = lax.axis_index("s")

    def _init(i, carry):
        ones_v[pl.ds(i * 16, 16)] = jnp.ones((16,), _f32)
        return carry
    lax.fori_loop(0, CHUNK // 16, _init, 0)

    def _zb(i, carry):
        zbuf_v[pl.ds(i * 16, 16)] = jnp.zeros((16,), _f32)
        return carry
    lax.fori_loop(0, RPT // 16, _zb, 0)
    pltpu.sync_copy(zbuf_v, acc_sh.at[pl.ds(s * RPT, RPT)])
    plsc.subcore_barrier()

    cbase = (s * NC + c) * NCHUNK

    def _start_idx(g, slot):
        pltpu.async_copy(idx2_hbm.at[pl.ds(cbase + g * KB, KB)],
                         idx_v.at[slot], sem_i.at[slot])

    def _wait_idx(slot):
        pltpu.make_async_copy(idx2_hbm.at[pl.ds(0, KB)],
                              idx_v.at[slot], sem_i.at[slot]).wait()

    _start_idx(0, 0)
    _start_idx(1, 1)
    _wait_idx(0)

    def _group(g, carry):
        slot = lax.rem(g, 2)
        nslot = lax.rem(g + 1, 2)
        for b in range(KB):
            pltpu.sync_copy(ones_v, acc_sh.at[idx_v.at[slot, b, 1]], add=True)

        @pl.when(g + 2 < G)
        def _pref():
            _start_idx(g + 2, slot)

        @pl.when(g + 1 < G)
        def _nw():
            _wait_idx(nslot)
        return carry
    lax.fori_loop(0, G, _group, 0)
    plsc.subcore_barrier()

    pltpu.sync_copy(acc_sh.at[pl.ds(s * RPT, RPT)], zbuf_v)

    @pl.when(c == 0)
    def _w0():
        pltpu.sync_copy(zbuf_v, deg0_hbm.at[pl.ds(s * RPT, RPT)])

    @pl.when(c == 1)
    def _w1():
        pltpu.sync_copy(zbuf_v, deg1_hbm.at[pl.ds(s * RPT, RPT)])


def _deg_pass(idx2):
    mesh = plsc.VectorSubcoreMesh(core_axis_name="c", subcore_axis_name="s")
    return pl.kernel(
        _deg_body,
        out_type=[jax.ShapeDtypeStruct((NPAD,), _f32),
                  jax.ShapeDtypeStruct((NPAD,), _f32)],
        mesh=mesh,
        scratch_types=[
            pltpu.VMEM((CHUNK,), _f32),
            pltpu.VMEM((2, KB, 2, CHUNK), _i32),
            pltpu.VMEM((RPT,), _f32),
            pltpu.VMEM_SHARED((NPAD,), _f32),
            pltpu.SemaphoreType.DMA((2,)),
        ],
        compiler_params=pltpu.CompilerParams(use_tc_tiling_on_sc=False),
    )(idx2)



def _conv_body(ylo_hbm, yhi_hbm, idx2_hbm, outlo_hbm, outhi_hbm,
               idx_v, rows_v, zbuf_v, acc_sh, sem_i, sem_g, sem_s):
    c = lax.axis_index("c")
    s = lax.axis_index("s")
    cbase = (s * NC + c) * NCHUNK

    def _start_idx(g, slot):
        pltpu.async_copy(idx2_hbm.at[pl.ds(cbase + g * KB, KB)],
                         idx_v.at[slot], sem_i.at[slot])

    _start_idx(0, 0)
    _start_idx(1, 1)

    def _zb(i, carry):
        r = i // 2
        zbuf_v[r, pl.ds((i % 2) * 16, 16)] = jnp.zeros((16,), _f32)
        return carry
    lax.fori_loop(0, ZROWS * 2, _zb, 0)

    def _zacc(i, carry):
        pltpu.sync_copy(zbuf_v, acc_sh.at[pl.ds(s * RPT + i * ZROWS, ZROWS)])
        return carry
    lax.fori_loop(0, RPT // ZROWS, _zacc, 0)

    def _wait_idx(slot):
        pltpu.make_async_copy(idx2_hbm.at[pl.ds(0, KB)],
                              idx_v.at[slot], sem_i.at[slot]).wait()

    def _start_gathers(slot):
        for b in range(KB):
            @pl.when(c == 0)
            def _g0():
                pltpu.async_copy(ylo_hbm.at[idx_v.at[slot, b, 0]],
                                 rows_v.at[slot, b], sem_g.at[slot])

            @pl.when(c == 1)
            def _g1():
                pltpu.async_copy(yhi_hbm.at[idx_v.at[slot, b, 0]],
                                 rows_v.at[slot, b], sem_g.at[slot])

    def _wait_gathers(slot):
        for b in range(KB):
            pltpu.make_async_copy(ylo_hbm.at[pl.ds(0, CHUNK)],
                                  rows_v.at[slot, b], sem_g.at[slot]).wait()

    def _wait_scatters(slot):
        for b in range(KB):
            pltpu.make_async_copy(ylo_hbm.at[pl.ds(0, CHUNK)],
                                  rows_v.at[slot, b], sem_s.at[slot]).wait()

    _wait_idx(0)
    _start_gathers(0)
    plsc.subcore_barrier()

    def _group(g, carry):
        slot = lax.rem(g, 2)
        nslot = lax.rem(g + 1, 2)
        _wait_gathers(slot)

        @pl.when(g + 1 < G)
        def _ni():
            _wait_idx(nslot)

        @pl.when(jnp.logical_and(g >= 1, g + 1 < G))
        def _ws():
            _wait_scatters(nslot)

        @pl.when(g + 1 < G)
        def _ng():
            _start_gathers(nslot)

        for b in range(KB):
            pltpu.async_copy(rows_v.at[slot, b],
                             acc_sh.at[idx_v.at[slot, b, 1]],
                             sem_s.at[slot], add=True)

        @pl.when(g + 2 < G)
        def _pref():
            _start_idx(g + 2, slot)
        return carry
    lax.fori_loop(0, G, _group, 0)
    _wait_scatters(0)
    _wait_scatters(1)
    plsc.subcore_barrier()

    def _wout(i, carry):
        r = s * RPT + i * ZROWS
        pltpu.sync_copy(acc_sh.at[pl.ds(r, ZROWS)], zbuf_v)

        @pl.when(c == 0)
        def _o0():
            pltpu.sync_copy(zbuf_v, outlo_hbm.at[pl.ds(r, ZROWS)])

        @pl.when(c == 1)
        def _o1():
            pltpu.sync_copy(zbuf_v, outhi_hbm.at[pl.ds(r, ZROWS)])
        return carry
    lax.fori_loop(0, RPT // ZROWS, _wout, 0)


def _conv_pass(ylo, yhi, idx2):
    mesh = plsc.VectorSubcoreMesh(core_axis_name="c", subcore_axis_name="s")
    return pl.kernel(
        _conv_body,
        out_type=[jax.ShapeDtypeStruct((NPAD, 32), _f32),
                  jax.ShapeDtypeStruct((NPAD, 32), _f32)],
        mesh=mesh,
        scratch_types=[
            pltpu.VMEM((2, KB, 2, CHUNK), _i32),
            pltpu.VMEM((2, KB, CHUNK, 32), _f32),
            pltpu.VMEM((ZROWS, 32), _f32),
            pltpu.VMEM_SHARED((NPAD, 32), _f32),
            pltpu.SemaphoreType.DMA((2,)),
            pltpu.SemaphoreType.DMA((2,)),
            pltpu.SemaphoreType.DMA((2,)),
        ],
        compiler_params=pltpu.CompilerParams(use_tc_tiling_on_sc=False),
    )(ylo, yhi, idx2)



CPB = 128


def _idx_body(ei_ref, o_ref):
    i = pl.program_id(0)
    cols = i * (CPB * CHUNK) + lax.broadcasted_iota(_i32, (2, CPB * CHUNK), 1)
    v = jnp.where(cols < E, ei_ref[...], N)
    o_ref[...] = v.reshape(2, CPB, CHUNK).transpose(1, 0, 2)


def _idx_call(edge_index):
    return pl.pallas_call(
        _idx_body,
        grid=(TOT_CHUNKS // CPB,),
        in_specs=[pl.BlockSpec((2, CPB * CHUNK), lambda i: (0, i))],
        out_specs=pl.BlockSpec((CPB, 2, CHUNK), lambda i: (i, 0, 0)),
        out_shape=jax.ShapeDtypeStruct((TOT_CHUNKS, 2, CHUNK), _i32),
    )(edge_index)



def _rsqrt(v):
    r = lax.rsqrt(v)
    return r * (1.5 - 0.5 * v * r * r)


def _disp(d0_ref, d1_ref, d2_ref, d3_ref):
    cols = [jnp.broadcast_to(jnp.transpose(_rsqrt(d[...][0] + 1.0)), (PBLK, 32))
            for d in (d0_ref, d1_ref, d2_ref, d3_ref)]
    return jnp.concatenate(cols, axis=1)


_HIGH = lax.Precision.HIGHEST


def _y1_body(d0, d1, d2, d3, xp_ref, w4lo_ref, w4hi_ref, ylo_ref, yhi_ref):
    disp = _disp(d0, d1, d2, d3)
    xp = xp_ref[...]
    ylo_ref[...] = disp * jnp.dot(xp, w4lo_ref[...],
                                  preferred_element_type=_f32, precision=_HIGH)
    yhi_ref[...] = disp * jnp.dot(xp, w4hi_ref[...],
                                  preferred_element_type=_f32, precision=_HIGH)


def _y1_call(dk, x_p, W4lo, W4hi):
    dspec = pl.BlockSpec((1, 1, PBLK), lambda i: (i, 0, 0))
    row = lambda i: (i, 0)
    return pl.pallas_call(
        _y1_body,
        grid=(GRID,),
        in_specs=[dspec, dspec, dspec, dspec,
                  pl.BlockSpec((PBLK, 256), row),
                  pl.BlockSpec((256, 128), lambda i: (0, 0)),
                  pl.BlockSpec((256, 128), lambda i: (0, 0))],
        out_specs=[pl.BlockSpec((PBLK, 128), row),
                   pl.BlockSpec((PBLK, 128), row)],
        out_shape=[jax.ShapeDtypeStruct((YR4, 128), _f32),
                   jax.ShapeDtypeStruct((YR4, 128), _f32)],
    )(*dk, x_p, W4lo, W4hi)


def _y2_body(d0, d1, d2, d3, s1lo_ref, s1hi_ref, y1lo_ref, y1hi_ref,
             bplo_ref, bphi_ref, y2lo_ref, y2hi_ref):
    disp = _disp(d0, d1, d2, d3)
    glo = jnp.maximum(disp * (s1lo_ref[...] + y1lo_ref[...]) + bplo_ref[...], 0.0)
    ghi = jnp.maximum(disp * (s1hi_ref[...] + y1hi_ref[...]) + bphi_ref[...], 0.0)
    y2lo_ref[...] = disp * glo
    y2hi_ref[...] = disp * ghi


def _y2_call(dk, s1lo_p, s1hi_p, y1lo_p, y1hi_p, bplo, bphi):
    dspec = pl.BlockSpec((1, 1, PBLK), lambda i: (i, 0, 0))
    row = lambda i: (i, 0)
    return pl.pallas_call(
        _y2_body,
        grid=(GRID,),
        in_specs=[dspec, dspec, dspec, dspec,
                  pl.BlockSpec((PBLK, 128), row),
                  pl.BlockSpec((PBLK, 128), row),
                  pl.BlockSpec((PBLK, 128), row),
                  pl.BlockSpec((PBLK, 128), row),
                  pl.BlockSpec((1, 128), lambda i: (0, 0)),
                  pl.BlockSpec((1, 128), lambda i: (0, 0))],
        out_specs=[pl.BlockSpec((PBLK, 128), row),
                   pl.BlockSpec((PBLK, 128), row)],
        out_shape=[jax.ShapeDtypeStruct((YR4, 128), _f32),
                   jax.ShapeDtypeStruct((YR4, 128), _f32)],
    )(*dk, s1lo_p, s1hi_p, y1lo_p, y1hi_p, bplo, bphi)


def _emb_body(sm_ref, w1_ref, b1_ref, w2_ref, b2_ref, o_ref):
    h = jnp.maximum(
        jnp.dot(sm_ref[...][:, 0, :], w1_ref[...],
                preferred_element_type=_f32, precision=_HIGH)
        + b1_ref[...], 0.0)
    o_ref[...] = jnp.dot(h, w2_ref[...],
                         preferred_element_type=_f32, precision=_HIGH) + b2_ref[...]


def _emb_call(sm, W_e1, b_e1, W_e2, b_e2):
    return pl.pallas_call(
        _emb_body,
        out_shape=jax.ShapeDtypeStruct((B, HID), _f32),
    )(sm, W_e1, b_e1.reshape(1, -1), W_e2, b_e2.reshape(1, -1))


def _head_body(d0, d1, d2, d3, b0, b1, b2, b3,
               s2lo_ref, s2hi_ref, y2lo_ref, y2hi_ref, emb_ref,
               wc2_ref, bc2_ref, wgf_ref, bgf_ref,
               wa1_ref, ba1_ref, wa2_ref, ba2_ref, wf1_ref, bf1_ref,
               wff_ref, bff_ref, o_ref, acc_ref, cnt_ref):
    i = pl.program_id(0)

    @pl.when(i == 0)
    def _init():
        acc_ref[...] = jnp.zeros_like(acc_ref)
        cnt_ref[...] = jnp.zeros_like(cnt_ref)

    disp = _disp(d0, d1, d2, d3)
    colk = lax.broadcasted_iota(_i32, (PBLK, 128), 1) // 32
    node = i * BLK + 4 * lax.broadcasted_iota(_i32, (PBLK, 128), 0) + colk
    disp = jnp.where(node < N, disp, 0.0)
    t = jnp.concatenate([disp * (s2lo_ref[...] + y2lo_ref[...]),
                         disp * (s2hi_ref[...] + y2hi_ref[...])], axis=1)
    t_hi = t.astype(jnp.bfloat16)
    t_lo = (t - t_hi.astype(_f32)).astype(jnp.bfloat16)
    t2 = jnp.concatenate([t_hi, t_lo], axis=1)
    for k, bref in enumerate((b0, b1, b2, b3)):
        oh = (bref[...][0] ==
              lax.broadcasted_iota(_i32, (B, PBLK), 0)).astype(jnp.bfloat16)
        p2 = lax.dot_general(oh, t2, (((1,), (0,)), ((), ())),
                             preferred_element_type=_f32)
        p = p2[:, :256] + p2[:, 256:]
        acc_ref[:, :32] += p[:, 32 * k:32 * k + 32]
        acc_ref[:, 32:] += p[:, 128 + 32 * k:128 + 32 * k + 32]
        cnt_ref[...] += jnp.sum(oh, axis=1, keepdims=True)

    @pl.when(i == GRID - 1)
    def _final():
        cnt = cnt_ref[...]
        pooled64 = acc_ref[...] / jnp.maximum(cnt, 1.0)
        nz = (cnt > 0).astype(_f32)
        pooled = jnp.dot(pooled64, wc2_ref[...],
                         preferred_element_type=_f32,
                         precision=_HIGH) + bc2_ref[...] * nz
        gcn = jnp.dot(pooled, wgf_ref[...],
                      preferred_element_type=_f32, precision=_HIGH) + bgf_ref[...]
        emb = emb_ref[...]
        comb = jnp.concatenate([emb, gcn], axis=1)
        a = jnp.maximum(jnp.dot(comb, wa1_ref[...],
                                preferred_element_type=_f32,
                                precision=_HIGH) + ba1_ref[...], 0.0)
        att = jax.nn.sigmoid(jnp.dot(a, wa2_ref[...],
                                     preferred_element_type=_f32,
                                     precision=_HIGH) + ba2_ref[...])
        fused = emb * att + gcn * (1.0 - att)
        f1 = jnp.dot(fused, wf1_ref[...],
                     preferred_element_type=_f32, precision=_HIGH) + bf1_ref[...]
        o_ref[...] = jnp.dot(f1, wff_ref[...],
                             preferred_element_type=_f32,
                             precision=_HIGH) + bff_ref[...]


def _head_call(dk, bk, s2lo_p, s2hi_p, y2lo_p, y2hi_p, emb_out,
               W_c2, b_c2, W_gf, b_gf, W_a1, b_a1, W_a2, b_a2,
               W_f1, b_f1, W_ff, b_ff):
    dspec = pl.BlockSpec((1, 1, PBLK), lambda i: (i, 0, 0))
    row = lambda i: (i, 0)
    full = lambda i: (0, 0)
    return pl.pallas_call(
        _head_body,
        grid=(GRID,),
        in_specs=[dspec, dspec, dspec, dspec,
                  dspec, dspec, dspec, dspec,
                  pl.BlockSpec((PBLK, 128), row),
                  pl.BlockSpec((PBLK, 128), row),
                  pl.BlockSpec((PBLK, 128), row),
                  pl.BlockSpec((PBLK, 128), row),
                  pl.BlockSpec((B, HID), full),
                  pl.BlockSpec((HID, 128), full),
                  pl.BlockSpec((1, 128), full),
                  pl.BlockSpec((128, HID), full),
                  pl.BlockSpec((1, HID), full),
                  pl.BlockSpec((2 * HID, HID), full),
                  pl.BlockSpec((1, HID), full),
                  pl.BlockSpec((HID, 1), full),
                  pl.BlockSpec((1, 1), full),
                  pl.BlockSpec((HID, HID), full),
                  pl.BlockSpec((1, HID), full),
                  pl.BlockSpec((HID, 1), full),
                  pl.BlockSpec((1, 1), full)],
        out_specs=pl.BlockSpec((B, 1), full),
        out_shape=jax.ShapeDtypeStruct((B, 1), _f32),
        scratch_shapes=[pltpu.VMEM((B, HID), _f32),
                        pltpu.VMEM((B, 1), _f32)],
    )(*dk, *bk, s2lo_p, s2hi_p, y2lo_p, y2hi_p, emb_out,
      W_c2, b_c2.reshape(1, -1), W_gf, b_gf.reshape(1, -1),
      W_a1, b_a1.reshape(1, -1), W_a2, b_a2.reshape(1, -1),
      W_f1, b_f1.reshape(1, -1), W_ff, b_ff.reshape(1, -1))



def kernel(smiles_embedding, x, edge_index, batch,
           W_e1, b_e1, W_e2, b_e2, W_c1, b_c1, W_c2, b_c2, W_gf, b_gf,
           W_a1, b_a1, W_a2, b_a2, W_f1, b_f1, W_ff, b_ff):
    idx2 = _idx_call(edge_index.astype(_i32))

    deg0, deg1 = _deg_pass(idx2)
    degsp = jnp.concatenate([deg0 + deg1,
                             jnp.zeros((NPOOL - NPAD,), _f32)])
    dk = [degsp[k::4].reshape(GRID, 1, PBLK) for k in range(4)]
    batchp = jnp.pad(batch.astype(_i32), (0, NPOOL - N), constant_values=B)
    bk = [batchp[k::4].reshape(GRID, 1, PBLK) for k in range(4)]

    emb_out = _emb_call(smiles_embedding, W_e1, b_e1, W_e2, b_e2)

    x_p = x.reshape(N // 4, 256)
    eye4 = jnp.eye(4, dtype=_f32)
    W4lo = jnp.kron(eye4, W_c1[:, :32])
    W4hi = jnp.kron(eye4, W_c1[:, 32:])
    y1lo_p, y1hi_p = _y1_call(dk, x_p, W4lo, W4hi)
    s1lo, s1hi = _conv_pass(y1lo_p.reshape(YROWS, 32),
                            y1hi_p.reshape(YROWS, 32), idx2)

    bplo = jnp.tile(b_c1[:32], 4).reshape(1, 128)
    bphi = jnp.tile(b_c1[32:], 4).reshape(1, 128)
    y2lo_p, y2hi_p = _y2_call(dk, s1lo.reshape(NP4, 128),
                              s1hi.reshape(NP4, 128), y1lo_p, y1hi_p,
                              bplo, bphi)
    s2lo, s2hi = _conv_pass(y2lo_p.reshape(YROWS, 32),
                            y2hi_p.reshape(YROWS, 32), idx2)

    return _head_call(dk, bk, s2lo.reshape(NP4, 128), s2hi.reshape(NP4, 128),
                      y2lo_p, y2hi_p, emb_out,
                      W_c2, b_c2, W_gf, b_gf, W_a1, b_a1, W_a2, b_a2,
                      W_f1, b_f1, W_ff, b_ff)

# --- scband reference (transcript-rebuilt; emitter-appended) ---
"""Pipeline reference for scband-combined-att-model-24300924961039 (READ-ONLY COPY).

The authoritative reference and input builder live on the scoring server;
editing this copy changes nothing except your own understanding.
"""

import jax, jax.numpy as jnp
import numpy as np

N = 50000
E = 800000
B = 512
EMB = 512
HID = 64

def _param(key, shape, scale=0.05):
    return scale * jax.random.normal(key, shape, dtype=jnp.float32)

def setup_inputs(seed: int = 0):
    key = jax.random.key(seed)
    ks = jax.random.split(key, 20)
    inp = {}
    inp["smiles_embedding"] = jax.random.normal(ks[0], (B, 1, EMB), dtype=jnp.float32)
    inp["x"] = jax.random.normal(ks[1], (N, 64), dtype=jnp.float32)
    inp["edge_index"] = jax.random.randint(ks[2], (2, E), 0, N)
    inp["batch"] = jnp.sort(jax.random.randint(ks[3], (N,), 0, B))
    inp["W_e1"] = _param(ks[4], (EMB, 1024)); inp["b_e1"] = jnp.zeros((1024,), jnp.float32)
    inp["W_e2"] = _param(ks[5], (1024, HID)); inp["b_e2"] = jnp.zeros((HID,), jnp.float32)
    inp["W_c1"] = _param(ks[6], (64, 64)); inp["b_c1"] = jnp.zeros((64,), jnp.float32)
    inp["W_c2"] = _param(ks[7], (64, 128)); inp["b_c2"] = jnp.zeros((128,), jnp.float32)
    inp["W_gf"] = _param(ks[8], (128, HID)); inp["b_gf"] = jnp.zeros((HID,), jnp.float32)
    inp["W_a1"] = _param(ks[9], (2 * HID, HID)); inp["b_a1"] = jnp.zeros((HID,), jnp.float32)
    inp["W_a2"] = _param(ks[10], (HID, 1)); inp["b_a2"] = jnp.zeros((1,), jnp.float32)
    inp["W_f1"] = _param(ks[11], (HID, HID)); inp["b_f1"] = jnp.zeros((HID,), jnp.float32)
    inp["W_ff"] = _param(ks[12], (HID, 1)); inp["b_ff"] = jnp.zeros((1,), jnp.float32)
    return inp

def _gcn_conv(x, src, dst, W, b, num_nodes):
    # GCNConv: symmetric-normalized aggregation with self loops (loops added by caller)
    xw = x @ W
    ones = jnp.ones((src.shape[0],), jnp.float32)
    deg = jax.ops.segment_sum(ones, dst, num_segments=num_nodes)
    dis = jnp.where(deg > 0, jax.lax.rsqrt(jnp.maximum(deg, 1e-12)), 0.0)
    norm = dis[src] * dis[dst]
    msg = xw[src] * norm[:, None]
    out = jax.ops.segment_sum(msg, dst, num_segments=num_nodes)
    return out + b

def _forward(smiles_embedding, x, edge_index, batch, W_e1, b_e1, W_e2, b_e2, W_c1, b_c1, W_c2, b_c2, W_gf, b_gf, W_a1, b_a1, W_a2, b_a2, W_f1, b_f1, W_ff, b_ff):
    # EmbeddingDNN (dropout = identity in eval)
    h = jax.nn.relu(smiles_embedding @ W_e1 + b_e1)
    emb_out = h @ W_e2 + b_e2
    emb_out = jnp.squeeze(emb_out, axis=1)  # [B, HID]
    # GCN branch: add self loops once, reuse for both convs
    loop = jnp.arange(N)
    src = jnp.concatenate([edge_index[0], loop])
    dst = jnp.concatenate([edge_index[1], loop])
    g = jax.nn.relu(_gcn_conv(x, src, dst, W_c1, b_c1, N))
    g = _gcn_conv(g, src, dst, W_c2, b_c2, N)  # [N, 128]
    # global_mean_pool over graph ids
    sums = jax.ops.segment_sum(g, batch, num_segments=B)
    cnt = jax.ops.segment_sum(jnp.ones((N,), jnp.float32), batch, num_segments=B)
    pooled = sums / jnp.maximum(cnt, 1.0)[:, None]
    gcn_out = pooled @ W_gf + b_gf  # [B, HID]
    # attention fusion
    combined = jnp.concatenate([emb_out, gcn_out], axis=1)
    att = jax.nn.sigmoid(jax.nn.relu(combined @ W_a1 + b_a1) @ W_a2 + b_a2)
    fused = emb_out * att + gcn_out * (1.0 - att)
    fused = fused @ W_f1 + b_f1
    return fused @ W_ff + b_ff

def reference(smiles_embedding, x, edge_index, batch, W_e1, b_e1, W_e2, b_e2, W_c1, b_c1, W_c2, b_c2, W_gf, b_gf, W_a1, b_a1, W_a2, b_a2, W_f1, b_f1, W_ff, b_ff):
    return _forward(smiles_embedding, x, edge_index, batch, W_e1, b_e1, W_e2, b_e2, W_c1, b_c1, W_c2, b_c2, W_gf, b_gf, W_a1, b_a1, W_a2, b_a2, W_f1, b_f1, W_ff, b_ff)

if __name__ == "__main__":
    import jax
    _d = setup_inputs()
    print(jax.jit(kernel)(*tuple(_d.values())))

</pallas_src>

<mosaic_0001>
#map = affine_map<(d0, d1) -> (0, 0)>
#map1 = affine_map<(d0, d1) -> (0, 0, 0)>
module attributes {stable_mosaic.version = 14 : i64} {
  func.func @_conv_body(%arg0: i32, %arg1: i32, %arg2: memref<50016x32xf32, #tpu.memory_space<hbm>>, %arg3: memref<50016x32xf32, #tpu.memory_space<hbm>>, %arg4: memref<6272x2x128xi32, #tpu.memory_space<hbm>>, %arg5: memref<50432x32xf32, #tpu.memory_space<hbm>>, %arg6: memref<50432x32xf32, #tpu.memory_space<hbm>>, %arg7: memref<2x2x2x128xi32, #tpu.memory_space<vmem>>, %arg8: memref<2x2x128x32xf32, #tpu.memory_space<vmem>>, %arg9: memref<394x32xf32, #tpu.memory_space<vmem>>, %arg10: memref<50432x32xf32, #tpu.memory_space<vmem_shared>>, %arg11: memref<2x!tpu.dma_semaphore, #tpu.memory_space<semaphore_mem>>, %arg12: memref<2x!tpu.dma_semaphore, #tpu.memory_space<semaphore_mem>>, %arg13: memref<2x!tpu.dma_semaphore, #tpu.memory_space<semaphore_mem>>) attributes {dimension_semantics = [#tpu.dimension_semantics<core_parallel>, #tpu.dimension_semantics<subcore_parallel>], iteration_bounds = array<i64: 2, 16>, scalar_prefetch = 0 : i64, scratch_operands = 7 : i64, tpu.core_type = #tpu.core_type<sc_vector_subcore>, window_params = [{transform_indices = #map}, {transform_indices = #map}, {transform_indices = #map1}, {transform_indices = #map}, {transform_indices = #map}]} {
    %mul3A = arith.constant 2 : i32
    %mul3A_0 = arith.muli %arg1, %mul3A : i32
    %add3A = arith.addi %mul3A_0, %arg0 : i32
    %mul3A_1 = arith.constant 196 : i32
    %mul3A_2 = arith.muli %add3A, %mul3A_1 : i32
    %add3A_3 = arith.constant 0 : i32
    %add3A_4 = arith.addi %mul3A_2, %add3A_3 : i32
    %dma_start3A = arith.constant 0 : i32
    %dma_start3A_5 = arith.constant 0 : i32
    %dma_start3A_6 = arith.constant 0 : i32
    %dma_start3A_7 = arith.constant 0 : i32
    %dma_start3A_8 = arith.constant 0 : i32
    %dma_start3A_9 = tpu.memref_slice %arg7[%dma_start3A, %dma_start3A_6, %dma_start3A_7, %dma_start3A_8] : memref<2x2x2x128xi32, #tpu.memory_space<vmem>> -> memref<1x2x2x128xi32, #tpu.memory_space<vmem>>
    %dma_start3A_10 = tpu.memref_squeeze %dma_start3A_9 : memref<1x2x2x128xi32, #tpu.memory_space<vmem>> -> memref<2x2x128xi32, #tpu.memory_space<vmem>>
    %dma_start3A_11 = arith.constant 0 : i32
    %dma_start3A_12 = arith.constant 0 : i32
    %dma_start3A_13 = tpu.memref_slice %arg4[%add3A_4, %dma_start3A_11, %dma_start3A_12] : memref<6272x2x128xi32, #tpu.memory_space<hbm>> -> memref<2x2x128xi32, #tpu.memory_space<hbm>>
    %dma_start3A_14 = tpu.memref_slice %arg11[%dma_start3A_5] : memref<2x!tpu.dma_semaphore, #tpu.memory_space<semaphore_mem>> -> memref<1x!tpu.dma_semaphore, #tpu.memory_space<semaphore_mem>>
    %dma_start3A_15 = tpu.memref_squeeze %dma_start3A_14 : memref<1x!tpu.dma_semaphore, #tpu.memory_space<semaphore_mem>> -> memref<!tpu.dma_semaphore, #tpu.memory_space<semaphore_mem>>
    %dma_start3A_16 = arith.constant 0 : i32
    %dma_start3A_17 = arith.constant 0 : i32
    %dma_start3A_18 = arith.constant 0 : i32
    %dma_start3A_19 = tpu.memref_slice %arg7[%dma_start3A, %dma_start3A_16, %dma_start3A_17, %dma_start3A_18] : memref<2x2x2x128xi32, #tpu.memory_space<vmem>> -> memref<1x2x2x128xi32, #tpu.memory_space<vmem>>
    %dma_start3A_20 = tpu.memref_squeeze %dma_start3A_19 : memref<1x2x2x128xi32, #tpu.memory_space<vmem>> -> memref<2x2x128xi32, #tpu.memory_space<vmem>>
    %dma_start3A_21 = arith.constant 0 : i32
    %dma_start3A_22 = arith.constant 0 : i32
    %dma_start3A_23 = tpu.memref_slice %arg4[%add3A_4, %dma_start3A_21, %dma_start3A_22] : memref<6272x2x128xi32, #tpu.memory_space<hbm>> -> memref<2x2x128xi32, #tpu.memory_space<hbm>>
    tpu.enqueue_dma source(%dma_start3A_23 : memref<2x2x128xi32, #tpu.memory_space<hbm>>) target(%dma_start3A_20 : memref<2x2x128xi32, #tpu.memory_space<vmem>>) target_semaphore(%dma_start3A_15 : memref<!tpu.dma_semaphore, #tpu.memory_space<semaphore_mem>>)
    %add3A_24 = arith.constant 2 : i32
    %add3A_25 = arith.addi %mul3A_2, %add3A_24 : i32
    %dma_start3A_26 = arith.constant 1 : i32
    %dma_start3A_27 = arith.constant 1 : i32
    %dma_start3A_28 = arith.constant 0 : i32
    %dma_start3A_29 = arith.constant 0 : i32
    %dma_start3A_30 = arith.constant 0 : i32
    %dma_start3A_31 = tpu.memref_slice %arg7[%dma_start3A_26, %dma_start3A_28, %dma_start3A_29, %dma_start3A_30] : memref<2x2x2x128xi32, #tpu.memory_space<vmem>> -> memref<1x2x2x128xi32, #tpu.memory_space<vmem>>
    %dma_start3A_32 = tpu.memref_squeeze %dma_start3A_31 : memref<1x2x2x128xi32, #tpu.memory_space<vmem>> -> memref<2x2x128xi32, #tpu.memory_space<vmem>>
    %dma_start3A_33 = arith.constant 0 : i32
    %dma_start3A_34 = arith.constant 0 : i32
    %dma_start3A_35 = tpu.memref_slice %arg4[%add3A_25, %dma_start3A_33, %dma_start3A_34] : memref<6272x2x128xi32, #tpu.memory_space<hbm>> -> memref<2x2x128xi32, #tpu.memory_space<hbm>>
    %dma_start3A_36 = tpu.memref_slice %arg11[%dma_start3A_27] : memref<2x!tpu.dma_semaphore, #tpu.memory_space<semaphore_mem>> -> memref<1x!tpu.dma_semaphore, #tpu.memory_space<semaphore_mem>>
    %dma_start3A_37 = tpu.memref_squeeze %dma_start3A_36 : memref<1x!tpu.dma_semaphore, #tpu.memory_space<semaphore_mem>> -> memref<!tpu.dma_semaphore, #tpu.memory_space<semaphore_mem>>
    %dma_start3A_38 = arith.constant 0 : i32
    %dma_start3A_39 = arith.constant 0 : i32
    %dma_start3A_40 = arith.constant 0 : i32
    %dma_start3A_41 = tpu.memref_slice %arg7[%dma_start3A_26, %dma_start3A_38, %dma_start3A_39, %dma_start3A_40] : memref<2x2x2x128xi32, #tpu.memory_space<vmem>> -> memref<1x2x2x128xi32, #tpu.memory_space<vmem>>
    %dma_start3A_42 = tpu.memref_squeeze %dma_start3A_41 : memref<1x2x2x128xi32, #tpu.memory_space<vmem>> -> memref<2x2x128xi32, #tpu.memory_space<vmem>>
    %dma_start3A_43 = arith.constant 0 : i32
    %dma_start3A_44 = arith.constant 0 : i32
    %dma_start3A_45 = tpu.memref_slice %arg4[%add3A_25, %dma_start3A_43, %dma_start3A_44] : memref<6272x2x128xi32, #tpu.memory_space<hbm>> -> memref<2x2x128xi32, #tpu.memory_space<hbm>>
    tpu.enqueue_dma source(%dma_start3A_45 : memref<2x2x128xi32, #tpu.memory_space<hbm>>) target(%dma_start3A_42 : memref<2x2x128xi32, #tpu.memory_space<vmem>>) target_semaphore(%dma_start3A_37 : memref<!tpu.dma_semaphore, #tpu.memory_space<semaphore_mem>>)
    %scan3A = arith.constant 0 : i32
    %scan3A_46 = arith.constant 0 : i32
    %scan3A_47 = arith.constant 788 : i32
    %scan3A_48 = arith.addi %scan3A_46, %scan3A_47 : i32
    %scan3A_49 = arith.constant 1 : i32
    scf.for %scan3A_184 = %scan3A_46 to %scan3A_48 step %scan3A_49  : i32 {
      %jit3A = arith.constant 2 : i32
      %div3A = arith.divsi %scan3A_184, %jit3A : i32
      %sign3A = arith.constant 0 : i32
      %sign3A_185 = arith.cmpi sgt, %scan3A_184, %sign3A : i32
      %sign3A_186 = arith.extui %sign3A_185 : i1 to i32
      %sign3A_187 = arith.constant 0 : i32
      %sign3A_188 = arith.cmpi slt, %scan3A_184, %sign3A_187 : i32
      %sign3A_189 = arith.extui %sign3A_188 : i1 to i32
      %sign3A_190 = arith.subi %sign3A_186, %sign3A_189 : i32
      %sign3A_191 = arith.constant 0 : i32
      %sign3A_192 = arith.cmpi sgt, %jit3A, %sign3A_191 : i32
      %sign3A_193 = arith.extui %sign3A_192 : i1 to i32
      %sign3A_194 = arith.constant 0 : i32
      %sign3A_195 = arith.cmpi slt, %jit3A, %sign3A_194 : i32
      %sign3A_196 = arith.extui %sign3A_195 : i1 to i32
      %sign3A_197 = arith.subi %sign3A_193, %sign3A_196 : i32
      %ne3A = arith.cmpi ne, %sign3A_190, %sign3A_197 : i32
      %rem3A = arith.remsi %scan3A_184, %jit3A : i32
      %ne3A_198 = arith.constant 0 : i32
      %ne3A_199 = arith.cmpi ne, %rem3A, %ne3A_198 : i32
      %and3A = arith.andi %ne3A, %ne3A_199 : i1
      %sub3A = arith.constant 1 : i32
      %sub3A_200 = arith.subi %div3A, %sub3A : i32
      %select_n3A = arith.select %and3A, %sub3A_200, %div3A : i32
      %broadcast_in_dim3A = arith.constant 0.000000e+00 : f32
      %broadcast_in_dim3A_201 = vector.broadcast %broadcast_in_dim3A : f32 to vector<16xf32>
      %jit3A_202 = arith.constant 2 : i32
      %eq3A_203 = arith.constant 0 : i32
      %eq3A_204 = arith.cmpi eq, %jit3A_202, %eq3A_203 : i32
      %jit3A_205 = arith.constant 1 : i32
      %select_n3A_206 = arith.select %eq3A_204, %jit3A_205, %jit3A_202 : i32
      %rem3A_207 = arith.remsi %scan3A_184, %select_n3A_206 : i32
      %ne3A_208 = arith.constant 0 : i32
      %ne3A_209 = arith.cmpi ne, %rem3A_207, %ne3A_208 : i32
      %lt3A = arith.constant 0 : i32
      %lt3A_210 = arith.cmpi slt, %rem3A_207, %lt3A : i32
      %lt3A_211 = arith.constant 0 : i32
      %lt3A_212 = arith.cmpi slt, %select_n3A_206, %lt3A_211 : i32
      %ne3A_213 = arith.xori %lt3A_210, %lt3A_212 : i1
      %and3A_214 = arith.andi %ne3A_213, %ne3A_209 : i1
      %add3A_215 = arith.addi %rem3A_207, %select_n3A_206 : i32
      %select_n3A_216 = arith.select %and3A_214, %add3A_215, %rem3A_207 : i32
      %mul3A_217 = arith.constant 16 : i32
      %mul3A_218 = arith.muli %select_n3A_216, %mul3A_217 : i32
      %swap3A = arith.index_cast %select_n3A : i32 to index
      %swap3A_219 = arith.index_cast %mul3A_218 : i32 to index
      %swap3A_220 = tpu.vector_load %arg9[%swap3A, %swap3A_219] {strides = array<i32>} : memref<394x32xf32, #tpu.memory_space<vmem>>, vector<1x16xf32>,
      %swap3A_221 = vector.shape_cast %swap3A_220 : vector<1x16xf32> to vector<16xf32>
      %swap3A_222 = vector.shape_cast %broadcast_in_dim3A_201 : vector<16xf32> to vector<1x16xf32>
      tpu.vector_store %arg9[%swap3A, %swap3A_219], %swap3A_222 {strides = array<i32>} : memref<394x32xf32, #tpu.memory_space<vmem>>, vector<1x16xf32>,
    }
    %scan3A_50 = arith.constant 788 : i32
    %scan3A_51 = arith.constant 0 : i32
    %scan3A_52 = arith.constant 0 : i32
    %scan3A_53 = arith.constant 8 : i32
    %scan3A_54 = arith.addi %scan3A_52, %scan3A_53 : i32
    %scan3A_55 = arith.constant 1 : i32
    scf.for %scan3A_184 = %scan3A_52 to %scan3A_54 step %scan3A_55  : i32 {
      %mul3A_185 = arith.constant 3152 : i32
      %mul3A_186 = arith.muli %arg1, %mul3A_185 : i32
      %mul3A_187 = arith.constant 394 : i32
      %mul3A_188 = arith.muli %scan3A_184, %mul3A_187 : i32
      %add3A_189 = arith.addi %mul3A_186, %mul3A_188 : i32
      "tpu.region"() ({
        %run_scoped3A = tpu.sem_alloc : memref<!tpu.dma_semaphore, #tpu.memory_space<semaphore_mem>>
        %dma_start3A_190 = arith.constant 0 : i32
        %dma_start3A_191 = tpu.memref_slice %arg10[%add3A_189, %dma_start3A_190] : memref<50432x32xf32, #tpu.memory_space<vmem_shared>> -> memref<394x32xf32, #tpu.memory_space<vmem_shared>>
        %dma_start3A_192 = arith.constant 0 : i32
        %dma_start3A_193 = tpu.memref_slice %arg10[%add3A_189, %dma_start3A_192] : memref<50432x32xf32, #tpu.memory_space<vmem_shared>> -> memref<394x32xf32, #tpu.memory_space<vmem_shared>>
        tpu.enqueue_dma source(%arg9 : memref<394x32xf32, #tpu.memory_space<vmem>>) target(%dma_start3A_193 : memref<394x32xf32, #tpu.memory_space<vmem_shared>>) target_semaphore(%run_scoped3A : memref<!tpu.dma_semaphore, #tpu.memory_space<semaphore_mem>>)
        %dma_wait3A_194 = arith.constant 0 : i32
        %dma_wait3A_195 = tpu.memref_slice %arg10[%add3A_189, %dma_wait3A_194] : memref<50432x32xf32, #tpu.memory_space<vmem_shared>> -> memref<394x32xf32, #tpu.memory_space<vmem_shared>>
        %dma_wait3A_196 = arith.constant 0 : i32
        %dma_wait3A_197 = tpu.memref_slice %arg10[%add3A_189, %dma_wait3A_196] : memref<50432x32xf32, #tpu.memory_space<vmem_shared>> -> memref<394x32xf32, #tpu.memory_space<vmem_shared>>
        tpu.wait_dma2 semaphore(%run_scoped3A : memref<!tpu.dma_semaphore, #tpu.memory_space<semaphore_mem>>) src(%arg9 : memref<394x32xf32, #tpu.memory_space<vmem>>) dst(%dma_wait3A_197 : memref<394x32xf32, #tpu.memory_space<vmem_shared>>)
        tpu.yield
      }) : () -> ()
    }
    %scan3A_56 = arith.constant 8 : i32
    %dma_wait3A = arith.constant 0 : i32
    %dma_wait3A_57 = arith.constant 0 : i32
    %dma_wait3A_58 = arith.constant 0 : i32
    %dma_wait3A_59 = arith.constant 0 : i32
    %dma_wait3A_60 = arith.constant 0 : i32
    %dma_wait3A_61 = tpu.memref_slice %arg7[%dma_wait3A, %dma_wait3A_58, %dma_wait3A_59, %dma_wait3A_60] : memref<2x2x2x128xi32, #tpu.memory_space<vmem>> -> memref<1x2x2x128xi32, #tpu.memory_space<vmem>>
    %dma_wait3A_62 = tpu.memref_squeeze %dma_wait3A_61 : memref<1x2x2x128xi32, #tpu.memory_space<vmem>> -> memref<2x2x128xi32, #tpu.memory_space<vmem>>
    %dma_wait3A_63 = arith.constant 0 : i32
    %dma_wait3A_64 = arith.constant 0 : i32
    %dma_wait3A_65 = arith.constant 0 : i32
    %dma_wait3A_66 = tpu.memref_slice %arg4[%dma_wait3A_63, %dma_wait3A_64, %dma_wait3A_65] : memref<6272x2x128xi32, #tpu.memory_space<hbm>> -> memref<2x2x128xi32, #tpu.memory_space<hbm>>
    %dma_wait3A_67 = tpu.memref_slice %arg11[%dma_wait3A_57] : memref<2x!tpu.dma_semaphore, #tpu.memory_space<semaphore_mem>> -> memref<1x!tpu.dma_semaphore, #tpu.memory_space<semaphore_mem>>
    %dma_wait3A_68 = tpu.memref_squeeze %dma_wait3A_67 : memref<1x!tpu.dma_semaphore, #tpu.memory_space<semaphore_mem>> -> memref<!tpu.dma_semaphore, #tpu.memory_space<semaphore_mem>>
    %dma_wait3A_69 = arith.constant 0 : i32
    %dma_wait3A_70 = arith.constant 0 : i32
    %dma_wait3A_71 = arith.constant 0 : i32
    %dma_wait3A_72 = tpu.memref_slice %arg7[%dma_wait3A, %dma_wait3A_69, %dma_wait3A_70, %dma_wait3A_71] : memref<2x2x2x128xi32, #tpu.memory_space<vmem>> -> memref<1x2x2x128xi32, #tpu.memory_space<vmem>>
    %dma_wait3A_73 = tpu.memref_squeeze %dma_wait3A_72 : memref<1x2x2x128xi32, #tpu.memory_space<vmem>> -> memref<2x2x128xi32, #tpu.memory_space<vmem>>
    %dma_wait3A_74 = arith.constant 0 : i32
    %dma_wait3A_75 = arith.constant 0 : i32
    %dma_wait3A_76 = arith.constant 0 : i32
    %dma_wait3A_77 = tpu.memref_slice %arg4[%dma_wait3A_74, %dma_wait3A_75, %dma_wait3A_76] : memref<6272x2x128xi32, #tpu.memory_space<hbm>> -> memref<2x2x128xi32, #tpu.memory_space<hbm>>
    tpu.wait_dma2 semaphore(%dma_wait3A_68 : memref<!tpu.dma_semaphore, #tpu.memory_space<semaphore_mem>>) src(%dma_wait3A_77 : memref<2x2x128xi32, #tpu.memory_space<hbm>>) dst(%dma_wait3A_73 : memref<2x2x128xi32, #tpu.memory_space<vmem>>)
    %eq3A = arith.constant 0 : i32
    %eq3A_78 = arith.cmpi eq, %arg0, %eq3A : i32
    %convert_element_type3A = arith.extui %eq3A_78 : i1 to i32
    %cond3A = arith.constant 0 : i32
    %cond3A_79 = arith.cmpi ne, %convert_element_type3A, %cond3A : i32
    scf.if %cond3A_79 {
      %dma_start3A_184 = arith.constant 0 : i32
      %dma_start3A_185 = arith.constant 0 : i32
      %dma_start3A_186 = arith.constant 0 : i32
      %dma_start3A_187 = arith.constant 0 : i32
      %dma_start3A_188 = arith.constant 0 : i32
      %dma_start3A_189 = arith.constant 0 : i32
      %dma_start3A_190 = arith.constant 0 : i32
      %dma_start3A_191 = arith.constant 0 : i32
      %dma_start3A_192 = tpu.memref_slice %arg8[%dma_start3A_187, %dma_start3A_188, %dma_start3A_190, %dma_start3A_191] : memref<2x2x128x32xf32, #tpu.memory_space<vmem>> -> memref<1x1x128x32xf32, #tpu.memory_space<vmem>>
      %dma_start3A_193 = tpu.memref_squeeze %dma_start3A_192 : memref<1x1x128x32xf32, #tpu.memory_space<vmem>> -> memref<128x32xf32, #tpu.memory_space<vmem>>
      %dma_start3A_194 = arith.constant 0 : i32
      %dma_start3A_195 = tpu.memref_slice %arg7[%dma_start3A_184, %dma_start3A_185, %dma_start3A_186, %dma_start3A_194] : memref<2x2x2x128xi32, #tpu.memory_space<vmem>> -> memref<1x1x1x128xi32, #tpu.memory_space<vmem>>
      %dma_start3A_196 = tpu.memref_squeeze %dma_start3A_195 : memref<1x1x1x128xi32, #tpu.memory_space<vmem>> -> memref<128xi32, #tpu.memory_space<vmem>>
      %dma_start3A_197 = arith.constant 0 : i32
      %dma_start3A_198 = arith.constant 0 : i32
      %dma_start3A_199 = tpu.memref_slice %arg2[%dma_start3A_197, %dma_start3A_198] : memref<50016x32xf32, #tpu.memory_space<hbm>> -> memref<50016x32xf32, #tpu.memory_space<hbm>>
      %dma_start3A_200 = tpu.memref_slice %arg12[%dma_start3A_189] : memref<2x!tpu.dma_semaphore, #tpu.memory_space<semaphore_mem>> -> memref<1x!tpu.dma_semaphore, #tpu.memory_space<semaphore_mem>>
      %dma_start3A_201 = tpu.memref_squeeze %dma_start3A_200 : memref<1x!tpu.dma_semaphore, #tpu.memory_space<semaphore_mem>> -> memref<!tpu.dma_semaphore, #tpu.memory_space<semaphore_mem>>
      tpu.enqueue_indirect_dma source(%dma_start3A_199 : memref<50016x32xf32, #tpu.memory_space<hbm>>) target(%dma_start3A_193 : memref<128x32xf32, #tpu.memory_space<vmem>>) offsets(%dma_start3A_196 : memref<128xi32, #tpu.memory_space<vmem>>) semaphore(%dma_start3A_201 : memref<!tpu.dma_semaphore, #tpu.memory_space<semaphore_mem>>)
    } else {
    }
    %eq3A_80 = arith.constant 1 : i32
    %eq3A_81 = arith.cmpi eq, %arg0, %eq3A_80 : i32
    %convert_element_type3A_82 = arith.extui %eq3A_81 : i1 to i32
    %cond3A_83 = arith.constant 0 : i32
    %cond3A_84 = arith.cmpi ne, %convert_element_type3A_82, %cond3A_83 : i32
    scf.if %cond3A_84 {
      %dma_start3A_184 = arith.constant 0 : i32
      %dma_start3A_185 = arith.constant 0 : i32
      %dma_start3A_186 = arith.constant 0 : i32
      %dma_start3A_187 = arith.constant 0 : i32
      %dma_start3A_188 = arith.constant 0 : i32
      %dma_start3A_189 = arith.constant 0 : i32
      %dma_start3A_190 = arith.constant 0 : i32
      %dma_start3A_191 = arith.constant 0 : i32
      %dma_start3A_192 = tpu.memref_slice %arg8[%dma_start3A_187, %dma_start3A_188, %dma_start3A_190, %dma_start3A_191] : memref<2x2x128x32xf32, #tpu.memory_space<vmem>> -> memref<1x1x128x32xf32, #tpu.memory_space<vmem>>
      %dma_start3A_193 = tpu.memref_squeeze %dma_start3A_192 : memref<1x1x128x32xf32, #tpu.memory_space<vmem>> -> memref<128x32xf32, #tpu.memory_space<vmem>>
      %dma_start3A_194 = arith.constant 0 : i32
      %dma_start3A_195 = tpu.memref_slice %arg7[%dma_start3A_184, %dma_start3A_185, %dma_start3A_186, %dma_start3A_194] : memref<2x2x2x128xi32, #tpu.memory_space<vmem>> -> memref<1x1x1x128xi32, #tpu.memory_space<vmem>>
      %dma_start3A_196 = tpu.memref_squeeze %dma_start3A_195 : memref<1x1x1x128xi32, #tpu.memory_space<vmem>> -> memref<128xi32, #tpu.memory_space<vmem>>
      %dma_start3A_197 = arith.constant 0 : i32
      %dma_start3A_198 = arith.constant 0 : i32
      %dma_start3A_199 = tpu.memref_slice %arg3[%dma_start3A_197, %dma_start3A_198] : memref<50016x32xf32, #tpu.memory_space<hbm>> -> memref<50016x32xf32, #tpu.memory_space<hbm>>
      %dma_start3A_200 = tpu.memref_slice %arg12[%dma_start3A_189] : memref<2x!tpu.dma_semaphore, #tpu.memory_space<semaphore_mem>> -> memref<1x!tpu.dma_semaphore, #tpu.memory_space<semaphore_mem>>
      %dma_start3A_201 = tpu.memref_squeeze %dma_start3A_200 : memref<1x!tpu.dma_semaphore, #tpu.memory_space<semaphore_mem>> -> memref<!tpu.dma_semaphore, #tpu.memory_space<semaphore_mem>>
      tpu.enqueue_indirect_dma source(%dma_start3A_199 : memref<50016x32xf32, #tpu.memory_space<hbm>>) target(%dma_start3A_193 : memref<128x32xf32, #tpu.memory_space<vmem>>) offsets(%dma_start3A_196 : memref<128xi32, #tpu.memory_space<vmem>>) semaphore(%dma_start3A_201 : memref<!tpu.dma_semaphore, #tpu.memory_space<semaphore_mem>>)
    } else {
    }
    %eq3A_85 = arith.constant 0 : i32
    %eq3A_86 = arith.cmpi eq, %arg0, %eq3A_85 : i32
    %convert_element_type3A_87 = arith.extui %eq3A_86 : i1 to i32
    %cond3A_88 = arith.constant 0 : i32
    %cond3A_89 = arith.cmpi ne, %convert_element_type3A_87, %cond3A_88 : i32
    scf.if %cond3A_89 {
      %dma_start3A_184 = arith.constant 0 : i32
      %dma_start3A_185 = arith.constant 1 : i32
      %dma_start3A_186 = arith.constant 0 : i32
      %dma_start3A_187 = arith.constant 0 : i32
      %dma_start3A_188 = arith.constant 1 : i32
      %dma_start3A_189 = arith.constant 0 : i32
      %dma_start3A_190 = arith.constant 0 : i32
      %dma_start3A_191 = arith.constant 0 : i32
      %dma_start3A_192 = tpu.memref_slice %arg8[%dma_start3A_187, %dma_start3A_188, %dma_start3A_190, %dma_start3A_191] : memref<2x2x128x32xf32, #tpu.memory_space<vmem>> -> memref<1x1x128x32xf32, #tpu.memory_space<vmem>>
      %dma_start3A_193 = tpu.memref_squeeze %dma_start3A_192 : memref<1x1x128x32xf32, #tpu.memory_space<vmem>> -> memref<128x32xf32, #tpu.memory_space<vmem>>
      %dma_start3A_194 = arith.constant 0 : i32
      %dma_start3A_195 = tpu.memref_slice %arg7[%dma_start3A_184, %dma_start3A_185, %dma_start3A_186, %dma_start3A_194] : memref<2x2x2x128xi32, #tpu.memory_space<vmem>> -> memref<1x1x1x128xi32, #tpu.memory_space<vmem>>
      %dma_start3A_196 = tpu.memref_squeeze %dma_start3A_195 : memref<1x1x1x128xi32, #tpu.memory_space<vmem>> -> memref<128xi32, #tpu.memory_space<vmem>>
      %dma_start3A_197 = arith.constant 0 : i32
      %dma_start3A_198 = arith.constant 0 : i32
      %dma_start3A_199 = tpu.memref_slice %arg2[%dma_start3A_197, %dma_start3A_198] : memref<50016x32xf32, #tpu.memory_space<hbm>> -> memref<50016x32xf32, #tpu.memory_space<hbm>>
      %dma_start3A_200 = tpu.memref_slice %arg12[%dma_start3A_189] : memref<2x!tpu.dma_semaphore, #tpu.memory_space<semaphore_mem>> -> memref<1x!tpu.dma_semaphore, #tpu.memory_space<semaphore_mem>>
      %dma_start3A_201 = tpu.memref_squeeze %dma_start3A_200 : memref<1x!tpu.dma_semaphore, #tpu.memory_space<semaphore_mem>> -> memref<!tpu.dma_semaphore, #tpu.memory_space<semaphore_mem>>
      tpu.enqueue_indirect_dma source(%dma_start3A_199 : memref<50016x32xf32, #tpu.memory_space<hbm>>) target(%dma_start3A_193 : memref<128x32xf32, #tpu.memory_space<vmem>>) offsets(%dma_start3A_196 : memref<128xi32, #tpu.memory_space<vmem>>) semaphore(%dma_start3A_201 : memref<!tpu.dma_semaphore, #tpu.memory_space<semaphore_mem>>)
    } else {
    }
    %eq3A_90 = arith.constant 1 : i32
    %eq3A_91 = arith.cmpi eq, %arg0, %eq3A_90 : i32
    %convert_element_type3A_92 = arith.extui %eq3A_91 : i1 to i32
    %cond3A_93 = arith.constant 0 : i32
    %cond3A_94 = arith.cmpi ne, %convert_element_type3A_92, %cond3A_93 : i32
    scf.if %cond3A_94 {
      %dma_start3A_184 = arith.constant 0 : i32
      %dma_start3A_185 = arith.constant 1 : i32
      %dma_start3A_186 = arith.constant 0 : i32
      %dma_start3A_187 = arith.constant 0 : i32
      %dma_start3A_188 = arith.constant 1 : i32
      %dma_start3A_189 = arith.constant 0 : i32
      %dma_start3A_190 = arith.constant 0 : i32
      %dma_start3A_191 = arith.constant 0 : i32
      %dma_start3A_192 = tpu.memref_slice %arg8[%dma_start3A_187, %dma_start3A_188, %dma_start3A_190, %dma_start3A_191] : memref<2x2x128x32xf32, #tpu.memory_space<vmem>> -> memref<1x1x128x32xf32, #tpu.memory_space<vmem>>
      %dma_start3A_193 = tpu.memref_squeeze %dma_start3A_192 : memref<1x1x128x32xf32, #tpu.memory_space<vmem>> -> memref<128x32xf32, #tpu.memory_space<vmem>>
      %dma_start3A_194 = arith.constant 0 : i32
      %dma_start3A_195 = tpu.memref_slice %arg7[%dma_start3A_184, %dma_start3A_185, %dma_start3A_186, %dma_start3A_194] : memref<2x2x2x128xi32, #tpu.memory_space<vmem>> -> memref<1x1x1x128xi32, #tpu.memory_space<vmem>>
      %dma_start3A_196 = tpu.memref_squeeze %dma_start3A_195 : memref<1x1x1x128xi32, #tpu.memory_space<vmem>> -> memref<128xi32, #tpu.memory_space<vmem>>
      %dma_start3A_197 = arith.constant 0 : i32
      %dma_start3A_198 = arith.constant 0 : i32
      %dma_start3A_199 = tpu.memref_slice %arg3[%dma_start3A_197, %dma_start3A_198] : memref<50016x32xf32, #tpu.memory_space<hbm>> -> memref<50016x32xf32, #tpu.memory_space<hbm>>
      %dma_start3A_200 = tpu.memref_slice %arg12[%dma_start3A_189] : memref<2x!tpu.dma_semaphore, #tpu.memory_space<semaphore_mem>> -> memref<1x!tpu.dma_semaphore, #tpu.memory_space<semaphore_mem>>
      %dma_start3A_201 = tpu.memref_squeeze %dma_start3A_200 : memref<1x!tpu.dma_semaphore, #tpu.memory_space<semaphore_mem>> -> memref<!tpu.dma_semaphore, #tpu.memory_space<semaphore_mem>>
      tpu.enqueue_indirect_dma source(%dma_start3A_199 : memref<50016x32xf32, #tpu.memory_space<hbm>>) target(%dma_start3A_193 : memref<128x32xf32, #tpu.memory_space<vmem>>) offsets(%dma_start3A_196 : memref<128xi32, #tpu.memory_space<vmem>>) semaphore(%dma_start3A_201 : memref<!tpu.dma_semaphore, #tpu.memory_space<semaphore_mem>>)
    } else {
    }
    %barrier3A = arith.constant 0 : index
    tpu.barrier barrier_id(%barrier3A)
    %scan3A_95 = arith.constant 0 : i32
    %scan3A_96 = arith.constant 0 : i32
    %scan3A_97 = arith.constant 98 : i32
    %scan3A_98 = arith.addi %scan3A_96, %scan3A_97 : i32
    %scan3A_99 = arith.constant 1 : i32
    scf.for %scan3A_184 = %scan3A_96 to %scan3A_98 step %scan3A_99  : i32 {
      %rem3A = arith.constant 2 : i32
      %rem3A_185 = arith.remsi %scan3A_184, %rem3A : i32
      %add3A_186 = arith.constant 1 : i32
      %add3A_187 = arith.addi %scan3A_184, %add3A_186 : i32
      %rem3A_188 = arith.constant 2 : i32
      %rem3A_189 = arith.remsi %add3A_187, %rem3A_188 : i32
      %dma_wait3A_190 = arith.constant 0 : i32
      %dma_wait3A_191 = arith.constant 0 : i32
      %dma_wait3A_192 = arith.constant 0 : i32
      %dma_wait3A_193 = tpu.memref_slice %arg8[%rem3A_185, %dma_wait3A_190, %dma_wait3A_191, %dma_wait3A_192] : memref<2x2x128x32xf32, #tpu.memory_space<vmem>> -> memref<1x1x128x32xf32, #tpu.memory_space<vmem>>
      %dma_wait3A_194 = tpu.memref_squeeze %dma_wait3A_193 : memref<1x1x128x32xf32, #tpu.memory_space<vmem>> -> memref<128x32xf32, #tpu.memory_space<vmem>>
      %dma_wait3A_195 = arith.constant 0 : i32
      %dma_wait3A_196 = arith.constant 0 : i32
      %dma_wait3A_197 = tpu.memref_slice %arg2[%dma_wait3A_195, %dma_wait3A_196] : memref<50016x32xf32, #tpu.memory_space<hbm>> -> memref<128x32xf32, #tpu.memory_space<hbm>>
      %dma_wait3A_198 = tpu.memref_slice %arg12[%rem3A_185] : memref<2x!tpu.dma_semaphore, #tpu.memory_space<semaphore_mem>> -> memref<1x!tpu.dma_semaphore, #tpu.memory_space<semaphore_mem>>
      %dma_wait3A_199 = tpu.memref_squeeze %dma_wait3A_198 : memref<1x!tpu.dma_semaphore, #tpu.memory_space<semaphore_mem>> -> memref<!tpu.dma_semaphore, #tpu.memory_space<semaphore_mem>>
      %dma_wait3A_200 = arith.constant 0 : i32
      %dma_wait3A_201 = arith.constant 0 : i32
      %dma_wait3A_202 = tpu.memref_slice %arg8[%rem3A_185, %dma_wait3A_190, %dma_wait3A_200, %dma_wait3A_201] : memref<2x2x128x32xf32, #tpu.memory_space<vmem>> -> memref<1x1x128x32xf32, #tpu.memory_space<vmem>>
      %dma_wait3A_203 = tpu.memref_squeeze %dma_wait3A_202 : memref<1x1x128x32xf32, #tpu.memory_space<vmem>> -> memref<128x32xf32, #tpu.memory_space<vmem>>
      %dma_wait3A_204 = arith.constant 0 : i32
      %dma_wait3A_205 = arith.constant 0 : i32
      %dma_wait3A_206 = tpu.memref_slice %arg2[%dma_wait3A_204, %dma_wait3A_205] : memref<50016x32xf32, #tpu.memory_space<hbm>> -> memref<128x32xf32, #tpu.memory_space<hbm>>
      tpu.wait_dma2 semaphore(%dma_wait3A_199 : memref<!tpu.dma_semaphore, #tpu.memory_space<semaphore_mem>>) src(%dma_wait3A_206 : memref<128x32xf32, #tpu.memory_space<hbm>>) dst(%dma_wait3A_203 : memref<128x32xf32, #tpu.memory_space<vmem>>)
      %dma_wait3A_207 = arith.constant 1 : i32
      %dma_wait3A_208 = arith.constant 0 : i32
      %dma_wait3A_209 = arith.constant 0 : i32
      %dma_wait3A_210 = tpu.memref_slice %arg8[%rem3A_185, %dma_wait3A_207, %dma_wait3A_208, %dma_wait3A_209] : memref<2x2x128x32xf32, #tpu.memory_space<vmem>> -> memref<1x1x128x32xf32, #tpu.memory_space<vmem>>
      %dma_wait3A_211 = tpu.memref_squeeze %dma_wait3A_210 : memref<1x1x128x32xf32, #tpu.memory_space<vmem>> -> memref<128x32xf32, #tpu.memory_space<vmem>>
      %dma_wait3A_212 = arith.constant 0 : i32
      %dma_wait3A_213 = arith.constant 0 : i32
      %dma_wait3A_214 = tpu.memref_slice %arg2[%dma_wait3A_212, %dma_wait3A_213] : memref<50016x32xf32, #tpu.memory_space<hbm>> -> memref<128x32xf32, #tpu.memory_space<hbm>>
      %dma_wait3A_215 = tpu.memref_slice %arg12[%rem3A_185] : memref<2x!tpu.dma_semaphore, #tpu.memory_space<semaphore_mem>> -> memref<1x!tpu.dma_semaphore, #tpu.memory_space<semaphore_mem>>
      %dma_wait3A_216 = tpu.memref_squeeze %dma_wait3A_215 : memref<1x!tpu.dma_semaphore, #tpu.memory_space<semaphore_mem>> -> memref<!tpu.dma_semaphore, #tpu.memory_space<semaphore_mem>>
      %dma_wait3A_217 = arith.constant 0 : i32
      %dma_wait3A_218 = arith.constant 0 : i32
      %dma_wait3A_219 = tpu.memref_slice %arg8[%rem3A_185, %dma_wait3A_207, %dma_wait3A_217, %dma_wait3A_218] : memref<2x2x128x32xf32, #tpu.memory_space<vmem>> -> memref<1x1x128x32xf32, #tpu.memory_space<vmem>>
      %dma_wait3A_220 = tpu.memref_squeeze %dma_wait3A_219 : memref<1x1x128x32xf32, #tpu.memory_space<vmem>> -> memref<128x32xf32, #tpu.memory_space<vmem>>
      %dma_wait3A_221 = arith.constant 0 : i32
      %dma_wait3A_222 = arith.constant 0 : i32
      %dma_wait3A_223 = tpu.memref_slice %arg2[%dma_wait3A_221, %dma_wait3A_222] : memref<50016x32xf32, #tpu.memory_space<hbm>> -> memref<128x32xf32, #tpu.memory_space<hbm>>
      tpu.wait_dma2 semaphore(%dma_wait3A_216 : memref<!tpu.dma_semaphore, #tpu.memory_space<semaphore_mem>>) src(%dma_wait3A_223 : memref<128x32xf32, #tpu.memory_space<hbm>>) dst(%dma_wait3A_220 : memref<128x32xf32, #tpu.memory_space<vmem>>)
      %add3A_224 = arith.constant 1 : i32
      %add3A_225 = arith.addi %scan3A_184, %add3A_224 : i32
      %lt3A = arith.constant 98 : i32
      %lt3A_226 = arith.cmpi slt, %add3A_225, %lt3A : i32
      %convert_element_type3A_227 = arith.extui %lt3A_226 : i1 to i32
      %cond3A_228 = arith.constant 0 : i32
      %cond3A_229 = arith.cmpi ne, %convert_element_type3A_227, %cond3A_228 : i32
      scf.if %cond3A_229 {
        %dma_wait3A_282 = arith.constant 0 : i32
        %dma_wait3A_283 = arith.constant 0 : i32
        %dma_wait3A_284 = arith.constant 0 : i32
        %dma_wait3A_285 = tpu.memref_slice %arg7[%rem3A_189, %dma_wait3A_282, %dma_wait3A_283, %dma_wait3A_284] : memref<2x2x2x128xi32, #tpu.memory_space<vmem>> -> memref<1x2x2x128xi32, #tpu.memory_space<vmem>>
        %dma_wait3A_286 = tpu.memref_squeeze %dma_wait3A_285 : memref<1x2x2x128xi32, #tpu.memory_space<vmem>> -> memref<2x2x128xi32, #tpu.memory_space<vmem>>
        %dma_wait3A_287 = arith.constant 0 : i32
        %dma_wait3A_288 = arith.constant 0 : i32
        %dma_wait3A_289 = arith.constant 0 : i32
        %dma_wait3A_290 = tpu.memref_slice %arg4[%dma_wait3A_287, %dma_wait3A_288, %dma_wait3A_289] : memref<6272x2x128xi32, #tpu.memory_space<hbm>> -> memref<2x2x128xi32, #tpu.memory_space<hbm>>
        %dma_wait3A_291 = tpu.memref_slice %arg11[%rem3A_189] : memref<2x!tpu.dma_semaphore, #tpu.memory_space<semaphore_mem>> -> memref<1x!tpu.dma_semaphore, #tpu.memory_space<semaphore_mem>>
        %dma_wait3A_292 = tpu.memref_squeeze %dma_wait3A_291 : memref<1x!tpu.dma_semaphore, #tpu.memory_space<semaphore_mem>> -> memref<!tpu.dma_semaphore, #tpu.memory_space<semaphore_mem>>
        %dma_wait3A_293 = arith.constant 0 : i32
        %dma_wait3A_294 = arith.constant 0 : i32
        %dma_wait3A_295 = arith.constant 0 : i32
        %dma_wait3A_296 = tpu.memref_slice %arg7[%rem3A_189, %dma_wait3A_293, %dma_wait3A_294, %dma_wait3A_295] : memref<2x2x2x128xi32, #tpu.memory_space<vmem>> -> memref<1x2x2x128xi32, #tpu.memory_space<vmem>>
        %dma_wait3A_297 = tpu.memref_squeeze %dma_wait3A_296 : memref<1x2x2x128xi32, #tpu.memory_space<vmem>> -> memref<2x2x128xi32, #tpu.memory_space<vmem>>
        %dma_wait3A_298 = arith.constant 0 : i32
        %dma_wait3A_299 = arith.constant 0 : i32
        %dma_wait3A_300 = arith.constant 0 : i32
        %dma_wait3A_301 = tpu.memref_slice %arg4[%dma_wait3A_298, %dma_wait3A_299, %dma_wait3A_300] : memref<6272x2x128xi32, #tpu.memory_space<hbm>> -> memref<2x2x128xi32, #tpu.memory_space<hbm>>
        tpu.wait_dma2 semaphore(%dma_wait3A_292 : memref<!tpu.dma_semaphore, #tpu.memory_space<semaphore_mem>>) src(%dma_wait3A_301 : memref<2x2x128xi32, #tpu.memory_space<hbm>>) dst(%dma_wait3A_297 : memref<2x2x128xi32, #tpu.memory_space<vmem>>)
      } else {
      }
      %ge3A = arith.constant 1 : i32
      %ge3A_230 = arith.cmpi sge, %scan3A_184, %ge3A : i32
      %add3A_231 = arith.constant 1 : i32
      %add3A_232 = arith.addi %scan3A_184, %add3A_231 : i32
      %lt3A_233 = arith.constant 98 : i32
      %lt3A_234 = arith.cmpi slt, %add3A_232, %lt3A_233 : i32
      %and3A = arith.andi %ge3A_230, %lt3A_234 : i1
      %convert_element_type3A_235 = arith.extui %and3A : i1 to i32
      %cond3A_236 = arith.constant 0 : i32
      %cond3A_237 = arith.cmpi ne, %convert_element_type3A_235, %cond3A_236 : i32
      scf.if %cond3A_237 {
        %dma_wait3A_282 = arith.constant 0 : i32
        %dma_wait3A_283 = arith.constant 0 : i32
        %dma_wait3A_284 = arith.constant 0 : i32
        %dma_wait3A_285 = tpu.memref_slice %arg8[%rem3A_189, %dma_wait3A_282, %dma_wait3A_283, %dma_wait3A_284] : memref<2x2x128x32xf32, #tpu.memory_space<vmem>> -> memref<1x1x128x32xf32, #tpu.memory_space<vmem>>
        %dma_wait3A_286 = tpu.memref_squeeze %dma_wait3A_285 : memref<1x1x128x32xf32, #tpu.memory_space<vmem>> -> memref<128x32xf32, #tpu.memory_space<vmem>>
        %dma_wait3A_287 = arith.constant 0 : i32
        %dma_wait3A_288 = arith.constant 0 : i32
        %dma_wait3A_289 = tpu.memref_slice %arg2[%dma_wait3A_287, %dma_wait3A_288] : memref<50016x32xf32, #tpu.memory_space<hbm>> -> memref<128x32xf32, #tpu.memory_space<hbm>>
        %dma_wait3A_290 = tpu.memref_slice %arg13[%rem3A_189] : memref<2x!tpu.dma_semaphore, #tpu.memory_space<semaphore_mem>> -> memref<1x!tpu.dma_semaphore, #tpu.memory_space<semaphore_mem>>
        %dma_wait3A_291 = tpu.memref_squeeze %dma_wait3A_290 : memref<1x!tpu.dma_semaphore, #tpu.memory_space<semaphore_mem>> -> memref<!tpu.dma_semaphore, #tpu.memory_space<semaphore_mem>>
        %dma_wait3A_292 = arith.constant 0 : i32
        %dma_wait3A_293 = arith.constant 0 : i32
        %dma_wait3A_294 = tpu.memref_slice %arg8[%rem3A_189, %dma_wait3A_282, %dma_wait3A_292, %dma_wait3A_293] : memref<2x2x128x32xf32, #tpu.memory_space<vmem>> -> memref<1x1x128x32xf32, #tpu.memory_space<vmem>>
        %dma_wait3A_295 = tpu.memref_squeeze %dma_wait3A_294 : memref<1x1x128x32xf32, #tpu.memory_space<vmem>> -> memref<128x32xf32, #tpu.memory_space<vmem>>
        %dma_wait3A_296 = arith.constant 0 : i32
        %dma_wait3A_297 = arith.constant 0 : i32
        %dma_wait3A_298 = tpu.memref_slice %arg2[%dma_wait3A_296, %dma_wait3A_297] : memref<50016x32xf32, #tpu.memory_space<hbm>> -> memref<128x32xf32, #tpu.memory_space<hbm>>
        tpu.wait_dma2 semaphore(%dma_wait3A_291 : memref<!tpu.dma_semaphore, #tpu.memory_space<semaphore_mem>>) src(%dma_wait3A_298 : memref<128x32xf32, #tpu.memory_space<hbm>>) dst(%dma_wait3A_295 : memref<128x32xf32, #tpu.memory_space<vmem>>)
        %dma_wait3A_299 = arith.constant 1 : i32
        %dma_wait3A_300 = arith.constant 0 : i32
        %dma_wait3A_301 = arith.constant 0 : i32
        %dma_wait3A_302 = tpu.memref_slice %arg8[%rem3A_189, %dma_wait3A_299, %dma_wait3A_300, %dma_wait3A_301] : memref<2x2x128x32xf32, #tpu.memory_space<vmem>> -> memref<1x1x128x32xf32, #tpu.memory_space<vmem>>
        %dma_wait3A_303 = tpu.memref_squeeze %dma_wait3A_302 : memref<1x1x128x32xf32, #tpu.memory_space<vmem>> -> memref<128x32xf32, #tpu.memory_space<vmem>>
        %dma_wait3A_304 = arith.constant 0 : i32
        %dma_wait3A_305 = arith.constant 0 : i32
        %dma_wait3A_306 = tpu.memref_slice %arg2[%dma_wait3A_304, %dma_wait3A_305] : memref<50016x32xf32, #tpu.memory_space<hbm>> -> memref<128x32xf32, #tpu.memory_space<hbm>>
        %dma_wait3A_307 = tpu.memref_slice %arg13[%rem3A_189] : memref<2x!tpu.dma_semaphore, #tpu.memory_space<semaphore_mem>> -> memref<1x!tpu.dma_semaphore, #tpu.memory_space<semaphore_mem>>
        %dma_wait3A_308 = tpu.memref_squeeze %dma_wait3A_307 : memref<1x!tpu.dma_semaphore, #tpu.memory_space<semaphore_mem>> -> memref<!tpu.dma_semaphore, #tpu.memory_space<semaphore_mem>>
        %dma_wait3A_309 = arith.constant 0 : i32
        %dma_wait3A_310 = arith.constant 0 : i32
        %dma_wait3A_311 = tpu.memref_slice %arg8[%rem3A_189, %dma_wait3A_299, %dma_wait3A_309, %dma_wait3A_310] : memref<2x2x128x32xf32, #tpu.memory_space<vmem>> -> memref<1x1x128x32xf32, #tpu.memory_space<vmem>>
        %dma_wait3A_312 = tpu.memref_squeeze %dma_wait3A_311 : memref<1x1x128x32xf32, #tpu.memory_space<vmem>> -> memref<128x32xf32, #tpu.memory_space<vmem>>
        %dma_wait3A_313 = arith.constant 0 : i32
        %dma_wait3A_314 = arith.constant 0 : i32
        %dma_wait3A_315 = tpu.memref_slice %arg2[%dma_wait3A_313, %dma_wait3A_314] : memref<50016x32xf32, #tpu.memory_space<hbm>> -> memref<128x32xf32, #tpu.memory_space<hbm>>
        tpu.wait_dma2 semaphore(%dma_wait3A_308 : memref<!tpu.dma_semaphore, #tpu.memory_space<semaphore_mem>>) src(%dma_wait3A_315 : memref<128x32xf32, #tpu.memory_space<hbm>>) dst(%dma_wait3A_312 : memref<128x32xf32, #tpu.memory_space<vmem>>)
      } else {
      }
      %add3A_238 = arith.constant 1 : i32
      %add3A_239 = arith.addi %scan3A_184, %add3A_238 : i32
      %lt3A_240 = arith.constant 98 : i32
      %lt3A_241 = arith.cmpi slt, %add3A_239, %lt3A_240 : i32
      %convert_element_type3A_242 = arith.extui %lt3A_241 : i1 to i32
      %cond3A_243 = arith.constant 0 : i32
      %cond3A_244 = arith.cmpi ne, %convert_element_type3A_242, %cond3A_243 : i32
      scf.if %cond3A_244 {
        %eq3A_282 = arith.constant 0 : i32
        %eq3A_283 = arith.cmpi eq, %arg0, %eq3A_282 : i32
        %convert_element_type3A_284 = arith.extui %eq3A_283 : i1 to i32
        %cond3A_285 = arith.constant 0 : i32
        %cond3A_286 = arith.cmpi ne, %convert_element_type3A_284, %cond3A_285 : i32
        scf.if %cond3A_286 {
          %dma_start3A_302 = arith.constant 0 : i32
          %dma_start3A_303 = arith.constant 0 : i32
          %dma_start3A_304 = arith.constant 0 : i32
          %dma_start3A_305 = arith.constant 0 : i32
          %dma_start3A_306 = arith.constant 0 : i32
          %dma_start3A_307 = tpu.memref_slice %arg8[%rem3A_189, %dma_start3A_304, %dma_start3A_305, %dma_start3A_306] : memref<2x2x128x32xf32, #tpu.memory_space<vmem>> -> memref<1x1x128x32xf32, #tpu.memory_space<vmem>>
          %dma_start3A_308 = tpu.memref_squeeze %dma_start3A_307 : memref<1x1x128x32xf32, #tpu.memory_space<vmem>> -> memref<128x32xf32, #tpu.memory_space<vmem>>
          %dma_start3A_309 = arith.constant 0 : i32
          %dma_start3A_310 = tpu.memref_slice %arg7[%rem3A_189, %dma_start3A_302, %dma_start3A_303, %dma_start3A_309] : memref<2x2x2x128xi32, #tpu.memory_space<vmem>> -> memref<1x1x1x128xi32, #tpu.memory_space<vmem>>
          %dma_start3A_311 = tpu.memref_squeeze %dma_start3A_310 : memref<1x1x1x128xi32, #tpu.memory_space<vmem>> -> memref<128xi32, #tpu.memory_space<vmem>>
          %dma_start3A_312 = arith.constant 0 : i32
          %dma_start3A_313 = arith.constant 0 : i32
          %dma_start3A_314 = tpu.memref_slice %arg2[%dma_start3A_312, %dma_start3A_313] : memref<50016x32xf32, #tpu.memory_space<hbm>> -> memref<50016x32xf32, #tpu.memory_space<hbm>>
          %dma_start3A_315 = tpu.memref_slice %arg12[%rem3A_189] : memref<2x!tpu.dma_semaphore, #tpu.memory_space<semaphore_mem>> -> memref<1x!tpu.dma_semaphore, #tpu.memory_space<semaphore_mem>>
          %dma_start3A_316 = tpu.memref_squeeze %dma_start3A_315 : memref<1x!tpu.dma_semaphore, #tpu.memory_space<semaphore_mem>> -> memref<!tpu.dma_semaphore, #tpu.memory_space<semaphore_mem>>
          tpu.enqueue_indirect_dma source(%dma_start3A_314 : memref<50016x32xf32, #tpu.memory_space<hbm>>) target(%dma_start3A_308 : memref<128x32xf32, #tpu.memory_space<vmem>>) offsets(%dma_start3A_311 : memref<128xi32, #tpu.memory_space<vmem>>) semaphore(%dma_start3A_316 : memref<!tpu.dma_semaphore, #tpu.memory_space<semaphore_mem>>)
        } else {
        }
        %eq3A_287 = arith.constant 1 : i32
        %eq3A_288 = arith.cmpi eq, %arg0, %eq3A_287 : i32
        %convert_element_type3A_289 = arith.extui %eq3A_288 : i1 to i32
        %cond3A_290 = arith.constant 0 : i32
        %cond3A_291 = arith.cmpi ne, %convert_element_type3A_289, %cond3A_290 : i32
        scf.if %cond3A_291 {
          %dma_start3A_302 = arith.constant 0 : i32
          %dma_start3A_303 = arith.constant 0 : i32
          %dma_start3A_304 = arith.constant 0 : i32
          %dma_start3A_305 = arith.constant 0 : i32
          %dma_start3A_306 = arith.constant 0 : i32
          %dma_start3A_307 = tpu.memref_slice %arg8[%rem3A_189, %dma_start3A_304, %dma_start3A_305, %dma_start3A_306] : memref<2x2x128x32xf32, #tpu.memory_space<vmem>> -> memref<1x1x128x32xf32, #tpu.memory_space<vmem>>
          %dma_start3A_308 = tpu.memref_squeeze %dma_start3A_307 : memref<1x1x128x32xf32, #tpu.memory_space<vmem>> -> memref<128x32xf32, #tpu.memory_space<vmem>>
          %dma_start3A_309 = arith.constant 0 : i32
          %dma_start3A_310 = tpu.memref_slice %arg7[%rem3A_189, %dma_start3A_302, %dma_start3A_303, %dma_start3A_309] : memref<2x2x2x128xi32, #tpu.memory_space<vmem>> -> memref<1x1x1x128xi32, #tpu.memory_space<vmem>>
          %dma_start3A_311 = tpu.memref_squeeze %dma_start3A_310 : memref<1x1x1x128xi32, #tpu.memory_space<vmem>> -> memref<128xi32, #tpu.memory_space<vmem>>
          %dma_start3A_312 = arith.constant 0 : i32
          %dma_start3A_313 = arith.constant 0 : i32
          %dma_start3A_314 = tpu.memref_slice %arg3[%dma_start3A_312, %dma_start3A_313] : memref<50016x32xf32, #tpu.memory_space<hbm>> -> memref<50016x32xf32, #tpu.memory_space<hbm>>
          %dma_start3A_315 = tpu.memref_slice %arg12[%rem3A_189] : memref<2x!tpu.dma_semaphore, #tpu.memory_space<semaphore_mem>> -> memref<1x!tpu.dma_semaphore, #tpu.memory_space<semaphore_mem>>
          %dma_start3A_316 = tpu.memref_squeeze %dma_start3A_315 : memref<1x!tpu.dma_semaphore, #tpu.memory_space<semaphore_mem>> -> memref<!tpu.dma_semaphore, #tpu.memory_space<semaphore_mem>>
          tpu.enqueue_indirect_dma source(%dma_start3A_314 : memref<50016x32xf32, #tpu.memory_space<hbm>>) target(%dma_start3A_308 : memref<128x32xf32, #tpu.memory_space<vmem>>) offsets(%dma_start3A_311 : memref<128xi32, #tpu.memory_space<vmem>>) semaphore(%dma_start3A_316 : memref<!tpu.dma_semaphore, #tpu.memory_space<semaphore_mem>>)
        } else {
        }
        %eq3A_292 = arith.constant 0 : i32
        %eq3A_293 = arith.cmpi eq, %arg0, %eq3A_292 : i32
        %convert_element_type3A_294 = arith.extui %eq3A_293 : i1 to i32
        %cond3A_295 = arith.constant 0 : i32
        %cond3A_296 = arith.cmpi ne, %convert_element_type3A_294, %cond3A_295 : i32
        scf.if %cond3A_296 {
          %dma_start3A_302 = arith.constant 1 : i32
          %dma_start3A_303 = arith.constant 0 : i32
          %dma_start3A_304 = arith.constant 1 : i32
          %dma_start3A_305 = arith.constant 0 : i32
          %dma_start3A_306 = arith.constant 0 : i32
          %dma_start3A_307 = tpu.memref_slice %arg8[%rem3A_189, %dma_start3A_304, %dma_start3A_305, %dma_start3A_306] : memref<2x2x128x32xf32, #tpu.memory_space<vmem>> -> memref<1x1x128x32xf32, #tpu.memory_space<vmem>>
          %dma_start3A_308 = tpu.memref_squeeze %dma_start3A_307 : memref<1x1x128x32xf32, #tpu.memory_space<vmem>> -> memref<128x32xf32, #tpu.memory_space<vmem>>
          %dma_start3A_309 = arith.constant 0 : i32
          %dma_start3A_310 = tpu.memref_slice %arg7[%rem3A_189, %dma_start3A_302, %dma_start3A_303, %dma_start3A_309] : memref<2x2x2x128xi32, #tpu.memory_space<vmem>> -> memref<1x1x1x128xi32, #tpu.memory_space<vmem>>
          %dma_start3A_311 = tpu.memref_squeeze %dma_start3A_310 : memref<1x1x1x128xi32, #tpu.memory_space<vmem>> -> memref<128xi32, #tpu.memory_space<vmem>>
          %dma_start3A_312 = arith.constant 0 : i32
          %dma_start3A_313 = arith.constant 0 : i32
          %dma_start3A_314 = tpu.memref_slice %arg2[%dma_start3A_312, %dma_start3A_313] : memref<50016x32xf32, #tpu.memory_space<hbm>> -> memref<50016x32xf32, #tpu.memory_space<hbm>>
          %dma_start3A_315 = tpu.memref_slice %arg12[%rem3A_189] : memref<2x!tpu.dma_semaphore, #tpu.memory_space<semaphore_mem>> -> memref<1x!tpu.dma_semaphore, #tpu.memory_space<semaphore_mem>>
          %dma_start3A_316 = tpu.memref_squeeze %dma_start3A_315 : memref<1x!tpu.dma_semaphore, #tpu.memory_space<semaphore_mem>> -> memref<!tpu.dma_semaphore, #tpu.memory_space<semaphore_mem>>
          tpu.enqueue_indirect_dma source(%dma_start3A_314 : memref<50016x32xf32, #tpu.memory_space<hbm>>) target(%dma_start3A_308 : memref<128x32xf32, #tpu.memory_space<vmem>>) offsets(%dma_start3A_311 : memref<128xi32, #tpu.memory_space<vmem>>) semaphore(%dma_start3A_316 : memref<!tpu.dma_semaphore, #tpu.memory_space<semaphore_mem>>)
        } else {
        }
        %eq3A_297 = arith.constant 1 : i32
        %eq3A_298 = arith.cmpi eq, %arg0, %eq3A_297 : i32
        %convert_element_type3A_299 = arith.extui %eq3A_298 : i1 to i32
        %cond3A_300 = arith.constant 0 : i32
        %cond3A_301 = arith.cmpi ne, %convert_element_type3A_299, %cond3A_300 : i32
        scf.if %cond3A_301 {
          %dma_start3A_302 = arith.constant 1 : i32
          %dma_start3A_303 = arith.constant 0 : i32
          %dma_start3A_304 = arith.constant 1 : i32
          %dma_start3A_305 = arith.constant 0 : i32
          %dma_start3A_306 = arith.constant 0 : i32
          %dma_start3A_307 = tpu.memref_slice %arg8[%rem3A_189, %dma_start3A_304, %dma_start3A_305, %dma_start3A_306] : memref<2x2x128x32xf32, #tpu.memory_space<vmem>> -> memref<1x1x128x32xf32, #tpu.memory_space<vmem>>
          %dma_start3A_308 = tpu.memref_squeeze %dma_start3A_307 : memref<1x1x128x32xf32, #tpu.memory_space<vmem>> -> memref<128x32xf32, #tpu.memory_space<vmem>>
          %dma_start3A_309 = arith.constant 0 : i32
          %dma_start3A_310 = tpu.memref_slice %arg7[%rem3A_189, %dma_start3A_302, %dma_start3A_303, %dma_start3A_309] : memref<2x2x2x128xi32, #tpu.memory_space<vmem>> -> memref<1x1x1x128xi32, #tpu.memory_space<vmem>>
          %dma_start3A_311 = tpu.memref_squeeze %dma_start3A_310 : memref<1x1x1x128xi32, #tpu.memory_space<vmem>> -> memref<128xi32, #tpu.memory_space<vmem>>
          %dma_start3A_312 = arith.constant 0 : i32
          %dma_start3A_313 = arith.constant 0 : i32
          %dma_start3A_314 = tpu.memref_slice %arg3[%dma_start3A_312, %dma_start3A_313] : memref<50016x32xf32, #tpu.memory_space<hbm>> -> memref<50016x32xf32, #tpu.memory_space<hbm>>
          %dma_start3A_315 = tpu.memref_slice %arg12[%rem3A_189] : memref<2x!tpu.dma_semaphore, #tpu.memory_space<semaphore_mem>> -> memref<1x!tpu.dma_semaphore, #tpu.memory_space<semaphore_mem>>
          %dma_start3A_316 = tpu.memref_squeeze %dma_start3A_315 : memref<1x!tpu.dma_semaphore, #tpu.memory_space<semaphore_mem>> -> memref<!tpu.dma_semaphore, #tpu.memory_space<semaphore_mem>>
          tpu.enqueue_indirect_dma source(%dma_start3A_314 : memref<50016x32xf32, #tpu.memory_space<hbm>>) target(%dma_start3A_308 : memref<128x32xf32, #tpu.memory_space<vmem>>) offsets(%dma_start3A_311 : memref<128xi32, #tpu.memory_space<vmem>>) semaphore(%dma_start3A_316 : memref<!tpu.dma_semaphore, #tpu.memory_space<semaphore_mem>>)
        } else {
        }
      } else {
      }
      %dma_start3A_245 = arith.constant 0 : i32
      %dma_start3A_246 = arith.constant 0 : i32
      %dma_start3A_247 = arith.constant 1 : i32
      %dma_start3A_248 = arith.constant 0 : i32
      %dma_start3A_249 = arith.constant 0 : i32
      %dma_start3A_250 = tpu.memref_slice %arg8[%rem3A_185, %dma_start3A_245, %dma_start3A_248, %dma_start3A_249] : memref<2x2x128x32xf32, #tpu.memory_space<vmem>> -> memref<1x1x128x32xf32, #tpu.memory_space<vmem>>
      %dma_start3A_251 = tpu.memref_squeeze %dma_start3A_250 : memref<1x1x128x32xf32, #tpu.memory_space<vmem>> -> memref<128x32xf32, #tpu.memory_space<vmem>>
      %dma_start3A_252 = arith.constant 0 : i32
      %dma_start3A_253 = tpu.memref_slice %arg7[%rem3A_185, %dma_start3A_246, %dma_start3A_247, %dma_start3A_252] : memref<2x2x2x128xi32, #tpu.memory_space<vmem>> -> memref<1x1x1x128xi32, #tpu.memory_space<vmem>>
      %dma_start3A_254 = tpu.memref_squeeze %dma_start3A_253 : memref<1x1x1x128xi32, #tpu.memory_space<vmem>> -> memref<128xi32, #tpu.memory_space<vmem>>
      %dma_start3A_255 = arith.constant 0 : i32
      %dma_start3A_256 = arith.constant 0 : i32
      %dma_start3A_257 = tpu.memref_slice %arg10[%dma_start3A_255, %dma_start3A_256] : memref<50432x32xf32, #tpu.memory_space<vmem_shared>> -> memref<50432x32xf32, #tpu.memory_space<vmem_shared>>
      %dma_start3A_258 = tpu.memref_slice %arg13[%rem3A_185] : memref<2x!tpu.dma_semaphore, #tpu.memory_space<semaphore_mem>> -> memref<1x!tpu.dma_semaphore, #tpu.memory_space<semaphore_mem>>
      %dma_start3A_259 = tpu.memref_squeeze %dma_start3A_258 : memref<1x!tpu.dma_semaphore, #tpu.memory_space<semaphore_mem>> -> memref<!tpu.dma_semaphore, #tpu.memory_space<semaphore_mem>>
      tpu.enqueue_indirect_dma source(%dma_start3A_251 : memref<128x32xf32, #tpu.memory_space<vmem>>) target(%dma_start3A_257 : memref<50432x32xf32, #tpu.memory_space<vmem_shared>>) offsets(%dma_start3A_254 : memref<128xi32, #tpu.memory_space<vmem>>) semaphore(%dma_start3A_259 : memref<!tpu.dma_semaphore, #tpu.memory_space<semaphore_mem>>) {add = true}
      %dma_start3A_260 = arith.constant 1 : i32
      %dma_start3A_261 = arith.constant 1 : i32
      %dma_start3A_262 = arith.constant 1 : i32
      %dma_start3A_263 = arith.constant 0 : i32
      %dma_start3A_264 = arith.constant 0 : i32
      %dma_start3A_265 = tpu.memref_slice %arg8[%rem3A_185, %dma_start3A_260, %dma_start3A_263, %dma_start3A_264] : memref<2x2x128x32xf32, #tpu.memory_space<vmem>> -> memref<1x1x128x32xf32, #tpu.memory_space<vmem>>
      %dma_start3A_266 = tpu.memref_squeeze %dma_start3A_265 : memref<1x1x128x32xf32, #tpu.memory_space<vmem>> -> memref<128x32xf32, #tpu.memory_space<vmem>>
      %dma_start3A_267 = arith.constant 0 : i32
      %dma_start3A_268 = tpu.memref_slice %arg7[%rem3A_185, %dma_start3A_261, %dma_start3A_262, %dma_start3A_267] : memref<2x2x2x128xi32, #tpu.memory_space<vmem>> -> memref<1x1x1x128xi32, #tpu.memory_space<vmem>>
      %dma_start3A_269 = tpu.memref_squeeze %dma_start3A_268 : memref<1x1x1x128xi32, #tpu.memory_space<vmem>> -> memref<128xi32, #tpu.memory_space<vmem>>
      %dma_start3A_270 = arith.constant 0 : i32
      %dma_start3A_271 = arith.constant 0 : i32
      %dma_start3A_272 = tpu.memref_slice %arg10[%dma_start3A_270, %dma_start3A_271] : memref<50432x32xf32, #tpu.memory_space<vmem_shared>> -> memref<50432x32xf32, #tpu.memory_space<vmem_shared>>
      %dma_start3A_273 = tpu.memref_slice %arg13[%rem3A_185] : memref<2x!tpu.dma_semaphore, #tpu.memory_space<semaphore_mem>> -> memref<1x!tpu.dma_semaphore, #tpu.memory_space<semaphore_mem>>
      %dma_start3A_274 = tpu.memref_squeeze %dma_start3A_273 : memref<1x!tpu.dma_semaphore, #tpu.memory_space<semaphore_mem>> -> memref<!tpu.dma_semaphore, #tpu.memory_space<semaphore_mem>>
      tpu.enqueue_indirect_dma source(%dma_start3A_266 : memref<128x32xf32, #tpu.memory_space<vmem>>) target(%dma_start3A_272 : memref<50432x32xf32, #tpu.memory_space<vmem_shared>>) offsets(%dma_start3A_269 : memref<128xi32, #tpu.memory_space<vmem>>) semaphore(%dma_start3A_274 : memref<!tpu.dma_semaphore, #tpu.memory_space<semaphore_mem>>) {add = true}
      %add3A_275 = arith.constant 2 : i32
      %add3A_276 = arith.addi %scan3A_184, %add3A_275 : i32
      %lt3A_277 = arith.constant 98 : i32
      %lt3A_278 = arith.cmpi slt, %add3A_276, %lt3A_277 : i32
      %convert_element_type3A_279 = arith.extui %lt3A_278 : i1 to i32
      %cond3A_280 = arith.constant 0 : i32
      %cond3A_281 = arith.cmpi ne, %convert_element_type3A_279, %cond3A_280 : i32
      scf.if %cond3A_281 {
        %add3A_282 = arith.constant 2 : i32
        %add3A_283 = arith.addi %scan3A_184, %add3A_282 : i32
        %mul3A_284 = arith.constant 2 : i32
        %mul3A_285 = arith.muli %add3A_283, %mul3A_284 : i32
        %add3A_286 = arith.addi %mul3A_2, %mul3A_285 : i32
        %dma_start3A_287 = arith.constant 0 : i32
        %dma_start3A_288 = arith.constant 0 : i32
        %dma_start3A_289 = arith.constant 0 : i32
        %dma_start3A_290 = tpu.memref_slice %arg7[%rem3A_185, %dma_start3A_287, %dma_start3A_288, %dma_start3A_289] : memref<2x2x2x128xi32, #tpu.memory_space<vmem>> -> memref<1x2x2x128xi32, #tpu.memory_space<vmem>>
        %dma_start3A_291 = tpu.memref_squeeze %dma_start3A_290 : memref<1x2x2x128xi32, #tpu.memory_space<vmem>> -> memref<2x2x128xi32, #tpu.memory_space<vmem>>
        %dma_start3A_292 = arith.constant 0 : i32
        %dma_start3A_293 = arith.constant 0 : i32
        %dma_start3A_294 = tpu.memref_slice %arg4[%add3A_286, %dma_start3A_292, %dma_start3A_293] : memref<6272x2x128xi32, #tpu.memory_space<hbm>> -> memref<2x2x128xi32, #tpu.memory_space<hbm>>
        %dma_start3A_295 = tpu.memref_slice %arg11[%rem3A_185] : memref<2x!tpu.dma_semaphore, #tpu.memory_space<semaphore_mem>> -> memref<1x!tpu.dma_semaphore, #tpu.memory_space<semaphore_mem>>
        %dma_start3A_296 = tpu.memref_squeeze %dma_start3A_295 : memref<1x!tpu.dma_semaphore, #tpu.memory_space<semaphore_mem>> -> memref<!tpu.dma_semaphore, #tpu.memory_space<semaphore_mem>>
        %dma_start3A_297 = arith.constant 0 : i32
        %dma_start3A_298 = arith.constant 0 : i32
        %dma_start3A_299 = arith.constant 0 : i32
        %dma_start3A_300 = tpu.memref_slice %arg7[%rem3A_185, %dma_start3A_297, %dma_start3A_298, %dma_start3A_299] : memref<2x2x2x128xi32, #tpu.memory_space<vmem>> -> memref<1x2x2x128xi32, #tpu.memory_space<vmem>>
        %dma_start3A_301 = tpu.memref_squeeze %dma_start3A_300 : memref<1x2x2x128xi32, #tpu.memory_space<vmem>> -> memref<2x2x128xi32, #tpu.memory_space<vmem>>
        %dma_start3A_302 = arith.constant 0 : i32
        %dma_start3A_303 = arith.constant 0 : i32
        %dma_start3A_304 = tpu.memref_slice %arg4[%add3A_286, %dma_start3A_302, %dma_start3A_303] : memref<6272x2x128xi32, #tpu.memory_space<hbm>> -> memref<2x2x128xi32, #tpu.memory_space<hbm>>
        tpu.enqueue_dma source(%dma_start3A_304 : memref<2x2x128xi32, #tpu.memory_space<hbm>>) target(%dma_start3A_301 : memref<2x2x128xi32, #tpu.memory_space<vmem>>) target_semaphore(%dma_start3A_296 : memref<!tpu.dma_semaphore, #tpu.memory_space<semaphore_mem>>)
      } else {
      }
    }
    %scan3A_100 = arith.constant 98 : i32
    %dma_wait3A_101 = arith.constant 0 : i32
    %dma_wait3A_102 = arith.constant 0 : i32
    %dma_wait3A_103 = arith.constant 0 : i32
    %dma_wait3A_104 = arith.constant 0 : i32
    %dma_wait3A_105 = arith.constant 0 : i32
    %dma_wait3A_106 = tpu.memref_slice %arg8[%dma_wait3A_101, %dma_wait3A_102, %dma_wait3A_104, %dma_wait3A_105] : memref<2x2x128x32xf32, #tpu.memory_space<vmem>> -> memref<1x1x128x32xf32, #tpu.memory_space<vmem>>
    %dma_wait3A_107 = tpu.memref_squeeze %dma_wait3A_106 : memref<1x1x128x32xf32, #tpu.memory_space<vmem>> -> memref<128x32xf32, #tpu.memory_space<vmem>>
    %dma_wait3A_108 = arith.constant 0 : i32
    %dma_wait3A_109 = arith.constant 0 : i32
    %dma_wait3A_110 = tpu.memref_slice %arg2[%dma_wait3A_108, %dma_wait3A_109] : memref<50016x32xf32, #tpu.memory_space<hbm>> -> memref<128x32xf32, #tpu.memory_space<hbm>>
    %dma_wait3A_111 = tpu.memref_slice %arg13[%dma_wait3A_103] : memref<2x!tpu.dma_semaphore, #tpu.memory_space<semaphore_mem>> -> memref<1x!tpu.dma_semaphore, #tpu.memory_space<semaphore_mem>>
    %dma_wait3A_112 = tpu.memref_squeeze %dma_wait3A_111 : memref<1x!tpu.dma_semaphore, #tpu.memory_space<semaphore_mem>> -> memref<!tpu.dma_semaphore, #tpu.memory_space<semaphore_mem>>
    %dma_wait3A_113 = arith.constant 0 : i32
    %dma_wait3A_114 = arith.constant 0 : i32
    %dma_wait3A_115 = tpu.memref_slice %arg8[%dma_wait3A_101, %dma_wait3A_102, %dma_wait3A_113, %dma_wait3A_114] : memref<2x2x128x32xf32, #tpu.memory_space<vmem>> -> memref<1x1x128x32xf32, #tpu.memory_space<vmem>>
    %dma_wait3A_116 = tpu.memref_squeeze %dma_wait3A_115 : memref<1x1x128x32xf32, #tpu.memory_space<vmem>> -> memref<128x32xf32, #tpu.memory_space<vmem>>
    %dma_wait3A_117 = arith.constant 0 : i32
    %dma_wait3A_118 = arith.constant 0 : i32
    %dma_wait3A_119 = tpu.memref_slice %arg2[%dma_wait3A_117, %dma_wait3A_118] : memref<50016x32xf32, #tpu.memory_space<hbm>> -> memref<128x32xf32, #tpu.memory_space<hbm>>
    tpu.wait_dma2 semaphore(%dma_wait3A_112 : memref<!tpu.dma_semaphore, #tpu.memory_space<semaphore_mem>>) src(%dma_wait3A_119 : memref<128x32xf32, #tpu.memory_space<hbm>>) dst(%dma_wait3A_116 : memref<128x32xf32, #tpu.memory_space<vmem>>)
    %dma_wait3A_120 = arith.constant 0 : i32
    %dma_wait3A_121 = arith.constant 1 : i32
    %dma_wait3A_122 = arith.constant 0 : i32
    %dma_wait3A_123 = arith.constant 0 : i32
    %dma_wait3A_124 = arith.constant 0 : i32
    %dma_wait3A_125 = tpu.memref_slice %arg8[%dma_wait3A_120, %dma_wait3A_121, %dma_wait3A_123, %dma_wait3A_124] : memref<2x2x128x32xf32, #tpu.memory_space<vmem>> -> memref<1x1x128x32xf32, #tpu.memory_space<vmem>>
    %dma_wait3A_126 = tpu.memref_squeeze %dma_wait3A_125 : memref<1x1x128x32xf32, #tpu.memory_space<vmem>> -> memref<128x32xf32, #tpu.memory_space<vmem>>
    %dma_wait3A_127 = arith.constant 0 : i32
    %dma_wait3A_128 = arith.constant 0 : i32
    %dma_wait3A_129 = tpu.memref_slice %arg2[%dma_wait3A_127, %dma_wait3A_128] : memref<50016x32xf32, #tpu.memory_space<hbm>> -> memref<128x32xf32, #tpu.memory_space<hbm>>
    %dma_wait3A_130 = tpu.memref_slice %arg13[%dma_wait3A_122] : memref<2x!tpu.dma_semaphore, #tpu.memory_space<semaphore_mem>> -> memref<1x!tpu.dma_semaphore, #tpu.memory_space<semaphore_mem>>
    %dma_wait3A_131 = tpu.memref_squeeze %dma_wait3A_130 : memref<1x!tpu.dma_semaphore, #tpu.memory_space<semaphore_mem>> -> memref<!tpu.dma_semaphore, #tpu.memory_space<semaphore_mem>>
    %dma_wait3A_132 = arith.constant 0 : i32
    %dma_wait3A_133 = arith.constant 0 : i32
    %dma_wait3A_134 = tpu.memref_slice %arg8[%dma_wait3A_120, %dma_wait3A_121, %dma_wait3A_132, %dma_wait3A_133] : memref<2x2x128x32xf32, #tpu.memory_space<vmem>> -> memref<1x1x128x32xf32, #tpu.memory_space<vmem>>
    %dma_wait3A_135 = tpu.memref_squeeze %dma_wait3A_134 : memref<1x1x128x32xf32, #tpu.memory_space<vmem>> -> memref<128x32xf32, #tpu.memory_space<vmem>>
    %dma_wait3A_136 = arith.constant 0 : i32
    %dma_wait3A_137 = arith.constant 0 : i32
    %dma_wait3A_138 = tpu.memref_slice %arg2[%dma_wait3A_136, %dma_wait3A_137] : memref<50016x32xf32, #tpu.memory_space<hbm>> -> memref<128x32xf32, #tpu.memory_space<hbm>>
    tpu.wait_dma2 semaphore(%dma_wait3A_131 : memref<!tpu.dma_semaphore, #tpu.memory_space<semaphore_mem>>) src(%dma_wait3A_138 : memref<128x32xf32, #tpu.memory_space<hbm>>) dst(%dma_wait3A_135 : memref<128x32xf32, #tpu.memory_space<vmem>>)
    %dma_wait3A_139 = arith.constant 1 : i32
    %dma_wait3A_140 = arith.constant 0 : i32
    %dma_wait3A_141 = arith.constant 1 : i32
    %dma_wait3A_142 = arith.constant 0 : i32
    %dma_wait3A_143 = arith.constant 0 : i32
    %dma_wait3A_144 = tpu.memref_slice %arg8[%dma_wait3A_139, %dma_wait3A_140, %dma_wait3A_142, %dma_wait3A_143] : memref<2x2x128x32xf32, #tpu.memory_space<vmem>> -> memref<1x1x128x32xf32, #tpu.memory_space<vmem>>
    %dma_wait3A_145 = tpu.memref_squeeze %dma_wait3A_144 : memref<1x1x128x32xf32, #tpu.memory_space<vmem>> -> memref<128x32xf32, #tpu.memory_space<vmem>>
    %dma_wait3A_146 = arith.constant 0 : i32
    %dma_wait3A_147 = arith.constant 0 : i32
    %dma_wait3A_148 = tpu.memref_slice %arg2[%dma_wait3A_146, %dma_wait3A_147] : memref<50016x32xf32, #tpu.memory_space<hbm>> -> memref<128x32xf32, #tpu.memory_space<hbm>>
    %dma_wait3A_149 = tpu.memref_slice %arg13[%dma_wait3A_141] : memref<2x!tpu.dma_semaphore, #tpu.memory_space<semaphore_mem>> -> memref<1x!tpu.dma_semaphore, #tpu.memory_space<semaphore_mem>>
    %dma_wait3A_150 = tpu.memref_squeeze %dma_wait3A_149 : memref<1x!tpu.dma_semaphore, #tpu.memory_space<semaphore_mem>> -> memref<!tpu.dma_semaphore, #tpu.memory_space<semaphore_mem>>
    %dma_wait3A_151 = arith.constant 0 : i32
    %dma_wait3A_152 = arith.constant 0 : i32
    %dma_wait3A_153 = tpu.memref_slice %arg8[%dma_wait3A_139, %dma_wait3A_140, %dma_wait3A_151, %dma_wait3A_152] : memref<2x2x128x32xf32, #tpu.memory_space<vmem>> -> memref<1x1x128x32xf32, #tpu.memory_space<vmem>>
    %dma_wait3A_154 = tpu.memref_squeeze %dma_wait3A_153 : memref<1x1x128x32xf32, #tpu.memory_space<vmem>> -> memref<128x32xf32, #tpu.memory_space<vmem>>
    %dma_wait3A_155 = arith.constant 0 : i32
    %dma_wait3A_156 = arith.constant 0 : i32
    %dma_wait3A_157 = tpu.memref_slice %arg2[%dma_wait3A_155, %dma_wait3A_156] : memref<50016x32xf32, #tpu.memory_space<hbm>> -> memref<128x32xf32, #tpu.memory_space<hbm>>
    tpu.wait_dma2 semaphore(%dma_wait3A_150 : memref<!tpu.dma_semaphore, #tpu.memory_space<semaphore_mem>>) src(%dma_wait3A_157 : memref<128x32xf32, #tpu.memory_space<hbm>>) dst(%dma_wait3A_154 : memref<128x32xf32, #tpu.memory_space<vmem>>)
    %dma_wait3A_158 = arith.constant 1 : i32
    %dma_wait3A_159 = arith.constant 1 : i32
    %dma_wait3A_160 = arith.constant 1 : i32
    %dma_wait3A_161 = arith.constant 0 : i32
    %dma_wait3A_162 = arith.constant 0 : i32
    %dma_wait3A_163 = tpu.memref_slice %arg8[%dma_wait3A_158, %dma_wait3A_159, %dma_wait3A_161, %dma_wait3A_162] : memref<2x2x128x32xf32, #tpu.memory_space<vmem>> -> memref<1x1x128x32xf32, #tpu.memory_space<vmem>>
    %dma_wait3A_164 = tpu.memref_squeeze %dma_wait3A_163 : memref<1x1x128x32xf32, #tpu.memory_space<vmem>> -> memref<128x32xf32, #tpu.memory_space<vmem>>
    %dma_wait3A_165 = arith.constant 0 : i32
    %dma_wait3A_166 = arith.constant 0 : i32
    %dma_wait3A_167 = tpu.memref_slice %arg2[%dma_wait3A_165, %dma_wait3A_166] : memref<50016x32xf32, #tpu.memory_space<hbm>> -> memref<128x32xf32, #tpu.memory_space<hbm>>
    %dma_wait3A_168 = tpu.memref_slice %arg13[%dma_wait3A_160] : memref<2x!tpu.dma_semaphore, #tpu.memory_space<semaphore_mem>> -> memref<1x!tpu.dma_semaphore, #tpu.memory_space<semaphore_mem>>
    %dma_wait3A_169 = tpu.memref_squeeze %dma_wait3A_168 : memref<1x!tpu.dma_semaphore, #tpu.memory_space<semaphore_mem>> -> memref<!tpu.dma_semaphore, #tpu.memory_space<semaphore_mem>>
    %dma_wait3A_170 = arith.constant 0 : i32
    %dma_wait3A_171 = arith.constant 0 : i32
    %dma_wait3A_172 = tpu.memref_slice %arg8[%dma_wait3A_158, %dma_wait3A_159, %dma_wait3A_170, %dma_wait3A_171] : memref<2x2x128x32xf32, #tpu.memory_space<vmem>> -> memref<1x1x128x32xf32, #tpu.memory_space<vmem>>
    %dma_wait3A_173 = tpu.memref_squeeze %dma_wait3A_172 : memref<1x1x128x32xf32, #tpu.memory_space<vmem>> -> memref<128x32xf32, #tpu.memory_space<vmem>>
    %dma_wait3A_174 = arith.constant 0 : i32
    %dma_wait3A_175 = arith.constant 0 : i32
    %dma_wait3A_176 = tpu.memref_slice %arg2[%dma_wait3A_174, %dma_wait3A_175] : memref<50016x32xf32, #tpu.memory_space<hbm>> -> memref<128x32xf32, #tpu.memory_space<hbm>>
    tpu.wait_dma2 semaphore(%dma_wait3A_169 : memref<!tpu.dma_semaphore, #tpu.memory_space<semaphore_mem>>) src(%dma_wait3A_176 : memref<128x32xf32, #tpu.memory_space<hbm>>) dst(%dma_wait3A_173 : memref<128x32xf32, #tpu.memory_space<vmem>>)
    %barrier3A_177 = arith.constant 0 : index
    tpu.barrier barrier_id(%barrier3A_177)
    %scan3A_178 = arith.constant 0 : i32
    %scan3A_179 = arith.constant 0 : i32
    %scan3A_180 = arith.constant 8 : i32
    %scan3A_181 = arith.addi %scan3A_179, %scan3A_180 : i32
    %scan3A_182 = arith.constant 1 : i32
    scf.for %scan3A_184 = %scan3A_179 to %scan3A_181 step %scan3A_182  : i32 {
      %mul3A_185 = arith.constant 3152 : i32
      %mul3A_186 = arith.muli %arg1, %mul3A_185 : i32
      %mul3A_187 = arith.constant 394 : i32
      %mul3A_188 = arith.muli %scan3A_184, %mul3A_187 : i32
      %add3A_189 = arith.addi %mul3A_186, %mul3A_188 : i32
      "tpu.region"() ({
        %run_scoped3A = tpu.sem_alloc : memref<!tpu.dma_semaphore, #tpu.memory_space<semaphore_mem>>
        %dma_start3A_200 = arith.constant 0 : i32
        %dma_start3A_201 = tpu.memref_slice %arg10[%add3A_189, %dma_start3A_200] : memref<50432x32xf32, #tpu.memory_space<vmem_shared>> -> memref<394x32xf32, #tpu.memory_space<vmem_shared>>
        %dma_start3A_202 = arith.constant 0 : i32
        %dma_start3A_203 = tpu.memref_slice %arg10[%add3A_189, %dma_start3A_202] : memref<50432x32xf32, #tpu.memory_space<vmem_shared>> -> memref<394x32xf32, #tpu.memory_space<vmem_shared>>
        tpu.enqueue_dma source(%dma_start3A_203 : memref<394x32xf32, #tpu.memory_space<vmem_shared>>) target(%arg9 : memref<394x32xf32, #tpu.memory_space<vmem>>) target_semaphore(%run_scoped3A : memref<!tpu.dma_semaphore, #tpu.memory_space<semaphore_mem>>)
        %dma_wait3A_204 = arith.constant 0 : i32
        %dma_wait3A_205 = tpu.memref_slice %arg10[%add3A_189, %dma_wait3A_204] : memref<50432x32xf32, #tpu.memory_space<vmem_shared>> -> memref<394x32xf32, #tpu.memory_space<vmem_shared>>
        %dma_wait3A_206 = arith.constant 0 : i32
        %dma_wait3A_207 = tpu.memref_slice %arg10[%add3A_189, %dma_wait3A_206] : memref<50432x32xf32, #tpu.memory_space<vmem_shared>> -> memref<394x32xf32, #tpu.memory_space<vmem_shared>>
        tpu.wait_dma2 semaphore(%run_scoped3A : memref<!tpu.dma_semaphore, #tpu.memory_space<semaphore_mem>>) src(%dma_wait3A_207 : memref<394x32xf32, #tpu.memory_space<vmem_shared>>) dst(%arg9 : memref<394x32xf32, #tpu.memory_space<vmem>>)
        tpu.yield
      }) : () -> ()
      %eq3A_190 = arith.constant 0 : i32
      %eq3A_191 = arith.cmpi eq, %arg0, %eq3A_190 : i32
      %convert_element_type3A_192 = arith.extui %eq3A_191 : i1 to i32
      %cond3A_193 = arith.constant 0 : i32
      %cond3A_194 = arith.cmpi ne, %convert_element_type3A_192, %cond3A_193 : i32
      scf.if %cond3A_194 {
        "tpu.region"() ({
          %run_scoped3A = tpu.sem_alloc : memref<!tpu.dma_semaphore, #tpu.memory_space<semaphore_mem>>
          %dma_start3A_200 = arith.constant 0 : i32
          %dma_start3A_201 = tpu.memref_slice %arg5[%add3A_189, %dma_start3A_200] : memref<50432x32xf32, #tpu.memory_space<hbm>> -> memref<394x32xf32, #tpu.memory_space<hbm>>
          %dma_start3A_202 = arith.constant 0 : i32
          %dma_start3A_203 = tpu.memref_slice %arg5[%add3A_189, %dma_start3A_202] : memref<50432x32xf32, #tpu.memory_space<hbm>> -> memref<394x32xf32, #tpu.memory_space<hbm>>
          tpu.enqueue_dma source(%arg9 : memref<394x32xf32, #tpu.memory_space<vmem>>) target(%dma_start3A_203 : memref<394x32xf32, #tpu.memory_space<hbm>>) target_semaphore(%run_scoped3A : memref<!tpu.dma_semaphore, #tpu.memory_space<semaphore_mem>>)
          %dma_wait3A_204 = arith.constant 0 : i32
          %dma_wait3A_205 = tpu.memref_slice %arg5[%add3A_189, %dma_wait3A_204] : memref<50432x32xf32, #tpu.memory_space<hbm>> -> memref<394x32xf32, #tpu.memory_space<hbm>>
          %dma_wait3A_206 = arith.constant 0 : i32
          %dma_wait3A_207 = tpu.memref_slice %arg5[%add3A_189, %dma_wait3A_206] : memref<50432x32xf32, #tpu.memory_space<hbm>> -> memref<394x32xf32, #tpu.memory_space<hbm>>
          tpu.wait_dma2 semaphore(%run_scoped3A : memref<!tpu.dma_semaphore, #tpu.memory_space<semaphore_mem>>) src(%arg9 : memref<394x32xf32, #tpu.memory_space<vmem>>) dst(%dma_wait3A_207 : memref<394x32xf32, #tpu.memory_space<hbm>>)
          tpu.yield
        }) : () -> ()
      } else {
      }
      %eq3A_195 = arith.constant 1 : i32
      %eq3A_196 = arith.cmpi eq, %arg0, %eq3A_195 : i32
      %convert_element_type3A_197 = arith.extui %eq3A_196 : i1 to i32
      %cond3A_198 = arith.constant 0 : i32
      %cond3A_199 = arith.cmpi ne, %convert_element_type3A_197, %cond3A_198 : i32
      scf.if %cond3A_199 {
        "tpu.region"() ({
          %run_scoped3A = tpu.sem_alloc : memref<!tpu.dma_semaphore, #tpu.memory_space<semaphore_mem>>
          %dma_start3A_200 = arith.constant 0 : i32
          %dma_start3A_201 = tpu.memref_slice %arg6[%add3A_189, %dma_start3A_200] : memref<50432x32xf32, #tpu.memory_space<hbm>> -> memref<394x32xf32, #tpu.memory_space<hbm>>
          %dma_start3A_202 = arith.constant 0 : i32
          %dma_start3A_203 = tpu.memref_slice %arg6[%add3A_189, %dma_start3A_202] : memref<50432x32xf32, #tpu.memory_space<hbm>> -> memref<394x32xf32, #tpu.memory_space<hbm>>
          tpu.enqueue_dma source(%arg9 : memref<394x32xf32, #tpu.memory_space<vmem>>) target(%dma_start3A_203 : memref<394x32xf32, #tpu.memory_space<hbm>>) target_semaphore(%run_scoped3A : memref<!tpu.dma_semaphore, #tpu.memory_space<semaphore_mem>>)
          %dma_wait3A_204 = arith.constant 0 : i32
          %dma_wait3A_205 = tpu.memref_slice %arg6[%add3A_189, %dma_wait3A_204] : memref<50432x32xf32, #tpu.memory_space<hbm>> -> memref<394x32xf32, #tpu.memory_space<hbm>>
          %dma_wait3A_206 = arith.constant 0 : i32
          %dma_wait3A_207 = tpu.memref_slice %arg6[%add3A_189, %dma_wait3A_206] : memref<50432x32xf32, #tpu.memory_space<hbm>> -> memref<394x32xf32, #tpu.memory_space<hbm>>
          tpu.wait_dma2 semaphore(%run_scoped3A : memref<!tpu.dma_semaphore, #tpu.memory_space<semaphore_mem>>) src(%arg9 : memref<394x32xf32, #tpu.memory_space<vmem>>) dst(%dma_wait3A_207 : memref<394x32xf32, #tpu.memory_space<hbm>>)
          tpu.yield
        }) : () -> ()
      } else {
      }
    }
    %scan3A_183 = arith.constant 8 : i32
    return
  }
}

#map = affine_map<(d0, d1) -> (0, 0, 0)>
#map1 = affine_map<(d0, d1) -> (0)>
module attributes {stable_mosaic.version = 14 : i64} {
  func.func @_deg_body(%arg0: i32, %arg1: i32, %arg2: memref<6272x2x128xi32, #tpu.memory_space<hbm>>, %arg3: memref<50432xf32, #tpu.memory_space<hbm>>, %arg4: memref<50432xf32, #tpu.memory_space<hbm>>, %arg5: memref<128xf32, #tpu.memory_space<vmem>>, %arg6: memref<2x2x2x128xi32, #tpu.memory_space<vmem>>, %arg7: memref<3152xf32, #tpu.memory_space<vmem>>, %arg8: memref<50432xf32, #tpu.memory_space<vmem_shared>>, %arg9: memref<2x!tpu.dma_semaphore, #tpu.memory_space<semaphore_mem>>) attributes {dimension_semantics = [#tpu.dimension_semantics<core_parallel>, #tpu.dimension_semantics<subcore_parallel>], iteration_bounds = array<i64: 2, 16>, scalar_prefetch = 0 : i64, scratch_operands = 5 : i64, tpu.core_type = #tpu.core_type<sc_vector_subcore>, window_params = [{transform_indices = #map}, {transform_indices = #map1}, {transform_indices = #map1}]} {
    %scan3A = arith.constant 0 : i32
    %scan3A_0 = arith.constant 0 : i32
    %scan3A_1 = arith.constant 8 : i32
    %scan3A_2 = arith.addi %scan3A_0, %scan3A_1 : i32
    %scan3A_3 = arith.constant 1 : i32
    scf.for %scan3A_96 = %scan3A_0 to %scan3A_2 step %scan3A_3  : i32 {
      %broadcast_in_dim3A = arith.constant 1.000000e+00 : f32
      %broadcast_in_dim3A_97 = vector.broadcast %broadcast_in_dim3A : f32 to vector<16xf32>
      %mul3A_98 = arith.constant 16 : i32
      %mul3A_99 = arith.muli %scan3A_96, %mul3A_98 : i32
      %swap3A = arith.index_cast %mul3A_99 : i32 to index
      %swap3A_100 = tpu.vector_load %arg5[%swap3A] {strides = array<i32>} : memref<128xf32, #tpu.memory_space<vmem>>, vector<16xf32>,
      %swap3A_101 = vector.shape_cast %swap3A_100 : vector<16xf32> to vector<16xf32>
      %swap3A_102 = vector.shape_cast %broadcast_in_dim3A_97 : vector<16xf32> to vector<16xf32>
      tpu.vector_store %arg5[%swap3A], %swap3A_102 {strides = array<i32>} : memref<128xf32, #tpu.memory_space<vmem>>, vector<16xf32>,
    }
    %scan3A_4 = arith.constant 8 : i32
    %scan3A_5 = arith.constant 0 : i32
    %scan3A_6 = arith.constant 0 : i32
    %scan3A_7 = arith.constant 197 : i32
    %scan3A_8 = arith.addi %scan3A_6, %scan3A_7 : i32
    %scan3A_9 = arith.constant 1 : i32
    scf.for %scan3A_96 = %scan3A_6 to %scan3A_8 step %scan3A_9  : i32 {
      %broadcast_in_dim3A = arith.constant 0.000000e+00 : f32
      %broadcast_in_dim3A_97 = vector.broadcast %broadcast_in_dim3A : f32 to vector<16xf32>
      %mul3A_98 = arith.constant 16 : i32
      %mul3A_99 = arith.muli %scan3A_96, %mul3A_98 : i32
      %swap3A = arith.index_cast %mul3A_99 : i32 to index
      %swap3A_100 = tpu.vector_load %arg7[%swap3A] {strides = array<i32>} : memref<3152xf32, #tpu.memory_space<vmem>>, vector<16xf32>,
      %swap3A_101 = vector.shape_cast %swap3A_100 : vector<16xf32> to vector<16xf32>
      %swap3A_102 = vector.shape_cast %broadcast_in_dim3A_97 : vector<16xf32> to vector<16xf32>
      tpu.vector_store %arg7[%swap3A], %swap3A_102 {strides = array<i32>} : memref<3152xf32, #tpu.memory_space<vmem>>, vector<16xf32>,
    }
    %scan3A_10 = arith.constant 197 : i32
    %mul3A = arith.constant 3152 : i32
    %mul3A_11 = arith.muli %arg1, %mul3A : i32
    "tpu.region"() ({
      %run_scoped3A = tpu.sem_alloc : memref<!tpu.dma_semaphore, #tpu.memory_space<semaphore_mem>>
      %dma_start3A_96 = tpu.memref_slice %arg8[%mul3A_11] : memref<50432xf32, #tpu.memory_space<vmem_shared>> -> memref<3152xf32, #tpu.memory_space<vmem_shared>>
      %dma_start3A_97 = tpu.memref_slice %arg8[%mul3A_11] : memref<50432xf32, #tpu.memory_space<vmem_shared>> -> memref<3152xf32, #tpu.memory_space<vmem_shared>>
      tpu.enqueue_dma source(%arg7 : memref<3152xf32, #tpu.memory_space<vmem>>) target(%dma_start3A_97 : memref<3152xf32, #tpu.memory_space<vmem_shared>>) target_semaphore(%run_scoped3A : memref<!tpu.dma_semaphore, #tpu.memory_space<semaphore_mem>>)
      %dma_wait3A_98 = tpu.memref_slice %arg8[%mul3A_11] : memref<50432xf32, #tpu.memory_space<vmem_shared>> -> memref<3152xf32, #tpu.memory_space<vmem_shared>>
      %dma_wait3A_99 = tpu.memref_slice %arg8[%mul3A_11] : memref<50432xf32, #tpu.memory_space<vmem_shared>> -> memref<3152xf32, #tpu.memory_space<vmem_shared>>
      tpu.wait_dma2 semaphore(%run_scoped3A : memref<!tpu.dma_semaphore, #tpu.memory_space<semaphore_mem>>) src(%arg7 : memref<3152xf32, #tpu.memory_space<vmem>>) dst(%dma_wait3A_99 : memref<3152xf32, #tpu.memory_space<vmem_shared>>)
      tpu.yield
    }) : () -> ()
    %barrier3A = arith.constant 0 : index
    tpu.barrier barrier_id(%barrier3A)
    %mul3A_12 = arith.constant 2 : i32
    %mul3A_13 = arith.muli %arg1, %mul3A_12 : i32
    %add3A = arith.addi %mul3A_13, %arg0 : i32
    %mul3A_14 = arith.constant 196 : i32
    %mul3A_15 = arith.muli %add3A, %mul3A_14 : i32
    %add3A_16 = arith.constant 0 : i32
    %add3A_17 = arith.addi %mul3A_15, %add3A_16 : i32
    %dma_start3A = arith.constant 0 : i32
    %dma_start3A_18 = arith.constant 0 : i32
    %dma_start3A_19 = arith.constant 0 : i32
    %dma_start3A_20 = arith.constant 0 : i32
    %dma_start3A_21 = arith.constant 0 : i32
    %dma_start3A_22 = tpu.memref_slice %arg6[%dma_start3A, %dma_start3A_19, %dma_start3A_20, %dma_start3A_21] : memref<2x2x2x128xi32, #tpu.memory_space<vmem>> -> memref<1x2x2x128xi32, #tpu.memory_space<vmem>>
    %dma_start3A_23 = tpu.memref_squeeze %dma_start3A_22 : memref<1x2x2x128xi32, #tpu.memory_space<vmem>> -> memref<2x2x128xi32, #tpu.memory_space<vmem>>
    %dma_start3A_24 = arith.constant 0 : i32
    %dma_start3A_25 = arith.constant 0 : i32
    %dma_start3A_26 = tpu.memref_slice %arg2[%add3A_17, %dma_start3A_24, %dma_start3A_25] : memref<6272x2x128xi32, #tpu.memory_space<hbm>> -> memref<2x2x128xi32, #tpu.memory_space<hbm>>
    %dma_start3A_27 = tpu.memref_slice %arg9[%dma_start3A_18] : memref<2x!tpu.dma_semaphore, #tpu.memory_space<semaphore_mem>> -> memref<1x!tpu.dma_semaphore, #tpu.memory_space<semaphore_mem>>
    %dma_start3A_28 = tpu.memref_squeeze %dma_start3A_27 : memref<1x!tpu.dma_semaphore, #tpu.memory_space<semaphore_mem>> -> memref<!tpu.dma_semaphore, #tpu.memory_space<semaphore_mem>>
    %dma_start3A_29 = arith.constant 0 : i32
    %dma_start3A_30 = arith.constant 0 : i32
    %dma_start3A_31 = arith.constant 0 : i32
    %dma_start3A_32 = tpu.memref_slice %arg6[%dma_start3A, %dma_start3A_29, %dma_start3A_30, %dma_start3A_31] : memref<2x2x2x128xi32, #tpu.memory_space<vmem>> -> memref<1x2x2x128xi32, #tpu.memory_space<vmem>>
    %dma_start3A_33 = tpu.memref_squeeze %dma_start3A_32 : memref<1x2x2x128xi32, #tpu.memory_space<vmem>> -> memref<2x2x128xi32, #tpu.memory_space<vmem>>
    %dma_start3A_34 = arith.constant 0 : i32
    %dma_start3A_35 = arith.constant 0 : i32
    %dma_start3A_36 = tpu.memref_slice %arg2[%add3A_17, %dma_start3A_34, %dma_start3A_35] : memref<6272x2x128xi32, #tpu.memory_space<hbm>> -> memref<2x2x128xi32, #tpu.memory_space<hbm>>
    tpu.enqueue_dma source(%dma_start3A_36 : memref<2x2x128xi32, #tpu.memory_space<hbm>>) target(%dma_start3A_33 : memref<2x2x128xi32, #tpu.memory_space<vmem>>) target_semaphore(%dma_start3A_28 : memref<!tpu.dma_semaphore, #tpu.memory_space<semaphore_mem>>)
    %add3A_37 = arith.constant 2 : i32
    %add3A_38 = arith.addi %mul3A_15, %add3A_37 : i32
    %dma_start3A_39 = arith.constant 1 : i32
    %dma_start3A_40 = arith.constant 1 : i32
    %dma_start3A_41 = arith.constant 0 : i32
    %dma_start3A_42 = arith.constant 0 : i32
    %dma_start3A_43 = arith.constant 0 : i32
    %dma_start3A_44 = tpu.memref_slice %arg6[%dma_start3A_39, %dma_start3A_41, %dma_start3A_42, %dma_start3A_43] : memref<2x2x2x128xi32, #tpu.memory_space<vmem>> -> memref<1x2x2x128xi32, #tpu.memory_space<vmem>>
    %dma_start3A_45 = tpu.memref_squeeze %dma_start3A_44 : memref<1x2x2x128xi32, #tpu.memory_space<vmem>> -> memref<2x2x128xi32, #tpu.memory_space<vmem>>
    %dma_start3A_46 = arith.constant 0 : i32
    %dma_start3A_47 = arith.constant 0 : i32
    %dma_start3A_48 = tpu.memref_slice %arg2[%add3A_38, %dma_start3A_46, %dma_start3A_47] : memref<6272x2x128xi32, #tpu.memory_space<hbm>> -> memref<2x2x128xi32, #tpu.memory_space<hbm>>
    %dma_start3A_49 = tpu.memref_slice %arg9[%dma_start3A_40] : memref<2x!tpu.dma_semaphore, #tpu.memory_space<semaphore_mem>> -> memref<1x!tpu.dma_semaphore, #tpu.memory_space<semaphore_mem>>
    %dma_start3A_50 = tpu.memref_squeeze %dma_start3A_49 : memref<1x!tpu.dma_semaphore, #tpu.memory_space<semaphore_mem>> -> memref<!tpu.dma_semaphore, #tpu.memory_space<semaphore_mem>>
    %dma_start3A_51 = arith.constant 0 : i32
    %dma_start3A_52 = arith.constant 0 : i32
    %dma_start3A_53 = arith.constant 0 : i32
    %dma_start3A_54 = tpu.memref_slice %arg6[%dma_start3A_39, %dma_start3A_51, %dma_start3A_52, %dma_start3A_53] : memref<2x2x2x128xi32, #tpu.memory_space<vmem>> -> memref<1x2x2x128xi32, #tpu.memory_space<vmem>>
    %dma_start3A_55 = tpu.memref_squeeze %dma_start3A_54 : memref<1x2x2x128xi32, #tpu.memory_space<vmem>> -> memref<2x2x128xi32, #tpu.memory_space<vmem>>
    %dma_start3A_56 = arith.constant 0 : i32
    %dma_start3A_57 = arith.constant 0 : i32
    %dma_start3A_58 = tpu.memref_slice %arg2[%add3A_38, %dma_start3A_56, %dma_start3A_57] : memref<6272x2x128xi32, #tpu.memory_space<hbm>> -> memref<2x2x128xi32, #tpu.memory_space<hbm>>
    tpu.enqueue_dma source(%dma_start3A_58 : memref<2x2x128xi32, #tpu.memory_space<hbm>>) target(%dma_start3A_55 : memref<2x2x128xi32, #tpu.memory_space<vmem>>) target_semaphore(%dma_start3A_50 : memref<!tpu.dma_semaphore, #tpu.memory_space<semaphore_mem>>)
    %dma_wait3A = arith.constant 0 : i32
    %dma_wait3A_59 = arith.constant 0 : i32
    %dma_wait3A_60 = arith.constant 0 : i32
    %dma_wait3A_61 = arith.constant 0 : i32
    %dma_wait3A_62 = arith.constant 0 : i32
    %dma_wait3A_63 = tpu.memref_slice %arg6[%dma_wait3A, %dma_wait3A_60, %dma_wait3A_61, %dma_wait3A_62] : memref<2x2x2x128xi32, #tpu.memory_space<vmem>> -> memref<1x2x2x128xi32, #tpu.memory_space<vmem>>
    %dma_wait3A_64 = tpu.memref_squeeze %dma_wait3A_63 : memref<1x2x2x128xi32, #tpu.memory_space<vmem>> -> memref<2x2x128xi32, #tpu.memory_space<vmem>>
    %dma_wait3A_65 = arith.constant 0 : i32
    %dma_wait3A_66 = arith.constant 0 : i32
    %dma_wait3A_67 = arith.constant 0 : i32
    %dma_wait3A_68 = tpu.memref_slice %arg2[%dma_wait3A_65, %dma_wait3A_66, %dma_wait3A_67] : memref<6272x2x128xi32, #tpu.memory_space<hbm>> -> memref<2x2x128xi32, #tpu.memory_space<hbm>>
    %dma_wait3A_69 = tpu.memref_slice %arg9[%dma_wait3A_59] : memref<2x!tpu.dma_semaphore, #tpu.memory_space<semaphore_mem>> -> memref<1x!tpu.dma_semaphore, #tpu.memory_space<semaphore_mem>>
    %dma_wait3A_70 = tpu.memref_squeeze %dma_wait3A_69 : memref<1x!tpu.dma_semaphore, #tpu.memory_space<semaphore_mem>> -> memref<!tpu.dma_semaphore, #tpu.memory_space<semaphore_mem>>
    %dma_wait3A_71 = arith.constant 0 : i32
    %dma_wait3A_72 = arith.constant 0 : i32
    %dma_wait3A_73 = arith.constant 0 : i32
    %dma_wait3A_74 = tpu.memref_slice %arg6[%dma_wait3A, %dma_wait3A_71, %dma_wait3A_72, %dma_wait3A_73] : memref<2x2x2x128xi32, #tpu.memory_space<vmem>> -> memref<1x2x2x128xi32, #tpu.memory_space<vmem>>
    %dma_wait3A_75 = tpu.memref_squeeze %dma_wait3A_74 : memref<1x2x2x128xi32, #tpu.memory_space<vmem>> -> memref<2x2x128xi32, #tpu.memory_space<vmem>>
    %dma_wait3A_76 = arith.constant 0 : i32
    %dma_wait3A_77 = arith.constant 0 : i32
    %dma_wait3A_78 = arith.constant 0 : i32
    %dma_wait3A_79 = tpu.memref_slice %arg2[%dma_wait3A_76, %dma_wait3A_77, %dma_wait3A_78] : memref<6272x2x128xi32, #tpu.memory_space<hbm>> -> memref<2x2x128xi32, #tpu.memory_space<hbm>>
    tpu.wait_dma2 semaphore(%dma_wait3A_70 : memref<!tpu.dma_semaphore, #tpu.memory_space<semaphore_mem>>) src(%dma_wait3A_79 : memref<2x2x128xi32, #tpu.memory_space<hbm>>) dst(%dma_wait3A_75 : memref<2x2x128xi32, #tpu.memory_space<vmem>>)
    %scan3A_80 = arith.constant 0 : i32
    %scan3A_81 = arith.constant 0 : i32
    %scan3A_82 = arith.constant 98 : i32
    %scan3A_83 = arith.addi %scan3A_81, %scan3A_82 : i32
    %scan3A_84 = arith.constant 1 : i32
    scf.for %scan3A_96 = %scan3A_81 to %scan3A_83 step %scan3A_84  : i32 {
      %rem3A = arith.constant 2 : i32
      %rem3A_97 = arith.remsi %scan3A_96, %rem3A : i32
      %add3A_98 = arith.constant 1 : i32
      %add3A_99 = arith.addi %scan3A_96, %add3A_98 : i32
      %rem3A_100 = arith.constant 2 : i32
      %rem3A_101 = arith.remsi %add3A_99, %rem3A_100 : i32
      %run_scoped3A = arith.constant 0 : i32
      %run_scoped3A_102 = arith.constant 1 : i32
      "tpu.region"() ({
        %run_scoped3A_118 = tpu.sem_alloc : memref<!tpu.dma_semaphore, #tpu.memory_space<semaphore_mem>>
        %dma_start3A_119 = arith.constant 0 : i32
        %dma_start3A_120 = tpu.memref_slice %arg6[%rem3A_97, %run_scoped3A, %run_scoped3A_102, %dma_start3A_119] : memref<2x2x2x128xi32, #tpu.memory_space<vmem>> -> memref<1x1x1x128xi32, #tpu.memory_space<vmem>>
        %dma_start3A_121 = tpu.memref_squeeze %dma_start3A_120 : memref<1x1x1x128xi32, #tpu.memory_space<vmem>> -> memref<128xi32, #tpu.memory_space<vmem>>
        %dma_start3A_122 = arith.constant 0 : i32
        %dma_start3A_123 = tpu.memref_slice %arg8[%dma_start3A_122] : memref<50432xf32, #tpu.memory_space<vmem_shared>> -> memref<50432xf32, #tpu.memory_space<vmem_shared>>
        tpu.enqueue_indirect_dma source(%arg5 : memref<128xf32, #tpu.memory_space<vmem>>) target(%dma_start3A_123 : memref<50432xf32, #tpu.memory_space<vmem_shared>>) offsets(%dma_start3A_121 : memref<128xi32, #tpu.memory_space<vmem>>) semaphore(%run_scoped3A_118 : memref<!tpu.dma_semaphore, #tpu.memory_space<semaphore_mem>>) {add = true}
        %dma_wait3A_124 = arith.constant 0 : i32
        %dma_wait3A_125 = tpu.memref_slice %arg6[%rem3A_97, %run_scoped3A, %run_scoped3A_102, %dma_wait3A_124] : memref<2x2x2x128xi32, #tpu.memory_space<vmem>> -> memref<1x1x1x128xi32, #tpu.memory_space<vmem>>
        %dma_wait3A_126 = tpu.memref_squeeze %dma_wait3A_125 : memref<1x1x1x128xi32, #tpu.memory_space<vmem>> -> memref<128xi32, #tpu.memory_space<vmem>>
        %dma_wait3A_127 = arith.constant 0 : i32
        %dma_wait3A_128 = tpu.memref_slice %arg8[%dma_wait3A_127] : memref<50432xf32, #tpu.memory_space<vmem_shared>> -> memref<50432xf32, #tpu.memory_space<vmem_shared>>
        tpu.wait_indirect_dma semaphore(%run_scoped3A_118 : memref<!tpu.dma_semaphore, #tpu.memory_space<semaphore_mem>>) src(%arg5 : memref<128xf32, #tpu.memory_space<vmem>>) dst(%dma_wait3A_128 : memref<50432xf32, #tpu.memory_space<vmem_shared>>)
        tpu.yield
      }) : () -> ()
      %run_scoped3A_103 = arith.constant 1 : i32
      %run_scoped3A_104 = arith.constant 1 : i32
      "tpu.region"() ({
        %run_scoped3A_118 = tpu.sem_alloc : memref<!tpu.dma_semaphore, #tpu.memory_space<semaphore_mem>>
        %dma_start3A_119 = arith.constant 0 : i32
        %dma_start3A_120 = tpu.memref_slice %arg6[%rem3A_97, %run_scoped3A_103, %run_scoped3A_104, %dma_start3A_119] : memref<2x2x2x128xi32, #tpu.memory_space<vmem>> -> memref<1x1x1x128xi32, #tpu.memory_space<vmem>>
        %dma_start3A_121 = tpu.memref_squeeze %dma_start3A_120 : memref<1x1x1x128xi32, #tpu.memory_space<vmem>> -> memref<128xi32, #tpu.memory_space<vmem>>
        %dma_start3A_122 = arith.constant 0 : i32
        %dma_start3A_123 = tpu.memref_slice %arg8[%dma_start3A_122] : memref<50432xf32, #tpu.memory_space<vmem_shared>> -> memref<50432xf32, #tpu.memory_space<vmem_shared>>
        tpu.enqueue_indirect_dma source(%arg5 : memref<128xf32, #tpu.memory_space<vmem>>) target(%dma_start3A_123 : memref<50432xf32, #tpu.memory_space<vmem_shared>>) offsets(%dma_start3A_121 : memref<128xi32, #tpu.memory_space<vmem>>) semaphore(%run_scoped3A_118 : memref<!tpu.dma_semaphore, #tpu.memory_space<semaphore_mem>>) {add = true}
        %dma_wait3A_124 = arith.constant 0 : i32
        %dma_wait3A_125 = tpu.memref_slice %arg6[%rem3A_97, %run_scoped3A_103, %run_scoped3A_104, %dma_wait3A_124] : memref<2x2x2x128xi32, #tpu.memory_space<vmem>> -> memref<1x1x1x128xi32, #tpu.memory_space<vmem>>
        %dma_wait3A_126 = tpu.memref_squeeze %dma_wait3A_125 : memref<1x1x1x128xi32, #tpu.memory_space<vmem>> -> memref<128xi32, #tpu.memory_space<vmem>>
        %dma_wait3A_127 = arith.constant 0 : i32
        %dma_wait3A_128 = tpu.memref_slice %arg8[%dma_wait3A_127] : memref<50432xf32, #tpu.memory_space<vmem_shared>> -> memref<50432xf32, #tpu.memory_space<vmem_shared>>
        tpu.wait_indirect_dma semaphore(%run_scoped3A_118 : memref<!tpu.dma_semaphore, #tpu.memory_space<semaphore_mem>>) src(%arg5 : memref<128xf32, #tpu.memory_space<vmem>>) dst(%dma_wait3A_128 : memref<50432xf32, #tpu.memory_space<vmem_shared>>)
        tpu.yield
      }) : () -> ()
      %add3A_105 = arith.constant 2 : i32
      %add3A_106 = arith.addi %scan3A_96, %add3A_105 : i32
      %lt3A = arith.constant 98 : i32
      %lt3A_107 = arith.cmpi slt, %add3A_106, %lt3A : i32
      %convert_element_type3A_108 = arith.extui %lt3A_107 : i1 to i32
      %cond3A_109 = arith.constant 0 : i32
      %cond3A_110 = arith.cmpi ne, %convert_element_type3A_108, %cond3A_109 : i32
      scf.if %cond3A_110 {
        %add3A_118 = arith.constant 2 : i32
        %add3A_119 = arith.addi %scan3A_96, %add3A_118 : i32
        %mul3A_120 = arith.constant 2 : i32
        %mul3A_121 = arith.muli %add3A_119, %mul3A_120 : i32
        %add3A_122 = arith.addi %mul3A_15, %mul3A_121 : i32
        %dma_start3A_123 = arith.constant 0 : i32
        %dma_start3A_124 = arith.constant 0 : i32
        %dma_start3A_125 = arith.constant 0 : i32
        %dma_start3A_126 = tpu.memref_slice %arg6[%rem3A_97, %dma_start3A_123, %dma_start3A_124, %dma_start3A_125] : memref<2x2x2x128xi32, #tpu.memory_space<vmem>> -> memref<1x2x2x128xi32, #tpu.memory_space<vmem>>
        %dma_start3A_127 = tpu.memref_squeeze %dma_start3A_126 : memref<1x2x2x128xi32, #tpu.memory_space<vmem>> -> memref<2x2x128xi32, #tpu.memory_space<vmem>>
        %dma_start3A_128 = arith.constant 0 : i32
        %dma_start3A_129 = arith.constant 0 : i32
        %dma_start3A_130 = tpu.memref_slice %arg2[%add3A_122, %dma_start3A_128, %dma_start3A_129] : memref<6272x2x128xi32, #tpu.memory_space<hbm>> -> memref<2x2x128xi32, #tpu.memory_space<hbm>>
        %dma_start3A_131 = tpu.memref_slice %arg9[%rem3A_97] : memref<2x!tpu.dma_semaphore, #tpu.memory_space<semaphore_mem>> -> memref<1x!tpu.dma_semaphore, #tpu.memory_space<semaphore_mem>>
        %dma_start3A_132 = tpu.memref_squeeze %dma_start3A_131 : memref<1x!tpu.dma_semaphore, #tpu.memory_space<semaphore_mem>> -> memref<!tpu.dma_semaphore, #tpu.memory_space<semaphore_mem>>
        %dma_start3A_133 = arith.constant 0 : i32
        %dma_start3A_134 = arith.constant 0 : i32
        %dma_start3A_135 = arith.constant 0 : i32
        %dma_start3A_136 = tpu.memref_slice %arg6[%rem3A_97, %dma_start3A_133, %dma_start3A_134, %dma_start3A_135] : memref<2x2x2x128xi32, #tpu.memory_space<vmem>> -> memref<1x2x2x128xi32, #tpu.memory_space<vmem>>
        %dma_start3A_137 = tpu.memref_squeeze %dma_start3A_136 : memref<1x2x2x128xi32, #tpu.memory_space<vmem>> -> memref<2x2x128xi32, #tpu.memory_space<vmem>>
        %dma_start3A_138 = arith.constant 0 : i32
        %dma_start3A_139 = arith.constant 0 : i32
        %dma_start3A_140 = tpu.memref_slice %arg2[%add3A_122, %dma_start3A_138, %dma_start3A_139] : memref<6272x2x128xi32, #tpu.memory_space<hbm>> -> memref<2x2x128xi32, #tpu.memory_space<hbm>>
        tpu.enqueue_dma source(%dma_start3A_140 : memref<2x2x128xi32, #tpu.memory_space<hbm>>) target(%dma_start3A_137 : memref<2x2x128xi32, #tpu.memory_space<vmem>>) target_semaphore(%dma_start3A_132 : memref<!tpu.dma_semaphore, #tpu.memory_space<semaphore_mem>>)
      } else {
      }
      %add3A_111 = arith.constant 1 : i32
      %add3A_112 = arith.addi %scan3A_96, %add3A_111 : i32
      %lt3A_113 = arith.constant 98 : i32
      %lt3A_114 = arith.cmpi slt, %add3A_112, %lt3A_113 : i32
      %convert_element_type3A_115 = arith.extui %lt3A_114 : i1 to i32
      %cond3A_116 = arith.constant 0 : i32
      %cond3A_117 = arith.cmpi ne, %convert_element_type3A_115, %cond3A_116 : i32
      scf.if %cond3A_117 {
        %dma_wait3A_118 = arith.constant 0 : i32
        %dma_wait3A_119 = arith.constant 0 : i32
        %dma_wait3A_120 = arith.constant 0 : i32
        %dma_wait3A_121 = tpu.memref_slice %arg6[%rem3A_101, %dma_wait3A_118, %dma_wait3A_119, %dma_wait3A_120] : memref<2x2x2x128xi32, #tpu.memory_space<vmem>> -> memref<1x2x2x128xi32, #tpu.memory_space<vmem>>
        %dma_wait3A_122 = tpu.memref_squeeze %dma_wait3A_121 : memref<1x2x2x128xi32, #tpu.memory_space<vmem>> -> memref<2x2x128xi32, #tpu.memory_space<vmem>>
        %dma_wait3A_123 = arith.constant 0 : i32
        %dma_wait3A_124 = arith.constant 0 : i32
        %dma_wait3A_125 = arith.constant 0 : i32
        %dma_wait3A_126 = tpu.memref_slice %arg2[%dma_wait3A_123, %dma_wait3A_124, %dma_wait3A_125] : memref<6272x2x128xi32, #tpu.memory_space<hbm>> -> memref<2x2x128xi32, #tpu.memory_space<hbm>>
        %dma_wait3A_127 = tpu.memref_slice %arg9[%rem3A_101] : memref<2x!tpu.dma_semaphore, #tpu.memory_space<semaphore_mem>> -> memref<1x!tpu.dma_semaphore, #tpu.memory_space<semaphore_mem>>
        %dma_wait3A_128 = tpu.memref_squeeze %dma_wait3A_127 : memref<1x!tpu.dma_semaphore, #tpu.memory_space<semaphore_mem>> -> memref<!tpu.dma_semaphore, #tpu.memory_space<semaphore_mem>>
        %dma_wait3A_129 = arith.constant 0 : i32
        %dma_wait3A_130 = arith.constant 0 : i32
        %dma_wait3A_131 = arith.constant 0 : i32
        %dma_wait3A_132 = tpu.memref_slice %arg6[%rem3A_101, %dma_wait3A_129, %dma_wait3A_130, %dma_wait3A_131] : memref<2x2x2x128xi32, #tpu.memory_space<vmem>> -> memref<1x2x2x128xi32, #tpu.memory_space<vmem>>
        %dma_wait3A_133 = tpu.memref_squeeze %dma_wait3A_132 : memref<1x2x2x128xi32, #tpu.memory_space<vmem>> -> memref<2x2x128xi32, #tpu.memory_space<vmem>>
        %dma_wait3A_134 = arith.constant 0 : i32
        %dma_wait3A_135 = arith.constant 0 : i32
        %dma_wait3A_136 = arith.constant 0 : i32
        %dma_wait3A_137 = tpu.memref_slice %arg2[%dma_wait3A_134, %dma_wait3A_135, %dma_wait3A_136] : memref<6272x2x128xi32, #tpu.memory_space<hbm>> -> memref<2x2x128xi32, #tpu.memory_space<hbm>>
        tpu.wait_dma2 semaphore(%dma_wait3A_128 : memref<!tpu.dma_semaphore, #tpu.memory_space<semaphore_mem>>) src(%dma_wait3A_137 : memref<2x2x128xi32, #tpu.memory_space<hbm>>) dst(%dma_wait3A_133 : memref<2x2x128xi32, #tpu.memory_space<vmem>>)
      } else {
      }
    }
    %scan3A_85 = arith.constant 98 : i32
    %barrier3A_86 = arith.constant 0 : index
    tpu.barrier barrier_id(%barrier3A_86)
    %mul3A_87 = arith.constant 3152 : i32
    %mul3A_88 = arith.muli %arg1, %mul3A_87 : i32
    "tpu.region"() ({
      %run_scoped3A = tpu.sem_alloc : memref<!tpu.dma_semaphore, #tpu.memory_space<semaphore_mem>>
      %dma_start3A_96 = tpu.memref_slice %arg8[%mul3A_88] : memref<50432xf32, #tpu.memory_space<vmem_shared>> -> memref<3152xf32, #tpu.memory_space<vmem_shared>>
      %dma_start3A_97 = tpu.memref_slice %arg8[%mul3A_88] : memref<50432xf32, #tpu.memory_space<vmem_shared>> -> memref<3152xf32, #tpu.memory_space<vmem_shared>>
      tpu.enqueue_dma source(%dma_start3A_97 : memref<3152xf32, #tpu.memory_space<vmem_shared>>) target(%arg7 : memref<3152xf32, #tpu.memory_space<vmem>>) target_semaphore(%run_scoped3A : memref<!tpu.dma_semaphore, #tpu.memory_space<semaphore_mem>>)
      %dma_wait3A_98 = tpu.memref_slice %arg8[%mul3A_88] : memref<50432xf32, #tpu.memory_space<vmem_shared>> -> memref<3152xf32, #tpu.memory_space<vmem_shared>>
      %dma_wait3A_99 = tpu.memref_slice %arg8[%mul3A_88] : memref<50432xf32, #tpu.memory_space<vmem_shared>> -> memref<3152xf32, #tpu.memory_space<vmem_shared>>
      tpu.wait_dma2 semaphore(%run_scoped3A : memref<!tpu.dma_semaphore, #tpu.memory_space<semaphore_mem>>) src(%dma_wait3A_99 : memref<3152xf32, #tpu.memory_space<vmem_shared>>) dst(%arg7 : memref<3152xf32, #tpu.memory_space<vmem>>)
      tpu.yield
    }) : () -> ()
    %eq3A = arith.constant 0 : i32
    %eq3A_89 = arith.cmpi eq, %arg0, %eq3A : i32
    %convert_element_type3A = arith.extui %eq3A_89 : i1 to i32
    %cond3A = arith.constant 0 : i32
    %cond3A_90 = arith.cmpi ne, %convert_element_type3A, %cond3A : i32
    scf.if %cond3A_90 {
      %mul3A_96 = arith.constant 3152 : i32
      %mul3A_97 = arith.muli %arg1, %mul3A_96 : i32
      "tpu.region"() ({
        %run_scoped3A = tpu.sem_alloc : memref<!tpu.dma_semaphore, #tpu.memory_space<semaphore_mem>>
        %dma_start3A_98 = tpu.memref_slice %arg3[%mul3A_97] : memref<50432xf32, #tpu.memory_space<hbm>> -> memref<3152xf32, #tpu.memory_space<hbm>>
        %dma_start3A_99 = tpu.memref_slice %arg3[%mul3A_97] : memref<50432xf32, #tpu.memory_space<hbm>> -> memref<3152xf32, #tpu.memory_space<hbm>>
        tpu.enqueue_dma source(%arg7 : memref<3152xf32, #tpu.memory_space<vmem>>) target(%dma_start3A_99 : memref<3152xf32, #tpu.memory_space<hbm>>) target_semaphore(%run_scoped3A : memref<!tpu.dma_semaphore, #tpu.memory_space<semaphore_mem>>)
        %dma_wait3A_100 = tpu.memref_slice %arg3[%mul3A_97] : memref<50432xf32, #tpu.memory_space<hbm>> -> memref<3152xf32, #tpu.memory_space<hbm>>
        %dma_wait3A_101 = tpu.memref_slice %arg3[%mul3A_97] : memref<50432xf32, #tpu.memory_space<hbm>> -> memref<3152xf32, #tpu.memory_space<hbm>>
        tpu.wait_dma2 semaphore(%run_scoped3A : memref<!tpu.dma_semaphore, #tpu.memory_space<semaphore_mem>>) src(%arg7 : memref<3152xf32, #tpu.memory_space<vmem>>) dst(%dma_wait3A_101 : memref<3152xf32, #tpu.memory_space<hbm>>)
        tpu.yield
      }) : () -> ()
    } else {
    }
    %eq3A_91 = arith.constant 1 : i32
    %eq3A_92 = arith.cmpi eq, %arg0, %eq3A_91 : i32
    %convert_element_type3A_93 = arith.extui %eq3A_92 : i1 to i32
    %cond3A_94 = arith.constant 0 : i32
    %cond3A_95 = arith.cmpi ne, %convert_element_type3A_93, %cond3A_94 : i32
    scf.if %cond3A_95 {
      %mul3A_96 = arith.constant 3152 : i32
      %mul3A_97 = arith.muli %arg1, %mul3A_96 : i32
      "tpu.region"() ({
        %run_scoped3A = tpu.sem_alloc : memref<!tpu.dma_semaphore, #tpu.memory_space<semaphore_mem>>
        %dma_start3A_98 = tpu.memref_slice %arg4[%mul3A_97] : memref<50432xf32, #tpu.memory_space<hbm>> -> memref<3152xf32, #tpu.memory_space<hbm>>
        %dma_start3A_99 = tpu.memref_slice %arg4[%mul3A_97] : memref<50432xf32, #tpu.memory_space<hbm>> -> memref<3152xf32, #tpu.memory_space<hbm>>
        tpu.enqueue_dma source(%arg7 : memref<3152xf32, #tpu.memory_space<vmem>>) target(%dma_start3A_99 : memref<3152xf32, #tpu.memory_space<hbm>>) target_semaphore(%run_scoped3A : memref<!tpu.dma_semaphore, #tpu.memory_space<semaphore_mem>>)
        %dma_wait3A_100 = tpu.memref_slice %arg4[%mul3A_97] : memref<50432xf32, #tpu.memory_space<hbm>> -> memref<3152xf32, #tpu.memory_space<hbm>>
        %dma_wait3A_101 = tpu.memref_slice %arg4[%mul3A_97] : memref<50432xf32, #tpu.memory_space<hbm>> -> memref<3152xf32, #tpu.memory_space<hbm>>
        tpu.wait_dma2 semaphore(%run_scoped3A : memref<!tpu.dma_semaphore, #tpu.memory_space<semaphore_mem>>) src(%arg7 : memref<3152xf32, #tpu.memory_space<vmem>>) dst(%dma_wait3A_101 : memref<3152xf32, #tpu.memory_space<hbm>>)
        tpu.yield
      }) : () -> ()
    } else {
    }
    return
  }
}

#map = affine_map<(d0, d1) -> (0, 0)>
#map1 = affine_map<(d0, d1) -> (0, 0, 0)>
module attributes {stable_mosaic.version = 14 : i64} {
  func.func @_conv_body(%arg0: i32, %arg1: i32, %arg2: memref<50016x32xf32, #tpu.memory_space<hbm>>, %arg3: memref<50016x32xf32, #tpu.memory_space<hbm>>, %arg4: memref<6272x2x128xi32, #tpu.memory_space<hbm>>, %arg5: memref<50432x32xf32, #tpu.memory_space<hbm>>, %arg6: memref<50432x32xf32, #tpu.memory_space<hbm>>, %arg7: memref<2x2x2x128xi32, #tpu.memory_space<vmem>>, %arg8: memref<2x2x128x32xf32, #tpu.memory_space<vmem>>, %arg9: memref<394x32xf32, #tpu.memory_space<vmem>>, %arg10: memref<50432x32xf32, #tpu.memory_space<vmem_shared>>, %arg11: memref<2x!tpu.dma_semaphore, #tpu.memory_space<semaphore_mem>>, %arg12: memref<2x!tpu.dma_semaphore, #tpu.memory_space<semaphore_mem>>, %arg13: memref<2x!tpu.dma_semaphore, #tpu.memory_space<semaphore_mem>>) attributes {dimension_semantics = [#tpu.dimension_semantics<core_parallel>, #tpu.dimension_semantics<subcore_parallel>], iteration_bounds = array<i64: 2, 16>, scalar_prefetch = 0 : i64, scratch_operands = 7 : i64, tpu.core_type = #tpu.core_type<sc_vector_subcore>, window_params = [{transform_indices = #map}, {transform_indices = #map}, {transform_indices = #map1}, {transform_indices = #map}, {transform_indices = #map}]} {
    %mul3A = arith.constant 2 : i32
    %mul3A_0 = arith.muli %arg1, %mul3A : i32
    %add3A = arith.addi %mul3A_0, %arg0 : i32
    %mul3A_1 = arith.constant 196 : i32
    %mul3A_2 = arith.muli %add3A, %mul3A_1 : i32
    %add3A_3 = arith.constant 0 : i32
    %add3A_4 = arith.addi %mul3A_2, %add3A_3 : i32
    %dma_start3A = arith.constant 0 : i32
    %dma_start3A_5 = arith.constant 0 : i32
    %dma_start3A_6 = arith.constant 0 : i32
    %dma_start3A_7 = arith.constant 0 : i32
    %dma_start3A_8 = arith.constant 0 : i32
    %dma_start3A_9 = tpu.memref_slice %arg7[%dma_start3A, %dma_start3A_6, %dma_start3A_7, %dma_start3A_8] : memref<2x2x2x128xi32, #tpu.memory_space<vmem>> -> memref<1x2x2x128xi32, #tpu.memory_space<vmem>>
    %dma_start3A_10 = tpu.memref_squeeze %dma_start3A_9 : memref<1x2x2x128xi32, #tpu.memory_space<vmem>> -> memref<2x2x128xi32, #tpu.memory_space<vmem>>
    %dma_start3A_11 = arith.constant 0 : i32
    %dma_start3A_12 = arith.constant 0 : i32
    %dma_start3A_13 = tpu.memref_slice %arg4[%add3A_4, %dma_start3A_11, %dma_start3A_12] : memref<6272x2x128xi32, #tpu.memory_space<hbm>> -> memref<2x2x128xi32, #tpu.memory_space<hbm>>
    %dma_start3A_14 = tpu.memref_slice %arg11[%dma_start3A_5] : memref<2x!tpu.dma_semaphore, #tpu.memory_space<semaphore_mem>> -> memref<1x!tpu.dma_semaphore, #tpu.memory_space<semaphore_mem>>
    %dma_start3A_15 = tpu.memref_squeeze %dma_start3A_14 : memref<1x!tpu.dma_semaphore, #tpu.memory_space<semaphore_mem>> -> memref<!tpu.dma_semaphore, #tpu.memory_space<semaphore_mem>>
    %dma_start3A_16 = arith.constant 0 : i32
    %dma_start3A_17 = arith.constant 0 : i32
    %dma_start3A_18 = arith.constant 0 : i32
    %dma_start3A_19 = tpu.memref_slice %arg7[%dma_start3A, %dma_start3A_16, %dma_start3A_17, %dma_start3A_18] : memref<2x2x2x128xi32, #tpu.memory_space<vmem>> -> memref<1x2x2x128xi32, #tpu.memory_space<vmem>>
    %dma_start3A_20 = tpu.memref_squeeze %dma_start3A_19 : memref<1x2x2x128xi32, #tpu.memory_space<vmem>> -> memref<2x2x128xi32, #tpu.memory_space<vmem>>
    %dma_start3A_21 = arith.constant 0 : i32
    %dma_start3A_22 = arith.constant 0 : i32
    %dma_start3A_23 = tpu.memref_slice %arg4[%add3A_4, %dma_start3A_21, %dma_start3A_22] : memref<6272x2x128xi32, #tpu.memory_space<hbm>> -> memref<2x2x128xi32, #tpu.memory_space<hbm>>
    tpu.enqueue_dma source(%dma_start3A_23 : memref<2x2x128xi32, #tpu.memory_space<hbm>>) target(%dma_start3A_20 : memref<2x2x128xi32, #tpu.memory_space<vmem>>) target_semaphore(%dma_start3A_15 : memref<!tpu.dma_semaphore, #tpu.memory_space<semaphore_mem>>)
    %add3A_24 = arith.constant 2 : i32
    %add3A_25 = arith.addi %mul3A_2, %add3A_24 : i32
    %dma_start3A_26 = arith.constant 1 : i32
    %dma_start3A_27 = arith.constant 1 : i32
    %dma_start3A_28 = arith.constant 0 : i32
    %dma_start3A_29 = arith.constant 0 : i32
    %dma_start3A_30 = arith.constant 0 : i32
    %dma_start3A_31 = tpu.memref_slice %arg7[%dma_start3A_26, %dma_start3A_28, %dma_start3A_29, %dma_start3A_30] : memref<2x2x2x128xi32, #tpu.memory_space<vmem>> -> memref<1x2x2x128xi32, #tpu.memory_space<vmem>>
    %dma_start3A_32 = tpu.memref_squeeze %dma_start3A_31 : memref<1x2x2x128xi32, #tpu.memory_space<vmem>> -> memref<2x2x128xi32, #tpu.memory_space<vmem>>
    %dma_start3A_33 = arith.constant 0 : i32
    %dma_start3A_34 = arith.constant 0 : i32
    %dma_start3A_35 = tpu.memref_slice %arg4[%add3A_25, %dma_start3A_33, %dma_start3A_34] : memref<6272x2x128xi32, #tpu.memory_space<hbm>> -> memref<2x2x128xi32, #tpu.memory_space<hbm>>
    %dma_start3A_36 = tpu.memref_slice %arg11[%dma_start3A_27] : memref<2x!tpu.dma_semaphore, #tpu.memory_space<semaphore_mem>> -> memref<1x!tpu.dma_semaphore, #tpu.memory_space<semaphore_mem>>
    %dma_start3A_37 = tpu.memref_squeeze %dma_start3A_36 : memref<1x!tpu.dma_semaphore, #tpu.memory_space<semaphore_mem>> -> memref<!tpu.dma_semaphore, #tpu.memory_space<semaphore_mem>>
    %dma_start3A_38 = arith.constant 0 : i32
    %dma_start3A_39 = arith.constant 0 : i32
    %dma_start3A_40 = arith.constant 0 : i32
    %dma_start3A_41 = tpu.memref_slice %arg7[%dma_start3A_26, %dma_start3A_38, %dma_start3A_39, %dma_start3A_40] : memref<2x2x2x128xi32, #tpu.memory_space<vmem>> -> memref<1x2x2x128xi32, #tpu.memory_space<vmem>>
    %dma_start3A_42 = tpu.memref_squeeze %dma_start3A_41 : memref<1x2x2x128xi32, #tpu.memory_space<vmem>> -> memref<2x2x128xi32, #tpu.memory_space<vmem>>
    %dma_start3A_43 = arith.constant 0 : i32
    %dma_start3A_44 = arith.constant 0 : i32
    %dma_start3A_45 = tpu.memref_slice %arg4[%add3A_25, %dma_start3A_43, %dma_start3A_44] : memref<6272x2x128xi32, #tpu.memory_space<hbm>> -> memref<2x2x128xi32, #tpu.memory_space<hbm>>
    tpu.enqueue_dma source(%dma_start3A_45 : memref<2x2x128xi32, #tpu.memory_space<hbm>>) target(%dma_start3A_42 : memref<2x2x128xi32, #tpu.memory_space<vmem>>) target_semaphore(%dma_start3A_37 : memref<!tpu.dma_semaphore, #tpu.memory_space<semaphore_mem>>)
    %scan3A = arith.constant 0 : i32
    %scan3A_46 = arith.constant 0 : i32
    %scan3A_47 = arith.constant 788 : i32
    %scan3A_48 = arith.addi %scan3A_46, %scan3A_47 : i32
    %scan3A_49 = arith.constant 1 : i32
    scf.for %scan3A_184 = %scan3A_46 to %scan3A_48 step %scan3A_49  : i32 {
      %jit3A = arith.constant 2 : i32
      %div3A = arith.divsi %scan3A_184, %jit3A : i32
      %sign3A = arith.constant 0 : i32
      %sign3A_185 = arith.cmpi sgt, %scan3A_184, %sign3A : i32
      %sign3A_186 = arith.extui %sign3A_185 : i1 to i32
      %sign3A_187 = arith.constant 0 : i32
      %sign3A_188 = arith.cmpi slt, %scan3A_184, %sign3A_187 : i32
      %sign3A_189 = arith.extui %sign3A_188 : i1 to i32
      %sign3A_190 = arith.subi %sign3A_186, %sign3A_189 : i32
      %sign3A_191 = arith.constant 0 : i32
      %sign3A_192 = arith.cmpi sgt, %jit3A, %sign3A_191 : i32
      %sign3A_193 = arith.extui %sign3A_192 : i1 to i32
      %sign3A_194 = arith.constant 0 : i32
      %sign3A_195 = arith.cmpi slt, %jit3A, %sign3A_194 : i32
      %sign3A_196 = arith.extui %sign3A_195 : i1 to i32
      %sign3A_197 = arith.subi %sign3A_193, %sign3A_196 : i32
      %ne3A = arith.cmpi ne, %sign3A_190, %sign3A_197 : i32
      %rem3A = arith.remsi %scan3A_184, %jit3A : i32
      %ne3A_198 = arith.constant 0 : i32
      %ne3A_199 = arith.cmpi ne, %rem3A, %ne3A_198 : i32
      %and3A = arith.andi %ne3A, %ne3A_199 : i1
      %sub3A = arith.constant 1 : i32
      %sub3A_200 = arith.subi %div3A, %sub3A : i32
      %select_n3A = arith.select %and3A, %sub3A_200, %div3A : i32
      %broadcast_in_dim3A = arith.constant 0.000000e+00 : f32
      %broadcast_in_dim3A_201 = vector.broadcast %broadcast_in_dim3A : f32 to vector<16xf32>
      %jit3A_202 = arith.constant 2 : i32
      %eq3A_203 = arith.constant 0 : i32
      %eq3A_204 = arith.cmpi eq, %jit3A_202, %eq3A_203 : i32
      %jit3A_205 = arith.constant 1 : i32
      %select_n3A_206 = arith.select %eq3A_204, %jit3A_205, %jit3A_202 : i32
      %rem3A_207 = arith.remsi %scan3A_184, %select_n3A_206 : i32
      %ne3A_208 = arith.constant 0 : i32
      %ne3A_209 = arith.cmpi ne, %rem3A_207, %ne3A_208 : i32
      %lt3A = arith.constant 0 : i32
      %lt3A_210 = arith.cmpi slt, %rem3A_207, %lt3A : i32
      %lt3A_211 = arith.constant 0 : i32
      %lt3A_212 = arith.cmpi slt, %select_n3A_206, %lt3A_211 : i32
      %ne3A_213 = arith.xori %lt3A_210, %lt3A_212 : i1
      %and3A_214 = arith.andi %ne3A_213, %ne3A_209 : i1
      %add3A_215 = arith.addi %rem3A_207, %select_n3A_206 : i32
      %select_n3A_216 = arith.select %and3A_214, %add3A_215, %rem3A_207 : i32
      %mul3A_217 = arith.constant 16 : i32
      %mul3A_218 = arith.muli %select_n3A_216, %mul3A_217 : i32
      %swap3A = arith.index_cast %select_n3A : i32 to index
      %swap3A_219 = arith.index_cast %mul3A_218 : i32 to index
      %swap3A_220 = tpu.vector_load %arg9[%swap3A, %swap3A_219] {strides = array<i32>} : memref<394x32xf32, #tpu.memory_space<vmem>>, vector<1x16xf32>,
      %swap3A_221 = vector.shape_cast %swap3A_220 : vector<1x16xf32> to vector<16xf32>
      %swap3A_222 = vector.shape_cast %broadcast_in_dim3A_201 : vector<16xf32> to vector<1x16xf32>
      tpu.vector_store %arg9[%swap3A, %swap3A_219], %swap3A_222 {strides = array<i32>} : memref<394x32xf32, #tpu.memory_space<vmem>>, vector<1x16xf32>,
    }
    %scan3A_50 = arith.constant 788 : i32
    %scan3A_51 = arith.constant 0 : i32
    %scan3A_52 = arith.constant 0 : i32
    %scan3A_53 = arith.constant 8 : i32
    %scan3A_54 = arith.addi %scan3A_52, %scan3A_53 : i32
    %scan3A_55 = arith.constant 1 : i32
    scf.for %scan3A_184 = %scan3A_52 to %scan3A_54 step %scan3A_55  : i32 {
      %mul3A_185 = arith.constant 3152 : i32
      %mul3A_186 = arith.muli %arg1, %mul3A_185 : i32
      %mul3A_187 = arith.constant 394 : i32
      %mul3A_188 = arith.muli %scan3A_184, %mul3A_187 : i32
      %add3A_189 = arith.addi %mul3A_186, %mul3A_188 : i32
      "tpu.region"() ({
        %run_scoped3A = tpu.sem_alloc : memref<!tpu.dma_semaphore, #tpu.memory_space<semaphore_mem>>
        %dma_start3A_190 = arith.constant 0 : i32
        %dma_start3A_191 = tpu.memref_slice %arg10[%add3A_189, %dma_start3A_190] : memref<50432x32xf32, #tpu.memory_space<vmem_shared>> -> memref<394x32xf32, #tpu.memory_space<vmem_shared>>
        %dma_start3A_192 = arith.constant 0 : i32
        %dma_start3A_193 = tpu.memref_slice %arg10[%add3A_189, %dma_start3A_192] : memref<50432x32xf32, #tpu.memory_space<vmem_shared>> -> memref<394x32xf32, #tpu.memory_space<vmem_shared>>
        tpu.enqueue_dma source(%arg9 : memref<394x32xf32, #tpu.memory_space<vmem>>) target(%dma_start3A_193 : memref<394x32xf32, #tpu.memory_space<vmem_shared>>) target_semaphore(%run_scoped3A : memref<!tpu.dma_semaphore, #tpu.memory_space<semaphore_mem>>)
        %dma_wait3A_194 = arith.constant 0 : i32
        %dma_wait3A_195 = tpu.memref_slice %arg10[%add3A_189, %dma_wait3A_194] : memref<50432x32xf32, #tpu.memory_space<vmem_shared>> -> memref<394x32xf32, #tpu.memory_space<vmem_shared>>
        %dma_wait3A_196 = arith.constant 0 : i32
        %dma_wait3A_197 = tpu.memref_slice %arg10[%add3A_189, %dma_wait3A_196] : memref<50432x32xf32, #tpu.memory_space<vmem_shared>> -> memref<394x32xf32, #tpu.memory_space<vmem_shared>>
        tpu.wait_dma2 semaphore(%run_scoped3A : memref<!tpu.dma_semaphore, #tpu.memory_space<semaphore_mem>>) src(%arg9 : memref<394x32xf32, #tpu.memory_space<vmem>>) dst(%dma_wait3A_197 : memref<394x32xf32, #tpu.memory_space<vmem_shared>>)
        tpu.yield
      }) : () -> ()
    }
    %scan3A_56 = arith.constant 8 : i32
    %dma_wait3A = arith.constant 0 : i32
    %dma_wait3A_57 = arith.constant 0 : i32
    %dma_wait3A_58 = arith.constant 0 : i32
    %dma_wait3A_59 = arith.constant 0 : i32
    %dma_wait3A_60 = arith.constant 0 : i32
    %dma_wait3A_61 = tpu.memref_slice %arg7[%dma_wait3A, %dma_wait3A_58, %dma_wait3A_59, %dma_wait3A_60] : memref<2x2x2x128xi32, #tpu.memory_space<vmem>> -> memref<1x2x2x128xi32, #tpu.memory_space<vmem>>
    %dma_wait3A_62 = tpu.memref_squeeze %dma_wait3A_61 : memref<1x2x2x128xi32, #tpu.memory_space<vmem>> -> memref<2x2x128xi32, #tpu.memory_space<vmem>>
    %dma_wait3A_63 = arith.constant 0 : i32
    %dma_wait3A_64 = arith.constant 0 : i32
    %dma_wait3A_65 = arith.constant 0 : i32
    %dma_wait3A_66 = tpu.memref_slice %arg4[%dma_wait3A_63, %dma_wait3A_64, %dma_wait3A_65] : memref<6272x2x128xi32, #tpu.memory_space<hbm>> -> memref<2x2x128xi32, #tpu.memory_space<hbm>>
    %dma_wait3A_67 = tpu.memref_slice %arg11[%dma_wait3A_57] : memref<2x!tpu.dma_semaphore, #tpu.memory_space<semaphore_mem>> -> memref<1x!tpu.dma_semaphore, #tpu.memory_space<semaphore_mem>>
    %dma_wait3A_68 = tpu.memref_squeeze %dma_wait3A_67 : memref<1x!tpu.dma_semaphore, #tpu.memory_space<semaphore_mem>> -> memref<!tpu.dma_semaphore, #tpu.memory_space<semaphore_mem>>
    %dma_wait3A_69 = arith.constant 0 : i32
    %dma_wait3A_70 = arith.constant 0 : i32
    %dma_wait3A_71 = arith.constant 0 : i32
    %dma_wait3A_72 = tpu.memref_slice %arg7[%dma_wait3A, %dma_wait3A_69, %dma_wait3A_70, %dma_wait3A_71] : memref<2x2x2x128xi32, #tpu.memory_space<vmem>> -> memref<1x2x2x128xi32, #tpu.memory_space<vmem>>
    %dma_wait3A_73 = tpu.memref_squeeze %dma_wait3A_72 : memref<1x2x2x128xi32, #tpu.memory_space<vmem>> -> memref<2x2x128xi32, #tpu.memory_space<vmem>>
    %dma_wait3A_74 = arith.constant 0 : i32
    %dma_wait3A_75 = arith.constant 0 : i32
    %dma_wait3A_76 = arith.constant 0 : i32
    %dma_wait3A_77 = tpu.memref_slice %arg4[%dma_wait3A_74, %dma_wait3A_75, %dma_wait3A_76] : memref<6272x2x128xi32, #tpu.memory_space<hbm>> -> memref<2x2x128xi32, #tpu.memory_space<hbm>>
    tpu.wait_dma2 semaphore(%dma_wait3A_68 : memref<!tpu.dma_semaphore, #tpu.memory_space<semaphore_mem>>) src(%dma_wait3A_77 : memref<2x2x128xi32, #tpu.memory_space<hbm>>) dst(%dma_wait3A_73 : memref<2x2x128xi32, #tpu.memory_space<vmem>>)
    %eq3A = arith.constant 0 : i32
    %eq3A_78 = arith.cmpi eq, %arg0, %eq3A : i32
    %convert_element_type3A = arith.extui %eq3A_78 : i1 to i32
    %cond3A = arith.constant 0 : i32
    %cond3A_79 = arith.cmpi ne, %convert_element_type3A, %cond3A : i32
    scf.if %cond3A_79 {
      %dma_start3A_184 = arith.constant 0 : i32
      %dma_start3A_185 = arith.constant 0 : i32
      %dma_start3A_186 = arith.constant 0 : i32
      %dma_start3A_187 = arith.constant 0 : i32
      %dma_start3A_188 = arith.constant 0 : i32
      %dma_start3A_189 = arith.constant 0 : i32
      %dma_start3A_190 = arith.constant 0 : i32
      %dma_start3A_191 = arith.constant 0 : i32
      %dma_start3A_192 = tpu.memref_slice %arg8[%dma_start3A_187, %dma_start3A_188, %dma_start3A_190, %dma_start3A_191] : memref<2x2x128x32xf32, #tpu.memory_space<vmem>> -> memref<1x1x128x32xf32, #tpu.memory_space<vmem>>
      %dma_start3A_193 = tpu.memref_squeeze %dma_start3A_192 : memref<1x1x128x32xf32, #tpu.memory_space<vmem>> -> memref<128x32xf32, #tpu.memory_space<vmem>>
      %dma_start3A_194 = arith.constant 0 : i32
      %dma_start3A_195 = tpu.memref_slice %arg7[%dma_start3A_184, %dma_start3A_185, %dma_start3A_186, %dma_start3A_194] : memref<2x2x2x128xi32, #tpu.memory_space<vmem>> -> memref<1x1x1x128xi32, #tpu.memory_space<vmem>>
      %dma_start3A_196 = tpu.memref_squeeze %dma_start3A_195 : memref<1x1x1x128xi32, #tpu.memory_space<vmem>> -> memref<128xi32, #tpu.memory_space<vmem>>
      %dma_start3A_197 = arith.constant 0 : i32
      %dma_start3A_198 = arith.constant 0 : i32
      %dma_start3A_199 = tpu.memref_slice %arg2[%dma_start3A_197, %dma_start3A_198] : memref<50016x32xf32, #tpu.memory_space<hbm>> -> memref<50016x32xf32, #tpu.memory_space<hbm>>
      %dma_start3A_200 = tpu.memref_slice %arg12[%dma_start3A_189] : memref<2x!tpu.dma_semaphore, #tpu.memory_space<semaphore_mem>> -> memref<1x!tpu.dma_semaphore, #tpu.memory_space<semaphore_mem>>
      %dma_start3A_201 = tpu.memref_squeeze %dma_start3A_200 : memref<1x!tpu.dma_semaphore, #tpu.memory_space<semaphore_mem>> -> memref<!tpu.dma_semaphore, #tpu.memory_space<semaphore_mem>>
      tpu.enqueue_indirect_dma source(%dma_start3A_199 : memref<50016x32xf32, #tpu.memory_space<hbm>>) target(%dma_start3A_193 : memref<128x32xf32, #tpu.memory_space<vmem>>) offsets(%dma_start3A_196 : memref<128xi32, #tpu.memory_space<vmem>>) semaphore(%dma_start3A_201 : memref<!tpu.dma_semaphore, #tpu.memory_space<semaphore_mem>>)
    } else {
    }
    %eq3A_80 = arith.constant 1 : i32
    %eq3A_81 = arith.cmpi eq, %arg0, %eq3A_80 : i32
    %convert_element_type3A_82 = arith.extui %eq3A_81 : i1 to i32
    %cond3A_83 = arith.constant 0 : i32
    %cond3A_84 = arith.cmpi ne, %convert_element_type3A_82, %cond3A_83 : i32
    scf.if %cond3A_84 {
      %dma_start3A_184 = arith.constant 0 : i32
      %dma_start3A_185 = arith.constant 0 : i32
      %dma_start3A_186 = arith.constant 0 : i32
      %dma_start3A_187 = arith.constant 0 : i32
      %dma_start3A_188 = arith.constant 0 : i32
      %dma_start3A_189 = arith.constant 0 : i32
      %dma_start3A_190 = arith.constant 0 : i32
      %dma_start3A_191 = arith.constant 0 : i32
      %dma_start3A_192 = tpu.memref_slice %arg8[%dma_start3A_187, %dma_start3A_188, %dma_start3A_190, %dma_start3A_191] : memref<2x2x128x32xf32, #tpu.memory_space<vmem>> -> memref<1x1x128x32xf32, #tpu.memory_space<vmem>>
      %dma_start3A_193 = tpu.memref_squeeze %dma_start3A_192 : memref<1x1x128x32xf32, #tpu.memory_space<vmem>> -> memref<128x32xf32, #tpu.memory_space<vmem>>
      %dma_start3A_194 = arith.constant 0 : i32
      %dma_start3A_195 = tpu.memref_slice %arg7[%dma_start3A_184, %dma_start3A_185, %dma_start3A_186, %dma_start3A_194] : memref<2x2x2x128xi32, #tpu.memory_space<vmem>> -> memref<1x1x1x128xi32, #tpu.memory_space<vmem>>
      %dma_start3A_196 = tpu.memref_squeeze %dma_start3A_195 : memref<1x1x1x128xi32, #tpu.memory_space<vmem>> -> memref<128xi32, #tpu.memory_space<vmem>>
      %dma_start3A_197 = arith.constant 0 : i32
      %dma_start3A_198 = arith.constant 0 : i32
      %dma_start3A_199 = tpu.memref_slice %arg3[%dma_start3A_197, %dma_start3A_198] : memref<50016x32xf32, #tpu.memory_space<hbm>> -> memref<50016x32xf32, #tpu.memory_space<hbm>>
      %dma_start3A_200 = tpu.memref_slice %arg12[%dma_start3A_189] : memref<2x!tpu.dma_semaphore, #tpu.memory_space<semaphore_mem>> -> memref<1x!tpu.dma_semaphore, #tpu.memory_space<semaphore_mem>>
      %dma_start3A_201 = tpu.memref_squeeze %dma_start3A_200 : memref<1x!tpu.dma_semaphore, #tpu.memory_space<semaphore_mem>> -> memref<!tpu.dma_semaphore, #tpu.memory_space<semaphore_mem>>
      tpu.enqueue_indirect_dma source(%dma_start3A_199 : memref<50016x32xf32, #tpu.memory_space<hbm>>) target(%dma_start3A_193 : memref<128x32xf32, #tpu.memory_space<vmem>>) offsets(%dma_start3A_196 : memref<128xi32, #tpu.memory_space<vmem>>) semaphore(%dma_start3A_201 : memref<!tpu.dma_semaphore, #tpu.memory_space<semaphore_mem>>)
    } else {
    }
    %eq3A_85 = arith.constant 0 : i32
    %eq3A_86 = arith.cmpi eq, %arg0, %eq3A_85 : i32
    %convert_element_type3A_87 = arith.extui %eq3A_86 : i1 to i32
    %cond3A_88 = arith.constant 0 : i32
    %cond3A_89 = arith.cmpi ne, %convert_element_type3A_87, %cond3A_88 : i32
    scf.if %cond3A_89 {
      %dma_start3A_184 = arith.constant 0 : i32
      %dma_start3A_185 = arith.constant 1 : i32
      %dma_start3A_186 = arith.constant 0 : i32
      %dma_start3A_187 = arith.constant 0 : i32
      %dma_start3A_188 = arith.constant 1 : i32
      %dma_start3A_189 = arith.constant 0 : i32
      %dma_start3A_190 = arith.constant 0 : i32
      %dma_start3A_191 = arith.constant 0 : i32
      %dma_start3A_192 = tpu.memref_slice %arg8[%dma_start3A_187, %dma_start3A_188, %dma_start3A_190, %dma_start3A_191] : memref<2x2x128x32xf32, #tpu.memory_space<vmem>> -> memref<1x1x128x32xf32, #tpu.memory_space<vmem>>
      %dma_start3A_193 = tpu.memref_squeeze %dma_start3A_192 : memref<1x1x128x32xf32, #tpu.memory_space<vmem>> -> memref<128x32xf32, #tpu.memory_space<vmem>>
      %dma_start3A_194 = arith.constant 0 : i32
      %dma_start3A_195 = tpu.memref_slice %arg7[%dma_start3A_184, %dma_start3A_185, %dma_start3A_186, %dma_start3A_194] : memref<2x2x2x128xi32, #tpu.memory_space<vmem>> -> memref<1x1x1x128xi32, #tpu.memory_space<vmem>>
      %dma_start3A_196 = tpu.memref_squeeze %dma_start3A_195 : memref<1x1x1x128xi32, #tpu.memory_space<vmem>> -> memref<128xi32, #tpu.memory_space<vmem>>
      %dma_start3A_197 = arith.constant 0 : i32
      %dma_start3A_198 = arith.constant 0 : i32
      %dma_start3A_199 = tpu.memref_slice %arg2[%dma_start3A_197, %dma_start3A_198] : memref<50016x32xf32, #tpu.memory_space<hbm>> -> memref<50016x32xf32, #tpu.memory_space<hbm>>
      %dma_start3A_200 = tpu.memref_slice %arg12[%dma_start3A_189] : memref<2x!tpu.dma_semaphore, #tpu.memory_space<semaphore_mem>> -> memref<1x!tpu.dma_semaphore, #tpu.memory_space<semaphore_mem>>
      %dma_start3A_201 = tpu.memref_squeeze %dma_start3A_200 : memref<1x!tpu.dma_semaphore, #tpu.memory_space<semaphore_mem>> -> memref<!tpu.dma_semaphore, #tpu.memory_space<semaphore_mem>>
      tpu.enqueue_indirect_dma source(%dma_start3A_199 : memref<50016x32xf32, #tpu.memory_space<hbm>>) target(%dma_start3A_193 : memref<128x32xf32, #tpu.memory_space<vmem>>) offsets(%dma_start3A_196 : memref<128xi32, #tpu.memory_space<vmem>>) semaphore(%dma_start3A_201 : memref<!tpu.dma_semaphore, #tpu.memory_space<semaphore_mem>>)
    } else {
    }
    %eq3A_90 = arith.constant 1 : i32
    %eq3A_91 = arith.cmpi eq, %arg0, %eq3A_90 : i32
    %convert_element_type3A_92 = arith.extui %eq3A_91 : i1 to i32
    %cond3A_93 = arith.constant 0 : i32
    %cond3A_94 = arith.cmpi ne, %convert_element_type3A_92, %cond3A_93 : i32
    scf.if %cond3A_94 {
      %dma_start3A_184 = arith.constant 0 : i32
      %dma_start3A_185 = arith.constant 1 : i32
      %dma_start3A_186 = arith.constant 0 : i32
      %dma_start3A_187 = arith.constant 0 : i32
      %dma_start3A_188 = arith.constant 1 : i32
      %dma_start3A_189 = arith.constant 0 : i32
      %dma_start3A_190 = arith.constant 0 : i32
      %dma_start3A_191 = arith.constant 0 : i32
      %dma_start3A_192 = tpu.memref_slice %arg8[%dma_start3A_187, %dma_start3A_188, %dma_start3A_190, %dma_start3A_191] : memref<2x2x128x32xf32, #tpu.memory_space<vmem>> -> memref<1x1x128x32xf32, #tpu.memory_space<vmem>>
      %dma_start3A_193 = tpu.memref_squeeze %dma_start3A_192 : memref<1x1x128x32xf32, #tpu.memory_space<vmem>> -> memref<128x32xf32, #tpu.memory_space<vmem>>
      %dma_start3A_194 = arith.constant 0 : i32
      %dma_start3A_195 = tpu.memref_slice %arg7[%dma_start3A_184, %dma_start3A_185, %dma_start3A_186, %dma_start3A_194] : memref<2x2x2x128xi32, #tpu.memory_space<vmem>> -> memref<1x1x1x128xi32, #tpu.memory_space<vmem>>
      %dma_start3A_196 = tpu.memref_squeeze %dma_start3A_195 : memref<1x1x1x128xi32, #tpu.memory_space<vmem>> -> memref<128xi32, #tpu.memory_space<vmem>>
      %dma_start3A_197 = arith.constant 0 : i32
      %dma_start3A_198 = arith.constant 0 : i32
      %dma_start3A_199 = tpu.memref_slice %arg3[%dma_start3A_197, %dma_start3A_198] : memref<50016x32xf32, #tpu.memory_space<hbm>> -> memref<50016x32xf32, #tpu.memory_space<hbm>>
      %dma_start3A_200 = tpu.memref_slice %arg12[%dma_start3A_189] : memref<2x!tpu.dma_semaphore, #tpu.memory_space<semaphore_mem>> -> memref<1x!tpu.dma_semaphore, #tpu.memory_space<semaphore_mem>>
      %dma_start3A_201 = tpu.memref_squeeze %dma_start3A_200 : memref<1x!tpu.dma_semaphore, #tpu.memory_space<semaphore_mem>> -> memref<!tpu.dma_semaphore, #tpu.memory_space<semaphore_mem>>
      tpu.enqueue_indirect_dma source(%dma_start3A_199 : memref<50016x32xf32, #tpu.memory_space<hbm>>) target(%dma_start3A_193 : memref<128x32xf32, #tpu.memory_space<vmem>>) offsets(%dma_start3A_196 : memref<128xi32, #tpu.memory_space<vmem>>) semaphore(%dma_start3A_201 : memref<!tpu.dma_semaphore, #tpu.memory_space<semaphore_mem>>)
    } else {
    }
    %barrier3A = arith.constant 0 : index
    tpu.barrier barrier_id(%barrier3A)
    %scan3A_95 = arith.constant 0 : i32
    %scan3A_96 = arith.constant 0 : i32
    %scan3A_97 = arith.constant 98 : i32
    %scan3A_98 = arith.addi %scan3A_96, %scan3A_97 : i32
    %scan3A_99 = arith.constant 1 : i32
    scf.for %scan3A_184 = %scan3A_96 to %scan3A_98 step %scan3A_99  : i32 {
      %rem3A = arith.constant 2 : i32
      %rem3A_185 = arith.remsi %scan3A_184, %rem3A : i32
      %add3A_186 = arith.constant 1 : i32
      %add3A_187 = arith.addi %scan3A_184, %add3A_186 : i32
      %rem3A_188 = arith.constant 2 : i32
      %rem3A_189 = arith.remsi %add3A_187, %rem3A_188 : i32
      %dma_wait3A_190 = arith.constant 0 : i32
      %dma_wait3A_191 = arith.constant 0 : i32
      %dma_wait3A_192 = arith.constant 0 : i32
      %dma_wait3A_193 = tpu.memref_slice %arg8[%rem3A_185, %dma_wait3A_190, %dma_wait3A_191, %dma_wait3A_192] : memref<2x2x128x32xf32, #tpu.memory_space<vmem>> -> memref<1x1x128x32xf32, #tpu.memory_space<vmem>>
      %dma_wait3A_194 = tpu.memref_squeeze %dma_wait3A_193 : memref<1x1x128x32xf32, #tpu.memory_space<vmem>> -> memref<128x32xf32, #tpu.memory_space<vmem>>
      %dma_wait3A_195 = arith.constant 0 : i32
      %dma_wait3A_196 = arith.constant 0 : i32
      %dma_wait3A_197 = tpu.memref_slice %arg2[%dma_wait3A_195, %dma_wait3A_196] : memref<50016x32xf32, #tpu.memory_space<hbm>> -> memref<128x32xf32, #tpu.memory_space<hbm>>
      %dma_wait3A_198 = tpu.memref_slice %arg12[%rem3A_185] : memref<2x!tpu.dma_semaphore, #tpu.memory_space<semaphore_mem>> -> memref<1x!tpu.dma_semaphore, #tpu.memory_space<semaphore_mem>>
      %dma_wait3A_199 = tpu.memref_squeeze %dma_wait3A_198 : memref<1x!tpu.dma_semaphore, #tpu.memory_space<semaphore_mem>> -> memref<!tpu.dma_semaphore, #tpu.memory_space<semaphore_mem>>
      %dma_wait3A_200 = arith.constant 0 : i32
      %dma_wait3A_201 = arith.constant 0 : i32
      %dma_wait3A_202 = tpu.memref_slice %arg8[%rem3A_185, %dma_wait3A_190, %dma_wait3A_200, %dma_wait3A_201] : memref<2x2x128x32xf32, #tpu.memory_space<vmem>> -> memref<1x1x128x32xf32, #tpu.memory_space<vmem>>
      %dma_wait3A_203 = tpu.memref_squeeze %dma_wait3A_202 : memref<1x1x128x32xf32, #tpu.memory_space<vmem>> -> memref<128x32xf32, #tpu.memory_space<vmem>>
      %dma_wait3A_204 = arith.constant 0 : i32
      %dma_wait3A_205 = arith.constant 0 : i32
      %dma_wait3A_206 = tpu.memref_slice %arg2[%dma_wait3A_204, %dma_wait3A_205] : memref<50016x32xf32, #tpu.memory_space<hbm>> -> memref<128x32xf32, #tpu.memory_space<hbm>>
      tpu.wait_dma2 semaphore(%dma_wait3A_199 : memref<!tpu.dma_semaphore, #tpu.memory_space<semaphore_mem>>) src(%dma_wait3A_206 : memref<128x32xf32, #tpu.memory_space<hbm>>) dst(%dma_wait3A_203 : memref<128x32xf32, #tpu.memory_space<vmem>>)
      %dma_wait3A_207 = arith.constant 1 : i32
      %dma_wait3A_208 = arith.constant 0 : i32
      %dma_wait3A_209 = arith.constant 0 : i32
      %dma_wait3A_210 = tpu.memref_slice %arg8[%rem3A_185, %dma_wait3A_207, %dma_wait3A_208, %dma_wait3A_209] : memref<2x2x128x32xf32, #tpu.memory_space<vmem>> -> memref<1x1x128x32xf32, #tpu.memory_space<vmem>>
      %dma_wait3A_211 = tpu.memref_squeeze %dma_wait3A_210 : memref<1x1x128x32xf32, #tpu.memory_space<vmem>> -> memref<128x32xf32, #tpu.memory_space<vmem>>
      %dma_wait3A_212 = arith.constant 0 : i32
      %dma_wait3A_213 = arith.constant 0 : i32
      %dma_wait3A_214 = tpu.memref_slice %arg2[%dma_wait3A_212, %dma_wait3A_213] : memref<50016x32xf32, #tpu.memory_space<hbm>> -> memref<128x32xf32, #tpu.memory_space<hbm>>
      %dma_wait3A_215 = tpu.memref_slice %arg12[%rem3A_185] : memref<2x!tpu.dma_semaphore, #tpu.memory_space<semaphore_mem>> -> memref<1x!tpu.dma_semaphore, #tpu.memory_space<semaphore_mem>>
      %dma_wait3A_216 = tpu.memref_squeeze %dma_wait3A_215 : memref<1x!tpu.dma_semaphore, #tpu.memory_space<semaphore_mem>> -> memref<!tpu.dma_semaphore, #tpu.memory_space<semaphore_mem>>
      %dma_wait3A_217 = arith.constant 0 : i32
      %dma_wait3A_218 = arith.constant 0 : i32
      %dma_wait3A_219 = tpu.memref_slice %arg8[%rem3A_185, %dma_wait3A_207, %dma_wait3A_217, %dma_wait3A_218] : memref<2x2x128x32xf32, #tpu.memory_space<vmem>> -> memref<1x1x128x32xf32, #tpu.memory_space<vmem>>
      %dma_wait3A_220 = tpu.memref_squeeze %dma_wait3A_219 : memref<1x1x128x32xf32, #tpu.memory_space<vmem>> -> memref<128x32xf32, #tpu.memory_space<vmem>>
      %dma_wait3A_221 = arith.constant 0 : i32
      %dma_wait3A_222 = arith.constant 0 : i32
      %dma_wait3A_223 = tpu.memref_slice %arg2[%dma_wait3A_221, %dma_wait3A_222] : memref<50016x32xf32, #tpu.memory_space<hbm>> -> memref<128x32xf32, #tpu.memory_space<hbm>>
      tpu.wait_dma2 semaphore(%dma_wait3A_216 : memref<!tpu.dma_semaphore, #tpu.memory_space<semaphore_mem>>) src(%dma_wait3A_223 : memref<128x32xf32, #tpu.memory_space<hbm>>) dst(%dma_wait3A_220 : memref<128x32xf32, #tpu.memory_space<vmem>>)
      %add3A_224 = arith.constant 1 : i32
      %add3A_225 = arith.addi %scan3A_184, %add3A_224 : i32
      %lt3A = arith.constant 98 : i32
      %lt3A_226 = arith.cmpi slt, %add3A_225, %lt3A : i32
      %convert_element_type3A_227 = arith.extui %lt3A_226 : i1 to i32
      %cond3A_228 = arith.constant 0 : i32
      %cond3A_229 = arith.cmpi ne, %convert_element_type3A_227, %cond3A_228 : i32
      scf.if %cond3A_229 {
        %dma_wait3A_282 = arith.constant 0 : i32
        %dma_wait3A_283 = arith.constant 0 : i32
        %dma_wait3A_284 = arith.constant 0 : i32
        %dma_wait3A_285 = tpu.memref_slice %arg7[%rem3A_189, %dma_wait3A_282, %dma_wait3A_283, %dma_wait3A_284] : memref<2x2x2x128xi32, #tpu.memory_space<vmem>> -> memref<1x2x2x128xi32, #tpu.memory_space<vmem>>
        %dma_wait3A_286 = tpu.memref_squeeze %dma_wait3A_285 : memref<1x2x2x128xi32, #tpu.memory_space<vmem>> -> memref<2x2x128xi32, #tpu.memory_space<vmem>>
        %dma_wait3A_287 = arith.constant 0 : i32
        %dma_wait3A_288 = arith.constant 0 : i32
        %dma_wait3A_289 = arith.constant 0 : i32
        %dma_wait3A_290 = tpu.memref_slice %arg4[%dma_wait3A_287, %dma_wait3A_288, %dma_wait3A_289] : memref<6272x2x128xi32, #tpu.memory_space<hbm>> -> memref<2x2x128xi32, #tpu.memory_space<hbm>>
        %dma_wait3A_291 = tpu.memref_slice %arg11[%rem3A_189] : memref<2x!tpu.dma_semaphore, #tpu.memory_space<semaphore_mem>> -> memref<1x!tpu.dma_semaphore, #tpu.memory_space<semaphore_mem>>
        %dma_wait3A_292 = tpu.memref_squeeze %dma_wait3A_291 : memref<1x!tpu.dma_semaphore, #tpu.memory_space<semaphore_mem>> -> memref<!tpu.dma_semaphore, #tpu.memory_space<semaphore_mem>>
        %dma_wait3A_293 = arith.constant 0 : i32
        %dma_wait3A_294 = arith.constant 0 : i32
        %dma_wait3A_295 = arith.constant 0 : i32
        %dma_wait3A_296 = tpu.memref_slice %arg7[%rem3A_189, %dma_wait3A_293, %dma_wait3A_294, %dma_wait3A_295] : memref<2x2x2x128xi32, #tpu.memory_space<vmem>> -> memref<1x2x2x128xi32, #tpu.memory_space<vmem>>
        %dma_wait3A_297 = tpu.memref_squeeze %dma_wait3A_296 : memref<1x2x2x128xi32, #tpu.memory_space<vmem>> -> memref<2x2x128xi32, #tpu.memory_space<vmem>>
        %dma_wait3A_298 = arith.constant 0 : i32
        %dma_wait3A_299 = arith.constant 0 : i32
        %dma_wait3A_300 = arith.constant 0 : i32
        %dma_wait3A_301 = tpu.memref_slice %arg4[%dma_wait3A_298, %dma_wait3A_299, %dma_wait3A_300] : memref<6272x2x128xi32, #tpu.memory_space<hbm>> -> memref<2x2x128xi32, #tpu.memory_space<hbm>>
        tpu.wait_dma2 semaphore(%dma_wait3A_292 : memref<!tpu.dma_semaphore, #tpu.memory_space<semaphore_mem>>) src(%dma_wait3A_301 : memref<2x2x128xi32, #tpu.memory_space<hbm>>) dst(%dma_wait3A_297 : memref<2x2x128xi32, #tpu.memory_space<vmem>>)
      } else {
      }
      %ge3A = arith.constant 1 : i32
      %ge3A_230 = arith.cmpi sge, %scan3A_184, %ge3A : i32
      %add3A_231 = arith.constant 1 : i32
      %add3A_232 = arith.addi %scan3A_184, %add3A_231 : i32
      %lt3A_233 = arith.constant 98 : i32
      %lt3A_234 = arith.cmpi slt, %add3A_232, %lt3A_233 : i32
      %and3A = arith.andi %ge3A_230, %lt3A_234 : i1
      %convert_element_type3A_235 = arith.extui %and3A : i1 to i32
      %cond3A_236 = arith.constant 0 : i32
      %cond3A_237 = arith.cmpi ne, %convert_element_type3A_235, %cond3A_236 : i32
      scf.if %cond3A_237 {
        %dma_wait3A_282 = arith.constant 0 : i32
        %dma_wait3A_283 = arith.constant 0 : i32
        %dma_wait3A_284 = arith.constant 0 : i32
        %dma_wait3A_285 = tpu.memref_slice %arg8[%rem3A_189, %dma_wait3A_282, %dma_wait3A_283, %dma_wait3A_284] : memref<2x2x128x32xf32, #tpu.memory_space<vmem>> -> memref<1x1x128x32xf32, #tpu.memory_space<vmem>>
        %dma_wait3A_286 = tpu.memref_squeeze %dma_wait3A_285 : memref<1x1x128x32xf32, #tpu.memory_space<vmem>> -> memref<128x32xf32, #tpu.memory_space<vmem>>
        %dma_wait3A_287 = arith.constant 0 : i32
        %dma_wait3A_288 = arith.constant 0 : i32
        %dma_wait3A_289 = tpu.memref_slice %arg2[%dma_wait3A_287, %dma_wait3A_288] : memref<50016x32xf32, #tpu.memory_space<hbm>> -> memref<128x32xf32, #tpu.memory_space<hbm>>
        %dma_wait3A_290 = tpu.memref_slice %arg13[%rem3A_189] : memref<2x!tpu.dma_semaphore, #tpu.memory_space<semaphore_mem>> -> memref<1x!tpu.dma_semaphore, #tpu.memory_space<semaphore_mem>>
        %dma_wait3A_291 = tpu.memref_squeeze %dma_wait3A_290 : memref<1x!tpu.dma_semaphore, #tpu.memory_space<semaphore_mem>> -> memref<!tpu.dma_semaphore, #tpu.memory_space<semaphore_mem>>
        %dma_wait3A_292 = arith.constant 0 : i32
        %dma_wait3A_293 = arith.constant 0 : i32
        %dma_wait3A_294 = tpu.memref_slice %arg8[%rem3A_189, %dma_wait3A_282, %dma_wait3A_292, %dma_wait3A_293] : memref<2x2x128x32xf32, #tpu.memory_space<vmem>> -> memref<1x1x128x32xf32, #tpu.memory_space<vmem>>
        %dma_wait3A_295 = tpu.memref_squeeze %dma_wait3A_294 : memref<1x1x128x32xf32, #tpu.memory_space<vmem>> -> memref<128x32xf32, #tpu.memory_space<vmem>>
        %dma_wait3A_296 = arith.constant 0 : i32
        %dma_wait3A_297 = arith.constant 0 : i32
        %dma_wait3A_298 = tpu.memref_slice %arg2[%dma_wait3A_296, %dma_wait3A_297] : memref<50016x32xf32, #tpu.memory_space<hbm>> -> memref<128x32xf32, #tpu.memory_space<hbm>>
        tpu.wait_dma2 semaphore(%dma_wait3A_291 : memref<!tpu.dma_semaphore, #tpu.memory_space<semaphore_mem>>) src(%dma_wait3A_298 : memref<128x32xf32, #tpu.memory_space<hbm>>) dst(%dma_wait3A_295 : memref<128x32xf32, #tpu.memory_space<vmem>>)
        %dma_wait3A_299 = arith.constant 1 : i32
        %dma_wait3A_300 = arith.constant 0 : i32
        %dma_wait3A_301 = arith.constant 0 : i32
        %dma_wait3A_302 = tpu.memref_slice %arg8[%rem3A_189, %dma_wait3A_299, %dma_wait3A_300, %dma_wait3A_301] : memref<2x2x128x32xf32, #tpu.memory_space<vmem>> -> memref<1x1x128x32xf32, #tpu.memory_space<vmem>>
        %dma_wait3A_303 = tpu.memref_squeeze %dma_wait3A_302 : memref<1x1x128x32xf32, #tpu.memory_space<vmem>> -> memref<128x32xf32, #tpu.memory_space<vmem>>
        %dma_wait3A_304 = arith.constant 0 : i32
        %dma_wait3A_305 = arith.constant 0 : i32
        %dma_wait3A_306 = tpu.memref_slice %arg2[%dma_wait3A_304, %dma_wait3A_305] : memref<50016x32xf32, #tpu.memory_space<hbm>> -> memref<128x32xf32, #tpu.memory_space<hbm>>
        %dma_wait3A_307 = tpu.memref_slice %arg13[%rem3A_189] : memref<2x!tpu.dma_semaphore, #tpu.memory_space<semaphore_mem>> -> memref<1x!tpu.dma_semaphore, #tpu.memory_space<semaphore_mem>>
        %dma_wait3A_308 = tpu.memref_squeeze %dma_wait3A_307 : memref<1x!tpu.dma_semaphore, #tpu.memory_space<semaphore_mem>> -> memref<!tpu.dma_semaphore, #tpu.memory_space<semaphore_mem>>
        %dma_wait3A_309 = arith.constant 0 : i32
        %dma_wait3A_310 = arith.constant 0 : i32
        %dma_wait3A_311 = tpu.memref_slice %arg8[%rem3A_189, %dma_wait3A_299, %dma_wait3A_309, %dma_wait3A_310] : memref<2x2x128x32xf32, #tpu.memory_space<vmem>> -> memref<1x1x128x32xf32, #tpu.memory_space<vmem>>
        %dma_wait3A_312 = tpu.memref_squeeze %dma_wait3A_311 : memref<1x1x128x32xf32, #tpu.memory_space<vmem>> -> memref<128x32xf32, #tpu.memory_space<vmem>>
        %dma_wait3A_313 = arith.constant 0 : i32
        %dma_wait3A_314 = arith.constant 0 : i32
        %dma_wait3A_315 = tpu.memref_slice %arg2[%dma_wait3A_313, %dma_wait3A_314] : memref<50016x32xf32, #tpu.memory_space<hbm>> -> memref<128x32xf32, #tpu.memory_space<hbm>>
        tpu.wait_dma2 semaphore(%dma_wait3A_308 : memref<!tpu.dma_semaphore, #tpu.memory_space<semaphore_mem>>) src(%dma_wait3A_315 : memref<128x32xf32, #tpu.memory_space<hbm>>) dst(%dma_wait3A_312 : memref<128x32xf32, #tpu.memory_space<vmem>>)
      } else {
      }
      %add3A_238 = arith.constant 1 : i32
      %add3A_239 = arith.addi %scan3A_184, %add3A_238 : i32
      %lt3A_240 = arith.constant 98 : i32
      %lt3A_241 = arith.cmpi slt, %add3A_239, %lt3A_240 : i32
      %convert_element_type3A_242 = arith.extui %lt3A_241 : i1 to i32
      %cond3A_243 = arith.constant 0 : i32
      %cond3A_244 = arith.cmpi ne, %convert_element_type3A_242, %cond3A_243 : i32
      scf.if %cond3A_244 {
        %eq3A_282 = arith.constant 0 : i32
        %eq3A_283 = arith.cmpi eq, %arg0, %eq3A_282 : i32
        %convert_element_type3A_284 = arith.extui %eq3A_283 : i1 to i32
        %cond3A_285 = arith.constant 0 : i32
        %cond3A_286 = arith.cmpi ne, %convert_element_type3A_284, %cond3A_285 : i32
        scf.if %cond3A_286 {
          %dma_start3A_302 = arith.constant 0 : i32
          %dma_start3A_303 = arith.constant 0 : i32
          %dma_start3A_304 = arith.constant 0 : i32
          %dma_start3A_305 = arith.constant 0 : i32
          %dma_start3A_306 = arith.constant 0 : i32
          %dma_start3A_307 = tpu.memref_slice %arg8[%rem3A_189, %dma_start3A_304, %dma_start3A_305, %dma_start3A_306] : memref<2x2x128x32xf32, #tpu.memory_space<vmem>> -> memref<1x1x128x32xf32, #tpu.memory_space<vmem>>
          %dma_start3A_308 = tpu.memref_squeeze %dma_start3A_307 : memref<1x1x128x32xf32, #tpu.memory_space<vmem>> -> memref<128x32xf32, #tpu.memory_space<vmem>>
          %dma_start3A_309 = arith.constant 0 : i32
          %dma_start3A_310 = tpu.memref_slice %arg7[%rem3A_189, %dma_start3A_302, %dma_start3A_303, %dma_start3A_309] : memref<2x2x2x128xi32, #tpu.memory_space<vmem>> -> memref<1x1x1x128xi32, #tpu.memory_space<vmem>>
          %dma_start3A_311 = tpu.memref_squeeze %dma_start3A_310 : memref<1x1x1x128xi32, #tpu.memory_space<vmem>> -> memref<128xi32, #tpu.memory_space<vmem>>
          %dma_start3A_312 = arith.constant 0 : i32
          %dma_start3A_313 = arith.constant 0 : i32
          %dma_start3A_314 = tpu.memref_slice %arg2[%dma_start3A_312, %dma_start3A_313] : memref<50016x32xf32, #tpu.memory_space<hbm>> -> memref<50016x32xf32, #tpu.memory_space<hbm>>
          %dma_start3A_315 = tpu.memref_slice %arg12[%rem3A_189] : memref<2x!tpu.dma_semaphore, #tpu.memory_space<semaphore_mem>> -> memref<1x!tpu.dma_semaphore, #tpu.memory_space<semaphore_mem>>
          %dma_start3A_316 = tpu.memref_squeeze %dma_start3A_315 : memref<1x!tpu.dma_semaphore, #tpu.memory_space<semaphore_mem>> -> memref<!tpu.dma_semaphore, #tpu.memory_space<semaphore_mem>>
          tpu.enqueue_indirect_dma source(%dma_start3A_314 : memref<50016x32xf32, #tpu.memory_space<hbm>>) target(%dma_start3A_308 : memref<128x32xf32, #tpu.memory_space<vmem>>) offsets(%dma_start3A_311 : memref<128xi32, #tpu.memory_space<vmem>>) semaphore(%dma_start3A_316 : memref<!tpu.dma_semaphore, #tpu.memory_space<semaphore_mem>>)
        } else {
        }
        %eq3A_287 = arith.constant 1 : i32
        %eq3A_288 = arith.cmpi eq, %arg0, %eq3A_287 : i32
        %convert_element_type3A_289 = arith.extui %eq3A_288 : i1 to i32
        %cond3A_290 = arith.constant 0 : i32
        %cond3A_291 = arith.cmpi ne, %convert_element_type3A_289, %cond3A_290 : i32
        scf.if %cond3A_291 {
          %dma_start3A_302 = arith.constant 0 : i32
          %dma_start3A_303 = arith.constant 0 : i32
          %dma_start3A_304 = arith.constant 0 : i32
          %dma_start3A_305 = arith.constant 0 : i32
          %dma_start3A_306 = arith.constant 0 : i32
          %dma_start3A_307 = tpu.memref_slice %arg8[%rem3A_189, %dma_start3A_304, %dma_start3A_305, %dma_start3A_306] : memref<2x2x128x32xf32, #tpu.memory_space<vmem>> -> memref<1x1x128x32xf32, #tpu.memory_space<vmem>>
          %dma_start3A_308 = tpu.memref_squeeze %dma_start3A_307 : memref<1x1x128x32xf32, #tpu.memory_space<vmem>> -> memref<128x32xf32, #tpu.memory_space<vmem>>
          %dma_start3A_309 = arith.constant 0 : i32
          %dma_start3A_310 = tpu.memref_slice %arg7[%rem3A_189, %dma_start3A_302, %dma_start3A_303, %dma_start3A_309] : memref<2x2x2x128xi32, #tpu.memory_space<vmem>> -> memref<1x1x1x128xi32, #tpu.memory_space<vmem>>
          %dma_start3A_311 = tpu.memref_squeeze %dma_start3A_310 : memref<1x1x1x128xi32, #tpu.memory_space<vmem>> -> memref<128xi32, #tpu.memory_space<vmem>>
          %dma_start3A_312 = arith.constant 0 : i32
          %dma_start3A_313 = arith.constant 0 : i32
          %dma_start3A_314 = tpu.memref_slice %arg3[%dma_start3A_312, %dma_start3A_313] : memref<50016x32xf32, #tpu.memory_space<hbm>> -> memref<50016x32xf32, #tpu.memory_space<hbm>>
          %dma_start3A_315 = tpu.memref_slice %arg12[%rem3A_189] : memref<2x!tpu.dma_semaphore, #tpu.memory_space<semaphore_mem>> -> memref<1x!tpu.dma_semaphore, #tpu.memory_space<semaphore_mem>>
          %dma_start3A_316 = tpu.memref_squeeze %dma_start3A_315 : memref<1x!tpu.dma_semaphore, #tpu.memory_space<semaphore_mem>> -> memref<!tpu.dma_semaphore, #tpu.memory_space<semaphore_mem>>
          tpu.enqueue_indirect_dma source(%dma_start3A_314 : memref<50016x32xf32, #tpu.memory_space<hbm>>) target(%dma_start3A_308 : memref<128x32xf32, #tpu.memory_space<vmem>>) offsets(%dma_start3A_311 : memref<128xi32, #tpu.memory_space<vmem>>) semaphore(%dma_start3A_316 : memref<!tpu.dma_semaphore, #tpu.memory_space<semaphore_mem>>)
        } else {
        }
        %eq3A_292 = arith.constant 0 : i32
        %eq3A_293 = arith.cmpi eq, %arg0, %eq3A_292 : i32
        %convert_element_type3A_294 = arith.extui %eq3A_293 : i1 to i32
        %cond3A_295 = arith.constant 0 : i32
        %cond3A_296 = arith.cmpi ne, %convert_element_type3A_294, %cond3A_295 : i32
        scf.if %cond3A_296 {
          %dma_start3A_302 = arith.constant 1 : i32
          %dma_start3A_303 = arith.constant 0 : i32
          %dma_start3A_304 = arith.constant 1 : i32
          %dma_start3A_305 = arith.constant 0 : i32
          %dma_start3A_306 = arith.constant 0 : i32
          %dma_start3A_307 = tpu.memref_slice %arg8[%rem3A_189, %dma_start3A_304, %dma_start3A_305, %dma_start3A_306] : memref<2x2x128x32xf32, #tpu.memory_space<vmem>> -> memref<1x1x128x32xf32, #tpu.memory_space<vmem>>
          %dma_start3A_308 = tpu.memref_squeeze %dma_start3A_307 : memref<1x1x128x32xf32, #tpu.memory_space<vmem>> -> memref<128x32xf32, #tpu.memory_space<vmem>>
          %dma_start3A_309 = arith.constant 0 : i32
          %dma_start3A_310 = tpu.memref_slice %arg7[%rem3A_189, %dma_start3A_302, %dma_start3A_303, %dma_start3A_309] : memref<2x2x2x128xi32, #tpu.memory_space<vmem>> -> memref<1x1x1x128xi32, #tpu.memory_space<vmem>>
          %dma_start3A_311 = tpu.memref_squeeze %dma_start3A_310 : memref<1x1x1x128xi32, #tpu.memory_space<vmem>> -> memref<128xi32, #tpu.memory_space<vmem>>
          %dma_start3A_312 = arith.constant 0 : i32
          %dma_start3A_313 = arith.constant 0 : i32
          %dma_start3A_314 = tpu.memref_slice %arg2[%dma_start3A_312, %dma_start3A_313] : memref<50016x32xf32, #tpu.memory_space<hbm>> -> memref<50016x32xf32, #tpu.memory_space<hbm>>
          %dma_start3A_315 = tpu.memref_slice %arg12[%rem3A_189] : memref<2x!tpu.dma_semaphore, #tpu.memory_space<semaphore_mem>> -> memref<1x!tpu.dma_semaphore, #tpu.memory_space<semaphore_mem>>
          %dma_start3A_316 = tpu.memref_squeeze %dma_start3A_315 : memref<1x!tpu.dma_semaphore, #tpu.memory_space<semaphore_mem>> -> memref<!tpu.dma_semaphore, #tpu.memory_space<semaphore_mem>>
          tpu.enqueue_indirect_dma source(%dma_start3A_314 : memref<50016x32xf32, #tpu.memory_space<hbm>>) target(%dma_start3A_308 : memref<128x32xf32, #tpu.memory_space<vmem>>) offsets(%dma_start3A_311 : memref<128xi32, #tpu.memory_space<vmem>>) semaphore(%dma_start3A_316 : memref<!tpu.dma_semaphore, #tpu.memory_space<semaphore_mem>>)
        } else {
        }
        %eq3A_297 = arith.constant 1 : i32
        %eq3A_298 = arith.cmpi eq, %arg0, %eq3A_297 : i32
        %convert_element_type3A_299 = arith.extui %eq3A_298 : i1 to i32
        %cond3A_300 = arith.constant 0 : i32
        %cond3A_301 = arith.cmpi ne, %convert_element_type3A_299, %cond3A_300 : i32
        scf.if %cond3A_301 {
          %dma_start3A_302 = arith.constant 1 : i32
          %dma_start3A_303 = arith.constant 0 : i32
          %dma_start3A_304 = arith.constant 1 : i32
          %dma_start3A_305 = arith.constant 0 : i32
          %dma_start3A_306 = arith.constant 0 : i32
          %dma_start3A_307 = tpu.memref_slice %arg8[%rem3A_189, %dma_start3A_304, %dma_start3A_305, %dma_start3A_306] : memref<2x2x128x32xf32, #tpu.memory_space<vmem>> -> memref<1x1x128x32xf32, #tpu.memory_space<vmem>>
          %dma_start3A_308 = tpu.memref_squeeze %dma_start3A_307 : memref<1x1x128x32xf32, #tpu.memory_space<vmem>> -> memref<128x32xf32, #tpu.memory_space<vmem>>
          %dma_start3A_309 = arith.constant 0 : i32
          %dma_start3A_310 = tpu.memref_slice %arg7[%rem3A_189, %dma_start3A_302, %dma_start3A_303, %dma_start3A_309] : memref<2x2x2x128xi32, #tpu.memory_space<vmem>> -> memref<1x1x1x128xi32, #tpu.memory_space<vmem>>
          %dma_start3A_311 = tpu.memref_squeeze %dma_start3A_310 : memref<1x1x1x128xi32, #tpu.memory_space<vmem>> -> memref<128xi32, #tpu.memory_space<vmem>>
          %dma_start3A_312 = arith.constant 0 : i32
          %dma_start3A_313 = arith.constant 0 : i32
          %dma_start3A_314 = tpu.memref_slice %arg3[%dma_start3A_312, %dma_start3A_313] : memref<50016x32xf32, #tpu.memory_space<hbm>> -> memref<50016x32xf32, #tpu.memory_space<hbm>>
          %dma_start3A_315 = tpu.memref_slice %arg12[%rem3A_189] : memref<2x!tpu.dma_semaphore, #tpu.memory_space<semaphore_mem>> -> memref<1x!tpu.dma_semaphore, #tpu.memory_space<semaphore_mem>>
          %dma_start3A_316 = tpu.memref_squeeze %dma_start3A_315 : memref<1x!tpu.dma_semaphore, #tpu.memory_space<semaphore_mem>> -> memref<!tpu.dma_semaphore, #tpu.memory_space<semaphore_mem>>
          tpu.enqueue_indirect_dma source(%dma_start3A_314 : memref<50016x32xf32, #tpu.memory_space<hbm>>) target(%dma_start3A_308 : memref<128x32xf32, #tpu.memory_space<vmem>>) offsets(%dma_start3A_311 : memref<128xi32, #tpu.memory_space<vmem>>) semaphore(%dma_start3A_316 : memref<!tpu.dma_semaphore, #tpu.memory_space<semaphore_mem>>)
        } else {
        }
      } else {
      }
      %dma_start3A_245 = arith.constant 0 : i32
      %dma_start3A_246 = arith.constant 0 : i32
      %dma_start3A_247 = arith.constant 1 : i32
      %dma_start3A_248 = arith.constant 0 : i32
      %dma_start3A_249 = arith.constant 0 : i32
      %dma_start3A_250 = tpu.memref_slice %arg8[%rem3A_185, %dma_start3A_245, %dma_start3A_248, %dma_start3A_249] : memref<2x2x128x32xf32, #tpu.memory_space<vmem>> -> memref<1x1x128x32xf32, #tpu.memory_space<vmem>>
      %dma_start3A_251 = tpu.memref_squeeze %dma_start3A_250 : memref<1x1x128x32xf32, #tpu.memory_space<vmem>> -> memref<128x32xf32, #tpu.memory_space<vmem>>
      %dma_start3A_252 = arith.constant 0 : i32
      %dma_start3A_253 = tpu.memref_slice %arg7[%rem3A_185, %dma_start3A_246, %dma_start3A_247, %dma_start3A_252] : memref<2x2x2x128xi32, #tpu.memory_space<vmem>> -> memref<1x1x1x128xi32, #tpu.memory_space<vmem>>
      %dma_start3A_254 = tpu.memref_squeeze %dma_start3A_253 : memref<1x1x1x128xi32, #tpu.memory_space<vmem>> -> memref<128xi32, #tpu.memory_space<vmem>>
      %dma_start3A_255 = arith.constant 0 : i32
      %dma_start3A_256 = arith.constant 0 : i32
      %dma_start3A_257 = tpu.memref_slice %arg10[%dma_start3A_255, %dma_start3A_256] : memref<50432x32xf32, #tpu.memory_space<vmem_shared>> -> memref<50432x32xf32, #tpu.memory_space<vmem_shared>>
      %dma_start3A_258 = tpu.memref_slice %arg13[%rem3A_185] : memref<2x!tpu.dma_semaphore, #tpu.memory_space<semaphore_mem>> -> memref<1x!tpu.dma_semaphore, #tpu.memory_space<semaphore_mem>>
      %dma_start3A_259 = tpu.memref_squeeze %dma_start3A_258 : memref<1x!tpu.dma_semaphore, #tpu.memory_space<semaphore_mem>> -> memref<!tpu.dma_semaphore, #tpu.memory_space<semaphore_mem>>
      tpu.enqueue_indirect_dma source(%dma_start3A_251 : memref<128x32xf32, #tpu.memory_space<vmem>>) target(%dma_start3A_257 : memref<50432x32xf32, #tpu.memory_space<vmem_shared>>) offsets(%dma_start3A_254 : memref<128xi32, #tpu.memory_space<vmem>>) semaphore(%dma_start3A_259 : memref<!tpu.dma_semaphore, #tpu.memory_space<semaphore_mem>>) {add = true}
      %dma_start3A_260 = arith.constant 1 : i32
      %dma_start3A_261 = arith.constant 1 : i32
      %dma_start3A_262 = arith.constant 1 : i32
      %dma_start3A_263 = arith.constant 0 : i32
      %dma_start3A_264 = arith.constant 0 : i32
      %dma_start3A_265 = tpu.memref_slice %arg8[%rem3A_185, %dma_start3A_260, %dma_start3A_263, %dma_start3A_264] : memref<2x2x128x32xf32, #tpu.memory_space<vmem>> -> memref<1x1x128x32xf32, #tpu.memory_space<vmem>>
      %dma_start3A_266 = tpu.memref_squeeze %dma_start3A_265 : memref<1x1x128x32xf32, #tpu.memory_space<vmem>> -> memref<128x32xf32, #tpu.memory_space<vmem>>
      %dma_start3A_267 = arith.constant 0 : i32
      %dma_start3A_268 = tpu.memref_slice %arg7[%rem3A_185, %dma_start3A_261, %dma_start3A_262, %dma_start3A_267] : memref<2x2x2x128xi32, #tpu.memory_space<vmem>> -> memref<1x1x1x128xi32, #tpu.memory_space<vmem>>
      %dma_start3A_269 = tpu.memref_squeeze %dma_start3A_268 : memref<1x1x1x128xi32, #tpu.memory_space<vmem>> -> memref<128xi32, #tpu.memory_space<vmem>>
      %dma_start3A_270 = arith.constant 0 : i32
      %dma_start3A_271 = arith.constant 0 : i32
      %dma_start3A_272 = tpu.memref_slice %arg10[%dma_start3A_270, %dma_start3A_271] : memref<50432x32xf32, #tpu.memory_space<vmem_shared>> -> memref<50432x32xf32, #tpu.memory_space<vmem_shared>>
      %dma_start3A_273 = tpu.memref_slice %arg13[%rem3A_185] : memref<2x!tpu.dma_semaphore, #tpu.memory_space<semaphore_mem>> -> memref<1x!tpu.dma_semaphore, #tpu.memory_space<semaphore_mem>>
      %dma_start3A_274 = tpu.memref_squeeze %dma_start3A_273 : memref<1x!tpu.dma_semaphore, #tpu.memory_space<semaphore_mem>> -> memref<!tpu.dma_semaphore, #tpu.memory_space<semaphore_mem>>
      tpu.enqueue_indirect_dma source(%dma_start3A_266 : memref<128x32xf32, #tpu.memory_space<vmem>>) target(%dma_start3A_272 : memref<50432x32xf32, #tpu.memory_space<vmem_shared>>) offsets(%dma_start3A_269 : memref<128xi32, #tpu.memory_space<vmem>>) semaphore(%dma_start3A_274 : memref<!tpu.dma_semaphore, #tpu.memory_space<semaphore_mem>>) {add = true}
      %add3A_275 = arith.constant 2 : i32
      %add3A_276 = arith.addi %scan3A_184, %add3A_275 : i32
      %lt3A_277 = arith.constant 98 : i32
      %lt3A_278 = arith.cmpi slt, %add3A_276, %lt3A_277 : i32
      %convert_element_type3A_279 = arith.extui %lt3A_278 : i1 to i32
      %cond3A_280 = arith.constant 0 : i32
      %cond3A_281 = arith.cmpi ne, %convert_element_type3A_279, %cond3A_280 : i32
      scf.if %cond3A_281 {
        %add3A_282 = arith.constant 2 : i32
        %add3A_283 = arith.addi %scan3A_184, %add3A_282 : i32
        %mul3A_284 = arith.constant 2 : i32
        %mul3A_285 = arith.muli %add3A_283, %mul3A_284 : i32
        %add3A_286 = arith.addi %mul3A_2, %mul3A_285 : i32
        %dma_start3A_287 = arith.constant 0 : i32
        %dma_start3A_288 = arith.constant 0 : i32
        %dma_start3A_289 = arith.constant 0 : i32
        %dma_start3A_290 = tpu.memref_slice %arg7[%rem3A_185, %dma_start3A_287, %dma_start3A_288, %dma_start3A_289] : memref<2x2x2x128xi32, #tpu.memory_space<vmem>> -> memref<1x2x2x128xi32, #tpu.memory_space<vmem>>
        %dma_start3A_291 = tpu.memref_squeeze %dma_start3A_290 : memref<1x2x2x128xi32, #tpu.memory_space<vmem>> -> memref<2x2x128xi32, #tpu.memory_space<vmem>>
        %dma_start3A_292 = arith.constant 0 : i32
        %dma_start3A_293 = arith.constant 0 : i32
        %dma_start3A_294 = tpu.memref_slice %arg4[%add3A_286, %dma_start3A_292, %dma_start3A_293] : memref<6272x2x128xi32, #tpu.memory_space<hbm>> -> memref<2x2x128xi32, #tpu.memory_space<hbm>>
        %dma_start3A_295 = tpu.memref_slice %arg11[%rem3A_185] : memref<2x!tpu.dma_semaphore, #tpu.memory_space<semaphore_mem>> -> memref<1x!tpu.dma_semaphore, #tpu.memory_space<semaphore_mem>>
        %dma_start3A_296 = tpu.memref_squeeze %dma_start3A_295 : memref<1x!tpu.dma_semaphore, #tpu.memory_space<semaphore_mem>> -> memref<!tpu.dma_semaphore, #tpu.memory_space<semaphore_mem>>
        %dma_start3A_297 = arith.constant 0 : i32
        %dma_start3A_298 = arith.constant 0 : i32
        %dma_start3A_299 = arith.constant 0 : i32
        %dma_start3A_300 = tpu.memref_slice %arg7[%rem3A_185, %dma_start3A_297, %dma_start3A_298, %dma_start3A_299] : memref<2x2x2x128xi32, #tpu.memory_space<vmem>> -> memref<1x2x2x128xi32, #tpu.memory_space<vmem>>
        %dma_start3A_301 = tpu.memref_squeeze %dma_start3A_300 : memref<1x2x2x128xi32, #tpu.memory_space<vmem>> -> memref<2x2x128xi32, #tpu.memory_space<vmem>>
        %dma_start3A_302 = arith.constant 0 : i32
        %dma_start3A_303 = arith.constant 0 : i32
        %dma_start3A_304 = tpu.memref_slice %arg4[%add3A_286, %dma_start3A_302, %dma_start3A_303] : memref<6272x2x128xi32, #tpu.memory_space<hbm>> -> memref<2x2x128xi32, #tpu.memory_space<hbm>>
        tpu.enqueue_dma source(%dma_start3A_304 : memref<2x2x128xi32, #tpu.memory_space<hbm>>) target(%dma_start3A_301 : memref<2x2x128xi32, #tpu.memory_space<vmem>>) target_semaphore(%dma_start3A_296 : memref<!tpu.dma_semaphore, #tpu.memory_space<semaphore_mem>>)
      } else {
      }
    }
    %scan3A_100 = arith.constant 98 : i32
    %dma_wait3A_101 = arith.constant 0 : i32
    %dma_wait3A_102 = arith.constant 0 : i32
    %dma_wait3A_103 = arith.constant 0 : i32
    %dma_wait3A_104 = arith.constant 0 : i32
    %dma_wait3A_105 = arith.constant 0 : i32
    %dma_wait3A_106 = tpu.memref_slice %arg8[%dma_wait3A_101, %dma_wait3A_102, %dma_wait3A_104, %dma_wait3A_105] : memref<2x2x128x32xf32, #tpu.memory_space<vmem>> -> memref<1x1x128x32xf32, #tpu.memory_space<vmem>>
    %dma_wait3A_107 = tpu.memref_squeeze %dma_wait3A_106 : memref<1x1x128x32xf32, #tpu.memory_space<vmem>> -> memref<128x32xf32, #tpu.memory_space<vmem>>
    %dma_wait3A_108 = arith.constant 0 : i32
    %dma_wait3A_109 = arith.constant 0 : i32
    %dma_wait3A_110 = tpu.memref_slice %arg2[%dma_wait3A_108, %dma_wait3A_109] : memref<50016x32xf32, #tpu.memory_space<hbm>> -> memref<128x32xf32, #tpu.memory_space<hbm>>
    %dma_wait3A_111 = tpu.memref_slice %arg13[%dma_wait3A_103] : memref<2x!tpu.dma_semaphore, #tpu.memory_space<semaphore_mem>> -> memref<1x!tpu.dma_semaphore, #tpu.memory_space<semaphore_mem>>
    %dma_wait3A_112 = tpu.memref_squeeze %dma_wait3A_111 : memref<1x!tpu.dma_semaphore, #tpu.memory_space<semaphore_mem>> -> memref<!tpu.dma_semaphore, #tpu.memory_space<semaphore_mem>>
    %dma_wait3A_113 = arith.constant 0 : i32
    %dma_wait3A_114 = arith.constant 0 : i32
    %dma_wait3A_115 = tpu.memref_slice %arg8[%dma_wait3A_101, %dma_wait3A_102, %dma_wait3A_113, %dma_wait3A_114] : memref<2x2x128x32xf32, #tpu.memory_space<vmem>> -> memref<1x1x128x32xf32, #tpu.memory_space<vmem>>
    %dma_wait3A_116 = tpu.memref_squeeze %dma_wait3A_115 : memref<1x1x128x32xf32, #tpu.memory_space<vmem>> -> memref<128x32xf32, #tpu.memory_space<vmem>>
    %dma_wait3A_117 = arith.constant 0 : i32
    %dma_wait3A_118 = arith.constant 0 : i32
    %dma_wait3A_119 = tpu.memref_slice %arg2[%dma_wait3A_117, %dma_wait3A_118] : memref<50016x32xf32, #tpu.memory_space<hbm>> -> memref<128x32xf32, #tpu.memory_space<hbm>>
    tpu.wait_dma2 semaphore(%dma_wait3A_112 : memref<!tpu.dma_semaphore, #tpu.memory_space<semaphore_mem>>) src(%dma_wait3A_119 : memref<128x32xf32, #tpu.memory_space<hbm>>) dst(%dma_wait3A_116 : memref<128x32xf32, #tpu.memory_space<vmem>>)
    %dma_wait3A_120 = arith.constant 0 : i32
    %dma_wait3A_121 = arith.constant 1 : i32
    %dma_wait3A_122 = arith.constant 0 : i32
    %dma_wait3A_123 = arith.constant 0 : i32
    %dma_wait3A_124 = arith.constant 0 : i32
    %dma_wait3A_125 = tpu.memref_slice %arg8[%dma_wait3A_120, %dma_wait3A_121, %dma_wait3A_123, %dma_wait3A_124] : memref<2x2x128x32xf32, #tpu.memory_space<vmem>> -> memref<1x1x128x32xf32, #tpu.memory_space<vmem>>
    %dma_wait3A_126 = tpu.memref_squeeze %dma_wait3A_125 : memref<1x1x128x32xf32, #tpu.memory_space<vmem>> -> memref<128x32xf32, #tpu.memory_space<vmem>>
    %dma_wait3A_127 = arith.constant 0 : i32
    %dma_wait3A_128 = arith.constant 0 : i32
    %dma_wait3A_129 = tpu.memref_slice %arg2[%dma_wait3A_127, %dma_wait3A_128] : memref<50016x32xf32, #tpu.memory_space<hbm>> -> memref<128x32xf32, #tpu.memory_space<hbm>>
    %dma_wait3A_130 = tpu.memref_slice %arg13[%dma_wait3A_122] : memref<2x!tpu.dma_semaphore, #tpu.memory_space<semaphore_mem>> -> memref<1x!tpu.dma_semaphore, #tpu.memory_space<semaphore_mem>>
    %dma_wait3A_131 = tpu.memref_squeeze %dma_wait3A_130 : memref<1x!tpu.dma_semaphore, #tpu.memory_space<semaphore_mem>> -> memref<!tpu.dma_semaphore, #tpu.memory_space<semaphore_mem>>
    %dma_wait3A_132 = arith.constant 0 : i32
    %dma_wait3A_133 = arith.constant 0 : i32
    %dma_wait3A_134 = tpu.memref_slice %arg8[%dma_wait3A_120, %dma_wait3A_121, %dma_wait3A_132, %dma_wait3A_133] : memref<2x2x128x32xf32, #tpu.memory_space<vmem>> -> memref<1x1x128x32xf32, #tpu.memory_space<vmem>>
    %dma_wait3A_135 = tpu.memref_squeeze %dma_wait3A_134 : memref<1x1x128x32xf32, #tpu.memory_space<vmem>> -> memref<128x32xf32, #tpu.memory_space<vmem>>
    %dma_wait3A_136 = arith.constant 0 : i32
    %dma_wait3A_137 = arith.constant 0 : i32
    %dma_wait3A_138 = tpu.memref_slice %arg2[%dma_wait3A_136, %dma_wait3A_137] : memref<50016x32xf32, #tpu.memory_space<hbm>> -> memref<128x32xf32, #tpu.memory_space<hbm>>
    tpu.wait_dma2 semaphore(%dma_wait3A_131 : memref<!tpu.dma_semaphore, #tpu.memory_space<semaphore_mem>>) src(%dma_wait3A_138 : memref<128x32xf32, #tpu.memory_space<hbm>>) dst(%dma_wait3A_135 : memref<128x32xf32, #tpu.memory_space<vmem>>)
    %dma_wait3A_139 = arith.constant 1 : i32
    %dma_wait3A_140 = arith.constant 0 : i32
    %dma_wait3A_141 = arith.constant 1 : i32
    %dma_wait3A_142 = arith.constant 0 : i32
    %dma_wait3A_143 = arith.constant 0 : i32
    %dma_wait3A_144 = tpu.memref_slice %arg8[%dma_wait3A_139, %dma_wait3A_140, %dma_wait3A_142, %dma_wait3A_143] : memref<2x2x128x32xf32, #tpu.memory_space<vmem>> -> memref<1x1x128x32xf32, #tpu.memory_space<vmem>>
    %dma_wait3A_145 = tpu.memref_squeeze %dma_wait3A_144 : memref<1x1x128x32xf32, #tpu.memory_space<vmem>> -> memref<128x32xf32, #tpu.memory_space<vmem>>
    %dma_wait3A_146 = arith.constant 0 : i32
    %dma_wait3A_147 = arith.constant 0 : i32
    %dma_wait3A_148 = tpu.memref_slice %arg2[%dma_wait3A_146, %dma_wait3A_147] : memref<50016x32xf32, #tpu.memory_space<hbm>> -> memref<128x32xf32, #tpu.memory_space<hbm>>
    %dma_wait3A_149 = tpu.memref_slice %arg13[%dma_wait3A_141] : memref<2x!tpu.dma_semaphore, #tpu.memory_space<semaphore_mem>> -> memref<1x!tpu.dma_semaphore, #tpu.memory_space<semaphore_mem>>
    %dma_wait3A_150 = tpu.memref_squeeze %dma_wait3A_149 : memref<1x!tpu.dma_semaphore, #tpu.memory_space<semaphore_mem>> -> memref<!tpu.dma_semaphore, #tpu.memory_space<semaphore_mem>>
    %dma_wait3A_151 = arith.constant 0 : i32
    %dma_wait3A_152 = arith.constant 0 : i32
    %dma_wait3A_153 = tpu.memref_slice %arg8[%dma_wait3A_139, %dma_wait3A_140, %dma_wait3A_151, %dma_wait3A_152] : memref<2x2x128x32xf32, #tpu.memory_space<vmem>> -> memref<1x1x128x32xf32, #tpu.memory_space<vmem>>
    %dma_wait3A_154 = tpu.memref_squeeze %dma_wait3A_153 : memref<1x1x128x32xf32, #tpu.memory_space<vmem>> -> memref<128x32xf32, #tpu.memory_space<vmem>>
    %dma_wait3A_155 = arith.constant 0 : i32
    %dma_wait3A_156 = arith.constant 0 : i32
    %dma_wait3A_157 = tpu.memref_slice %arg2[%dma_wait3A_155, %dma_wait3A_156] : memref<50016x32xf32, #tpu.memory_space<hbm>> -> memref<128x32xf32, #tpu.memory_space<hbm>>
    tpu.wait_dma2 semaphore(%dma_wait3A_150 : memref<!tpu.dma_semaphore, #tpu.memory_space<semaphore_mem>>) src(%dma_wait3A_157 : memref<128x32xf32, #tpu.memory_space<hbm>>) dst(%dma_wait3A_154 : memref<128x32xf32, #tpu.memory_space<vmem>>)
    %dma_wait3A_158 = arith.constant 1 : i32
    %dma_wait3A_159 = arith.constant 1 : i32
    %dma_wait3A_160 = arith.constant 1 : i32
    %dma_wait3A_161 = arith.constant 0 : i32
    %dma_wait3A_162 = arith.constant 0 : i32
    %dma_wait3A_163 = tpu.memref_slice %arg8[%dma_wait3A_158, %dma_wait3A_159, %dma_wait3A_161, %dma_wait3A_162] : memref<2x2x128x32xf32, #tpu.memory_space<vmem>> -> memref<1x1x128x32xf32, #tpu.memory_space<vmem>>
    %dma_wait3A_164 = tpu.memref_squeeze %dma_wait3A_163 : memref<1x1x128x32xf32, #tpu.memory_space<vmem>> -> memref<128x32xf32, #tpu.memory_space<vmem>>
    %dma_wait3A_165 = arith.constant 0 : i32
    %dma_wait3A_166 = arith.constant 0 : i32
    %dma_wait3A_167 = tpu.memref_slice %arg2[%dma_wait3A_165, %dma_wait3A_166] : memref<50016x32xf32, #tpu.memory_space<hbm>> -> memref<128x32xf32, #tpu.memory_space<hbm>>
    %dma_wait3A_168 = tpu.memref_slice %arg13[%dma_wait3A_160] : memref<2x!tpu.dma_semaphore, #tpu.memory_space<semaphore_mem>> -> memref<1x!tpu.dma_semaphore, #tpu.memory_space<semaphore_mem>>
    %dma_wait3A_169 = tpu.memref_squeeze %dma_wait3A_168 : memref<1x!tpu.dma_semaphore, #tpu.memory_space<semaphore_mem>> -> memref<!tpu.dma_semaphore, #tpu.memory_space<semaphore_mem>>
    %dma_wait3A_170 = arith.constant 0 : i32
    %dma_wait3A_171 = arith.constant 0 : i32
    %dma_wait3A_172 = tpu.memref_slice %arg8[%dma_wait3A_158, %dma_wait3A_159, %dma_wait3A_170, %dma_wait3A_171] : memref<2x2x128x32xf32, #tpu.memory_space<vmem>> -> memref<1x1x128x32xf32, #tpu.memory_space<vmem>>
    %dma_wait3A_173 = tpu.memref_squeeze %dma_wait3A_172 : memref<1x1x128x32xf32, #tpu.memory_space<vmem>> -> memref<128x32xf32, #tpu.memory_space<vmem>>
    %dma_wait3A_174 = arith.constant 0 : i32
    %dma_wait3A_175 = arith.constant 0 : i32
    %dma_wait3A_176 = tpu.memref_slice %arg2[%dma_wait3A_174, %dma_wait3A_175] : memref<50016x32xf32, #tpu.memory_space<hbm>> -> memref<128x32xf32, #tpu.memory_space<hbm>>
    tpu.wait_dma2 semaphore(%dma_wait3A_169 : memref<!tpu.dma_semaphore, #tpu.memory_space<semaphore_mem>>) src(%dma_wait3A_176 : memref<128x32xf32, #tpu.memory_space<hbm>>) dst(%dma_wait3A_173 : memref<128x32xf32, #tpu.memory_space<vmem>>)
    %barrier3A_177 = arith.constant 0 : index
    tpu.barrier barrier_id(%barrier3A_177)
    %scan3A_178 = arith.constant 0 : i32
    %scan3A_179 = arith.constant 0 : i32
    %scan3A_180 = arith.constant 8 : i32
    %scan3A_181 = arith.addi %scan3A_179, %scan3A_180 : i32
    %scan3A_182 = arith.constant 1 : i32
    scf.for %scan3A_184 = %scan3A_179 to %scan3A_181 step %scan3A_182  : i32 {
      %mul3A_185 = arith.constant 3152 : i32
      %mul3A_186 = arith.muli %arg1, %mul3A_185 : i32
      %mul3A_187 = arith.constant 394 : i32
      %mul3A_188 = arith.muli %scan3A_184, %mul3A_187 : i32
      %add3A_189 = arith.addi %mul3A_186, %mul3A_188 : i32
      "tpu.region"() ({
        %run_scoped3A = tpu.sem_alloc : memref<!tpu.dma_semaphore, #tpu.memory_space<semaphore_mem>>
        %dma_start3A_200 = arith.constant 0 : i32
        %dma_start3A_201 = tpu.memref_slice %arg10[%add3A_189, %dma_start3A_200] : memref<50432x32xf32, #tpu.memory_space<vmem_shared>> -> memref<394x32xf32, #tpu.memory_space<vmem_shared>>
        %dma_start3A_202 = arith.constant 0 : i32
        %dma_start3A_203 = tpu.memref_slice %arg10[%add3A_189, %dma_start3A_202] : memref<50432x32xf32, #tpu.memory_space<vmem_shared>> -> memref<394x32xf32, #tpu.memory_space<vmem_shared>>
        tpu.enqueue_dma source(%dma_start3A_203 : memref<394x32xf32, #tpu.memory_space<vmem_shared>>) target(%arg9 : memref<394x32xf32, #tpu.memory_space<vmem>>) target_semaphore(%run_scoped3A : memref<!tpu.dma_semaphore, #tpu.memory_space<semaphore_mem>>)
        %dma_wait3A_204 = arith.constant 0 : i32
        %dma_wait3A_205 = tpu.memref_slice %arg10[%add3A_189, %dma_wait3A_204] : memref<50432x32xf32, #tpu.memory_space<vmem_shared>> -> memref<394x32xf32, #tpu.memory_space<vmem_shared>>
        %dma_wait3A_206 = arith.constant 0 : i32
        %dma_wait3A_207 = tpu.memref_slice %arg10[%add3A_189, %dma_wait3A_206] : memref<50432x32xf32, #tpu.memory_space<vmem_shared>> -> memref<394x32xf32, #tpu.memory_space<vmem_shared>>
        tpu.wait_dma2 semaphore(%run_scoped3A : memref<!tpu.dma_semaphore, #tpu.memory_space<semaphore_mem>>) src(%dma_wait3A_207 : memref<394x32xf32, #tpu.memory_space<vmem_shared>>) dst(%arg9 : memref<394x32xf32, #tpu.memory_space<vmem>>)
        tpu.yield
      }) : () -> ()
      %eq3A_190 = arith.constant 0 : i32
      %eq3A_191 = arith.cmpi eq, %arg0, %eq3A_190 : i32
      %convert_element_type3A_192 = arith.extui %eq3A_191 : i1 to i32
      %cond3A_193 = arith.constant 0 : i32
      %cond3A_194 = arith.cmpi ne, %convert_element_type3A_192, %cond3A_193 : i32
      scf.if %cond3A_194 {
        "tpu.region"() ({
          %run_scoped3A = tpu.sem_alloc : memref<!tpu.dma_semaphore, #tpu.memory_space<semaphore_mem>>
          %dma_start3A_200 = arith.constant 0 : i32
          %dma_start3A_201 = tpu.memref_slice %arg5[%add3A_189, %dma_start3A_200] : memref<50432x32xf32, #tpu.memory_space<hbm>> -> memref<394x32xf32, #tpu.memory_space<hbm>>
          %dma_start3A_202 = arith.constant 0 : i32
          %dma_start3A_203 = tpu.memref_slice %arg5[%add3A_189, %dma_start3A_202] : memref<50432x32xf32, #tpu.memory_space<hbm>> -> memref<394x32xf32, #tpu.memory_space<hbm>>
          tpu.enqueue_dma source(%arg9 : memref<394x32xf32, #tpu.memory_space<vmem>>) target(%dma_start3A_203 : memref<394x32xf32, #tpu.memory_space<hbm>>) target_semaphore(%run_scoped3A : memref<!tpu.dma_semaphore, #tpu.memory_space<semaphore_mem>>)
          %dma_wait3A_204 = arith.constant 0 : i32
          %dma_wait3A_205 = tpu.memref_slice %arg5[%add3A_189, %dma_wait3A_204] : memref<50432x32xf32, #tpu.memory_space<hbm>> -> memref<394x32xf32, #tpu.memory_space<hbm>>
          %dma_wait3A_206 = arith.constant 0 : i32
          %dma_wait3A_207 = tpu.memref_slice %arg5[%add3A_189, %dma_wait3A_206] : memref<50432x32xf32, #tpu.memory_space<hbm>> -> memref<394x32xf32, #tpu.memory_space<hbm>>
          tpu.wait_dma2 semaphore(%run_scoped3A : memref<!tpu.dma_semaphore, #tpu.memory_space<semaphore_mem>>) src(%arg9 : memref<394x32xf32, #tpu.memory_space<vmem>>) dst(%dma_wait3A_207 : memref<394x32xf32, #tpu.memory_space<hbm>>)
          tpu.yield
        }) : () -> ()
      } else {
      }
      %eq3A_195 = arith.constant 1 : i32
      %eq3A_196 = arith.cmpi eq, %arg0, %eq3A_195 : i32
      %convert_element_type3A_197 = arith.extui %eq3A_196 : i1 to i32
      %cond3A_198 = arith.constant 0 : i32
      %cond3A_199 = arith.cmpi ne, %convert_element_type3A_197, %cond3A_198 : i32
      scf.if %cond3A_199 {
        "tpu.region"() ({
          %run_scoped3A = tpu.sem_alloc : memref<!tpu.dma_semaphore, #tpu.memory_space<semaphore_mem>>
          %dma_start3A_200 = arith.constant 0 : i32
          %dma_start3A_201 = tpu.memref_slice %arg6[%add3A_189, %dma_start3A_200] : memref<50432x32xf32, #tpu.memory_space<hbm>> -> memref<394x32xf32, #tpu.memory_space<hbm>>
          %dma_start3A_202 = arith.constant 0 : i32
          %dma_start3A_203 = tpu.memref_slice %arg6[%add3A_189, %dma_start3A_202] : memref<50432x32xf32, #tpu.memory_space<hbm>> -> memref<394x32xf32, #tpu.memory_space<hbm>>
          tpu.enqueue_dma source(%arg9 : memref<394x32xf32, #tpu.memory_space<vmem>>) target(%dma_start3A_203 : memref<394x32xf32, #tpu.memory_space<hbm>>) target_semaphore(%run_scoped3A : memref<!tpu.dma_semaphore, #tpu.memory_space<semaphore_mem>>)
          %dma_wait3A_204 = arith.constant 0 : i32
          %dma_wait3A_205 = tpu.memref_slice %arg6[%add3A_189, %dma_wait3A_204] : memref<50432x32xf32, #tpu.memory_space<hbm>> -> memref<394x32xf32, #tpu.memory_space<hbm>>
          %dma_wait3A_206 = arith.constant 0 : i32
          %dma_wait3A_207 = tpu.memref_slice %arg6[%add3A_189, %dma_wait3A_206] : memref<50432x32xf32, #tpu.memory_space<hbm>> -> memref<394x32xf32, #tpu.memory_space<hbm>>
          tpu.wait_dma2 semaphore(%run_scoped3A : memref<!tpu.dma_semaphore, #tpu.memory_space<semaphore_mem>>) src(%arg9 : memref<394x32xf32, #tpu.memory_space<vmem>>) dst(%dma_wait3A_207 : memref<394x32xf32, #tpu.memory_space<hbm>>)
          tpu.yield
        }) : () -> ()
      } else {
      }
    }
    %scan3A_183 = arith.constant 8 : i32
    return
  }
}

module attributes {stable_mosaic.version = 14 : i64} {
  func.func @_idx_body(%arg0: i32, %arg1: memref<2x16384xi32, #tpu.memory_space<vmem>>, %arg2: memref<128x2x128xi32, #tpu.memory_space<vmem>>) attributes {dimension_semantics = [#tpu.dimension_semantics<arbitrary>], iteration_bounds = array<i64: 49>, scalar_prefetch = 0 : i64, scratch_operands = 0 : i64, tpu.core_type = #tpu.core_type<tc>, window_params = [{transform_indices = @transform_0, window_bounds = array<i64: 2, 16384>}, {transform_indices = @transform_1, window_bounds = array<i64: 128, 2, 128>}]} {
    %mul3A = arith.constant 16384 : i32
    %mul3A_0 = arith.muli %arg0, %mul3A : i32
    %iota3A = tpu.iota {dimensions = array<i32: 1>} : vector<2x16384xi32>
    %add3A = vector.broadcast %mul3A_0 : i32 to vector<2x16384xi32>
    %add3A_1 = arith.addi %add3A, %iota3A : vector<2x16384xi32>
    %lt3A = arith.constant 800000 : i32
    %lt3A_2 = vector.broadcast %lt3A : i32 to vector<2x16384xi32>
    %lt3A_3 = arith.cmpi slt, %add3A_1, %lt3A_2 : vector<2x16384xi32>
    %get3A = arith.constant 0 : index
    %get3A_4 = arith.constant 0 : index
    %get3A_5 = vector.load %arg1[%get3A, %get3A_4] : memref<2x16384xi32, #tpu.memory_space<vmem>>, vector<2x16384xi32>
    %jit3A = arith.constant 50000 : i32
    %broadcast_in_dim3A = vector.broadcast %jit3A : i32 to vector<2x16384xi32>
    %select_n3A = arith.select %lt3A_3, %get3A_5, %broadcast_in_dim3A : vector<2x16384xi1>, vector<2x16384xi32>
    %reshape3A = vector.shape_cast %select_n3A : vector<2x16384xi32> to vector<2x128x128xi32>
    %transpose3A = tpu.transpose %reshape3A, [1, 0, 2] : vector<2x128x128xi32> -> vector<128x2x128xi32>
    %swap3A = arith.constant 0 : index
    %swap3A_6 = arith.constant 0 : index
    %swap3A_7 = arith.constant 0 : index
    %swap3A_8 = vector.load %arg2[%swap3A, %swap3A_6, %swap3A_7] : memref<128x2x128xi32, #tpu.memory_space<vmem>>, vector<128x2x128xi32>
    tpu.vector_store %arg2[%swap3A, %swap3A_6, %swap3A_7], %transpose3A {strides = array<i32>} : memref<128x2x128xi32, #tpu.memory_space<vmem>>, vector<128x2x128xi32>,
    return
  }
  func.func @transform_0(%arg0: i32) -> (i32, i32) {
    %c0_i32 = arith.constant 0 : i32
    %c0_i32_0 = arith.constant 0 : i32
    return %c0_i32, %arg0 : i32, i32
  }
  func.func @transform_1(%arg0: i32) -> (i32, i32, i32) {
    %c0_i32 = arith.constant 0 : i32
    %c0_i32_0 = arith.constant 0 : i32
    %c0_i32_1 = arith.constant 0 : i32
    return %arg0, %c0_i32, %c0_i32_0 : i32, i32, i32
  }
}

module attributes {stable_mosaic.version = 14 : i64} {
  func.func @_y1_body(%arg0: i32, %arg1: memref<1x1x512xf32, #tpu.memory_space<vmem>>, %arg2: memref<1x1x512xf32, #tpu.memory_space<vmem>>, %arg3: memref<1x1x512xf32, #tpu.memory_space<vmem>>, %arg4: memref<1x1x512xf32, #tpu.memory_space<vmem>>, %arg5: memref<512x256xf32, #tpu.memory_space<vmem>>, %arg6: memref<256x128xf32, #tpu.memory_space<vmem>>, %arg7: memref<256x128xf32, #tpu.memory_space<vmem>>, %arg8: memref<512x128xf32, #tpu.memory_space<vmem>>, %arg9: memref<512x128xf32, #tpu.memory_space<vmem>>) attributes {dimension_semantics = [#tpu.dimension_semantics<arbitrary>], iteration_bounds = array<i64: 25>, scalar_prefetch = 0 : i64, scratch_operands = 0 : i64, tpu.core_type = #tpu.core_type<tc>, window_params = [{transform_indices = @transform_0, window_bounds = array<i64: 1, 1, 512>}, {transform_indices = @transform_1, window_bounds = array<i64: 1, 1, 512>}, {transform_indices = @transform_2, window_bounds = array<i64: 1, 1, 512>}, {transform_indices = @transform_3, window_bounds = array<i64: 1, 1, 512>}, {transform_indices = @transform_4, window_bounds = array<i64: 512, 256>}, {pipeline_mode = #tpu.pipeline_mode<synchronous>, transform_indices = @transform_5, window_bounds = array<i64: 256, 128>}, {pipeline_mode = #tpu.pipeline_mode<synchronous>, transform_indices = @transform_6, window_bounds = array<i64: 256, 128>}, {transform_indices = @transform_7, window_bounds = array<i64: 512, 128>}, {transform_indices = @transform_8, window_bounds = array<i64: 512, 128>}]} {
    %get3A = arith.constant 0 : index
    %get3A_0 = arith.constant 0 : index
    %get3A_1 = arith.constant 0 : index
    %get3A_2 = vector.load %arg1[%get3A, %get3A_0, %get3A_1] : memref<1x1x512xf32, #tpu.memory_space<vmem>>, vector<1x1x512xf32>
    %squeeze3A = vector.shape_cast %get3A_2 : vector<1x1x512xf32> to vector<1x512xf32>
    %add3A = arith.constant 1.000000e+00 : f32
    %add3A_3 = vector.broadcast %add3A : f32 to vector<1x512xf32>
    %add3A_4 = arith.addf %squeeze3A, %add3A_3 : vector<1x512xf32>
    %rsqrt3A = math.rsqrt %add3A_4 : vector<1x512xf32>
    %mul3A = arith.constant 5.000000e-01 : f32
    %mul3A_5 = vector.broadcast %mul3A : f32 to vector<1x512xf32>
    %mul3A_6 = arith.mulf %mul3A_5, %add3A_4 : vector<1x512xf32>
    %mul3A_7 = arith.mulf %mul3A_6, %rsqrt3A : vector<1x512xf32>
    %mul3A_8 = arith.mulf %mul3A_7, %rsqrt3A : vector<1x512xf32>
    %sub3A = arith.constant 1.500000e+00 : f32
    %sub3A_9 = vector.broadcast %sub3A : f32 to vector<1x512xf32>
    %sub3A_10 = arith.subf %sub3A_9, %mul3A_8 : vector<1x512xf32>
    %mul3A_11 = arith.mulf %rsqrt3A, %sub3A_10 : vector<1x512xf32>
    %transpose3A = tpu.transpose %mul3A_11, [1, 0] : vector<1x512xf32> -> vector<512x1xf32>
    %broadcast_in_dim3A = vector.shape_cast %transpose3A : vector<512x1xf32> to vector<512x1xf32>
    %broadcast_in_dim3A_12 = vector.broadcast %broadcast_in_dim3A : vector<512x1xf32> to vector<512x32xf32>
    %get3A_13 = arith.constant 0 : index
    %get3A_14 = arith.constant 0 : index
    %get3A_15 = arith.constant 0 : index
    %get3A_16 = vector.load %arg2[%get3A_13, %get3A_14, %get3A_15] : memref<1x1x512xf32, #tpu.memory_space<vmem>>, vector<1x1x512xf32>
    %squeeze3A_17 = vector.shape_cast %get3A_16 : vector<1x1x512xf32> to vector<1x512xf32>
    %add3A_18 = arith.constant 1.000000e+00 : f32
    %add3A_19 = vector.broadcast %add3A_18 : f32 to vector<1x512xf32>
    %add3A_20 = arith.addf %squeeze3A_17, %add3A_19 : vector<1x512xf32>
    %rsqrt3A_21 = math.rsqrt %add3A_20 : vector<1x512xf32>
    %mul3A_22 = arith.constant 5.000000e-01 : f32
    %mul3A_23 = vector.broadcast %mul3A_22 : f32 to vector<1x512xf32>
    %mul3A_24 = arith.mulf %mul3A_23, %add3A_20 : vector<1x512xf32>
    %mul3A_25 = arith.mulf %mul3A_24, %rsqrt3A_21 : vector<1x512xf32>
    %mul3A_26 = arith.mulf %mul3A_25, %rsqrt3A_21 : vector<1x512xf32>
    %sub3A_27 = arith.constant 1.500000e+00 : f32
    %sub3A_28 = vector.broadcast %sub3A_27 : f32 to vector<1x512xf32>
    %sub3A_29 = arith.subf %sub3A_28, %mul3A_26 : vector<1x512xf32>
    %mul3A_30 = arith.mulf %rsqrt3A_21, %sub3A_29 : vector<1x512xf32>
    %transpose3A_31 = tpu.transpose %mul3A_30, [1, 0] : vector<1x512xf32> -> vector<512x1xf32>
    %broadcast_in_dim3A_32 = vector.shape_cast %transpose3A_31 : vector<512x1xf32> to vector<512x1xf32>
    %broadcast_in_dim3A_33 = vector.broadcast %broadcast_in_dim3A_32 : vector<512x1xf32> to vector<512x32xf32>
    %get3A_34 = arith.constant 0 : index
    %get3A_35 = arith.constant 0 : index
    %get3A_36 = arith.constant 0 : index
    %get3A_37 = vector.load %arg3[%get3A_34, %get3A_35, %get3A_36] : memref<1x1x512xf32, #tpu.memory_space<vmem>>, vector<1x1x512xf32>
    %squeeze3A_38 = vector.shape_cast %get3A_37 : vector<1x1x512xf32> to vector<1x512xf32>
    %add3A_39 = arith.constant 1.000000e+00 : f32
    %add3A_40 = vector.broadcast %add3A_39 : f32 to vector<1x512xf32>
    %add3A_41 = arith.addf %squeeze3A_38, %add3A_40 : vector<1x512xf32>
    %rsqrt3A_42 = math.rsqrt %add3A_41 : vector<1x512xf32>
    %mul3A_43 = arith.constant 5.000000e-01 : f32
    %mul3A_44 = vector.broadcast %mul3A_43 : f32 to vector<1x512xf32>
    %mul3A_45 = arith.mulf %mul3A_44, %add3A_41 : vector<1x512xf32>
    %mul3A_46 = arith.mulf %mul3A_45, %rsqrt3A_42 : vector<1x512xf32>
    %mul3A_47 = arith.mulf %mul3A_46, %rsqrt3A_42 : vector<1x512xf32>
    %sub3A_48 = arith.constant 1.500000e+00 : f32
    %sub3A_49 = vector.broadcast %sub3A_48 : f32 to vector<1x512xf32>
    %sub3A_50 = arith.subf %sub3A_49, %mul3A_47 : vector<1x512xf32>
    %mul3A_51 = arith.mulf %rsqrt3A_42, %sub3A_50 : vector<1x512xf32>
    %transpose3A_52 = tpu.transpose %mul3A_51, [1, 0] : vector<1x512xf32> -> vector<512x1xf32>
    %broadcast_in_dim3A_53 = vector.shape_cast %transpose3A_52 : vector<512x1xf32> to vector<512x1xf32>
    %broadcast_in_dim3A_54 = vector.broadcast %broadcast_in_dim3A_53 : vector<512x1xf32> to vector<512x32xf32>
    %get3A_55 = arith.constant 0 : index
    %get3A_56 = arith.constant 0 : index
    %get3A_57 = arith.constant 0 : index
    %get3A_58 = vector.load %arg4[%get3A_55, %get3A_56, %get3A_57] : memref<1x1x512xf32, #tpu.memory_space<vmem>>, vector<1x1x512xf32>
    %squeeze3A_59 = vector.shape_cast %get3A_58 : vector<1x1x512xf32> to vector<1x512xf32>
    %add3A_60 = arith.constant 1.000000e+00 : f32
    %add3A_61 = vector.broadcast %add3A_60 : f32 to vector<1x512xf32>
    %add3A_62 = arith.addf %squeeze3A_59, %add3A_61 : vector<1x512xf32>
    %rsqrt3A_63 = math.rsqrt %add3A_62 : vector<1x512xf32>
    %mul3A_64 = arith.constant 5.000000e-01 : f32
    %mul3A_65 = vector.broadcast %mul3A_64 : f32 to vector<1x512xf32>
    %mul3A_66 = arith.mulf %mul3A_65, %add3A_62 : vector<1x512xf32>
    %mul3A_67 = arith.mulf %mul3A_66, %rsqrt3A_63 : vector<1x512xf32>
    %mul3A_68 = arith.mulf %mul3A_67, %rsqrt3A_63 : vector<1x512xf32>
    %sub3A_69 = arith.constant 1.500000e+00 : f32
    %sub3A_70 = vector.broadcast %sub3A_69 : f32 to vector<1x512xf32>
    %sub3A_71 = arith.subf %sub3A_70, %mul3A_68 : vector<1x512xf32>
    %mul3A_72 = arith.mulf %rsqrt3A_63, %sub3A_71 : vector<1x512xf32>
    %transpose3A_73 = tpu.transpose %mul3A_72, [1, 0] : vector<1x512xf32> -> vector<512x1xf32>
    %broadcast_in_dim3A_74 = vector.shape_cast %transpose3A_73 : vector<512x1xf32> to vector<512x1xf32>
    %broadcast_in_dim3A_75 = vector.broadcast %broadcast_in_dim3A_74 : vector<512x1xf32> to vector<512x32xf32>
    %concatenate3A = tpu.concatenate %broadcast_in_dim3A_12, %broadcast_in_dim3A_33, %broadcast_in_dim3A_54, %broadcast_in_dim3A_75 in 1 : vector<512x32xf32>, vector<512x32xf32>, vector<512x32xf32>, vector<512x32xf32> -> vector<512x128xf32>
    %get3A_76 = arith.constant 0 : index
    %get3A_77 = arith.constant 0 : index
    %get3A_78 = vector.load %arg5[%get3A_76, %get3A_77] : memref<512x256xf32, #tpu.memory_space<vmem>>, vector<512x256xf32>
    %get3A_79 = arith.constant 0 : index
    %get3A_80 = arith.constant 0 : index
    %get3A_81 = vector.load %arg6[%get3A_79, %get3A_80] : memref<256x128xf32, #tpu.memory_space<vmem>>, vector<256x128xf32>
    %dot_general3A = arith.constant dense<0.000000e+00> : vector<512x128xf32>
    %dot_general3A_82 = tpu.matmul %get3A_78, %get3A_81, %dot_general3A {dimension_numbers = #tpu.dot_dimension_numbers<[1], [0], [0], [1], [0, 0, 1, 1], [], []>, precision = #tpu.contract_precision<fp32>, transpose_lhs_hint = false} : vector<512x256xf32>, vector<256x128xf32>, vector<512x128xf32> -> vector<512x128xf32>
    %mul3A_83 = arith.mulf %concatenate3A, %dot_general3A_82 : vector<512x128xf32>
    %swap3A = arith.constant 0 : index
    %swap3A_84 = arith.constant 0 : index
    %swap3A_85 = vector.load %arg8[%swap3A, %swap3A_84] : memref<512x128xf32, #tpu.memory_space<vmem>>, vector<512x128xf32>
    tpu.vector_store %arg8[%swap3A, %swap3A_84], %mul3A_83 {strides = array<i32>} : memref<512x128xf32, #tpu.memory_space<vmem>>, vector<512x128xf32>,
    %get3A_86 = arith.constant 0 : index
    %get3A_87 = arith.constant 0 : index
    %get3A_88 = vector.load %arg7[%get3A_86, %get3A_87] : memref<256x128xf32, #tpu.memory_space<vmem>>, vector<256x128xf32>
    %dot_general3A_89 = arith.constant dense<0.000000e+00> : vector<512x128xf32>
    %dot_general3A_90 = tpu.matmul %get3A_78, %get3A_88, %dot_general3A_89 {dimension_numbers = #tpu.dot_dimension_numbers<[1], [0], [0], [1], [0, 0, 1, 1], [], []>, precision = #tpu.contract_precision<fp32>, transpose_lhs_hint = false} : vector<512x256xf32>, vector<256x128xf32>, vector<512x128xf32> -> vector<512x128xf32>
    %mul3A_91 = arith.mulf %concatenate3A, %dot_general3A_90 : vector<512x128xf32>
    %swap3A_92 = arith.constant 0 : index
    %swap3A_93 = arith.constant 0 : index
    %swap3A_94 = vector.load %arg9[%swap3A_92, %swap3A_93] : memref<512x128xf32, #tpu.memory_space<vmem>>, vector<512x128xf32>
    tpu.vector_store %arg9[%swap3A_92, %swap3A_93], %mul3A_91 {strides = array<i32>} : memref<512x128xf32, #tpu.memory_space<vmem>>, vector<512x128xf32>,
    return
  }
  func.func @transform_0(%arg0: i32) -> (i32, i32, i32) {
    %c0_i32 = arith.constant 0 : i32
    %c0_i32_0 = arith.constant 0 : i32
    %c0_i32_1 = arith.constant 0 : i32
    return %arg0, %c0_i32, %c0_i32_0 : i32, i32, i32
  }
  func.func @transform_1(%arg0: i32) -> (i32, i32, i32) {
    %c0_i32 = arith.constant 0 : i32
    %c0_i32_0 = arith.constant 0 : i32
    %c0_i32_1 = arith.constant 0 : i32
    return %arg0, %c0_i32, %c0_i32_0 : i32, i32, i32
  }
  func.func @transform_2(%arg0: i32) -> (i32, i32, i32) {
    %c0_i32 = arith.constant 0 : i32
    %c0_i32_0 = arith.constant 0 : i32
    %c0_i32_1 = arith.constant 0 : i32
    return %arg0, %c0_i32, %c0_i32_0 : i32, i32, i32
  }
  func.func @transform_3(%arg0: i32) -> (i32, i32, i32) {
    %c0_i32 = arith.constant 0 : i32
    %c0_i32_0 = arith.constant 0 : i32
    %c0_i32_1 = arith.constant 0 : i32
    return %arg0, %c0_i32, %c0_i32_0 : i32, i32, i32
  }
  func.func @transform_4(%arg0: i32) -> (i32, i32) {
    %c0_i32 = arith.constant 0 : i32
    %c0_i32_0 = arith.constant 0 : i32
    return %arg0, %c0_i32 : i32, i32
  }
  func.func @transform_5(%arg0: i32) -> (i32, i32) {
    %c0_i32 = arith.constant 0 : i32
    %c0_i32_0 = arith.constant 0 : i32
    %c0_i32_1 = arith.constant 0 : i32
    return %c0_i32, %c0_i32_0 : i32, i32
  }
  func.func @transform_6(%arg0: i32) -> (i32, i32) {
    %c0_i32 = arith.constant 0 : i32
    %c0_i32_0 = arith.constant 0 : i32
    %c0_i32_1 = arith.constant 0 : i32
    return %c0_i32, %c0_i32_0 : i32, i32
  }
  func.func @transform_7(%arg0: i32) -> (i32, i32) {
    %c0_i32 = arith.constant 0 : i32
    %c0_i32_0 = arith.constant 0 : i32
    return %arg0, %c0_i32 : i32, i32
  }
  func.func @transform_8(%arg0: i32) -> (i32, i32) {
    %c0_i32 = arith.constant 0 : i32
    %c0_i32_0 = arith.constant 0 : i32
    return %arg0, %c0_i32 : i32, i32
  }
}

module attributes {stable_mosaic.version = 14 : i64} {
  func.func @_y2_body(%arg0: i32, %arg1: memref<1x1x512xf32, #tpu.memory_space<vmem>>, %arg2: memref<1x1x512xf32, #tpu.memory_space<vmem>>, %arg3: memref<1x1x512xf32, #tpu.memory_space<vmem>>, %arg4: memref<1x1x512xf32, #tpu.memory_space<vmem>>, %arg5: memref<512x128xf32, #tpu.memory_space<vmem>>, %arg6: memref<512x128xf32, #tpu.memory_space<vmem>>, %arg7: memref<512x128xf32, #tpu.memory_space<vmem>>, %arg8: memref<512x128xf32, #tpu.memory_space<vmem>>, %arg9: memref<1x128xf32, #tpu.memory_space<vmem>>, %arg10: memref<1x128xf32, #tpu.memory_space<vmem>>, %arg11: memref<512x128xf32, #tpu.memory_space<vmem>>, %arg12: memref<512x128xf32, #tpu.memory_space<vmem>>) attributes {dimension_semantics = [#tpu.dimension_semantics<arbitrary>], iteration_bounds = array<i64: 25>, scalar_prefetch = 0 : i64, scratch_operands = 0 : i64, tpu.core_type = #tpu.core_type<tc>, window_params = [{transform_indices = @transform_0, window_bounds = array<i64: 1, 1, 512>}, {transform_indices = @transform_1, window_bounds = array<i64: 1, 1, 512>}, {transform_indices = @transform_2, window_bounds = array<i64: 1, 1, 512>}, {transform_indices = @transform_3, window_bounds = array<i64: 1, 1, 512>}, {transform_indices = @transform_4, window_bounds = array<i64: 512, 128>}, {transform_indices = @transform_5, window_bounds = array<i64: 512, 128>}, {transform_indices = @transform_6, window_bounds = array<i64: 512, 128>}, {transform_indices = @transform_7, window_bounds = array<i64: 512, 128>}, {pipeline_mode = #tpu.pipeline_mode<synchronous>, transform_indices = @transform_8, window_bounds = array<i64: 1, 128>}, {pipeline_mode = #tpu.pipeline_mode<synchronous>, transform_indices = @transform_9, window_bounds = array<i64: 1, 128>}, {transform_indices = @transform_10, window_bounds = array<i64: 512, 128>}, {transform_indices = @transform_11, window_bounds = array<i64: 512, 128>}]} {
    %get3A = arith.constant 0 : index
    %get3A_0 = arith.constant 0 : index
    %get3A_1 = arith.constant 0 : index
    %get3A_2 = vector.load %arg1[%get3A, %get3A_0, %get3A_1] : memref<1x1x512xf32, #tpu.memory_space<vmem>>, vector<1x1x512xf32>
    %squeeze3A = vector.shape_cast %get3A_2 : vector<1x1x512xf32> to vector<1x512xf32>
    %add3A = arith.constant 1.000000e+00 : f32
    %add3A_3 = vector.broadcast %add3A : f32 to vector<1x512xf32>
    %add3A_4 = arith.addf %squeeze3A, %add3A_3 : vector<1x512xf32>
    %rsqrt3A = math.rsqrt %add3A_4 : vector<1x512xf32>
    %mul3A = arith.constant 5.000000e-01 : f32
    %mul3A_5 = vector.broadcast %mul3A : f32 to vector<1x512xf32>
    %mul3A_6 = arith.mulf %mul3A_5, %add3A_4 : vector<1x512xf32>
    %mul3A_7 = arith.mulf %mul3A_6, %rsqrt3A : vector<1x512xf32>
    %mul3A_8 = arith.mulf %mul3A_7, %rsqrt3A : vector<1x512xf32>
    %sub3A = arith.constant 1.500000e+00 : f32
    %sub3A_9 = vector.broadcast %sub3A : f32 to vector<1x512xf32>
    %sub3A_10 = arith.subf %sub3A_9, %mul3A_8 : vector<1x512xf32>
    %mul3A_11 = arith.mulf %rsqrt3A, %sub3A_10 : vector<1x512xf32>
    %transpose3A = tpu.transpose %mul3A_11, [1, 0] : vector<1x512xf32> -> vector<512x1xf32>
    %broadcast_in_dim3A = vector.shape_cast %transpose3A : vector<512x1xf32> to vector<512x1xf32>
    %broadcast_in_dim3A_12 = vector.broadcast %broadcast_in_dim3A : vector<512x1xf32> to vector<512x32xf32>
    %get3A_13 = arith.constant 0 : index
    %get3A_14 = arith.constant 0 : index
    %get3A_15 = arith.constant 0 : index
    %get3A_16 = vector.load %arg2[%get3A_13, %get3A_14, %get3A_15] : memref<1x1x512xf32, #tpu.memory_space<vmem>>, vector<1x1x512xf32>
    %squeeze3A_17 = vector.shape_cast %get3A_16 : vector<1x1x512xf32> to vector<1x512xf32>
    %add3A_18 = arith.constant 1.000000e+00 : f32
    %add3A_19 = vector.broadcast %add3A_18 : f32 to vector<1x512xf32>
    %add3A_20 = arith.addf %squeeze3A_17, %add3A_19 : vector<1x512xf32>
    %rsqrt3A_21 = math.rsqrt %add3A_20 : vector<1x512xf32>
    %mul3A_22 = arith.constant 5.000000e-01 : f32
    %mul3A_23 = vector.broadcast %mul3A_22 : f32 to vector<1x512xf32>
    %mul3A_24 = arith.mulf %mul3A_23, %add3A_20 : vector<1x512xf32>
    %mul3A_25 = arith.mulf %mul3A_24, %rsqrt3A_21 : vector<1x512xf32>
    %mul3A_26 = arith.mulf %mul3A_25, %rsqrt3A_21 : vector<1x512xf32>
    %sub3A_27 = arith.constant 1.500000e+00 : f32
    %sub3A_28 = vector.broadcast %sub3A_27 : f32 to vector<1x512xf32>
    %sub3A_29 = arith.subf %sub3A_28, %mul3A_26 : vector<1x512xf32>
    %mul3A_30 = arith.mulf %rsqrt3A_21, %sub3A_29 : vector<1x512xf32>
    %transpose3A_31 = tpu.transpose %mul3A_30, [1, 0] : vector<1x512xf32> -> vector<512x1xf32>
    %broadcast_in_dim3A_32 = vector.shape_cast %transpose3A_31 : vector<512x1xf32> to vector<512x1xf32>
    %broadcast_in_dim3A_33 = vector.broadcast %broadcast_in_dim3A_32 : vector<512x1xf32> to vector<512x32xf32>
    %get3A_34 = arith.constant 0 : index
    %get3A_35 = arith.constant 0 : index
    %get3A_36 = arith.constant 0 : index
    %get3A_37 = vector.load %arg3[%get3A_34, %get3A_35, %get3A_36] : memref<1x1x512xf32, #tpu.memory_space<vmem>>, vector<1x1x512xf32>
    %squeeze3A_38 = vector.shape_cast %get3A_37 : vector<1x1x512xf32> to vector<1x512xf32>
    %add3A_39 = arith.constant 1.000000e+00 : f32
    %add3A_40 = vector.broadcast %add3A_39 : f32 to vector<1x512xf32>
    %add3A_41 = arith.addf %squeeze3A_38, %add3A_40 : vector<1x512xf32>
    %rsqrt3A_42 = math.rsqrt %add3A_41 : vector<1x512xf32>
    %mul3A_43 = arith.constant 5.000000e-01 : f32
    %mul3A_44 = vector.broadcast %mul3A_43 : f32 to vector<1x512xf32>
    %mul3A_45 = arith.mulf %mul3A_44, %add3A_41 : vector<1x512xf32>
    %mul3A_46 = arith.mulf %mul3A_45, %rsqrt3A_42 : vector<1x512xf32>
    %mul3A_47 = arith.mulf %mul3A_46, %rsqrt3A_42 : vector<1x512xf32>
    %sub3A_48 = arith.constant 1.500000e+00 : f32
    %sub3A_49 = vector.broadcast %sub3A_48 : f32 to vector<1x512xf32>
    %sub3A_50 = arith.subf %sub3A_49, %mul3A_47 : vector<1x512xf32>
    %mul3A_51 = arith.mulf %rsqrt3A_42, %sub3A_50 : vector<1x512xf32>
    %transpose3A_52 = tpu.transpose %mul3A_51, [1, 0] : vector<1x512xf32> -> vector<512x1xf32>
    %broadcast_in_dim3A_53 = vector.shape_cast %transpose3A_52 : vector<512x1xf32> to vector<512x1xf32>
    %broadcast_in_dim3A_54 = vector.broadcast %broadcast_in_dim3A_53 : vector<512x1xf32> to vector<512x32xf32>
    %get3A_55 = arith.constant 0 : index
    %get3A_56 = arith.constant 0 : index
    %get3A_57 = arith.constant 0 : index
    %get3A_58 = vector.load %arg4[%get3A_55, %get3A_56, %get3A_57] : memref<1x1x512xf32, #tpu.memory_space<vmem>>, vector<1x1x512xf32>
    %squeeze3A_59 = vector.shape_cast %get3A_58 : vector<1x1x512xf32> to vector<1x512xf32>
    %add3A_60 = arith.constant 1.000000e+00 : f32
    %add3A_61 = vector.broadcast %add3A_60 : f32 to vector<1x512xf32>
    %add3A_62 = arith.addf %squeeze3A_59, %add3A_61 : vector<1x512xf32>
    %rsqrt3A_63 = math.rsqrt %add3A_62 : vector<1x512xf32>
    %mul3A_64 = arith.constant 5.000000e-01 : f32
    %mul3A_65 = vector.broadcast %mul3A_64 : f32 to vector<1x512xf32>
    %mul3A_66 = arith.mulf %mul3A_65, %add3A_62 : vector<1x512xf32>
    %mul3A_67 = arith.mulf %mul3A_66, %rsqrt3A_63 : vector<1x512xf32>
    %mul3A_68 = arith.mulf %mul3A_67, %rsqrt3A_63 : vector<1x512xf32>
    %sub3A_69 = arith.constant 1.500000e+00 : f32
    %sub3A_70 = vector.broadcast %sub3A_69 : f32 to vector<1x512xf32>
    %sub3A_71 = arith.subf %sub3A_70, %mul3A_68 : vector<1x512xf32>
    %mul3A_72 = arith.mulf %rsqrt3A_63, %sub3A_71 : vector<1x512xf32>
    %transpose3A_73 = tpu.transpose %mul3A_72, [1, 0] : vector<1x512xf32> -> vector<512x1xf32>
    %broadcast_in_dim3A_74 = vector.shape_cast %transpose3A_73 : vector<512x1xf32> to vector<512x1xf32>
    %broadcast_in_dim3A_75 = vector.broadcast %broadcast_in_dim3A_74 : vector<512x1xf32> to vector<512x32xf32>
    %concatenate3A = tpu.concatenate %broadcast_in_dim3A_12, %broadcast_in_dim3A_33, %broadcast_in_dim3A_54, %broadcast_in_dim3A_75 in 1 : vector<512x32xf32>, vector<512x32xf32>, vector<512x32xf32>, vector<512x32xf32> -> vector<512x128xf32>
    %get3A_76 = arith.constant 0 : index
    %get3A_77 = arith.constant 0 : index
    %get3A_78 = vector.load %arg5[%get3A_76, %get3A_77] : memref<512x128xf32, #tpu.memory_space<vmem>>, vector<512x128xf32>
    %get3A_79 = arith.constant 0 : index
    %get3A_80 = arith.constant 0 : index
    %get3A_81 = vector.load %arg7[%get3A_79, %get3A_80] : memref<512x128xf32, #tpu.memory_space<vmem>>, vector<512x128xf32>
    %add3A_82 = arith.addf %get3A_78, %get3A_81 : vector<512x128xf32>
    %mul3A_83 = arith.mulf %concatenate3A, %add3A_82 : vector<512x128xf32>
    %get3A_84 = arith.constant 0 : index
    %get3A_85 = arith.constant 0 : index
    %get3A_86 = vector.load %arg9[%get3A_84, %get3A_85] : memref<1x128xf32, #tpu.memory_space<vmem>>, vector<1x128xf32>
    %add3A_87 = vector.broadcast %get3A_86 : vector<1x128xf32> to vector<512x128xf32>
    %add3A_88 = arith.addf %mul3A_83, %add3A_87 : vector<512x128xf32>
    %max3A = arith.constant 0.000000e+00 : f32
    %max3A_89 = vector.broadcast %max3A : f32 to vector<512x128xf32>
    %max3A_90 = arith.maximumf %add3A_88, %max3A_89 : vector<512x128xf32>
    %get3A_91 = arith.constant 0 : index
    %get3A_92 = arith.constant 0 : index
    %get3A_93 = vector.load %arg6[%get3A_91, %get3A_92] : memref<512x128xf32, #tpu.memory_space<vmem>>, vector<512x128xf32>
    %get3A_94 = arith.constant 0 : index
    %get3A_95 = arith.constant 0 : index
    %get3A_96 = vector.load %arg8[%get3A_94, %get3A_95] : memref<512x128xf32, #tpu.memory_space<vmem>>, vector<512x128xf32>
    %add3A_97 = arith.addf %get3A_93, %get3A_96 : vector<512x128xf32>
    %mul3A_98 = arith.mulf %concatenate3A, %add3A_97 : vector<512x128xf32>
    %get3A_99 = arith.constant 0 : index
    %get3A_100 = arith.constant 0 : index
    %get3A_101 = vector.load %arg10[%get3A_99, %get3A_100] : memref<1x128xf32, #tpu.memory_space<vmem>>, vector<1x128xf32>
    %add3A_102 = vector.broadcast %get3A_101 : vector<1x128xf32> to vector<512x128xf32>
    %add3A_103 = arith.addf %mul3A_98, %add3A_102 : vector<512x128xf32>
    %max3A_104 = arith.constant 0.000000e+00 : f32
    %max3A_105 = vector.broadcast %max3A_104 : f32 to vector<512x128xf32>
    %max3A_106 = arith.maximumf %add3A_103, %max3A_105 : vector<512x128xf32>
    %mul3A_107 = arith.mulf %concatenate3A, %max3A_90 : vector<512x128xf32>
    %swap3A = arith.constant 0 : index
    %swap3A_108 = arith.constant 0 : index
    %swap3A_109 = vector.load %arg11[%swap3A, %swap3A_108] : memref<512x128xf32, #tpu.memory_space<vmem>>, vector<512x128xf32>
    tpu.vector_store %arg11[%swap3A, %swap3A_108], %mul3A_107 {strides = array<i32>} : memref<512x128xf32, #tpu.memory_space<vmem>>, vector<512x128xf32>,
    %mul3A_110 = arith.mulf %concatenate3A, %max3A_106 : vector<512x128xf32>
    %swap3A_111 = arith.constant 0 : index
    %swap3A_112 = arith.constant 0 : index
    %swap3A_113 = vector.load %arg12[%swap3A_111, %swap3A_112] : memref<512x128xf32, #tpu.memory_space<vmem>>, vector<512x128xf32>
    tpu.vector_store %arg12[%swap3A_111, %swap3A_112], %mul3A_110 {strides = array<i32>} : memref<512x128xf32, #tpu.memory_space<vmem>>, vector<512x128xf32>,
    return
  }
  func.func @transform_0(%arg0: i32) -> (i32, i32, i32) {
    %c0_i32 = arith.constant 0 : i32
    %c0_i32_0 = arith.constant 0 : i32
    %c0_i32_1 = arith.constant 0 : i32
    return %arg0, %c0_i32, %c0_i32_0 : i32, i32, i32
  }
  func.func @transform_1(%arg0: i32) -> (i32, i32, i32) {
    %c0_i32 = arith.constant 0 : i32
    %c0_i32_0 = arith.constant 0 : i32
    %c0_i32_1 = arith.constant 0 : i32
    return %arg0, %c0_i32, %c0_i32_0 : i32, i32, i32
  }
  func.func @transform_2(%arg0: i32) -> (i32, i32, i32) {
    %c0_i32 = arith.constant 0 : i32
    %c0_i32_0 = arith.constant 0 : i32
    %c0_i32_1 = arith.constant 0 : i32
    return %arg0, %c0_i32, %c0_i32_0 : i32, i32, i32
  }
  func.func @transform_3(%arg0: i32) -> (i32, i32, i32) {
    %c0_i32 = arith.constant 0 : i32
    %c0_i32_0 = arith.constant 0 : i32
    %c0_i32_1 = arith.constant 0 : i32
    return %arg0, %c0_i32, %c0_i32_0 : i32, i32, i32
  }
  func.func @transform_4(%arg0: i32) -> (i32, i32) {
    %c0_i32 = arith.constant 0 : i32
    %c0_i32_0 = arith.constant 0 : i32
    return %arg0, %c0_i32 : i32, i32
  }
  func.func @transform_5(%arg0: i32) -> (i32, i32) {
    %c0_i32 = arith.constant 0 : i32
    %c0_i32_0 = arith.constant 0 : i32
    return %arg0, %c0_i32 : i32, i32
  }
  func.func @transform_6(%arg0: i32) -> (i32, i32) {
    %c0_i32 = arith.constant 0 : i32
    %c0_i32_0 = arith.constant 0 : i32
    return %arg0, %c0_i32 : i32, i32
  }
  func.func @transform_7(%arg0: i32) -> (i32, i32) {
    %c0_i32 = arith.constant 0 : i32
    %c0_i32_0 = arith.constant 0 : i32
    return %arg0, %c0_i32 : i32, i32
  }
  func.func @transform_8(%arg0: i32) -> (i32, i32) {
    %c0_i32 = arith.constant 0 : i32
    %c0_i32_0 = arith.constant 0 : i32
    %c0_i32_1 = arith.constant 0 : i32
    return %c0_i32, %c0_i32_0 : i32, i32
  }
  func.func @transform_9(%arg0: i32) -> (i32, i32) {
    %c0_i32 = arith.constant 0 : i32
    %c0_i32_0 = arith.constant 0 : i32
    %c0_i32_1 = arith.constant 0 : i32
    return %c0_i32, %c0_i32_0 : i32, i32
  }
  func.func @transform_10(%arg0: i32) -> (i32, i32) {
    %c0_i32 = arith.constant 0 : i32
    %c0_i32_0 = arith.constant 0 : i32
    return %arg0, %c0_i32 : i32, i32
  }
  func.func @transform_11(%arg0: i32) -> (i32, i32) {
    %c0_i32 = arith.constant 0 : i32
    %c0_i32_0 = arith.constant 0 : i32
    return %arg0, %c0_i32 : i32, i32
  }
}

module attributes {stable_mosaic.version = 14 : i64} {
  func.func @_emb_body(%arg0: memref<512x1x512xf32, #tpu.memory_space<vmem>>, %arg1: memref<512x1024xf32, #tpu.memory_space<vmem>>, %arg2: memref<1x1024xf32, #tpu.memory_space<vmem>>, %arg3: memref<1024x64xf32, #tpu.memory_space<vmem>>, %arg4: memref<1x64xf32, #tpu.memory_space<vmem>>, %arg5: memref<512x64xf32, #tpu.memory_space<vmem>>) attributes {dimension_semantics = [], scalar_prefetch = 0 : i64, scratch_operands = 0 : i64, tpu.core_type = #tpu.core_type<tc>} {
    %get3A = arith.constant 0 : index
    %get3A_0 = arith.constant 0 : index
    %get3A_1 = arith.constant 0 : index
    %get3A_2 = vector.load %arg0[%get3A, %get3A_0, %get3A_1] : memref<512x1x512xf32, #tpu.memory_space<vmem>>, vector<512x1x512xf32>
    %squeeze3A = vector.shape_cast %get3A_2 : vector<512x1x512xf32> to vector<512x512xf32>
    %get3A_3 = arith.constant 0 : index
    %get3A_4 = arith.constant 0 : index
    %get3A_5 = vector.load %arg1[%get3A_3, %get3A_4] : memref<512x1024xf32, #tpu.memory_space<vmem>>, vector<512x1024xf32>
    %dot_general3A = arith.constant dense<0.000000e+00> : vector<512x1024xf32>
    %dot_general3A_6 = tpu.matmul %squeeze3A, %get3A_5, %dot_general3A {dimension_numbers = #tpu.dot_dimension_numbers<[1], [0], [0], [1], [0, 0, 1, 1], [], []>, precision = #tpu.contract_precision<fp32>, transpose_lhs_hint = false} : vector<512x512xf32>, vector<512x1024xf32>, vector<512x1024xf32> -> vector<512x1024xf32>
    %get3A_7 = arith.constant 0 : index
    %get3A_8 = arith.constant 0 : index
    %get3A_9 = vector.load %arg2[%get3A_7, %get3A_8] : memref<1x1024xf32, #tpu.memory_space<vmem>>, vector<1x1024xf32>
    %add3A = vector.broadcast %get3A_9 : vector<1x1024xf32> to vector<512x1024xf32>
    %add3A_10 = arith.addf %dot_general3A_6, %add3A : vector<512x1024xf32>
    %max3A = arith.constant 0.000000e+00 : f32
    %max3A_11 = vector.broadcast %max3A : f32 to vector<512x1024xf32>
    %max3A_12 = arith.maximumf %add3A_10, %max3A_11 : vector<512x1024xf32>
    %get3A_13 = arith.constant 0 : index
    %get3A_14 = arith.constant 0 : index
    %get3A_15 = vector.load %arg3[%get3A_13, %get3A_14] : memref<1024x64xf32, #tpu.memory_space<vmem>>, vector<1024x64xf32>
    %dot_general3A_16 = arith.constant dense<0.000000e+00> : vector<512x64xf32>
    %dot_general3A_17 = tpu.matmul %max3A_12, %get3A_15, %dot_general3A_16 {dimension_numbers = #tpu.dot_dimension_numbers<[1], [0], [0], [1], [0, 0, 1, 1], [], []>, precision = #tpu.contract_precision<fp32>, transpose_lhs_hint = false} : vector<512x1024xf32>, vector<1024x64xf32>, vector<512x64xf32> -> vector<512x64xf32>
    %get3A_18 = arith.constant 0 : index
    %get3A_19 = arith.constant 0 : index
    %get3A_20 = vector.load %arg4[%get3A_18, %get3A_19] : memref<1x64xf32, #tpu.memory_space<vmem>>, vector<1x64xf32>
    %add3A_21 = vector.broadcast %get3A_20 : vector<1x64xf32> to vector<512x64xf32>
    %add3A_22 = arith.addf %dot_general3A_17, %add3A_21 : vector<512x64xf32>
    %swap3A = arith.constant 0 : index
    %swap3A_23 = arith.constant 0 : index
    %swap3A_24 = vector.load %arg5[%swap3A, %swap3A_23] : memref<512x64xf32, #tpu.memory_space<vmem>>, vector<512x64xf32>
    tpu.vector_store %arg5[%swap3A, %swap3A_23], %add3A_22 {strides = array<i32>} : memref<512x64xf32, #tpu.memory_space<vmem>>, vector<512x64xf32>,
    return
  }
}

module attributes {stable_mosaic.version = 14 : i64} {
  func.func @_head_body(%arg0: i32, %arg1: memref<1x1x512xf32, #tpu.memory_space<vmem>>, %arg2: memref<1x1x512xf32, #tpu.memory_space<vmem>>, %arg3: memref<1x1x512xf32, #tpu.memory_space<vmem>>, %arg4: memref<1x1x512xf32, #tpu.memory_space<vmem>>, %arg5: memref<1x1x512xi32, #tpu.memory_space<vmem>>, %arg6: memref<1x1x512xi32, #tpu.memory_space<vmem>>, %arg7: memref<1x1x512xi32, #tpu.memory_space<vmem>>, %arg8: memref<1x1x512xi32, #tpu.memory_space<vmem>>, %arg9: memref<512x128xf32, #tpu.memory_space<vmem>>, %arg10: memref<512x128xf32, #tpu.memory_space<vmem>>, %arg11: memref<512x128xf32, #tpu.memory_space<vmem>>, %arg12: memref<512x128xf32, #tpu.memory_space<vmem>>, %arg13: memref<512x64xf32, #tpu.memory_space<vmem>>, %arg14: memref<64x128xf32, #tpu.memory_space<vmem>>, %arg15: memref<1x128xf32, #tpu.memory_space<vmem>>, %arg16: memref<128x64xf32, #tpu.memory_space<vmem>>, %arg17: memref<1x64xf32, #tpu.memory_space<vmem>>, %arg18: memref<128x64xf32, #tpu.memory_space<vmem>>, %arg19: memref<1x64xf32, #tpu.memory_space<vmem>>, %arg20: memref<64x1xf32, #tpu.memory_space<vmem>>, %arg21: memref<1x1xf32, #tpu.memory_space<vmem>>, %arg22: memref<64x64xf32, #tpu.memory_space<vmem>>, %arg23: memref<1x64xf32, #tpu.memory_space<vmem>>, %arg24: memref<64x1xf32, #tpu.memory_space<vmem>>, %arg25: memref<1x1xf32, #tpu.memory_space<vmem>>, %arg26: memref<512x1xf32, #tpu.memory_space<vmem>>, %arg27: memref<512x64xf32, #tpu.memory_space<vmem>>, %arg28: memref<512x1xf32, #tpu.memory_space<vmem>>) attributes {dimension_semantics = [#tpu.dimension_semantics<arbitrary>], iteration_bounds = array<i64: 25>, scalar_prefetch = 0 : i64, scratch_operands = 2 : i64, tpu.core_type = #tpu.core_type<tc>, window_params = [{transform_indices = @transform_0, window_bounds = array<i64: 1, 1, 512>}, {transform_indices = @transform_1, window_bounds = array<i64: 1, 1, 512>}, {transform_indices = @transform_2, window_bounds = array<i64: 1, 1, 512>}, {transform_indices = @transform_3, window_bounds = array<i64: 1, 1, 512>}, {transform_indices = @transform_4, window_bounds = array<i64: 1, 1, 512>}, {transform_indices = @transform_5, window_bounds = array<i64: 1, 1, 512>}, {transform_indices = @transform_6, window_bounds = array<i64: 1, 1, 512>}, {transform_indices = @transform_7, window_bounds = array<i64: 1, 1, 512>}, {transform_indices = @transform_8, window_bounds = array<i64: 512, 128>}, {transform_indices = @transform_9, window_bounds = array<i64: 512, 128>}, {transform_indices = @transform_10, window_bounds = array<i64: 512, 128>}, {transform_indices = @transform_11, window_bounds = array<i64: 512, 128>}, {pipeline_mode = #tpu.pipeline_mode<synchronous>, transform_indices = @transform_12, window_bounds = array<i64: 512, 64>}, {pipeline_mode = #tpu.pipeline_mode<synchronous>, transform_indices = @transform_13, window_bounds = array<i64: 64, 128>}, {pipeline_mode = #tpu.pipeline_mode<synchronous>, transform_indices = @transform_14, window_bounds = array<i64: 1, 128>}, {pipeline_mode = #tpu.pipeline_mode<synchronous>, transform_indices = @transform_15, window_bounds = array<i64: 128, 64>}, {pipeline_mode = #tpu.pipeline_mode<synchronous>, transform_indices = @transform_16, window_bounds = array<i64: 1, 64>}, {pipeline_mode = #tpu.pipeline_mode<synchronous>, transform_indices = @transform_17, window_bounds = array<i64: 128, 64>}, {pipeline_mode = #tpu.pipeline_mode<synchronous>, transform_indices = @transform_18, window_bounds = array<i64: 1, 64>}, {pipeline_mode = #tpu.pipeline_mode<synchronous>, transform_indices = @transform_19, window_bounds = array<i64: 64, 1>}, {pipeline_mode = #tpu.pipeline_mode<synchronous>, transform_indices = @transform_20, window_bounds = array<i64: 1, 1>}, {pipeline_mode = #tpu.pipeline_mode<synchronous>, transform_indices = @transform_21, window_bounds = array<i64: 64, 64>}, {pipeline_mode = #tpu.pipeline_mode<synchronous>, transform_indices = @transform_22, window_bounds = array<i64: 1, 64>}, {pipeline_mode = #tpu.pipeline_mode<synchronous>, transform_indices = @transform_23, window_bounds = array<i64: 64, 1>}, {pipeline_mode = #tpu.pipeline_mode<synchronous>, transform_indices = @transform_24, window_bounds = array<i64: 1, 1>}, {pipeline_mode = #tpu.pipeline_mode<synchronous>, transform_indices = @transform_25, window_bounds = array<i64: 512, 1>}]} {
    %eq3A = arith.constant 0 : i32
    %eq3A_0 = arith.cmpi eq, %arg0, %eq3A : i32
    %convert_element_type3A = arith.extui %eq3A_0 : i1 to i32
    %cond3A = arith.constant 0 : i32
    %cond3A_1 = arith.cmpi ne, %convert_element_type3A, %cond3A : i32
    scf.if %cond3A_1 {
      %broadcast_in_dim3A_319 = arith.constant 0.000000e+00 : f32
      %broadcast_in_dim3A_320 = vector.broadcast %broadcast_in_dim3A_319 : f32 to vector<512x64xf32>
      %swap3A_321 = arith.constant 0 : index
      %swap3A_322 = arith.constant 0 : index
      %swap3A_323 = vector.load %arg27[%swap3A_321, %swap3A_322] : memref<512x64xf32, #tpu.memory_space<vmem>>, vector<512x64xf32>
      tpu.vector_store %arg27[%swap3A_321, %swap3A_322], %broadcast_in_dim3A_320 {strides = array<i32>} : memref<512x64xf32, #tpu.memory_space<vmem>>, vector<512x64xf32>,
      %broadcast_in_dim3A_324 = arith.constant 0.000000e+00 : f32
      %broadcast_in_dim3A_325 = vector.broadcast %broadcast_in_dim3A_324 : f32 to vector<512x1xf32>
      %swap3A_326 = arith.constant 0 : index
      %swap3A_327 = arith.constant 0 : index
      %swap3A_328 = vector.load %arg28[%swap3A_326, %swap3A_327] : memref<512x1xf32, #tpu.memory_space<vmem>>, vector<512x1xf32>
      tpu.vector_store %arg28[%swap3A_326, %swap3A_327], %broadcast_in_dim3A_325 {strides = array<i32>} : memref<512x1xf32, #tpu.memory_space<vmem>>, vector<512x1xf32>,
    } else {
    }
    %get3A = arith.constant 0 : index
    %get3A_2 = arith.constant 0 : index
    %get3A_3 = arith.constant 0 : index
    %get3A_4 = vector.load %arg1[%get3A, %get3A_2, %get3A_3] : memref<1x1x512xf32, #tpu.memory_space<vmem>>, vector<1x1x512xf32>
    %squeeze3A = vector.shape_cast %get3A_4 : vector<1x1x512xf32> to vector<1x512xf32>
    %add3A = arith.constant 1.000000e+00 : f32
    %add3A_5 = vector.broadcast %add3A : f32 to vector<1x512xf32>
    %add3A_6 = arith.addf %squeeze3A, %add3A_5 : vector<1x512xf32>
    %rsqrt3A = math.rsqrt %add3A_6 : vector<1x512xf32>
    %mul3A = arith.constant 5.000000e-01 : f32
    %mul3A_7 = vector.broadcast %mul3A : f32 to vector<1x512xf32>
    %mul3A_8 = arith.mulf %mul3A_7, %add3A_6 : vector<1x512xf32>
    %mul3A_9 = arith.mulf %mul3A_8, %rsqrt3A : vector<1x512xf32>
    %mul3A_10 = arith.mulf %mul3A_9, %rsqrt3A : vector<1x512xf32>
    %sub3A = arith.constant 1.500000e+00 : f32
    %sub3A_11 = vector.broadcast %sub3A : f32 to vector<1x512xf32>
    %sub3A_12 = arith.subf %sub3A_11, %mul3A_10 : vector<1x512xf32>
    %mul3A_13 = arith.mulf %rsqrt3A, %sub3A_12 : vector<1x512xf32>
    %transpose3A = tpu.transpose %mul3A_13, [1, 0] : vector<1x512xf32> -> vector<512x1xf32>
    %broadcast_in_dim3A = vector.shape_cast %transpose3A : vector<512x1xf32> to vector<512x1xf32>
    %broadcast_in_dim3A_14 = vector.broadcast %broadcast_in_dim3A : vector<512x1xf32> to vector<512x32xf32>
    %get3A_15 = arith.constant 0 : index
    %get3A_16 = arith.constant 0 : index
    %get3A_17 = arith.constant 0 : index
    %get3A_18 = vector.load %arg2[%get3A_15, %get3A_16, %get3A_17] : memref<1x1x512xf32, #tpu.memory_space<vmem>>, vector<1x1x512xf32>
    %squeeze3A_19 = vector.shape_cast %get3A_18 : vector<1x1x512xf32> to vector<1x512xf32>
    %add3A_20 = arith.constant 1.000000e+00 : f32
    %add3A_21 = vector.broadcast %add3A_20 : f32 to vector<1x512xf32>
    %add3A_22 = arith.addf %squeeze3A_19, %add3A_21 : vector<1x512xf32>
    %rsqrt3A_23 = math.rsqrt %add3A_22 : vector<1x512xf32>
    %mul3A_24 = arith.constant 5.000000e-01 : f32
    %mul3A_25 = vector.broadcast %mul3A_24 : f32 to vector<1x512xf32>
    %mul3A_26 = arith.mulf %mul3A_25, %add3A_22 : vector<1x512xf32>
    %mul3A_27 = arith.mulf %mul3A_26, %rsqrt3A_23 : vector<1x512xf32>
    %mul3A_28 = arith.mulf %mul3A_27, %rsqrt3A_23 : vector<1x512xf32>
    %sub3A_29 = arith.constant 1.500000e+00 : f32
    %sub3A_30 = vector.broadcast %sub3A_29 : f32 to vector<1x512xf32>
    %sub3A_31 = arith.subf %sub3A_30, %mul3A_28 : vector<1x512xf32>
    %mul3A_32 = arith.mulf %rsqrt3A_23, %sub3A_31 : vector<1x512xf32>
    %transpose3A_33 = tpu.transpose %mul3A_32, [1, 0] : vector<1x512xf32> -> vector<512x1xf32>
    %broadcast_in_dim3A_34 = vector.shape_cast %transpose3A_33 : vector<512x1xf32> to vector<512x1xf32>
    %broadcast_in_dim3A_35 = vector.broadcast %broadcast_in_dim3A_34 : vector<512x1xf32> to vector<512x32xf32>
    %get3A_36 = arith.constant 0 : index
    %get3A_37 = arith.constant 0 : index
    %get3A_38 = arith.constant 0 : index
    %get3A_39 = vector.load %arg3[%get3A_36, %get3A_37, %get3A_38] : memref<1x1x512xf32, #tpu.memory_space<vmem>>, vector<1x1x512xf32>
    %squeeze3A_40 = vector.shape_cast %get3A_39 : vector<1x1x512xf32> to vector<1x512xf32>
    %add3A_41 = arith.constant 1.000000e+00 : f32
    %add3A_42 = vector.broadcast %add3A_41 : f32 to vector<1x512xf32>
    %add3A_43 = arith.addf %squeeze3A_40, %add3A_42 : vector<1x512xf32>
    %rsqrt3A_44 = math.rsqrt %add3A_43 : vector<1x512xf32>
    %mul3A_45 = arith.constant 5.000000e-01 : f32
    %mul3A_46 = vector.broadcast %mul3A_45 : f32 to vector<1x512xf32>
    %mul3A_47 = arith.mulf %mul3A_46, %add3A_43 : vector<1x512xf32>
    %mul3A_48 = arith.mulf %mul3A_47, %rsqrt3A_44 : vector<1x512xf32>
    %mul3A_49 = arith.mulf %mul3A_48, %rsqrt3A_44 : vector<1x512xf32>
    %sub3A_50 = arith.constant 1.500000e+00 : f32
    %sub3A_51 = vector.broadcast %sub3A_50 : f32 to vector<1x512xf32>
    %sub3A_52 = arith.subf %sub3A_51, %mul3A_49 : vector<1x512xf32>
    %mul3A_53 = arith.mulf %rsqrt3A_44, %sub3A_52 : vector<1x512xf32>
    %transpose3A_54 = tpu.transpose %mul3A_53, [1, 0] : vector<1x512xf32> -> vector<512x1xf32>
    %broadcast_in_dim3A_55 = vector.shape_cast %transpose3A_54 : vector<512x1xf32> to vector<512x1xf32>
    %broadcast_in_dim3A_56 = vector.broadcast %broadcast_in_dim3A_55 : vector<512x1xf32> to vector<512x32xf32>
    %get3A_57 = arith.constant 0 : index
    %get3A_58 = arith.constant 0 : index
    %get3A_59 = arith.constant 0 : index
    %get3A_60 = vector.load %arg4[%get3A_57, %get3A_58, %get3A_59] : memref<1x1x512xf32, #tpu.memory_space<vmem>>, vector<1x1x512xf32>
    %squeeze3A_61 = vector.shape_cast %get3A_60 : vector<1x1x512xf32> to vector<1x512xf32>
    %add3A_62 = arith.constant 1.000000e+00 : f32
    %add3A_63 = vector.broadcast %add3A_62 : f32 to vector<1x512xf32>
    %add3A_64 = arith.addf %squeeze3A_61, %add3A_63 : vector<1x512xf32>
    %rsqrt3A_65 = math.rsqrt %add3A_64 : vector<1x512xf32>
    %mul3A_66 = arith.constant 5.000000e-01 : f32
    %mul3A_67 = vector.broadcast %mul3A_66 : f32 to vector<1x512xf32>
    %mul3A_68 = arith.mulf %mul3A_67, %add3A_64 : vector<1x512xf32>
    %mul3A_69 = arith.mulf %mul3A_68, %rsqrt3A_65 : vector<1x512xf32>
    %mul3A_70 = arith.mulf %mul3A_69, %rsqrt3A_65 : vector<1x512xf32>
    %sub3A_71 = arith.constant 1.500000e+00 : f32
    %sub3A_72 = vector.broadcast %sub3A_71 : f32 to vector<1x512xf32>
    %sub3A_73 = arith.subf %sub3A_72, %mul3A_70 : vector<1x512xf32>
    %mul3A_74 = arith.mulf %rsqrt3A_65, %sub3A_73 : vector<1x512xf32>
    %transpose3A_75 = tpu.transpose %mul3A_74, [1, 0] : vector<1x512xf32> -> vector<512x1xf32>
    %broadcast_in_dim3A_76 = vector.shape_cast %transpose3A_75 : vector<512x1xf32> to vector<512x1xf32>
    %broadcast_in_dim3A_77 = vector.broadcast %broadcast_in_dim3A_76 : vector<512x1xf32> to vector<512x32xf32>
    %concatenate3A = tpu.concatenate %broadcast_in_dim3A_14, %broadcast_in_dim3A_35, %broadcast_in_dim3A_56, %broadcast_in_dim3A_77 in 1 : vector<512x32xf32>, vector<512x32xf32>, vector<512x32xf32>, vector<512x32xf32> -> vector<512x128xf32>
    %iota3A = tpu.iota {dimensions = array<i32: 1>} : vector<512x128xi32>
    %jit3A = arith.constant 32 : i32
    %div3A = vector.broadcast %jit3A : i32 to vector<512x128xi32>
    %div3A_78 = arith.divsi %iota3A, %div3A : vector<512x128xi32>
    %sign3A = arith.constant 0 : i32
    %sign3A_79 = vector.broadcast %sign3A : i32 to vector<512x128xi32>
    %sign3A_80 = arith.cmpi sgt, %iota3A, %sign3A_79 : vector<512x128xi32>
    %sign3A_81 = arith.extui %sign3A_80 : vector<512x128xi1> to vector<512x128xi32>
    %sign3A_82 = arith.constant 0 : i32
    %sign3A_83 = vector.broadcast %sign3A_82 : i32 to vector<512x128xi32>
    %sign3A_84 = arith.cmpi slt, %iota3A, %sign3A_83 : vector<512x128xi32>
    %sign3A_85 = arith.extui %sign3A_84 : vector<512x128xi1> to vector<512x128xi32>
    %sign3A_86 = arith.subi %sign3A_81, %sign3A_85 : vector<512x128xi32>
    %sign3A_87 = arith.constant 0 : i32
    %sign3A_88 = arith.cmpi sgt, %jit3A, %sign3A_87 : i32
    %sign3A_89 = arith.extui %sign3A_88 : i1 to i32
    %sign3A_90 = arith.constant 0 : i32
    %sign3A_91 = arith.cmpi slt, %jit3A, %sign3A_90 : i32
    %sign3A_92 = arith.extui %sign3A_91 : i1 to i32
    %sign3A_93 = arith.subi %sign3A_89, %sign3A_92 : i32
    %ne3A = vector.broadcast %sign3A_93 : i32 to vector<512x128xi32>
    %ne3A_94 = arith.cmpi ne, %sign3A_86, %ne3A : vector<512x128xi32>
    %rem3A = vector.broadcast %jit3A : i32 to vector<512x128xi32>
    %rem3A_95 = arith.remsi %iota3A, %rem3A : vector<512x128xi32>
    %ne3A_96 = arith.constant 0 : i32
    %ne3A_97 = vector.broadcast %ne3A_96 : i32 to vector<512x128xi32>
    %ne3A_98 = arith.cmpi ne, %rem3A_95, %ne3A_97 : vector<512x128xi32>
    %and3A = arith.andi %ne3A_94, %ne3A_98 : vector<512x128xi1>
    %sub3A_99 = arith.constant 1 : i32
    %sub3A_100 = vector.broadcast %sub3A_99 : i32 to vector<512x128xi32>
    %sub3A_101 = arith.subi %div3A_78, %sub3A_100 : vector<512x128xi32>
    %select_n3A = arith.select %and3A, %sub3A_101, %div3A_78 : vector<512x128xi1>, vector<512x128xi32>
    %mul3A_102 = arith.constant 2048 : i32
    %mul3A_103 = arith.muli %arg0, %mul3A_102 : i32
    %iota3A_104 = tpu.iota {dimensions = array<i32: 0>} : vector<512x128xi32>
    %mul3A_105 = arith.constant 4 : i32
    %mul3A_106 = vector.broadcast %mul3A_105 : i32 to vector<512x128xi32>
    %mul3A_107 = arith.muli %mul3A_106, %iota3A_104 : vector<512x128xi32>
    %add3A_108 = vector.broadcast %mul3A_103 : i32 to vector<512x128xi32>
    %add3A_109 = arith.addi %add3A_108, %mul3A_107 : vector<512x128xi32>
    %add3A_110 = arith.addi %add3A_109, %select_n3A : vector<512x128xi32>
    %lt3A = arith.constant 50000 : i32
    %lt3A_111 = vector.broadcast %lt3A : i32 to vector<512x128xi32>
    %lt3A_112 = arith.cmpi slt, %add3A_110, %lt3A_111 : vector<512x128xi32>
    %jit3A_113 = arith.constant 0.000000e+00 : f32
    %broadcast_in_dim3A_114 = vector.broadcast %jit3A_113 : f32 to vector<512x128xf32>
    %select_n3A_115 = arith.select %lt3A_112, %concatenate3A, %broadcast_in_dim3A_114 : vector<512x128xi1>, vector<512x128xf32>
    %get3A_116 = arith.constant 0 : index
    %get3A_117 = arith.constant 0 : index
    %get3A_118 = vector.load %arg9[%get3A_116, %get3A_117] : memref<512x128xf32, #tpu.memory_space<vmem>>, vector<512x128xf32>
    %get3A_119 = arith.constant 0 : index
    %get3A_120 = arith.constant 0 : index
    %get3A_121 = vector.load %arg11[%get3A_119, %get3A_120] : memref<512x128xf32, #tpu.memory_space<vmem>>, vector<512x128xf32>
    %add3A_122 = arith.addf %get3A_118, %get3A_121 : vector<512x128xf32>
    %mul3A_123 = arith.mulf %select_n3A_115, %add3A_122 : vector<512x128xf32>
    %get3A_124 = arith.constant 0 : index
    %get3A_125 = arith.constant 0 : index
    %get3A_126 = vector.load %arg10[%get3A_124, %get3A_125] : memref<512x128xf32, #tpu.memory_space<vmem>>, vector<512x128xf32>
    %get3A_127 = arith.constant 0 : index
    %get3A_128 = arith.constant 0 : index
    %get3A_129 = vector.load %arg12[%get3A_127, %get3A_128] : memref<512x128xf32, #tpu.memory_space<vmem>>, vector<512x128xf32>
    %add3A_130 = arith.addf %get3A_126, %get3A_129 : vector<512x128xf32>
    %mul3A_131 = arith.mulf %select_n3A_115, %add3A_130 : vector<512x128xf32>
    %concatenate3A_132 = tpu.concatenate %mul3A_123, %mul3A_131 in 1 : vector<512x128xf32>, vector<512x128xf32> -> vector<512x256xf32>
    %convert_element_type3A_133 = arith.truncf %concatenate3A_132 : vector<512x256xf32> to vector<512x256xbf16>
    %convert_element_type3A_134 = arith.extf %convert_element_type3A_133 : vector<512x256xbf16> to vector<512x256xf32>
    %sub3A_135 = arith.subf %concatenate3A_132, %convert_element_type3A_134 : vector<512x256xf32>
    %convert_element_type3A_136 = arith.truncf %sub3A_135 : vector<512x256xf32> to vector<512x256xbf16>
    %concatenate3A_137 = tpu.concatenate %convert_element_type3A_133, %convert_element_type3A_136 in 1 : vector<512x256xbf16>, vector<512x256xbf16> -> vector<512x512xbf16>
    %get3A_138 = arith.constant 0 : index
    %get3A_139 = arith.constant 0 : index
    %get3A_140 = arith.constant 0 : index
    %get3A_141 = vector.load %arg5[%get3A_138, %get3A_139, %get3A_140] : memref<1x1x512xi32, #tpu.memory_space<vmem>>, vector<1x1x512xi32>
    %squeeze3A_142 = vector.shape_cast %get3A_141 : vector<1x1x512xi32> to vector<1x512xi32>
    %iota3A_143 = tpu.iota {dimensions = array<i32: 0>} : vector<512x512xi32>
    %eq3A_144 = vector.broadcast %squeeze3A_142 : vector<1x512xi32> to vector<512x512xi32>
    %eq3A_145 = arith.cmpi eq, %eq3A_144, %iota3A_143 : vector<512x512xi32>
    %convert_element_type3A_146 = arith.extui %eq3A_145 : vector<512x512xi1> to vector<512x512xi32>
    %convert_element_type3A_147 = arith.sitofp %convert_element_type3A_146 : vector<512x512xi32> to vector<512x512xf32>
    %convert_element_type3A_148 = arith.truncf %convert_element_type3A_147 : vector<512x512xf32> to vector<512x512xbf16>
    %dot_general3A = arith.constant dense<0.000000e+00> : vector<512x512xf32>
    %dot_general3A_149 = tpu.matmul %convert_element_type3A_148, %concatenate3A_137, %dot_general3A {dimension_numbers = #tpu.dot_dimension_numbers<[1], [0], [0], [1], [0, 0, 1, 1], [], []>, transpose_lhs_hint = false} : vector<512x512xbf16>, vector<512x512xbf16>, vector<512x512xf32> -> vector<512x512xf32>
    %slice3A = vector.extract_strided_slice %dot_general3A_149 {offsets = [0, 0], sizes = [512, 256], strides = [1, 1]} : vector<512x512xf32> to vector<512x256xf32>
    %slice3A_150 = vector.extract_strided_slice %dot_general3A_149 {offsets = [0, 256], sizes = [512, 256], strides = [1, 1]} : vector<512x512xf32> to vector<512x256xf32>
    %add3A_151 = arith.addf %slice3A, %slice3A_150 : vector<512x256xf32>
    %get3A_152 = arith.constant 0 : index
    %get3A_153 = arith.constant 0 : index
    %get3A_154 = vector.load %arg27[%get3A_152, %get3A_153] : memref<512x64xf32, #tpu.memory_space<vmem>>, vector<512x32xf32>
    %slice3A_155 = vector.extract_strided_slice %add3A_151 {offsets = [0, 0], sizes = [512, 32], strides = [1, 1]} : vector<512x256xf32> to vector<512x32xf32>
    %add3A_156 = arith.addf %get3A_154, %slice3A_155 : vector<512x32xf32>
    %swap3A = arith.constant 0 : index
    %swap3A_157 = arith.constant 0 : index
    %swap3A_158 = vector.load %arg27[%swap3A, %swap3A_157] : memref<512x64xf32, #tpu.memory_space<vmem>>, vector<512x32xf32>
    tpu.vector_store %arg27[%swap3A, %swap3A_157], %add3A_156 {strides = array<i32>} : memref<512x64xf32, #tpu.memory_space<vmem>>, vector<512x32xf32>,
    %get3A_159 = arith.constant 0 : index
    %get3A_160 = arith.constant 32 : index
    %get3A_161 = vector.load %arg27[%get3A_159, %get3A_160] : memref<512x64xf32, #tpu.memory_space<vmem>>, vector<512x32xf32>
    %slice3A_162 = vector.extract_strided_slice %add3A_151 {offsets = [0, 128], sizes = [512, 32], strides = [1, 1]} : vector<512x256xf32> to vector<512x32xf32>
    %add3A_163 = arith.addf %get3A_161, %slice3A_162 : vector<512x32xf32>
    %swap3A_164 = arith.constant 0 : index
    %swap3A_165 = arith.constant 32 : index
    %swap3A_166 = vector.load %arg27[%swap3A_164, %swap3A_165] : memref<512x64xf32, #tpu.memory_space<vmem>>, vector<512x32xf32>
    tpu.vector_store %arg27[%swap3A_164, %swap3A_165], %add3A_163 {strides = array<i32>} : memref<512x64xf32, #tpu.memory_space<vmem>>, vector<512x32xf32>,
    %get3A_167 = arith.constant 0 : index
    %get3A_168 = arith.constant 0 : index
    %get3A_169 = vector.load %arg28[%get3A_167, %get3A_168] : memref<512x1xf32, #tpu.memory_space<vmem>>, vector<512x1xf32>
    %convert_element_type3A_170 = arith.extf %convert_element_type3A_148 : vector<512x512xbf16> to vector<512x512xf32>
    %reduce_sum3A = arith.constant dense<0.000000e+00> : vector<512xf32>
    %reduce_sum3A_171 = vector.multi_reduction <add>, %convert_element_type3A_170, %reduce_sum3A [1] : vector<512x512xf32> to vector<512xf32>
    %broadcast_in_dim3A_172 = vector.shape_cast %reduce_sum3A_171 : vector<512xf32> to vector<512x1xf32>
    %convert_element_type3A_173 = arith.truncf %broadcast_in_dim3A_172 : vector<512x1xf32> to vector<512x1xbf16>
    %convert_element_type3A_174 = arith.extf %convert_element_type3A_173 : vector<512x1xbf16> to vector<512x1xf32>
    %add3A_175 = arith.addf %get3A_169, %convert_element_type3A_174 : vector<512x1xf32>
    %swap3A_176 = arith.constant 0 : index
    %swap3A_177 = arith.constant 0 : index
    %swap3A_178 = vector.load %arg28[%swap3A_176, %swap3A_177] : memref<512x1xf32, #tpu.memory_space<vmem>>, vector<512x1xf32>
    tpu.vector_store %arg28[%swap3A_176, %swap3A_177], %add3A_175 {strides = array<i32>} : memref<512x1xf32, #tpu.memory_space<vmem>>, vector<512x1xf32>,
    %get3A_179 = arith.constant 0 : index
    %get3A_180 = arith.constant 0 : index
    %get3A_181 = arith.constant 0 : index
    %get3A_182 = vector.load %arg6[%get3A_179, %get3A_180, %get3A_181] : memref<1x1x512xi32, #tpu.memory_space<vmem>>, vector<1x1x512xi32>
    %squeeze3A_183 = vector.shape_cast %get3A_182 : vector<1x1x512xi32> to vector<1x512xi32>
    %iota3A_184 = tpu.iota {dimensions = array<i32: 0>} : vector<512x512xi32>
    %eq3A_185 = vector.broadcast %squeeze3A_183 : vector<1x512xi32> to vector<512x512xi32>
    %eq3A_186 = arith.cmpi eq, %eq3A_185, %iota3A_184 : vector<512x512xi32>
    %convert_element_type3A_187 = arith.extui %eq3A_186 : vector<512x512xi1> to vector<512x512xi32>
    %convert_element_type3A_188 = arith.sitofp %convert_element_type3A_187 : vector<512x512xi32> to vector<512x512xf32>
    %convert_element_type3A_189 = arith.truncf %convert_element_type3A_188 : vector<512x512xf32> to vector<512x512xbf16>
    %dot_general3A_190 = arith.constant dense<0.000000e+00> : vector<512x512xf32>
    %dot_general3A_191 = tpu.matmul %convert_element_type3A_189, %concatenate3A_137, %dot_general3A_190 {dimension_numbers = #tpu.dot_dimension_numbers<[1], [0], [0], [1], [0, 0, 1, 1], [], []>, transpose_lhs_hint = false} : vector<512x512xbf16>, vector<512x512xbf16>, vector<512x512xf32> -> vector<512x512xf32>
    %slice3A_192 = vector.extract_strided_slice %dot_general3A_191 {offsets = [0, 0], sizes = [512, 256], strides = [1, 1]} : vector<512x512xf32> to vector<512x256xf32>
    %slice3A_193 = vector.extract_strided_slice %dot_general3A_191 {offsets = [0, 256], sizes = [512, 256], strides = [1, 1]} : vector<512x512xf32> to vector<512x256xf32>
    %add3A_194 = arith.addf %slice3A_192, %slice3A_193 : vector<512x256xf32>
    %get3A_195 = arith.constant 0 : index
    %get3A_196 = arith.constant 0 : index
    %get3A_197 = vector.load %arg27[%get3A_195, %get3A_196] : memref<512x64xf32, #tpu.memory_space<vmem>>, vector<512x32xf32>
    %slice3A_198 = vector.extract_strided_slice %add3A_194 {offsets = [0, 32], sizes = [512, 32], strides = [1, 1]} : vector<512x256xf32> to vector<512x32xf32>
    %add3A_199 = arith.addf %get3A_197, %slice3A_198 : vector<512x32xf32>
    %swap3A_200 = arith.constant 0 : index
    %swap3A_201 = arith.constant 0 : index
    %swap3A_202 = vector.load %arg27[%swap3A_200, %swap3A_201] : memref<512x64xf32, #tpu.memory_space<vmem>>, vector<512x32xf32>
    tpu.vector_store %arg27[%swap3A_200, %swap3A_201], %add3A_199 {strides = array<i32>} : memref<512x64xf32, #tpu.memory_space<vmem>>, vector<512x32xf32>,
    %get3A_203 = arith.constant 0 : index
    %get3A_204 = arith.constant 32 : index
    %get3A_205 = vector.load %arg27[%get3A_203, %get3A_204] : memref<512x64xf32, #tpu.memory_space<vmem>>, vector<512x32xf32>
    %slice3A_206 = vector.extract_strided_slice %add3A_194 {offsets = [0, 160], sizes = [512, 32], strides = [1, 1]} : vector<512x256xf32> to vector<512x32xf32>
    %add3A_207 = arith.addf %get3A_205, %slice3A_206 : vector<512x32xf32>
    %swap3A_208 = arith.constant 0 : index
    %swap3A_209 = arith.constant 32 : index
    %swap3A_210 = vector.load %arg27[%swap3A_208, %swap3A_209] : memref<512x64xf32, #tpu.memory_space<vmem>>, vector<512x32xf32>
    tpu.vector_store %arg27[%swap3A_208, %swap3A_209], %add3A_207 {strides = array<i32>} : memref<512x64xf32, #tpu.memory_space<vmem>>, vector<512x32xf32>,
    %get3A_211 = arith.constant 0 : index
    %get3A_212 = arith.constant 0 : index
    %get3A_213 = vector.load %arg28[%get3A_211, %get3A_212] : memref<512x1xf32, #tpu.memory_space<vmem>>, vector<512x1xf32>
    %convert_element_type3A_214 = arith.extf %convert_element_type3A_189 : vector<512x512xbf16> to vector<512x512xf32>
    %reduce_sum3A_215 = arith.constant dense<0.000000e+00> : vector<512xf32>
    %reduce_sum3A_216 = vector.multi_reduction <add>, %convert_element_type3A_214, %reduce_sum3A_215 [1] : vector<512x512xf32> to vector<512xf32>
    %broadcast_in_dim3A_217 = vector.shape_cast %reduce_sum3A_216 : vector<512xf32> to vector<512x1xf32>
    %convert_element_type3A_218 = arith.truncf %broadcast_in_dim3A_217 : vector<512x1xf32> to vector<512x1xbf16>
    %convert_element_type3A_219 = arith.extf %convert_element_type3A_218 : vector<512x1xbf16> to vector<512x1xf32>
    %add3A_220 = arith.addf %get3A_213, %convert_element_type3A_219 : vector<512x1xf32>
    %swap3A_221 = arith.constant 0 : index
    %swap3A_222 = arith.constant 0 : index
    %swap3A_223 = vector.load %arg28[%swap3A_221, %swap3A_222] : memref<512x1xf32, #tpu.memory_space<vmem>>, vector<512x1xf32>
    tpu.vector_store %arg28[%swap3A_221, %swap3A_222], %add3A_220 {strides = array<i32>} : memref<512x1xf32, #tpu.memory_space<vmem>>, vector<512x1xf32>,
    %get3A_224 = arith.constant 0 : index
    %get3A_225 = arith.constant 0 : index
    %get3A_226 = arith.constant 0 : index
    %get3A_227 = vector.load %arg7[%get3A_224, %get3A_225, %get3A_226] : memref<1x1x512xi32, #tpu.memory_space<vmem>>, vector<1x1x512xi32>
    %squeeze3A_228 = vector.shape_cast %get3A_227 : vector<1x1x512xi32> to vector<1x512xi32>
    %iota3A_229 = tpu.iota {dimensions = array<i32: 0>} : vector<512x512xi32>
    %eq3A_230 = vector.broadcast %squeeze3A_228 : vector<1x512xi32> to vector<512x512xi32>
    %eq3A_231 = arith.cmpi eq, %eq3A_230, %iota3A_229 : vector<512x512xi32>
    %convert_element_type3A_232 = arith.extui %eq3A_231 : vector<512x512xi1> to vector<512x512xi32>
    %convert_element_type3A_233 = arith.sitofp %convert_element_type3A_232 : vector<512x512xi32> to vector<512x512xf32>
    %convert_element_type3A_234 = arith.truncf %convert_element_type3A_233 : vector<512x512xf32> to vector<512x512xbf16>
    %dot_general3A_235 = arith.constant dense<0.000000e+00> : vector<512x512xf32>
    %dot_general3A_236 = tpu.matmul %convert_element_type3A_234, %concatenate3A_137, %dot_general3A_235 {dimension_numbers = #tpu.dot_dimension_numbers<[1], [0], [0], [1], [0, 0, 1, 1], [], []>, transpose_lhs_hint = false} : vector<512x512xbf16>, vector<512x512xbf16>, vector<512x512xf32> -> vector<512x512xf32>
    %slice3A_237 = vector.extract_strided_slice %dot_general3A_236 {offsets = [0, 0], sizes = [512, 256], strides = [1, 1]} : vector<512x512xf32> to vector<512x256xf32>
    %slice3A_238 = vector.extract_strided_slice %dot_general3A_236 {offsets = [0, 256], sizes = [512, 256], strides = [1, 1]} : vector<512x512xf32> to vector<512x256xf32>
    %add3A_239 = arith.addf %slice3A_237, %slice3A_238 : vector<512x256xf32>
    %get3A_240 = arith.constant 0 : index
    %get3A_241 = arith.constant 0 : index
    %get3A_242 = vector.load %arg27[%get3A_240, %get3A_241] : memref<512x64xf32, #tpu.memory_space<vmem>>, vector<512x32xf32>
    %slice3A_243 = vector.extract_strided_slice %add3A_239 {offsets = [0, 64], sizes = [512, 32], strides = [1, 1]} : vector<512x256xf32> to vector<512x32xf32>
    %add3A_244 = arith.addf %get3A_242, %slice3A_243 : vector<512x32xf32>
    %swap3A_245 = arith.constant 0 : index
    %swap3A_246 = arith.constant 0 : index
    %swap3A_247 = vector.load %arg27[%swap3A_245, %swap3A_246] : memref<512x64xf32, #tpu.memory_space<vmem>>, vector<512x32xf32>
    tpu.vector_store %arg27[%swap3A_245, %swap3A_246], %add3A_244 {strides = array<i32>} : memref<512x64xf32, #tpu.memory_space<vmem>>, vector<512x32xf32>,
    %get3A_248 = arith.constant 0 : index
    %get3A_249 = arith.constant 32 : index
    %get3A_250 = vector.load %arg27[%get3A_248, %get3A_249] : memref<512x64xf32, #tpu.memory_space<vmem>>, vector<512x32xf32>
    %slice3A_251 = vector.extract_strided_slice %add3A_239 {offsets = [0, 192], sizes = [512, 32], strides = [1, 1]} : vector<512x256xf32> to vector<512x32xf32>
    %add3A_252 = arith.addf %get3A_250, %slice3A_251 : vector<512x32xf32>
    %swap3A_253 = arith.constant 0 : index
    %swap3A_254 = arith.constant 32 : index
    %swap3A_255 = vector.load %arg27[%swap3A_253, %swap3A_254] : memref<512x64xf32, #tpu.memory_space<vmem>>, vector<512x32xf32>
    tpu.vector_store %arg27[%swap3A_253, %swap3A_254], %add3A_252 {strides = array<i32>} : memref<512x64xf32, #tpu.memory_space<vmem>>, vector<512x32xf32>,
    %get3A_256 = arith.constant 0 : index
    %get3A_257 = arith.constant 0 : index
    %get3A_258 = vector.load %arg28[%get3A_256, %get3A_257] : memref<512x1xf32, #tpu.memory_space<vmem>>, vector<512x1xf32>
    %convert_element_type3A_259 = arith.extf %convert_element_type3A_234 : vector<512x512xbf16> to vector<512x512xf32>
    %reduce_sum3A_260 = arith.constant dense<0.000000e+00> : vector<512xf32>
    %reduce_sum3A_261 = vector.multi_reduction <add>, %convert_element_type3A_259, %reduce_sum3A_260 [1] : vector<512x512xf32> to vector<512xf32>
    %broadcast_in_dim3A_262 = vector.shape_cast %reduce_sum3A_261 : vector<512xf32> to vector<512x1xf32>
    %convert_element_type3A_263 = arith.truncf %broadcast_in_dim3A_262 : vector<512x1xf32> to vector<512x1xbf16>
    %convert_element_type3A_264 = arith.extf %convert_element_type3A_263 : vector<512x1xbf16> to vector<512x1xf32>
    %add3A_265 = arith.addf %get3A_258, %convert_element_type3A_264 : vector<512x1xf32>
    %swap3A_266 = arith.constant 0 : index
    %swap3A_267 = arith.constant 0 : index
    %swap3A_268 = vector.load %arg28[%swap3A_266, %swap3A_267] : memref<512x1xf32, #tpu.memory_space<vmem>>, vector<512x1xf32>
    tpu.vector_store %arg28[%swap3A_266, %swap3A_267], %add3A_265 {strides = array<i32>} : memref<512x1xf32, #tpu.memory_space<vmem>>, vector<512x1xf32>,
    %get3A_269 = arith.constant 0 : index
    %get3A_270 = arith.constant 0 : index
    %get3A_271 = arith.constant 0 : index
    %get3A_272 = vector.load %arg8[%get3A_269, %get3A_270, %get3A_271] : memref<1x1x512xi32, #tpu.memory_space<vmem>>, vector<1x1x512xi32>
    %squeeze3A_273 = vector.shape_cast %get3A_272 : vector<1x1x512xi32> to vector<1x512xi32>
    %iota3A_274 = tpu.iota {dimensions = array<i32: 0>} : vector<512x512xi32>
    %eq3A_275 = vector.broadcast %squeeze3A_273 : vector<1x512xi32> to vector<512x512xi32>
    %eq3A_276 = arith.cmpi eq, %eq3A_275, %iota3A_274 : vector<512x512xi32>
    %convert_element_type3A_277 = arith.extui %eq3A_276 : vector<512x512xi1> to vector<512x512xi32>
    %convert_element_type3A_278 = arith.sitofp %convert_element_type3A_277 : vector<512x512xi32> to vector<512x512xf32>
    %convert_element_type3A_279 = arith.truncf %convert_element_type3A_278 : vector<512x512xf32> to vector<512x512xbf16>
    %dot_general3A_280 = arith.constant dense<0.000000e+00> : vector<512x512xf32>
    %dot_general3A_281 = tpu.matmul %convert_element_type3A_279, %concatenate3A_137, %dot_general3A_280 {dimension_numbers = #tpu.dot_dimension_numbers<[1], [0], [0], [1], [0, 0, 1, 1], [], []>, transpose_lhs_hint = false} : vector<512x512xbf16>, vector<512x512xbf16>, vector<512x512xf32> -> vector<512x512xf32>
    %slice3A_282 = vector.extract_strided_slice %dot_general3A_281 {offsets = [0, 0], sizes = [512, 256], strides = [1, 1]} : vector<512x512xf32> to vector<512x256xf32>
    %slice3A_283 = vector.extract_strided_slice %dot_general3A_281 {offsets = [0, 256], sizes = [512, 256], strides = [1, 1]} : vector<512x512xf32> to vector<512x256xf32>
    %add3A_284 = arith.addf %slice3A_282, %slice3A_283 : vector<512x256xf32>
    %get3A_285 = arith.constant 0 : index
    %get3A_286 = arith.constant 0 : index
    %get3A_287 = vector.load %arg27[%get3A_285, %get3A_286] : memref<512x64xf32, #tpu.memory_space<vmem>>, vector<512x32xf32>
    %slice3A_288 = vector.extract_strided_slice %add3A_284 {offsets = [0, 96], sizes = [512, 32], strides = [1, 1]} : vector<512x256xf32> to vector<512x32xf32>
    %add3A_289 = arith.addf %get3A_287, %slice3A_288 : vector<512x32xf32>
    %swap3A_290 = arith.constant 0 : index
    %swap3A_291 = arith.constant 0 : index
    %swap3A_292 = vector.load %arg27[%swap3A_290, %swap3A_291] : memref<512x64xf32, #tpu.memory_space<vmem>>, vector<512x32xf32>
    tpu.vector_store %arg27[%swap3A_290, %swap3A_291], %add3A_289 {strides = array<i32>} : memref<512x64xf32, #tpu.memory_space<vmem>>, vector<512x32xf32>,
    %get3A_293 = arith.constant 0 : index
    %get3A_294 = arith.constant 32 : index
    %get3A_295 = vector.load %arg27[%get3A_293, %get3A_294] : memref<512x64xf32, #tpu.memory_space<vmem>>, vector<512x32xf32>
    %slice3A_296 = vector.extract_strided_slice %add3A_284 {offsets = [0, 224], sizes = [512, 32], strides = [1, 1]} : vector<512x256xf32> to vector<512x32xf32>
    %add3A_297 = arith.addf %get3A_295, %slice3A_296 : vector<512x32xf32>
    %swap3A_298 = arith.constant 0 : index
    %swap3A_299 = arith.constant 32 : index
    %swap3A_300 = vector.load %arg27[%swap3A_298, %swap3A_299] : memref<512x64xf32, #tpu.memory_space<vmem>>, vector<512x32xf32>
    tpu.vector_store %arg27[%swap3A_298, %swap3A_299], %add3A_297 {strides = array<i32>} : memref<512x64xf32, #tpu.memory_space<vmem>>, vector<512x32xf32>,
    %get3A_301 = arith.constant 0 : index
    %get3A_302 = arith.constant 0 : index
    %get3A_303 = vector.load %arg28[%get3A_301, %get3A_302] : memref<512x1xf32, #tpu.memory_space<vmem>>, vector<512x1xf32>
    %convert_element_type3A_304 = arith.extf %convert_element_type3A_279 : vector<512x512xbf16> to vector<512x512xf32>
    %reduce_sum3A_305 = arith.constant dense<0.000000e+00> : vector<512xf32>
    %reduce_sum3A_306 = vector.multi_reduction <add>, %convert_element_type3A_304, %reduce_sum3A_305 [1] : vector<512x512xf32> to vector<512xf32>
    %broadcast_in_dim3A_307 = vector.shape_cast %reduce_sum3A_306 : vector<512xf32> to vector<512x1xf32>
    %convert_element_type3A_308 = arith.truncf %broadcast_in_dim3A_307 : vector<512x1xf32> to vector<512x1xbf16>
    %convert_element_type3A_309 = arith.extf %convert_element_type3A_308 : vector<512x1xbf16> to vector<512x1xf32>
    %add3A_310 = arith.addf %get3A_303, %convert_element_type3A_309 : vector<512x1xf32>
    %swap3A_311 = arith.constant 0 : index
    %swap3A_312 = arith.constant 0 : index
    %swap3A_313 = vector.load %arg28[%swap3A_311, %swap3A_312] : memref<512x1xf32, #tpu.memory_space<vmem>>, vector<512x1xf32>
    tpu.vector_store %arg28[%swap3A_311, %swap3A_312], %add3A_310 {strides = array<i32>} : memref<512x1xf32, #tpu.memory_space<vmem>>, vector<512x1xf32>,
    %eq3A_314 = arith.constant 24 : i32
    %eq3A_315 = arith.cmpi eq, %arg0, %eq3A_314 : i32
    %convert_element_type3A_316 = arith.extui %eq3A_315 : i1 to i32
    %cond3A_317 = arith.constant 0 : i32
    %cond3A_318 = arith.cmpi ne, %convert_element_type3A_316, %cond3A_317 : i32
    scf.if %cond3A_318 {
      %get3A_319 = arith.constant 0 : index
      %get3A_320 = arith.constant 0 : index
      %get3A_321 = vector.load %arg28[%get3A_319, %get3A_320] : memref<512x1xf32, #tpu.memory_space<vmem>>, vector<512x1xf32>
      %get3A_322 = arith.constant 0 : index
      %get3A_323 = arith.constant 0 : index
      %get3A_324 = vector.load %arg27[%get3A_322, %get3A_323] : memref<512x64xf32, #tpu.memory_space<vmem>>, vector<512x64xf32>
      %max3A = arith.constant 1.000000e+00 : f32
      %max3A_325 = vector.broadcast %max3A : f32 to vector<512x1xf32>
      %max3A_326 = arith.maximumf %get3A_321, %max3A_325 : vector<512x1xf32>
      %div3A_327 = vector.broadcast %max3A_326 : vector<512x1xf32> to vector<512x64xf32>
      %div3A_328 = arith.divf %get3A_324, %div3A_327 : vector<512x64xf32>
      %gt3A = arith.constant 0.000000e+00 : f32
      %gt3A_329 = vector.broadcast %gt3A : f32 to vector<512x1xf32>
      %gt3A_330 = arith.cmpf ogt, %get3A_321, %gt3A_329 : vector<512x1xf32>
      %convert_element_type3A_331 = arith.extui %gt3A_330 : vector<512x1xi1> to vector<512x1xi32>
      %convert_element_type3A_332 = arith.sitofp %convert_element_type3A_331 : vector<512x1xi32> to vector<512x1xf32>
      %get3A_333 = arith.constant 0 : index
      %get3A_334 = arith.constant 0 : index
      %get3A_335 = vector.load %arg14[%get3A_333, %get3A_334] : memref<64x128xf32, #tpu.memory_space<vmem>>, vector<64x128xf32>
      %dot_general3A_336 = arith.constant dense<0.000000e+00> : vector<512x128xf32>
      %dot_general3A_337 = tpu.matmul %div3A_328, %get3A_335, %dot_general3A_336 {dimension_numbers = #tpu.dot_dimension_numbers<[1], [0], [0], [1], [0, 0, 1, 1], [], []>, precision = #tpu.contract_precision<fp32>, transpose_lhs_hint = false} : vector<512x64xf32>, vector<64x128xf32>, vector<512x128xf32> -> vector<512x128xf32>
      %get3A_338 = arith.constant 0 : index
      %get3A_339 = arith.constant 0 : index
      %get3A_340 = vector.load %arg15[%get3A_338, %get3A_339] : memref<1x128xf32, #tpu.memory_space<vmem>>, vector<1x128xf32>
      %mul3A_341 = vector.broadcast %get3A_340 : vector<1x128xf32> to vector<512x128xf32>
      %mul3A_342 = vector.broadcast %convert_element_type3A_332 : vector<512x1xf32> to vector<512x128xf32>
      %mul3A_343 = arith.mulf %mul3A_341, %mul3A_342 : vector<512x128xf32>
      %add3A_344 = arith.addf %dot_general3A_337, %mul3A_343 : vector<512x128xf32>
      %get3A_345 = arith.constant 0 : index
      %get3A_346 = arith.constant 0 : index
      %get3A_347 = vector.load %arg16[%get3A_345, %get3A_346] : memref<128x64xf32, #tpu.memory_space<vmem>>, vector<128x64xf32>
      %dot_general3A_348 = arith.constant dense<0.000000e+00> : vector<512x64xf32>
      %dot_general3A_349 = tpu.matmul %add3A_344, %get3A_347, %dot_general3A_348 {dimension_numbers = #tpu.dot_dimension_numbers<[1], [0], [0], [1], [0, 0, 1, 1], [], []>, precision = #tpu.contract_precision<fp32>, transpose_lhs_hint = false} : vector<512x128xf32>, vector<128x64xf32>, vector<512x64xf32> -> vector<512x64xf32>
      %get3A_350 = arith.constant 0 : index
      %get3A_351 = arith.constant 0 : index
      %get3A_352 = vector.load %arg17[%get3A_350, %get3A_351] : memref<1x64xf32, #tpu.memory_space<vmem>>, vector<1x64xf32>
      %add3A_353 = vector.broadcast %get3A_352 : vector<1x64xf32> to vector<512x64xf32>
      %add3A_354 = arith.addf %dot_general3A_349, %add3A_353 : vector<512x64xf32>
      %get3A_355 = arith.constant 0 : index
      %get3A_356 = arith.constant 0 : index
      %get3A_357 = vector.load %arg13[%get3A_355, %get3A_356] : memref<512x64xf32, #tpu.memory_space<vmem>>, vector<512x64xf32>
      %concatenate3A_358 = tpu.concatenate %get3A_357, %add3A_354 in 1 : vector<512x64xf32>, vector<512x64xf32> -> vector<512x128xf32>
      %get3A_359 = arith.constant 0 : index
      %get3A_360 = arith.constant 0 : index
      %get3A_361 = vector.load %arg18[%get3A_359, %get3A_360] : memref<128x64xf32, #tpu.memory_space<vmem>>, vector<128x64xf32>
      %dot_general3A_362 = arith.constant dense<0.000000e+00> : vector<512x64xf32>
      %dot_general3A_363 = tpu.matmul %concatenate3A_358, %get3A_361, %dot_general3A_362 {dimension_numbers = #tpu.dot_dimension_numbers<[1], [0], [0], [1], [0, 0, 1, 1], [], []>, precision = #tpu.contract_precision<fp32>, transpose_lhs_hint = false} : vector<512x128xf32>, vector<128x64xf32>, vector<512x64xf32> -> vector<512x64xf32>
      %get3A_364 = arith.constant 0 : index
      %get3A_365 = arith.constant 0 : index
      %get3A_366 = vector.load %arg19[%get3A_364, %get3A_365] : memref<1x64xf32, #tpu.memory_space<vmem>>, vector<1x64xf32>
      %add3A_367 = vector.broadcast %get3A_366 : vector<1x64xf32> to vector<512x64xf32>
      %add3A_368 = arith.addf %dot_general3A_363, %add3A_367 : vector<512x64xf32>
      %max3A_369 = arith.constant 0.000000e+00 : f32
      %max3A_370 = vector.broadcast %max3A_369 : f32 to vector<512x64xf32>
      %max3A_371 = arith.maximumf %add3A_368, %max3A_370 : vector<512x64xf32>
      %get3A_372 = arith.constant 0 : index
      %get3A_373 = arith.constant 0 : index
      %get3A_374 = vector.load %arg20[%get3A_372, %get3A_373] : memref<64x1xf32, #tpu.memory_space<vmem>>, vector<64x1xf32>
      %dot_general3A_375 = arith.constant dense<0.000000e+00> : vector<512x1xf32>
      %dot_general3A_376 = tpu.matmul %max3A_371, %get3A_374, %dot_general3A_375 {dimension_numbers = #tpu.dot_dimension_numbers<[1], [0], [0], [1], [0, 0, 1, 1], [], []>, precision = #tpu.contract_precision<fp32>, transpose_lhs_hint = false} : vector<512x64xf32>, vector<64x1xf32>, vector<512x1xf32> -> vector<512x1xf32>
      %get3A_377 = arith.constant 0 : index
      %get3A_378 = arith.constant 0 : index
      %get3A_379 = vector.load %arg21[%get3A_377, %get3A_378] : memref<1x1xf32, #tpu.memory_space<vmem>>, vector<1x1xf32>
      %add3A_380 = vector.broadcast %get3A_379 : vector<1x1xf32> to vector<512x1xf32>
      %add3A_381 = arith.addf %dot_general3A_376, %add3A_380 : vector<512x1xf32>
      %logistic3A = arith.negf %add3A_381 : vector<512x1xf32>
      %logistic3A_382 = math.exp %logistic3A : vector<512x1xf32>
      %logistic3A_383 = arith.constant 1.000000e+00 : f32
      %logistic3A_384 = vector.broadcast %logistic3A_383 : f32 to vector<512x1xf32>
      %logistic3A_385 = arith.addf %logistic3A_384, %logistic3A_382 : vector<512x1xf32>
      %logistic3A_386 = arith.divf %logistic3A_384, %logistic3A_385 : vector<512x1xf32>
      %mul3A_387 = vector.broadcast %logistic3A_386 : vector<512x1xf32> to vector<512x64xf32>
      %mul3A_388 = arith.mulf %get3A_357, %mul3A_387 : vector<512x64xf32>
      %sub3A_389 = arith.constant 1.000000e+00 : f32
      %sub3A_390 = vector.broadcast %sub3A_389 : f32 to vector<512x1xf32>
      %sub3A_391 = arith.subf %sub3A_390, %logistic3A_386 : vector<512x1xf32>
      %mul3A_392 = vector.broadcast %sub3A_391 : vector<512x1xf32> to vector<512x64xf32>
      %mul3A_393 = arith.mulf %add3A_354, %mul3A_392 : vector<512x64xf32>
      %add3A_394 = arith.addf %mul3A_388, %mul3A_393 : vector<512x64xf32>
      %get3A_395 = arith.constant 0 : index
      %get3A_396 = arith.constant 0 : index
      %get3A_397 = vector.load %arg22[%get3A_395, %get3A_396] : memref<64x64xf32, #tpu.memory_space<vmem>>, vector<64x64xf32>
      %dot_general3A_398 = arith.constant dense<0.000000e+00> : vector<512x64xf32>
      %dot_general3A_399 = tpu.matmul %add3A_394, %get3A_397, %dot_general3A_398 {dimension_numbers = #tpu.dot_dimension_numbers<[1], [0], [0], [1], [0, 0, 1, 1], [], []>, precision = #tpu.contract_precision<fp32>, transpose_lhs_hint = false} : vector<512x64xf32>, vector<64x64xf32>, vector<512x64xf32> -> vector<512x64xf32>
      %get3A_400 = arith.constant 0 : index
      %get3A_401 = arith.constant 0 : index
      %get3A_402 = vector.load %arg23[%get3A_400, %get3A_401] : memref<1x64xf32, #tpu.memory_space<vmem>>, vector<1x64xf32>
      %add3A_403 = vector.broadcast %get3A_402 : vector<1x64xf32> to vector<512x64xf32>
      %add3A_404 = arith.addf %dot_general3A_399, %add3A_403 : vector<512x64xf32>
      %get3A_405 = arith.constant 0 : index
      %get3A_406 = arith.constant 0 : index
      %get3A_407 = vector.load %arg24[%get3A_405, %get3A_406] : memref<64x1xf32, #tpu.memory_space<vmem>>, vector<64x1xf32>
      %dot_general3A_408 = arith.constant dense<0.000000e+00> : vector<512x1xf32>
      %dot_general3A_409 = tpu.matmul %add3A_404, %get3A_407, %dot_general3A_408 {dimension_numbers = #tpu.dot_dimension_numbers<[1], [0], [0], [1], [0, 0, 1, 1], [], []>, precision = #tpu.contract_precision<fp32>, transpose_lhs_hint = false} : vector<512x64xf32>, vector<64x1xf32>, vector<512x1xf32> -> vector<512x1xf32>
      %get3A_410 = arith.constant 0 : index
      %get3A_411 = arith.constant 0 : index
      %get3A_412 = vector.load %arg25[%get3A_410, %get3A_411] : memref<1x1xf32, #tpu.memory_space<vmem>>, vector<1x1xf32>
      %add3A_413 = vector.broadcast %get3A_412 : vector<1x1xf32> to vector<512x1xf32>
      %add3A_414 = arith.addf %dot_general3A_409, %add3A_413 : vector<512x1xf32>
      %swap3A_415 = arith.constant 0 : index
      %swap3A_416 = arith.constant 0 : index
      %swap3A_417 = vector.load %arg26[%swap3A_415, %swap3A_416] : memref<512x1xf32, #tpu.memory_space<vmem>>, vector<512x1xf32>
      tpu.vector_store %arg26[%swap3A_415, %swap3A_416], %add3A_414 {strides = array<i32>} : memref<512x1xf32, #tpu.memory_space<vmem>>, vector<512x1xf32>,
    } else {
    }
    return
  }
  func.func @transform_0(%arg0: i32) -> (i32, i32, i32) {
    %c0_i32 = arith.constant 0 : i32
    %c0_i32_0 = arith.constant 0 : i32
    %c0_i32_1 = arith.constant 0 : i32
    return %arg0, %c0_i32, %c0_i32_0 : i32, i32, i32
  }
  func.func @transform_1(%arg0: i32) -> (i32, i32, i32) {
    %c0_i32 = arith.constant 0 : i32
    %c0_i32_0 = arith.constant 0 : i32
    %c0_i32_1 = arith.constant 0 : i32
    return %arg0, %c0_i32, %c0_i32_0 : i32, i32, i32
  }
  func.func @transform_2(%arg0: i32) -> (i32, i32, i32) {
    %c0_i32 = arith.constant 0 : i32
    %c0_i32_0 = arith.constant 0 : i32
    %c0_i32_1 = arith.constant 0 : i32
    return %arg0, %c0_i32, %c0_i32_0 : i32, i32, i32
  }
  func.func @transform_3(%arg0: i32) -> (i32, i32, i32) {
    %c0_i32 = arith.constant 0 : i32
    %c0_i32_0 = arith.constant 0 : i32
    %c0_i32_1 = arith.constant 0 : i32
    return %arg0, %c0_i32, %c0_i32_0 : i32, i32, i32
  }
  func.func @transform_4(%arg0: i32) -> (i32, i32, i32) {
    %c0_i32 = arith.constant 0 : i32
    %c0_i32_0 = arith.constant 0 : i32
    %c0_i32_1 = arith.constant 0 : i32
    return %arg0, %c0_i32, %c0_i32_0 : i32, i32, i32
  }
  func.func @transform_5(%arg0: i32) -> (i32, i32, i32) {
    %c0_i32 = arith.constant 0 : i32
    %c0_i32_0 = arith.constant 0 : i32
    %c0_i32_1 = arith.constant 0 : i32
    return %arg0, %c0_i32, %c0_i32_0 : i32, i32, i32
  }
  func.func @transform_6(%arg0: i32) -> (i32, i32, i32) {
    %c0_i32 = arith.constant 0 : i32
    %c0_i32_0 = arith.constant 0 : i32
    %c0_i32_1 = arith.constant 0 : i32
    return %arg0, %c0_i32, %c0_i32_0 : i32, i32, i32
  }
  func.func @transform_7(%arg0: i32) -> (i32, i32, i32) {
    %c0_i32 = arith.constant 0 : i32
    %c0_i32_0 = arith.constant 0 : i32
    %c0_i32_1 = arith.constant 0 : i32
    return %arg0, %c0_i32, %c0_i32_0 : i32, i32, i32
  }
  func.func @transform_8(%arg0: i32) -> (i32, i32) {
    %c0_i32 = arith.constant 0 : i32
    %c0_i32_0 = arith.constant 0 : i32
    return %arg0, %c0_i32 : i32, i32
  }
  func.func @transform_9(%arg0: i32) -> (i32, i32) {
    %c0_i32 = arith.constant 0 : i32
    %c0_i32_0 = arith.constant 0 : i32
    return %arg0, %c0_i32 : i32, i32
  }
  func.func @transform_10(%arg0: i32) -> (i32, i32) {
    %c0_i32 = arith.constant 0 : i32
    %c0_i32_0 = arith.constant 0 : i32
    return %arg0, %c0_i32 : i32, i32
  }
  func.func @transform_11(%arg0: i32) -> (i32, i32) {
    %c0_i32 = arith.constant 0 : i32
    %c0_i32_0 = arith.constant 0 : i32
    return %arg0, %c0_i32 : i32, i32
  }
  func.func @transform_12(%arg0: i32) -> (i32, i32) {
    %c0_i32 = arith.constant 0 : i32
    %c0_i32_0 = arith.constant 0 : i32
    %c0_i32_1 = arith.constant 0 : i32
    return %c0_i32, %c0_i32_0 : i32, i32
  }
  func.func @transform_13(%arg0: i32) -> (i32, i32) {
    %c0_i32 = arith.constant 0 : i32
    %c0_i32_0 = arith.constant 0 : i32
    %c0_i32_1 = arith.constant 0 : i32
    return %c0_i32, %c0_i32_0 : i32, i32
  }
  func.func @transform_14(%arg0: i32) -> (i32, i32) {
    %c0_i32 = arith.constant 0 : i32
    %c0_i32_0 = arith.constant 0 : i32
    %c0_i32_1 = arith.constant 0 : i32
    return %c0_i32, %c0_i32_0 : i32, i32
  }
  func.func @transform_15(%arg0: i32) -> (i32, i32) {
    %c0_i32 = arith.constant 0 : i32
    %c0_i32_0 = arith.constant 0 : i32
    %c0_i32_1 = arith.constant 0 : i32
    return %c0_i32, %c0_i32_0 : i32, i32
  }
  func.func @transform_16(%arg0: i32) -> (i32, i32) {
    %c0_i32 = arith.constant 0 : i32
    %c0_i32_0 = arith.constant 0 : i32
    %c0_i32_1 = arith.constant 0 : i32
    return %c0_i32, %c0_i32_0 : i32, i32
  }
  func.func @transform_17(%arg0: i32) -> (i32, i32) {
    %c0_i32 = arith.constant 0 : i32
    %c0_i32_0 = arith.constant 0 : i32
    %c0_i32_1 = arith.constant 0 : i32
    return %c0_i32, %c0_i32_0 : i32, i32
  }
  func.func @transform_18(%arg0: i32) -> (i32, i32) {
    %c0_i32 = arith.constant 0 : i32
    %c0_i32_0 = arith.constant 0 : i32
    %c0_i32_1 = arith.constant 0 : i32
    return %c0_i32, %c0_i32_0 : i32, i32
  }
  func.func @transform_19(%arg0: i32) -> (i32, i32) {
    %c0_i32 = arith.constant 0 : i32
    %c0_i32_0 = arith.constant 0 : i32
    %c0_i32_1 = arith.constant 0 : i32
    return %c0_i32, %c0_i32_0 : i32, i32
  }
  func.func @transform_20(%arg0: i32) -> (i32, i32) {
    %c0_i32 = arith.constant 0 : i32
    %c0_i32_0 = arith.constant 0 : i32
    %c0_i32_1 = arith.constant 0 : i32
    return %c0_i32, %c0_i32_0 : i32, i32
  }
  func.func @transform_21(%arg0: i32) -> (i32, i32) {
    %c0_i32 = arith.constant 0 : i32
    %c0_i32_0 = arith.constant 0 : i32
    %c0_i32_1 = arith.constant 0 : i32
    return %c0_i32, %c0_i32_0 : i32, i32
  }
  func.func @transform_22(%arg0: i32) -> (i32, i32) {
    %c0_i32 = arith.constant 0 : i32
    %c0_i32_0 = arith.constant 0 : i32
    %c0_i32_1 = arith.constant 0 : i32
    return %c0_i32, %c0_i32_0 : i32, i32
  }
  func.func @transform_23(%arg0: i32) -> (i32, i32) {
    %c0_i32 = arith.constant 0 : i32
    %c0_i32_0 = arith.constant 0 : i32
    %c0_i32_1 = arith.constant 0 : i32
    return %c0_i32, %c0_i32_0 : i32, i32
  }
  func.func @transform_24(%arg0: i32) -> (i32, i32) {
    %c0_i32 = arith.constant 0 : i32
    %c0_i32_0 = arith.constant 0 : i32
    %c0_i32_1 = arith.constant 0 : i32
    return %c0_i32, %c0_i32_0 : i32, i32
  }
  func.func @transform_25(%arg0: i32) -> (i32, i32) {
    %c0_i32 = arith.constant 0 : i32
    %c0_i32_0 = arith.constant 0 : i32
    %c0_i32_1 = arith.constant 0 : i32
    return %c0_i32, %c0_i32_0 : i32, i32
  }
}

</mosaic_0001>

<sc_bundles>
// kernel: kernel.10.cloned.1.call-start
scs
__scs_entry_jumppad:
0x0: {  	(pc) =	sbr.rel $0x88, $3  }
0x1: {  	(tag) =	ssettag $0x0;
	lr =	simm.s32 $0x1  }
0x2: {  	[smem:$0x3F8B] =	sst lr;
	_ =	strace $0xD0000000  }
0x3: {  	_ = 	snop  }
0x4: {  	_ = 	snop  }
0x5: {  	_ = 	snop  }
0x6: {  	_ = 	snop  }
0x7: {  	_ = 	snop  }
__scs_overlays_trampoline_lowered:
0x8: {  	[smem:$0x3F9A] =	sst s0  }
0x9: {  	[smem:$0x3F9B] =	sst s1  }
0xa: {  	[smem:$0x3F9C] =	sst s2  }
0xb: {  	[smem:$0x3F9D] =	sst s3  }
0xc: {  	[smem:$0x3F9E] =	sst s4  }
0xd: {  	[smem:$0x3F9F] =	sst s5  }
0xe: {  	[smem:$0x3FA0] =	sst s6  }
0xf: {  	[smem:$0x3FA1] =	sst s7  }
0x10: {  	[smem:$0x3FA2] =	sst s8  }
0x11: {  	[smem:$0x3FA3] =	sst s9;
	s0 =	simm.s32 @!p0 $0x0  }
0x12: {  	s1 =	sld [smem:$0x3F89];
	s0 =	simm.s32 @p0 $0x1  }
0x13: {  	[smem:$0x3FA4] =	sst s0;
	s0 =	simm.s32 @!p1 $0x0  }
0x14: {  	s2 =	sld [smem:$0x3F88];
	s0 =	simm.s32 @p1 $0x1  }
0x15: {  	[smem:$0x3FA5] =	sst s0;
	s0 =	simm.s32 @!p2 $0x0  }
0x16: {  	s3 =	sld [smem:$0x3FDB];
	s0 =	simm.s32 @p2 $0x1  }
0x17: {  	s4 =	simm.s32 $0x1BF5;
	[smem:$0x3FA7] =	sst s0  }
0x18: {  	s0 =	sld [smem:$0x3F8A];
	_ =	swait.ge [sflag:s4], $0x0  }
0x19: {  	s7 =	sld [smem:$0x3F8B]  }
0x1a: {  	s8 =	sadd.s32 $0xFFFFE003, lr  }
0x1b: {  	s9 =	sadd.s32 $0xFFFFFEF7, lr;
	s5 =	simm.s32 $0xFFFFFFFF;
	p2 =	slt.u32 s8, $0xFFFFF086  }
0x1c: {  	p1 =	slt.u32 s9, $0xF7A;
	s5 =	simm.s32 @!p2 $0x0  }
0x1d: {  	s5 =	simm.s32 @p1 $0x1;
	p0 =	seq.s32 s7, s2  }
0x1e: {  	s7 =	smul.u32 @!p0 $0xF7A, s2;
	p2 =	seq.s32 @!p0 s5, $0x0  }
0x1f: {  	s9 =	smul.u32 $0xF7A, s1;
	s8 =	simm.s32 @!p0 $0x1BF5;
	p2 =	por !p2, p0  }
0x20: {  	[sflag:s8] =	ssyncset.s32 @!p0 $0xFFFFF086;
	s6 =	sadd.s32 @!p0 s3, s7;
	s7 =	simm.s32 @!p0 $0x108  }
0x21: {  	s3 =	sadd.s32 s3, s9;
	s6 =	sadd.s32 @!p0 $0x88, s6;
	s7 =	simm.s32 @p2 $0x1082  }
0x22: {  	[simem:s7], [sflag:s8] =	dma.local @!p0 [hbm:s6], $0xF7A  }
0x23: {  	s9 =	sor.u32 $0xD0000000, s2;
	s6 =	simm.s32 $0x108;
	_ =	swait.ge @!p0 [sflag:s8], $0x0  }
0x24: {  	s3 =	sadd.s32 $0x88, s3;
	s6 =	simm.s32 @!p1 $0x1082;
	[sflag:s4] =	ssyncset.s32 $0xFFFFF086  }
0x25: {  	[simem:s6], [sflag:s4] =	dma.local [hbm:s3], $0xF7A  }
0x26: {  	[smem:$0x3F8B] =	sst s1;
	(tag) =	ssettag s2;
	_ =	strace s9  }
0x27: {  	s1 =	sld [smem:$0x3F9B]  }
0x28: {  	s2 =	sld [smem:$0x3F9C]  }
0x29: {  	s4 =	sld [smem:$0x3F9E]  }
0x2a: {  	p0 =	seq.s32 s5, $0x0;
	s5 =	sld [smem:$0x3F9F]  }
0x2b: {  	s6 =	sld [smem:$0x3FA0]  }
0x2c: {  	s7 =	sld [smem:$0x3FA1]  }
0x2d: {  	s3 =	simm.s32 $0x108;
	s8 =	sld [smem:$0x3FA2]  }
0x2e: {  	s3 =	simm.s32 @!p0 $0x1082;
	s9 =	sld [smem:$0x3FA3]  }
0x2f: {  	lr =	sadd.s32 s0, s3;
	s0 =	sld [smem:$0x3F9A]  }
0x30: {  	s3 =	sld [smem:$0x3F9D]  }
0x31: {  	[smem:$0x3FA6] =	sst s10  }
0x32: {  	s10 =	sld [smem:$0x3FA4];
	_ =	sdelay $0x3  }
0x33: {  	p0 =	seq.s32 s10, $0x1;
	s10 =	sld [smem:$0x3FA6];
	_ =	sdelay $0x3  }
0x34: {  	[smem:$0x3FA6] =	sst s10  }
0x35: {  	s10 =	sld [smem:$0x3FA5];
	_ =	sdelay $0x3  }
0x36: {  	p1 =	seq.s32 s10, $0x1;
	s10 =	sld [smem:$0x3FA6];
	_ =	sdelay $0x3  }
0x37: {  	[smem:$0x3FA6] =	sst s10  }
0x38: {  	s10 =	sld [smem:$0x3FA7]  }
0x39: {  	_ = 	snop;
	(pc) =	sbr.ind lr, $3  }
0x3a: {  	_ = 	snop  }
0x3b: {  	_ = 	snop  }
0x3c: {  	p2 =	seq.s32 s10, $0x1;
	s10 =	sld [smem:$0x3FA6]  }
0x3d: {  	_ =	shalt  }
0x3e: {  	_ =	shalt  }
0x3f: {  	_ =	shalt  }
0x40: {  	_ =	shalt  }
0x41: {  	_ =	shalt  }
0x42: {  	_ =	shalt  }
0x43: {  	_ =	shalt  }
0x44: {  	_ =	shalt  }
0x45: {  	_ =	shalt  }
0x46: {  	_ =	shalt  }
0x47: {  	_ =	shalt  }
0x48: {  	_ =	shalt  }
0x49: {  	_ =	shalt  }
0x4a: {  	_ =	shalt  }
0x4b: {  	_ =	shalt  }
0x4c: {  	_ =	shalt  }
0x4d: {  	_ =	shalt  }
0x4e: {  	_ =	shalt  }
0x4f: {  	_ =	shalt  }
0x50: {  	_ =	shalt  }
0x51: {  	_ =	shalt  }
0x52: {  	_ =	shalt  }
0x53: {  	_ =	shalt  }
0x54: {  	_ =	shalt  }
0x55: {  	_ =	shalt  }
0x56: {  	_ =	shalt  }
0x57: {  	_ =	shalt  }
0x58: {  	_ =	shalt  }
0x59: {  	_ =	shalt  }
0x5a: {  	_ =	shalt  }
0x5b: {  	_ =	shalt  }
0x5c: {  	_ =	shalt  }
0x5d: {  	_ =	shalt  }
0x5e: {  	_ =	shalt  }
0x5f: {  	_ =	shalt  }
0x60: {  	_ =	shalt  }
0x61: {  	_ =	shalt  }
0x62: {  	_ =	shalt  }
0x63: {  	_ =	shalt  }
0x64: {  	_ =	shalt  }
0x65: {  	_ =	shalt  }
0x66: {  	_ =	shalt  }
0x67: {  	_ =	shalt  }
0x68: {  	_ =	shalt  }
0x69: {  	_ =	shalt  }
0x6a: {  	_ =	shalt  }
0x6b: {  	_ =	shalt  }
0x6c: {  	_ =	shalt  }
0x6d: {  	_ =	shalt  }
0x6e: {  	_ =	shalt  }
0x6f: {  	_ =	shalt  }
0x70: {  	_ =	shalt  }
0x71: {  	_ =	shalt  }
0x72: {  	_ =	shalt  }
0x73: {  	_ =	shalt  }
0x74: {  	_ =	shalt  }
0x75: {  	_ =	shalt  }
0x76: {  	_ =	shalt  }
0x77: {  	_ =	shalt  }
0x78: {  	_ =	shalt  }
0x79: {  	_ =	shalt  }
0x7a: {  	_ =	shalt  }
0x7b: {  	_ =	shalt  }
0x7c: {  	_ =	shalt  }
0x7d: {  	_ =	shalt  }
0x7e: {  	_ =	shalt  }
0x7f: {  	_ =	shalt  }
0x80: {  	_ =	shalt  }
0x81: {  	_ =	shalt  }
0x82: {  	_ =	shalt  }
0x83: {  	_ =	shalt  }
0x84: {  	_ =	shalt  }
0x85: {  	_ =	shalt  }
0x86: {  	_ =	shalt  }
0x87: {  	_ =	shalt  }
.Lfunc_end0:
.L_simem_size_0:
called_computation_lowered:
.L_overlay_start_0:
0x88: {  	s2 =	sld [smem:$0x3FD9]  }
0x89: {  	s3 =	sld [smem:$0x3FFE];
	_ =	sdelay $0x1  }
0x8a: {  	s1 =	srdreg.scid  }
0x8b: {  	s0 =	sand.u32 $0x1, s1  }
0x8c: {  	s16 =	sshll.u32 s0, $0xA;
	s2 =	sadd.s32 s3, s2  }
0x8d: {  	s2 =	sadd.s32 s2, s16  }
0x8e: {  	[smem:$0x3FB2] =	sst s2  }
0x8f: {  	_ = 	snop  }
0x90: {  	(tm) =	ssettm $0x1  }
0x91: {  	s17 =	sld [smem:$0x3FFB];
	_ =	sdelay $0x3  }
0x92: {  	_ =	strace s17  }
0x93: {  	s2 =	sld [smem:$0x3FFC];
	_ =	sdelay $0x3  }
0x94: {  	_ =	strace s2  }
0x95: {  	s2 =	sld [smem:$0x3FFD];
	_ =	sdelay $0x3  }
0x96: {  	_ =	strace s2  }
0x97: {  	_ =	strace $0x8FFFFFFF  }
0x98: {  	s18 =	sld [smem:$0x3FDB];
	_ =	sdelay $0x1  }
0x99: {  	s19 =	simm.s32 $_scs_section_size  }
0x9a: {  	s4 =	simm.s32 $_size__tile_overlayer_lowered;
	s5 =	simm.s32 $_tile_overlayer_lowered  }
0x9b: {  	s22 =	simm.s32 $0x1BFF;
	s21 =	sshll.u32 s5, $0x1;
	s2 =	sadd.s32 s19, s18  }
0x9c: {  	s6 =	simm.s32 $0x0;
	s20 =	sshll.u32 s4, $0x1;
	s4 =	sadd.s32 s21, s2  }
0x9d: {  	[timem:s6], [sflag:s22] =	dma.local [hbm:s4], s20  }
0x9e: {  	_ =	swait.ge [sflag:s22], s20  }
0x9f: {  	s3 =	ssub.s32 $0x0, s20;
	[sflag:s22] =	ssyncset.done $0x0  }
0xa0: {  	[sflag:s22] =	ssyncadd.s32 s3;
	_ =	sdelay $0x1  }
0xa1: {  	s23 =	simm.s32 $0x1B8B  }
0xa2: {  	_ =	swait.ge [sflag:s23], $0x1  }
0xa3: {  	[sflag:s23] =	ssyncset.done $0x0  }
0xa4: {  	s25 =	simm.s32 $0x1B8E;
	s24 =	sld [smem:$0x3FFE];
	[sflag:s23] =	ssyncadd.s32 $0xFFFFFFFF  }
0xa5: {  	s26 =	simm.s32 $execute0_lowered;
	[smem:$0x3FD2] =	sst s25  }
0xa6: {  	s4 =	sshll.u32 s26, $0x1;
	_ =	strace $0x80000046;
	[dreg:$0x1] =	wrdreg $0xFFFFFFFF  }
0xa7: {  	s28 =	simm.s32 $_size_execute0_lowered;
	s2 =	sadd.s32 s2, s4;
	[dreg:$0x0] =	wrdreg $0x0  }
0xa8: {  	s4 =	sshll.u32 s28, $0x1;
	[dreg:$0x2] =	wrdreg s2  }
0xa9: {  	[dreg:$0x3] =	wrdreg s4  }
0xaa: {  	[dreg:$0x4] =	wrdreg $0xC0  }
0xab: {  	_ =	task [dreg:s6], $0x5FFFF  }
0xac: {  	[dreg:$0x1] =	wrdreg $0xFFFFFFFF  }
0xad: {  	[dreg:$0x0] =	wrdreg $0x60  }
0xae: {  	[dreg:$0x2] =	wrdreg s24  }
0xaf: {  	[dreg:$0x3] =	wrdreg $0x10D00  }
0xb0: {  	[dreg:$0x4] =	wrdreg $0x9  }
0xb1: {  	_ =	task.clear_ibuf [dreg:s6], $0x5FFFF;
	_ =	strace $0x90000046  }
0xb2: {  	s29 =	simm.s32 $0x9;
	_ =	strace $0x80000048  }
0xb3: {  	_ =	swait.ge [sflag:s29], $0x1  }
0xb4: {  	[sflag:s29] =	ssyncadd.s32 $0xFFFFFFFF  }
0xb5: {  	_ =	strace $0x90000048  }
0xb6: {  	_ =	sfence  }
0xb7: {  	s30 =	sld [smem:$0x0];
	_ =	sdelay $0x2  }
0xb8: {  	s31 =	sshll.u32 s1, $0xD;
	s1 =	sshrl.u32 s1, $0x2  }
0xb9: {  	s3 =	sand.u32 $0x4000, s31;
	s1 =	sadd.s32 s1, s30  }
0xba: {  	s0 =	sor.u32 s3, s0;
	s1 =	sshll.u32 s1, $0x11  }
0xbb: {  	s0 =	sor.u32 s1, s0  }
0xbc: {  	s0 =	sadd.s32 $0x8F2B, s0  }
0xbd: {  	[sflag:s0] =	ssyncadd.remote.s32 $0x1  }
0xbe: {  	_ =	sfence.sel $0xFFFF  }
0xbf: {  	[dreg:$0x0] =	wrdreg $0xFFFFFFFF;
	(pc) =	sbr.abs _section_cstart, $3  }
0xc0: {  	[dreg:$0x1] =	wrdreg $0xFFFFFFFF  }
0xc1: {  	_ =	task.clear_ibuf [dreg:s6], $0x2FFFF;
	_ =	strace $0x9FFFFFFF  }
0xc2: {  	(tm) =	ssettm $0x7FFFFFFF  }
0xc3: {  	_ =	shalt  }
tec
execute0_lowered:
.L_overlay_start_1:
0x0: {  	(tag) =	ssettag $0x1  }
0x1: {  	s7 =	rddreg [dreg:$0x0]  }
0x2: {  	s2 =	rddreg [dreg:$0x1];
	s3 =	srdreg.scid  }
0x3: {  	s1 =	stileid.u32;
	s0 =	rddreg [dreg:$0x2];
	s13 =	simm.s32 $0x39000  }
0x4: {  	s14 =	simm.s32 $0x100;
	s15 =	simm.s32 $0x200;
	s16 =	simm.s32 $0x300  }
0x5: {  	s17 =	simm.s32 $0x400;
	s18 =	simm.s32 $0x0;
	s6 =	sand.u32 $0x1, s3  }
0x6: {  	s4 =	sshll.u32 s1, $0x1;
	s3 =	simm.s32 $0x0;
	s8 =	smul.u32 $0xC50, s1  }
0x7: {  	s9 =	smul.u32 $0x18800, s1;
	s10 =	sadd.s32 $0x6600, s7;
	s4 =	sor.u32 s6, s4  }
0x8: {  	[smem:$0x7FF] =	sst s3;
	s30 =	ssub.s32 $0x2, s6;
	s12 =	smul.u32 $0xC400, s6  }
0x9: {  	p0 =	seq.s32 s6, $0x1;
	s5 =	smul.u32 $0x1880, s4;
	_ =	strace $0x80000047  }
0xa: {  	s11 =	sshrl.u32 s30, $0x1;
	s4 =	sadd.s32 s8, s2;
	s13 =	simm.s32 @!p0 $0x37600  }
0xb: {  	s8 =	sshrl.u32 s8, $0x3;
	s11 =	ssub.s32 s30, s11;
	s9 =	sadd.s32 s12, s9  }
0xc: {  	s31 =	sadd.s32 s13, s7;
	s12 =	simm.s32 $0x80;
	s13 =	simm.s32 $0x280  }
0xd: {  	s5 =	sadd.s32 s10, s5;
	s9 =	sadd.s32 $0x400, s9;
	s7 =	smax.u32 s11, $0x1  }
0xe: {  	s8 =	sadd.s32 s31, s8;
	s11 =	simm.s32 $0x3;
	s9 =	sshrl.u32 s9, $0x3  }
0xf: {  	v0 =	vimm.f32 $1.000000000e+00;
	v1 =	vimm.f32 $0.0e+00;
	s6 =	sadd.s32 $0x40, s5;
	s9 =	sadd.s32 s9, s10;
	s10 =	simm.s32 $0x480  }
.LBB2_1:
0x10: {  	[tilespmem:$0x0] =	vst v0  }
0x11: {  	[tilespmem:$0x10] =	vst v0  }
0x12: {  	[tilespmem:$0x20] =	vst v0  }
0x13: {  	[tilespmem:$0x30] =	vst v0  }
0x14: {  	[tilespmem:$0x40] =	vst v0  }
0x15: {  	[tilespmem:$0x50] =	vst v0  }
0x16: {  	[tilespmem:$0x60] =	vst v0  }
0x17: {  	[tilespmem:$0x70] =	vst v0;
	s19 =	simm.s32 $0x40;
	s20 =	simm.s32 $0x0  }
.LBB2_2:
0x18: {  	p0 =	sne.s32 s19, $0x3100;
	[tilespmem:s20+$0x480] =	vst v1;
	s20 =	smov.u32 s19;
	s19 =	sadd.s32 $0x40, s19  }
.Ltmp0:
0x19: {  	(pc) =	sbr.rel @p0 .LBB2_2-.Ltmp0, $2  }
0x1a: {  	_ =	sdelay $0x2  }
0x1b: {  	s20 =	sshra.s32 s20, $0x2  }
0x1c: {  	[tilespmem:s20+$0x480] =	vst v1  }
0x1d: {  	[spmem:s4] =	stream.linear.scatter [tilespmem:s10], [sflag:$0x3], $0xC50, $0x38;
	[tilespmem:$0x1D20] =	vst v63  }
0x1e: {  	_ =	swait.ge [sflag:s11], $0xC50  }
0x1f: {  	[sflag:s11] =	ssyncset.done $0x0  }
0x20: {  	[sflag:s11] =	ssyncadd.s32 $0xFFFFF3B0  }
0x21: {  	[bflag:$0x0] =	sbarrier.arrive $0xFFFF  }
0x22: {  	[tilespmem:s12], [sflag:$0x1] =	stream.linear.gather [hbm4b:s5+s3], $0x200, $0x38;
	[tilespmem:$0x1D20] =	vst v63  }
0x23: {  	s19 =	simm.s32 $0x1;
	s28 =	simm.s32 $0x0  }
0x24: {  	[tilespmem:s13], [sflag:$0x2] =	stream.linear.gather [hbm4b:s6+s3], $0x200, $0x38;
	[tilespmem:$0x1D20] =	vst v63  }
0x25: {  	s21 =	sand.u32 $0x1, s28;
	_ =	swait.ge [sflag:s19], $0x200  }
0x26: {  	s22 =	sshll.u32 s21, $0x9;
	[sflag:s19] =	ssyncset.done $0x0  }
0x27: {  	s29 =	sor.u32 $0x100, s22;
	[sflag:s19] =	ssyncadd.s32 $0xFFFFFE00  }
0x28: {  	[spmem:s2] =	stream.indirect.scatter.add.f32 [tilespmem:s3], [sflag:$0x3], $0x1, s29, s12, $0xb8;
	[tilespmem:$0x1D20] =	vst v63  }
0x29: {  	_ =	swait.ge [sflag:s11], $0x80  }
0x2a: {  	[sflag:s11] =	ssyncset.done $0x0  }
0x2b: {  	s30 =	sadd.s32 $0x200, s22;
	[sflag:s11] =	ssyncadd.s32 $0xFFFFFF80  }
0x2c: {  	[spmem:s2] =	stream.indirect.scatter.add.f32 [tilespmem:s3], [sflag:$0x3], $0x1, s30, s12, $0xb8;
	[tilespmem:$0x1D20] =	vst v63  }
0x2d: {  	s20 =	simm.s32 $0x2;
	_ =	swait.ge [sflag:s11], $0x80  }
0x2e: {  	s21 =	sadd.s32 $0x1, s21;
	s19 =	sand.u32 $0x1, s19;
	[sflag:s11] =	ssyncset.done $0x0  }
0x2f: {  	s23 =	sor.u32 $0x80, s22;
	s22 =	sadd.s32 $0x1, s19;
	[sflag:s11] =	ssyncadd.s32 $0xFFFFFF80  }
0x30: {  	[tilespmem:s23], [sflag:s21] =	stream.linear.gather [hbm4b:s9+s3], $0x200, $0x38;
	[tilespmem:$0x1D20] =	vst v63  }
0x31: {  	s31 =	simm.s32 $0x1;
	s19 =	sadd.s32 $0x40, s9;
	_ =	swait.ge [sflag:s22], $0x200  }
0x32: {  	s23 =	simm.s32 $0x3;
	s21 =	sand.u32 $0x1, s31;
	[sflag:s22] =	ssyncset.done $0x0  }
.LBB2_4:
0x33: {  	s24 =	sshll.u32 s21, $0x9  }
0x34: {  	[sflag:s22] =	ssyncadd.s32 $0xFFFFFE00;
	s25 =	smov.u32 s23;
	s26 =	sadd.s32 $0x1, s23  }
0x35: {  	p0 =	sne.s32 s23, $0x60;
	s22 =	sor.u32 $0x100, s24  }
0x36: {  	[spmem:s2] =	stream.indirect.scatter.add.f32 [tilespmem:s3], [sflag:$0x3], $0x1, s22, s12, $0xb8;
	[tilespmem:$0x1D20] =	vst v63  }
0x37: {  	_ =	swait.ge [sflag:s11], $0x80  }
0x38: {  	[sflag:s11] =	ssyncset.done $0x0  }
0x39: {  	s22 =	sadd.s32 $0x200, s24;
	[sflag:s11] =	ssyncadd.s32 $0xFFFFFF80  }
0x3a: {  	[spmem:s2] =	stream.indirect.scatter.add.f32 [tilespmem:s3], [sflag:$0x3], $0x1, s22, s12, $0xb8;
	[tilespmem:$0x1D20] =	vst v63  }
0x3b: {  	s20 =	sand.u32 $0x1, s20;
	s21 =	sadd.s32 $0x1, s21;
	_ =	swait.ge [sflag:s11], $0x80  }
.Ltmp1:
0x3c: {  	s23 =	sor.u32 $0x80, s24;
	[sflag:s11] =	ssyncset.done $0x0;
	(pc) =	sbr.rel @p0 .LBB2_4-.Ltmp1, $4  }
0x3d: {  	s22 =	sadd.s32 $0x1, s20;
	s20 =	smov.u32 s25;
	[sflag:s11] =	ssyncadd.s32 $0xFFFFFF80  }
0x3e: {  	[tilespmem:s23], [sflag:s21] =	stream.linear.gather [hbm4b:s19+s3], $0x200, $0x38;
	[tilespmem:$0x1D20] =	vst v63  }
0x3f: {  	s21 =	sadd.s32 $0xFFFFFFFF, s25;
	s19 =	sadd.s32 $0x40, s19;
	_ =	swait.ge [sflag:s22], $0x200  }
0x40: {  	s23 =	smov.u32 s26;
	s21 =	sand.u32 $0x1, s21;
	[sflag:s22] =	ssyncset.done $0x0  }
0x41: {  	s23 =	sshll.u32 s21, $0x9  }
0x42: {  	[sflag:s22] =	ssyncadd.s32 $0xFFFFFE00;
	s28 =	sor.u32 $0x100, s23  }
0x43: {  	[spmem:s2] =	stream.indirect.scatter.add.f32 [tilespmem:s3], [sflag:$0x3], $0x1, s28, s12, $0xb8;
	[tilespmem:$0x1D20] =	vst v63  }
0x44: {  	_ =	swait.ge [sflag:s11], $0x80  }
0x45: {  	[sflag:s11] =	ssyncset.done $0x0  }
0x46: {  	s29 =	sadd.s32 $0x200, s23;
	[sflag:s11] =	ssyncadd.s32 $0xFFFFFF80  }
0x47: {  	[spmem:s2] =	stream.indirect.scatter.add.f32 [tilespmem:s3], [sflag:$0x3], $0x1, s29, s12, $0xb8;
	[tilespmem:$0x1D20] =	vst v63  }
0x48: {  	_ =	swait.ge [sflag:s11], $0x80  }
0x49: {  	s20 =	sand.u32 $0x1, s20;
	s30 =	sadd.s32 $0x1, s21;
	[sflag:s11] =	ssyncset.done $0x0  }
0x4a: {  	s31 =	sor.u32 $0x80, s23;
	s20 =	sadd.s32 $0x1, s20;
	[sflag:s11] =	ssyncadd.s32 $0xFFFFFF80  }
0x4b: {  	[tilespmem:s31], [sflag:s30] =	stream.linear.gather [hbm4b:s19+s3], $0x200, $0x38;
	[tilespmem:$0x1D20] =	vst v63  }
0x4c: {  	_ =	swait.ge [sflag:s20], $0x200  }
0x4d: {  	[sflag:s20] =	ssyncset.done $0x0  }
0x4e: {  	[sflag:s20] =	ssyncadd.s32 $0xFFFFFE00  }
0x4f: {  	[spmem:s2] =	stream.indirect.scatter.add.f32 [tilespmem:s3], [sflag:$0x3], $0x1, s14, s12, $0xb8;
	[tilespmem:$0x1D20] =	vst v63  }
0x50: {  	_ =	swait.ge [sflag:s11], $0x80  }
0x51: {  	[sflag:s11] =	ssyncset.done $0x0  }
0x52: {  	[sflag:s11] =	ssyncadd.s32 $0xFFFFFF80  }
0x53: {  	[spmem:s2] =	stream.indirect.scatter.add.f32 [tilespmem:s3], [sflag:$0x3], $0x1, s15, s12, $0xb8;
	[tilespmem:$0x1D20] =	vst v63  }
0x54: {  	_ =	swait.ge [sflag:s11], $0x80  }
0x55: {  	[sflag:s11] =	ssyncset.done $0x0  }
0x56: {  	[sflag:s11] =	ssyncadd.s32 $0xFFFFFF80  }
0x57: {  	_ =	swait.ge [sflag:s30], $0x200  }
0x58: {  	[sflag:s30] =	ssyncset.done $0x0  }
0x59: {  	[sflag:s30] =	ssyncadd.s32 $0xFFFFFE00  }
0x5a: {  	[spmem:s2] =	stream.indirect.scatter.add.f32 [tilespmem:s3], [sflag:$0x3], $0x1, s16, s12, $0xb8;
	[tilespmem:$0x1D20] =	vst v63  }
0x5b: {  	_ =	swait.ge [sflag:s11], $0x80  }
0x5c: {  	[sflag:s11] =	ssyncset.done $0x0  }
0x5d: {  	[sflag:s11] =	ssyncadd.s32 $0xFFFFFF80  }
0x5e: {  	[spmem:s2] =	stream.indirect.scatter.add.f32 [tilespmem:s3], [sflag:$0x3], $0x1, s17, s12, $0xb8;
	[tilespmem:$0x1D20] =	vst v63  }
0x5f: {  	_ =	swait.ge [sflag:s11], $0x80  }
0x60: {  	[sflag:s11] =	ssyncset.done $0x0  }
0x61: {  	[sflag:s11] =	ssyncadd.s32 $0xFFFFFF80  }
0x62: {  	[bflag:$0x0] =	sbarrier.arrive $0xFFFF  }
0x63: {  	[tilespmem:s10], [sflag:$0x3] =	stream.linear.gather [spmem:s4], $0xC50, $0x38;
	[tilespmem:$0x1D20] =	vst v63  }
0x64: {  	s18 =	sadd.s32 $0x1, s18;
	_ =	swait.ge [sflag:s11], $0xC50  }
0x65: {  	p0 =	sne.s32 s18, s7;
	[sflag:s11] =	ssyncset.done $0x0  }
.Ltmp2:
0x66: {  	[sflag:s11] =	ssyncadd.s32 $0xFFFFF3B0;
	(pc) =	sbr.rel @p0 .LBB2_1-.Ltmp2, $4  }
0x67: {  	[hbm4b:s8+s3] =	stream.linear.scatter [tilespmem:s10], [sflag:$0x3], $0xC50, $0x38;
	[tilespmem:$0x1D20] =	vst v63  }
0x68: {  	_ =	swait.ge [sflag:s11], $0xC50  }
0x69: {  	[sflag:s11] =	ssyncset.done $0x0  }
0x6a: {  	[sflag:s11] =	ssyncadd.s32 $0xFFFFF3B0  }
0x6b: {  	_ =	sfence.sel $0x180000  }
0x6c: {  	[bflag:$0x0] =	sbarrier.arrive $0xFFFF  }
0x6d: {  	p0 =	sne.s32 s1, $0x0;
	_ =	strace $0x90000047  }
0x6e: {  	s0 =	sadd.s32 @!p0 $0x100000, s0;
	[bflag:$0x2] =	sbarrier.arrive $0xFFFF  }
0x6f: {  	[sflag:s0] =	ssyncadd.tile.s32 @!p0 $0x1;
	_ =	shalt  }
.Lfunc_end2:
_tile_overlayer_lowered:
.L_overlay_start_2:
0x70: {  	(tag) =	ssettag $0x2  }
0x71: {  	s0 =	rddreg [dreg:$0x0];
	s2 =	stileid.u32  }
0x72: {  	s1 =	rddreg [dreg:$0x1];
	p0 =	sne.s32 s2, $0x0  }
0x73: {  	s3 =	rddreg [dreg:$0x2];
	[bflag:$0x3] =	sbarrier.arrive $0xFFFF;
	s2 =	simm.s32 @!p0 $0x1C03  }
0x74: {  	[timem:s3], [sflag:s2] =	dma.local @!p0 [hbm:s0], s1  }
0x75: {  	s0 =	simm.s32 @!p0 $0x3  }
0x76: {  	_ =	swait.ge @!p0 [sflag:s0], s1  }
0x77: {  	s1 =	ssub.s32 @!p0 $0x0, s1;
	[sflag:s0] =	ssyncset.done @!p0 $0x0  }
0x78: {  	[sflag:s0] =	ssyncadd.s32 @!p0 s1  }
0x79: {  	[bflag:$0x3] =	sbarrier.arrive $0xFFFF  }
0x7a: {  	_ =	shalt  }

// kernel: kernel.13.cloned.1.call-start
scs
__scs_entry_jumppad:
0x0: {  	(pc) =	sbr.rel $0x88, $3  }
0x1: {  	(tag) =	ssettag $0x0;
	lr =	simm.s32 $0x1  }
0x2: {  	[smem:$0x3F8B] =	sst lr;
	_ =	strace $0xD0000000  }
0x3: {  	_ = 	snop  }
0x4: {  	_ = 	snop  }
0x5: {  	_ = 	snop  }
0x6: {  	_ = 	snop  }
0x7: {  	_ = 	snop  }
__scs_overlays_trampoline_lowered:
0x8: {  	[smem:$0x3F9A] =	sst s0  }
0x9: {  	[smem:$0x3F9B] =	sst s1  }
0xa: {  	[smem:$0x3F9C] =	sst s2  }
0xb: {  	[smem:$0x3F9D] =	sst s3  }
0xc: {  	[smem:$0x3F9E] =	sst s4  }
0xd: {  	[smem:$0x3F9F] =	sst s5  }
0xe: {  	[smem:$0x3FA0] =	sst s6  }
0xf: {  	[smem:$0x3FA1] =	sst s7  }
0x10: {  	[smem:$0x3FA2] =	sst s8  }
0x11: {  	[smem:$0x3FA3] =	sst s9;
	s0 =	simm.s32 @!p0 $0x0  }
0x12: {  	s1 =	sld [smem:$0x3F89];
	s0 =	simm.s32 @p0 $0x1  }
0x13: {  	[smem:$0x3FA4] =	sst s0;
	s0 =	simm.s32 @!p1 $0x0  }
0x14: {  	s2 =	sld [smem:$0x3F88];
	s0 =	simm.s32 @p1 $0x1  }
0x15: {  	[smem:$0x3FA5] =	sst s0;
	s0 =	simm.s32 @!p2 $0x0  }
0x16: {  	s3 =	sld [smem:$0x3FDB];
	s0 =	simm.s32 @p2 $0x1  }
0x17: {  	s4 =	simm.s32 $0x1BF5;
	[smem:$0x3FA7] =	sst s0  }
0x18: {  	s0 =	sld [smem:$0x3F8A];
	_ =	swait.ge [sflag:s4], $0x0  }
0x19: {  	s7 =	sld [smem:$0x3F8B]  }
0x1a: {  	s8 =	sadd.s32 $0xFFFFE003, lr  }
0x1b: {  	s9 =	sadd.s32 $0xFFFFFEF7, lr;
	s5 =	simm.s32 $0xFFFFFFFF;
	p2 =	slt.u32 s8, $0xFFFFF086  }
0x1c: {  	p1 =	slt.u32 s9, $0xF7A;
	s5 =	simm.s32 @!p2 $0x0  }
0x1d: {  	s5 =	simm.s32 @p1 $0x1;
	p0 =	seq.s32 s7, s2  }
0x1e: {  	s7 =	smul.u32 @!p0 $0xF7A, s2;
	p2 =	seq.s32 @!p0 s5, $0x0  }
0x1f: {  	s9 =	smul.u32 $0xF7A, s1;
	s8 =	simm.s32 @!p0 $0x1BF5;
	p2 =	por !p2, p0  }
0x20: {  	[sflag:s8] =	ssyncset.s32 @!p0 $0xFFFFF086;
	s6 =	sadd.s32 @!p0 s3, s7;
	s7 =	simm.s32 @!p0 $0x108  }
0x21: {  	s3 =	sadd.s32 s3, s9;
	s6 =	sadd.s32 @!p0 $0x88, s6;
	s7 =	simm.s32 @p2 $0x1082  }
0x22: {  	[simem:s7], [sflag:s8] =	dma.local @!p0 [hbm:s6], $0xF7A  }
0x23: {  	s9 =	sor.u32 $0xD0000000, s2;
	s6 =	simm.s32 $0x108;
	_ =	swait.ge @!p0 [sflag:s8], $0x0  }
0x24: {  	s3 =	sadd.s32 $0x88, s3;
	s6 =	simm.s32 @!p1 $0x1082;
	[sflag:s4] =	ssyncset.s32 $0xFFFFF086  }
0x25: {  	[simem:s6], [sflag:s4] =	dma.local [hbm:s3], $0xF7A  }
0x26: {  	[smem:$0x3F8B] =	sst s1;
	(tag) =	ssettag s2;
	_ =	strace s9  }
0x27: {  	s1 =	sld [smem:$0x3F9B]  }
0x28: {  	s2 =	sld [smem:$0x3F9C]  }
0x29: {  	s4 =	sld [smem:$0x3F9E]  }
0x2a: {  	p0 =	seq.s32 s5, $0x0;
	s5 =	sld [smem:$0x3F9F]  }
0x2b: {  	s6 =	sld [smem:$0x3FA0]  }
0x2c: {  	s7 =	sld [smem:$0x3FA1]  }
0x2d: {  	s3 =	simm.s32 $0x108;
	s8 =	sld [smem:$0x3FA2]  }
0x2e: {  	s3 =	simm.s32 @!p0 $0x1082;
	s9 =	sld [smem:$0x3FA3]  }
0x2f: {  	lr =	sadd.s32 s0, s3;
	s0 =	sld [smem:$0x3F9A]  }
0x30: {  	s3 =	sld [smem:$0x3F9D]  }
0x31: {  	[smem:$0x3FA6] =	sst s10  }
0x32: {  	s10 =	sld [smem:$0x3FA4];
	_ =	sdelay $0x3  }
0x33: {  	p0 =	seq.s32 s10, $0x1;
	s10 =	sld [smem:$0x3FA6];
	_ =	sdelay $0x3  }
0x34: {  	[smem:$0x3FA6] =	sst s10  }
0x35: {  	s10 =	sld [smem:$0x3FA5];
	_ =	sdelay $0x3  }
0x36: {  	p1 =	seq.s32 s10, $0x1;
	s10 =	sld [smem:$0x3FA6];
	_ =	sdelay $0x3  }
0x37: {  	[smem:$0x3FA6] =	sst s10  }
0x38: {  	s10 =	sld [smem:$0x3FA7]  }
0x39: {  	_ = 	snop;
	(pc) =	sbr.ind lr, $3  }
0x3a: {  	_ = 	snop  }
0x3b: {  	_ = 	snop  }
0x3c: {  	p2 =	seq.s32 s10, $0x1;
	s10 =	sld [smem:$0x3FA6]  }
0x3d: {  	_ =	shalt  }
0x3e: {  	_ =	shalt  }
0x3f: {  	_ =	shalt  }
0x40: {  	_ =	shalt  }
0x41: {  	_ =	shalt  }
0x42: {  	_ =	shalt  }
0x43: {  	_ =	shalt  }
0x44: {  	_ =	shalt  }
0x45: {  	_ =	shalt  }
0x46: {  	_ =	shalt  }
0x47: {  	_ =	shalt  }
0x48: {  	_ =	shalt  }
0x49: {  	_ =	shalt  }
0x4a: {  	_ =	shalt  }
0x4b: {  	_ =	shalt  }
0x4c: {  	_ =	shalt  }
0x4d: {  	_ =	shalt  }
0x4e: {  	_ =	shalt  }
0x4f: {  	_ =	shalt  }
0x50: {  	_ =	shalt  }
0x51: {  	_ =	shalt  }
0x52: {  	_ =	shalt  }
0x53: {  	_ =	shalt  }
0x54: {  	_ =	shalt  }
0x55: {  	_ =	shalt  }
0x56: {  	_ =	shalt  }
0x57: {  	_ =	shalt  }
0x58: {  	_ =	shalt  }
0x59: {  	_ =	shalt  }
0x5a: {  	_ =	shalt  }
0x5b: {  	_ =	shalt  }
0x5c: {  	_ =	shalt  }
0x5d: {  	_ =	shalt  }
0x5e: {  	_ =	shalt  }
0x5f: {  	_ =	shalt  }
0x60: {  	_ =	shalt  }
0x61: {  	_ =	shalt  }
0x62: {  	_ =	shalt  }
0x63: {  	_ =	shalt  }
0x64: {  	_ =	shalt  }
0x65: {  	_ =	shalt  }
0x66: {  	_ =	shalt  }
0x67: {  	_ =	shalt  }
0x68: {  	_ =	shalt  }
0x69: {  	_ =	shalt  }
0x6a: {  	_ =	shalt  }
0x6b: {  	_ =	shalt  }
0x6c: {  	_ =	shalt  }
0x6d: {  	_ =	shalt  }
0x6e: {  	_ =	shalt  }
0x6f: {  	_ =	shalt  }
0x70: {  	_ =	shalt  }
0x71: {  	_ =	shalt  }
0x72: {  	_ =	shalt  }
0x73: {  	_ =	shalt  }
0x74: {  	_ =	shalt  }
0x75: {  	_ =	shalt  }
0x76: {  	_ =	shalt  }
0x77: {  	_ =	shalt  }
0x78: {  	_ =	shalt  }
0x79: {  	_ =	shalt  }
0x7a: {  	_ =	shalt  }
0x7b: {  	_ =	shalt  }
0x7c: {  	_ =	shalt  }
0x7d: {  	_ =	shalt  }
0x7e: {  	_ =	shalt  }
0x7f: {  	_ =	shalt  }
0x80: {  	_ =	shalt  }
0x81: {  	_ =	shalt  }
0x82: {  	_ =	shalt  }
0x83: {  	_ =	shalt  }
0x84: {  	_ =	shalt  }
0x85: {  	_ =	shalt  }
0x86: {  	_ =	shalt  }
0x87: {  	_ =	shalt  }
.Lfunc_end0:
.L_simem_size_0:
called_computation.1_lowered:
.L_overlay_start_0:
0x88: {  	s2 =	sld [smem:$0x3FD9]  }
0x89: {  	s3 =	sld [smem:$0x3FFE];
	_ =	sdelay $0x1  }
0x8a: {  	s1 =	srdreg.scid  }
0x8b: {  	s0 =	sand.u32 $0x1, s1  }
0x8c: {  	s16 =	sshll.u32 s0, $0xA;
	s2 =	sadd.s32 s3, s2  }
0x8d: {  	s2 =	sadd.s32 s2, s16  }
0x8e: {  	[smem:$0x3FB2] =	sst s2  }
0x8f: {  	_ = 	snop  }
0x90: {  	(tm) =	ssettm $0x1  }
0x91: {  	s17 =	sld [smem:$0x3FFB];
	_ =	sdelay $0x3  }
0x92: {  	_ =	strace s17  }
0x93: {  	s2 =	sld [smem:$0x3FFC];
	_ =	sdelay $0x3  }
0x94: {  	_ =	strace s2  }
0x95: {  	s2 =	sld [smem:$0x3FFD];
	_ =	sdelay $0x3  }
0x96: {  	_ =	strace s2  }
0x97: {  	_ =	strace $0x8FFFFFFF  }
0x98: {  	s18 =	sld [smem:$0x3FDB];
	_ =	sdelay $0x1  }
0x99: {  	s19 =	simm.s32 $_scs_section_size  }
0x9a: {  	s4 =	simm.s32 $_size__tile_overlayer_lowered;
	s5 =	simm.s32 $_tile_overlayer_lowered  }
0x9b: {  	s22 =	simm.s32 $0x1BFF;
	s21 =	sshll.u32 s5, $0x1;
	s2 =	sadd.s32 s19, s18  }
0x9c: {  	s6 =	simm.s32 $0x0;
	s20 =	sshll.u32 s4, $0x1;
	s4 =	sadd.s32 s21, s2  }
0x9d: {  	[timem:s6], [sflag:s22] =	dma.local [hbm:s4], s20  }
0x9e: {  	_ =	swait.ge [sflag:s22], s20  }
0x9f: {  	s3 =	ssub.s32 $0x0, s20;
	[sflag:s22] =	ssyncset.done $0x0  }
0xa0: {  	[sflag:s22] =	ssyncadd.s32 s3;
	_ =	sdelay $0x1  }
0xa1: {  	s23 =	simm.s32 $0x1B8B  }
0xa2: {  	_ =	swait.ge [sflag:s23], $0x1  }
0xa3: {  	[sflag:s23] =	ssyncset.done $0x0  }
0xa4: {  	s25 =	simm.s32 $0x1B8E;
	s24 =	sld [smem:$0x3FFE];
	[sflag:s23] =	ssyncadd.s32 $0xFFFFFFFF  }
0xa5: {  	s26 =	simm.s32 $execute0_lowered;
	[smem:$0x3FD2] =	sst s25  }
0xa6: {  	s4 =	sshll.u32 s26, $0x1;
	_ =	strace $0x80000049;
	[dreg:$0x1] =	wrdreg $0xFFFFFFFF  }
0xa7: {  	s28 =	simm.s32 $_size_execute0_lowered;
	s2 =	sadd.s32 s2, s4;
	[dreg:$0x0] =	wrdreg $0x0  }
0xa8: {  	s4 =	sshll.u32 s28, $0x1;
	[dreg:$0x2] =	wrdreg s2  }
0xa9: {  	[dreg:$0x3] =	wrdreg s4  }
0xaa: {  	[dreg:$0x4] =	wrdreg $0xC0  }
0xab: {  	_ =	task [dreg:s6], $0x5FFFF  }
0xac: {  	[dreg:$0x1] =	wrdreg $0xFFFFFFFF  }
0xad: {  	[dreg:$0x0] =	wrdreg $0x60  }
0xae: {  	[dreg:$0x2] =	wrdreg s24  }
0xaf: {  	[dreg:$0x3] =	wrdreg $0x75400  }
0xb0: {  	[dreg:$0x4] =	wrdreg $0x9  }
0xb1: {  	_ =	task.clear_ibuf [dreg:s6], $0x5FFFF;
	_ =	strace $0x90000049  }
0xb2: {  	s29 =	simm.s32 $0x9;
	_ =	strace $0x8000004B  }
0xb3: {  	_ =	swait.ge [sflag:s29], $0x1  }
0xb4: {  	[sflag:s29] =	ssyncadd.s32 $0xFFFFFFFF  }
0xb5: {  	_ =	strace $0x9000004B  }
0xb6: {  	_ =	sfence  }
0xb7: {  	s30 =	sld [smem:$0x0];
	_ =	sdelay $0x2  }
0xb8: {  	s31 =	sshll.u32 s1, $0xD;
	s1 =	sshrl.u32 s1, $0x2  }
0xb9: {  	s3 =	sand.u32 $0x4000, s31;
	s1 =	sadd.s32 s1, s30  }
0xba: {  	s0 =	sor.u32 s3, s0;
	s1 =	sshll.u32 s1, $0x11  }
0xbb: {  	s0 =	sor.u32 s1, s0  }
0xbc: {  	s0 =	sadd.s32 $0x8F2B, s0  }
0xbd: {  	[sflag:s0] =	ssyncadd.remote.s32 $0x1  }
0xbe: {  	_ =	sfence.sel $0xFFFF  }
0xbf: {  	[dreg:$0x0] =	wrdreg $0xFFFFFFFF;
	(pc) =	sbr.abs _section_cstart, $3  }
0xc0: {  	[dreg:$0x1] =	wrdreg $0xFFFFFFFF  }
0xc1: {  	_ =	task.clear_ibuf [dreg:s6], $0x2FFFF;
	_ =	strace $0x9FFFFFFF  }
0xc2: {  	(tm) =	ssettm $0x7FFFFFFF  }
0xc3: {  	_ =	shalt  }
tec
execute0_lowered:
.L_overlay_start_1:
0x0: {  	(tag) =	ssettag $0x1  }
0x1: {  	s0 =	rddreg [dreg:$0x0]  }
0x2: {  	s2 =	rddreg [dreg:$0x1]  }
0x3: {  	s3 =	simm.s32 $0x0;
	s1 =	srdreg.scid;
	s17 =	stileid.u32  }
0x4: {  	[smem:$0x7FF] =	sst s3;
	s1 =	sand.u32 $0x1, s1;
	s10 =	smul.u32 $0xC50, s17  }
0x5: {  	s4 =	sshll.u32 s17, $0x1;
	s5 =	sadd.s32 $0x6600, s0;
	s12 =	smul.u32 $0x3140, s17  }
0x6: {  	s6 =	sadd.s32 $0x99200, s0;
	s8 =	sadd.s32 $0xCA600, s0;
	s14 =	smul.u32 $0x18800, s17  }
0x7: {  	s29 =	smul.u32 $0x62800, s17;
	_ =	strace $0x8000004A;
	s4 =	sor.u32 s1, s4  }
0x8: {  	s9 =	ssub.s32 $0x2, s1;
	p0 =	seq.s32 s1, $0x0;
	s1 =	smul.u32 $0xC400, s1  }
0x9: {  	s7 =	smul.u32 $0x1880, s4;
	s11 =	sshrl.u32 s9, $0x1;
	s8 =	smov.u32 @p0 s6  }
0xa: {  	s4 =	smul.u32 $0xC400, s4;
	s19 =	sadd.s32 $0x18A, s10;
	s20 =	sadd.s32 $0x49E, s10  }
0xb: {  	s23 =	sadd.s32 $0x628, s10;
	s16 =	sadd.s32 $0x7B2, s10;
	s26 =	sadd.s32 $0x93C, s10  }
0xc: {  	s9 =	ssub.s32 s9, s11;
	s6 =	sadd.s32 s8, s12;
	s11 =	sshll.u32 s19, $0x2  }
0xd: {  	s12 =	sadd.s32 $0x314, s10;
	s13 =	sshll.u32 s20, $0x2;
	s24 =	sshll.u32 s23, $0x2  }
0xe: {  	s25 =	sshll.u32 s16, $0x2;
	s10 =	sadd.s32 $0xAC6, s10;
	s15 =	sshll.u32 s26, $0x2  }
0xf: {  	s1 =	sadd.s32 s1, s14;
	s14 =	sadd.s32 $0x37600, s0;
	s18 =	sadd.s32 s5, s7  }
0x10: {  	[dreg:$0x4] =	wrdreg s6;
	s7 =	sadd.s32 s8, s11;
	s21 =	sshll.u32 s12, $0x2  }
0x11: {  	s22 =	sadd.s32 s8, s13;
	s13 =	sadd.s32 s8, s24;
	s28 =	sshll.u32 s10, $0x2  }
0x12: {  	s15 =	sadd.s32 s8, s15;
	s1 =	sadd.s32 $0x600, s1;
	[dreg:$0x5] =	wrdreg s7  }
0x13: {  	s4 =	sshrl.u32 s4, $0x3;
	s31 =	smax.u32 s9, $0x1;
	[dreg:$0x7] =	wrdreg s22  }
0x14: {  	s6 =	sshll.u32 s12, $0x5;
	s9 =	sshll.u32 s23, $0x5;
	[dreg:$0x8] =	wrdreg s13  }
0x15: {  	s12 =	sshll.u32 s16, $0x5;
	s16 =	sshll.u32 s26, $0x5;
	[dreg:$0xa] =	wrdreg s15  }
0x16: {  	s7 =	sadd.s32 s8, s21;
	s13 =	sadd.s32 s8, s25;
	[dreg:$0xc] =	wrdreg s31  }
0x17: {  	s8 =	sadd.s32 s8, s28;
	s1 =	sshrl.u32 s1, $0x3;
	[dreg:$0x3] =	wrdreg s18  }
0x18: {  	s4 =	sadd.s32 s5, s4;
	s15 =	sadd.s32 $0x68400, s0;
	[dreg:$0x6] =	wrdreg s7  }
0x19: {  	s11 =	sadd.s32 s9, s2;
	s22 =	sadd.s32 $0x40, s18;
	[dreg:$0x9] =	wrdreg s13  }
0x1a: {  	s9 =	simm.s32 $0x80;
	s18 =	simm.s32 $0x4;
	[dreg:$0xb] =	wrdreg s8  }
0x1b: {  	s30 =	sadd.s32 s1, s5;
	s4 =	sadd.s32 $0x80, s4;
	[dreg:$0x11] =	wrdreg s11  }
0x1c: {  	s5 =	sshll.u32 s19, $0x5;
	s8 =	sshll.u32 s20, $0x5;
	[dreg:$0x15] =	wrdreg s22  }
0x1d: {  	s20 =	sshll.u32 s10, $0x5;
	[dreg:$0xd] =	wrdreg s4;
	s0 =	sadd.s32 s5, s2  }
0x1e: {  	s1 =	sshrl.u32 s29, $0x2;
	s21 =	sadd.s32 s20, s2;
	[dreg:$0xe] =	wrdreg s0  }
0x1f: {  	s17 =	sadd.s32 s1, s2;
	s0 =	sadd.s32 s6, s2;
	[dreg:$0x14] =	wrdreg s21  }
0x20: {  	s19 =	smov.u32 s15;
	s23 =	sadd.s32 $0x3140, s17;
	[dreg:$0xf] =	wrdreg s0  }
0x21: {  	s7 =	simm.s32 $0x4400;
	s24 =	sadd.s32 $0x6280, s17;
	[dreg:$0x16] =	wrdreg s23  }
0x22: {  	s11 =	simm.s32 $0x1400;
	s25 =	sadd.s32 $0x93C0, s17;
	[dreg:$0x17] =	wrdreg s24  }
0x23: {  	s22 =	simm.s32 $0x8;
	s26 =	sadd.s32 $0xC500, s17;
	[dreg:$0x18] =	wrdreg s25  }
0x24: {  	s19 =	smov.u32 @p0 s14;
	s28 =	sadd.s32 $0xF640, s17;
	[dreg:$0x19] =	wrdreg s26  }
0x25: {  	s4 =	simm.s32 $0x1;
	s29 =	sadd.s32 $0x12780, s17;
	[dreg:$0x1a] =	wrdreg s28  }
0x26: {  	s20 =	simm.s32 $0x5;
	s31 =	sadd.s32 $0x158C0, s17;
	[dreg:$0x1b] =	wrdreg s29  }
0x27: {  	s21 =	simm.s32 $0x6;
	s0 =	sadd.s32 s8, s2;
	[dreg:$0x1c] =	wrdreg s31  }
0x28: {  	s8 =	simm.s32 $0x7;
	[dreg:$0x10] =	wrdreg s0;
	s0 =	sadd.s32 s12, s2  }
0x29: {  	s23 =	simm.s32 $0x0;
	[dreg:$0x12] =	wrdreg s0;
	s0 =	sadd.s32 s16, s2  }
0x2a: {  	v0 =	vimm.f32 $0.0e+00;
	s12 =	simm.s32 $0x3;
	s16 =	simm.s32 $0x2;
	[dreg:$0x13] =	wrdreg s0  }
.LBB2_1:
0x2b: {  	s0 =	rddreg [dreg:$0x3]  }
0x2c: {  	s28 =	rddreg [dreg:$0x15];
	s29 =	sand.u32 $0xFF80, s3  }
0x2d: {  	[tilespmem:s3], [sflag:$0x1] =	stream.linear.gather [hbm4b:s0+s3], $0x200, $0x38;
	[tilespmem:$0x1FF40] =	vst v63  }
0x2e: {  	s1 =	simm.s32 $0x200;
	s31 =	sand.u32 $0x10, s3;
	s5 =	sshrl.u32 s29, $0x2  }
0x2f: {  	[tilespmem:s1], [sflag:$0x2] =	stream.linear.gather [hbm4b:s28+s3], $0x200, $0x38;
	[tilespmem:$0x1FF40] =	vst v63  }
0x30: {  	s0 =	simm.s32 $0x40;
	s5 =	sor.u32 s31, s5;
	s1 =	simm.s32 $0x0  }
.LBB2_2:
0x31: {  	p1 =	sne.s32 s0, $0xC4C0  }
0x32: {  	[tilespmem:s5+$0x4400] =	vst v0;
	s1 =	sadd.s32 $0x10, s1;
	s5 =	smov.u32 s0;
	s0 =	sadd.s32 $0x40, s0  }
.Ltmp0:
0x33: {  	(pc) =	sbr.rel @p1 .LBB2_2-.Ltmp0, $4  }
0x34: {  	_ = 	snop  }
0x35: {  	s5 =	sand.u32 $0xFF80, s5  }
0x36: {  	s10 =	sand.u32 $0x10, s1;
	s5 =	sshrl.u32 s5, $0x2  }
0x37: {  	s5 =	sor.u32 s10, s5  }
0x38: {  	[tilespmem:s5+$0x4400] =	vst v0  }
0x39: {  	[spmem:s17] =	stream.linear.scatter [tilespmem:s7], [sflag:$0x7], $0x3140, $0x38;
	[tilespmem:$0x1FF40] =	vst v63  }
0x3a: {  	_ =	swait.ge [sflag:s8], $0x3140  }
0x3b: {  	[sflag:s8] =	ssyncset.done $0x0  }
0x3c: {  	s0 =	rddreg [dreg:$0x16];
	[sflag:s8] =	ssyncadd.s32 $0xFFFFCEC0  }
0x3d: {  	[spmem:s0] =	stream.linear.scatter [tilespmem:s7], [sflag:$0x7], $0x3140, $0x38;
	[tilespmem:$0x1FF40] =	vst v63  }
0x3e: {  	_ =	swait.ge [sflag:s8], $0x3140  }
0x3f: {  	[sflag:s8] =	ssyncset.done $0x0  }
0x40: {  	s10 =	rddreg [dreg:$0x17];
	[sflag:s8] =	ssyncadd.s32 $0xFFFFCEC0  }
0x41: {  	[spmem:s10] =	stream.linear.scatter [tilespmem:s7], [sflag:$0x7], $0x3140, $0x38;
	[tilespmem:$0x1FF40] =	vst v63  }
0x42: {  	_ =	swait.ge [sflag:s8], $0x3140  }
0x43: {  	[sflag:s8] =	ssyncset.done $0x0  }
0x44: {  	s13 =	rddreg [dreg:$0x18];
	[sflag:s8] =	ssyncadd.s32 $0xFFFFCEC0  }
0x45: {  	[spmem:s13] =	stream.linear.scatter [tilespmem:s7], [sflag:$0x7], $0x3140, $0x38;
	[tilespmem:$0x1FF40] =	vst v63  }
0x46: {  	_ =	swait.ge [sflag:s8], $0x3140  }
0x47: {  	[sflag:s8] =	ssyncset.done $0x0  }
0x48: {  	s24 =	rddreg [dreg:$0x19];
	[sflag:s8] =	ssyncadd.s32 $0xFFFFCEC0  }
0x49: {  	[spmem:s24] =	stream.linear.scatter [tilespmem:s7], [sflag:$0x7], $0x3140, $0x38;
	[tilespmem:$0x1FF40] =	vst v63  }
0x4a: {  	_ =	swait.ge [sflag:s8], $0x3140  }
0x4b: {  	[sflag:s8] =	ssyncset.done $0x0  }
0x4c: {  	s25 =	rddreg [dreg:$0x1a];
	[sflag:s8] =	ssyncadd.s32 $0xFFFFCEC0  }
0x4d: {  	[spmem:s25] =	stream.linear.scatter [tilespmem:s7], [sflag:$0x7], $0x3140, $0x38;
	[tilespmem:$0x1FF40] =	vst v63  }
0x4e: {  	_ =	swait.ge [sflag:s8], $0x3140  }
0x4f: {  	[sflag:s8] =	ssyncset.done $0x0  }
0x50: {  	s26 =	rddreg [dreg:$0x1b];
	[sflag:s8] =	ssyncadd.s32 $0xFFFFCEC0  }
0x51: {  	[spmem:s26] =	stream.linear.scatter [tilespmem:s7], [sflag:$0x7], $0x3140, $0x38;
	[tilespmem:$0x1FF40] =	vst v63  }
0x52: {  	_ =	swait.ge [sflag:s8], $0x3140  }
0x53: {  	[sflag:s8] =	ssyncset.done $0x0  }
0x54: {  	s1 =	rddreg [dreg:$0x1c];
	[sflag:s8] =	ssyncadd.s32 $0xFFFFCEC0  }
0x55: {  	[spmem:s1] =	stream.linear.scatter [tilespmem:s7], [sflag:$0x7], $0x3140, $0x38;
	[tilespmem:$0x1FF40] =	vst v63  }
0x56: {  	_ =	swait.ge [sflag:s8], $0x3140  }
0x57: {  	[sflag:s8] =	ssyncset.done $0x0  }
0x58: {  	[sflag:s8] =	ssyncadd.s32 $0xFFFFCEC0  }
0x59: {  	_ =	swait.ge [sflag:s4], $0x200  }
0x5a: {  	[sflag:s4] =	ssyncset.done $0x0  }
0x5b: {  	s6 =	simm.s32 $0x400;
	[sflag:s4] =	ssyncadd.s32 $0xFFFFFE00  }
0x5c: {  	[tilespmem:s6], [sflag:$0x3] =	stream.indirect.gather [hbm4b:s19+s9], $0x20, s3, s9, $0xb8;
	[tilespmem:$0x1FF40] =	vst v63  }
0x5d: {  	s5 =	simm.s32 $0x100  }
0x5e: {  	[tilespmem:s11], [sflag:$0x3] =	stream.indirect.gather [hbm4b:s19+s9], $0x20, s5, s9, $0xb8;
	[tilespmem:$0x1FF40] =	vst v63  }
0x5f: {  	[bflag:$0x0] =	sbarrier.arrive $0xFFFF  }
0x60: {  	_ =	swait.ge [sflag:s12], $0x1000  }
0x61: {  	[sflag:s12] =	ssyncset.done $0x0  }
0x62: {  	[sflag:s12] =	ssyncadd.s32 $0xFFFFF000  }
0x63: {  	_ =	swait.ge [sflag:s12], $0x1000  }
0x64: {  	[sflag:s12] =	ssyncset.done $0x0  }
0x65: {  	[sflag:s12] =	ssyncadd.s32 $0xFFFFF000  }
0x66: {  	_ =	swait.ge [sflag:s16], $0x200  }
0x67: {  	s0 =	simm.s32 @p0 $0x80;
	[sflag:s16] =	ssyncset.done $0x0  }
0x68: {  	s1 =	simm.s32 @p0 $0x200;
	s5 =	simm.s32 @p0 $0x2400;
	[sflag:s16] =	ssyncadd.s32 $0xFFFFFE00  }
0x69: {  	[tilespmem:s5], [sflag:$0x4] =	stream.indirect.gather @p0 [hbm4b:s14+s0], $0x20, s1, s0, $0xb8;
	[tilespmem:$0x1FF40] =	vst v63  }
0x6a: {  	s1 =	simm.s32 @p0 $0x300;
	s5 =	simm.s32 @p0 $0x3400  }
0x6b: {  	[tilespmem:s5], [sflag:$0x4] =	stream.indirect.gather @p0 [hbm4b:s14+s0], $0x20, s1, s0, $0xb8;
	[tilespmem:$0x1FF40] =	vst v63  }
0x6c: {  	s0 =	simm.s32 @!p0 $0x80;
	s1 =	simm.s32 @!p0 $0x200;
	s5 =	simm.s32 @!p0 $0x2400  }
0x6d: {  	[tilespmem:s5], [sflag:$0x4] =	stream.indirect.gather @!p0 [hbm4b:s15+s0], $0x20, s1, s0, $0xb8;
	[tilespmem:$0x1FF40] =	vst v63  }
0x6e: {  	s1 =	simm.s32 @!p0 $0x300;
	s5 =	simm.s32 @!p0 $0x3400  }
0x6f: {  	[tilespmem:s5], [sflag:$0x4] =	stream.indirect.gather @!p0 [hbm4b:s15+s0], $0x20, s1, s0, $0xb8;
	[tilespmem:$0x1FF40] =	vst v63  }
0x70: {  	s24 =	simm.s32 $0x1  }
0x71: {  	[spmem:s2] =	stream.indirect.scatter.add.f32 [tilespmem:s6], [sflag:$0x5], $0x20, s9, s9, $0xb8;
	[tilespmem:$0x1FF40] =	vst v63  }
0x72: {  	s10 =	simm.s32 $0x180;
	s1 =	sand.u32 $0x1, s24  }
0x73: {  	[spmem:s2] =	stream.indirect.scatter.add.f32 [tilespmem:s11], [sflag:$0x5], $0x20, s10, s9, $0xb8;
	[tilespmem:$0x1FF40] =	vst v63  }
0x74: {  	s13 =	rddreg [dreg:$0xd];
	s0 =	sadd.s32 $0x3, s1  }
0x75: {  	[tilespmem:s3], [sflag:$0x1] =	stream.linear.gather [hbm4b:s13+s3], $0x200, $0x38;
	[tilespmem:$0x1FF40] =	vst v63  }
0x76: {  	_ =	swait.ge [sflag:s0], $0x1000  }
0x77: {  	[sflag:s0] =	ssyncset.done $0x0  }
0x78: {  	[sflag:s0] =	ssyncadd.s32 $0xFFFFF000  }
0x79: {  	s25 =	simm.s32 $0x2;
	_ =	swait.ge [sflag:s0], $0x1000  }
0x7a: {  	s5 =	sand.u32 $0x1, s25;
	[sflag:s0] =	ssyncset.done $0x0  }
0x7b: {  	s26 =	sadd.s32 $0x1, s5;
	[sflag:s0] =	ssyncadd.s32 $0xFFFFF000  }
0x7c: {  	_ =	swait.ge [sflag:s26], $0x200  }
0x7d: {  	[sflag:s26] =	ssyncset.done $0x0  }
0x7e: {  	s6 =	sadd.s32 $0x5, s5;
	[sflag:s26] =	ssyncadd.s32 $0xFFFFFE00  }
0x7f: {  	p1 =	por $0x0, $0x0;
	s28 =	simm.s32 $0x4;
	_ =	swait.ge [sflag:s6], $0x1000  }
0x80: {  	p2 =	por $0x0, $0x0;
	s25 =	simm.s32 $0x3;
	[sflag:s6] =	ssyncset.done $0x0  }
0x81: {  	s24 =	sadd.s32 $0x40, s30;
	s29 =	sadd.s32 @!p1 $0x1, s1;
	[sflag:s6] =	ssyncadd.s32 $0xFFFFF000  }
0x82: {  	p1 =	por p1, p1;
	s10 =	sshll.u32 s1, $0xD;
	_ =	swait.ge [sflag:s6], $0x1000  }
0x83: {  	s13 =	sshll.u32 s5, $0xD;
	s26 =	sadd.s32 $0x3, s5;
	[sflag:s6] =	ssyncset.done $0x0  }
0x84: {  	s5 =	sshll.u32 s5, $0x9;
	[sflag:s6] =	ssyncadd.s32 $0xFFFFF000;
	s6 =	sor.u32 $0x400, s13  }
0x85: {  	[tilespmem:s6], [sflag:s26] =	stream.indirect.gather [hbm4b:s19+s9], $0x20, s5, s9, $0xb8;
	[tilespmem:$0x1FF40] =	vst v63  }
0x86: {  	s0 =	sshll.u32 s1, $0x9;
	s13 =	sor.u32 $0x1400, s13;
	s5 =	sor.u32 $0x100, s5  }
0x87: {  	[tilespmem:s13], [sflag:s26] =	stream.indirect.gather [hbm4b:s19+s9], $0x20, s5, s9, $0xb8;
	[tilespmem:$0x1FF40] =	vst v63  }
0x88: {  	s1 =	sadd.s32 $0x5, s1;
	s6 =	sor.u32 $0x80, s0;
	s26 =	sor.u32 $0x400, s10  }
0x89: {  	[spmem:s2] =	stream.indirect.scatter.add.f32 [tilespmem:s26], [sflag:s1], $0x20, s6, s9, $0xb8;
	[tilespmem:$0x1FF40] =	vst v63  }
0x8a: {  	s31 =	sor.u32 $0x1400, s10;
	s10 =	sor.u32 $0x180, s0;
	s26 =	simm.s32 $0x2  }
0x8b: {  	s5 =	simm.s32 @!p1 $0x0;
	s13 =	smov.u32 s30;
	s26 =	sand.u32 $0x1, s26  }
.LBB2_4:
0x8c: {  	[spmem:s2] =	stream.indirect.scatter.add.f32 [tilespmem:s31], [sflag:s1], $0x20, s10, s9, $0xb8;
	[tilespmem:$0x1FF40] =	vst v63  }
0x8d: {  	s1 =	smov.u32 s28  }
0x8e: {  	s10 =	sadd.s32 $0x3, s26;
	s31 =	sshll.u32 s26, $0xD;
	s6 =	sadd.s32 @!p2 $0x1, s26  }
0x8f: {  	[tilespmem:s0], [sflag:s29] =	stream.linear.gather @!p1 [hbm4b:s13+s5], $0x200, $0x38;
	[tilespmem:$0x1FF40] =	vst v63  }
0x90: {  	s28 =	sadd.s32 $0x1, s28;
	s29 =	smov.u32 s6;
	_ =	swait.ge [sflag:s10], $0x1000  }
0x91: {  	p3 =	sne.s32 s28, $0x62;
	s13 =	smov.u32 s24;
	[sflag:s10] =	ssyncset.done $0x0  }
0x92: {  	p1 =	por p2, p2;
	[sflag:s10] =	ssyncadd.s32 $0xFFFFF000  }
0x93: {  	_ =	swait.ge [sflag:s10], $0x1000  }
0x94: {  	s0 =	sand.u32 $0x1, s25;
	s25 =	smov.u32 s1;
	[sflag:s10] =	ssyncset.done $0x0  }
0x95: {  	s1 =	sadd.s32 $0x1, s0;
	s5 =	sshll.u32 s0, $0xD;
	[sflag:s10] =	ssyncadd.s32 $0xFFFFF000  }
0x96: {  	_ =	swait.ge [sflag:s1], $0x200  }
0x97: {  	[sflag:s1] =	ssyncset.done $0x0  }
0x98: {  	[sflag:s1] =	ssyncadd.s32 $0xFFFFFE00;
	s1 =	sadd.s32 $0x5, s0  }
0x99: {  	_ =	swait.ge [sflag:s1], $0x1000  }
0x9a: {  	[sflag:s1] =	ssyncset.done $0x0  }
0x9b: {  	[sflag:s1] =	ssyncadd.s32 $0xFFFFF000  }
0x9c: {  	_ =	swait.ge [sflag:s1], $0x1000  }
0x9d: {  	s24 =	sadd.s32 $0x40, s24;
	s6 =	sadd.s32 $0x3, s0;
	[sflag:s1] =	ssyncset.done $0x0  }
0x9e: {  	s0 =	sshll.u32 s0, $0x9;
	[sflag:s1] =	ssyncadd.s32 $0xFFFFF000;
	s1 =	sor.u32 $0x400, s5  }
0x9f: {  	[tilespmem:s1], [sflag:s6] =	stream.indirect.gather [hbm4b:s19+s9], $0x20, s0, s9, $0xb8;
	[tilespmem:$0x1FF40] =	vst v63  }
0xa0: {  	s1 =	sor.u32 $0x1400, s5;
	s5 =	sor.u32 $0x100, s0;
	s0 =	sshll.u32 s26, $0x9  }
0xa1: {  	[tilespmem:s1], [sflag:s6] =	stream.indirect.gather [hbm4b:s19+s9], $0x20, s5, s9, $0xb8;
	[tilespmem:$0x1FF40] =	vst v63  }
.Ltmp1:
0xa2: {  	_ = 	snop;
	(pc) =	sbr.rel @p3 .LBB2_4-.Ltmp1, $4  }
0xa3: {  	s5 =	sor.u32 $0x400, s31;
	s6 =	sor.u32 $0x80, s0;
	s1 =	sadd.s32 $0x5, s26  }
0xa4: {  	[spmem:s2] =	stream.indirect.scatter.add.f32 [tilespmem:s5], [sflag:s1], $0x20, s6, s9, $0xb8;
	[tilespmem:$0x1FF40] =	vst v63  }
0xa5: {  	s10 =	sor.u32 $0x180, s0;
	s31 =	sor.u32 $0x1400, s31;
	s5 =	sadd.s32 $0xFFFFFFFF, s25  }
0xa6: {  	s26 =	sand.u32 $0x1, s5;
	p2 =	sgt.u32 s5, $0x5F;
	s5 =	simm.s32 @!p1 $0x0  }
0xa7: {  	[spmem:s2] =	stream.indirect.scatter.add.f32 [tilespmem:s31], [sflag:s1], $0x20, s10, s9, $0xb8;
	[tilespmem:$0x1FF40] =	vst v63  }
0xa8: {  	s6 =	sadd.s32 $0x3, s26  }
0xa9: {  	[tilespmem:s0], [sflag:s29] =	stream.linear.gather @!p1 [hbm4b:s13+s5], $0x200, $0x38;
	[tilespmem:$0x1FF40] =	vst v63  }
0xaa: {  	_ =	swait.ge [sflag:s6], $0x1000  }
0xab: {  	[sflag:s6] =	ssyncset.done $0x0  }
0xac: {  	[sflag:s6] =	ssyncadd.s32 $0xFFFFF000  }
0xad: {  	_ =	swait.ge [sflag:s6], $0x1000  }
0xae: {  	s10 =	sand.u32 $0x1, s25;
	[sflag:s6] =	ssyncset.done $0x0  }
0xaf: {  	s13 =	sadd.s32 $0x1, s10;
	[sflag:s6] =	ssyncadd.s32 $0xFFFFF000  }
0xb0: {  	_ =	swait.ge [sflag:s13], $0x200  }
0xb1: {  	[sflag:s13] =	ssyncset.done $0x0  }
0xb2: {  	s25 =	sadd.s32 $0x5, s10;
	[sflag:s13] =	ssyncadd.s32 $0xFFFFFE00  }
0xb3: {  	_ =	swait.ge [sflag:s25], $0x1000  }
0xb4: {  	[sflag:s25] =	ssyncset.done $0x0  }
0xb5: {  	[sflag:s25] =	ssyncadd.s32 $0xFFFFF000  }
0xb6: {  	s28 =	sadd.s32 $0x3, s10;
	_ =	swait.ge [sflag:s25], $0x1000  }
0xb7: {  	s1 =	sshll.u32 s10, $0x9;
	s6 =	sshll.u32 s10, $0xD;
	[sflag:s25] =	ssyncset.done $0x0  }
0xb8: {  	s5 =	sshll.u32 s26, $0xD;
	s29 =	sor.u32 $0x400, s6;
	[sflag:s25] =	ssyncadd.s32 $0xFFFFF000  }
0xb9: {  	[tilespmem:s29], [sflag:s28] =	stream.indirect.gather [hbm4b:s19+s9], $0x20, s1, s9, $0xb8;
	[tilespmem:$0x1FF40] =	vst v63  }
0xba: {  	s31 =	sor.u32 $0x1400, s6;
	s6 =	sshll.u32 s26, $0x9;
	s1 =	sor.u32 $0x100, s1  }
0xbb: {  	[tilespmem:s31], [sflag:s28] =	stream.indirect.gather [hbm4b:s19+s9], $0x20, s1, s9, $0xb8;
	[tilespmem:$0x1FF40] =	vst v63  }
0xbc: {  	s13 =	sor.u32 $0x400, s5;
	s25 =	sor.u32 $0x80, s6;
	s28 =	sadd.s32 $0x5, s26  }
0xbd: {  	[spmem:s2] =	stream.indirect.scatter.add.f32 [tilespmem:s13], [sflag:s28], $0x20, s25, s9, $0xb8;
	[tilespmem:$0x1FF40] =	vst v63  }
0xbe: {  	p1 =	por p2, p2;
	s29 =	sor.u32 $0x1400, s5;
	s31 =	sor.u32 $0x180, s6  }
0xbf: {  	[spmem:s2] =	stream.indirect.scatter.add.f32 [tilespmem:s29], [sflag:s28], $0x20, s31, s9, $0xb8;
	[tilespmem:$0x1FF40] =	vst v63  }
0xc0: {  	s0 =	sadd.s32 @!p2 $0x1, s26;
	s1 =	simm.s32 @!p1 $0x0  }
0xc1: {  	[tilespmem:s6], [sflag:s0] =	stream.linear.gather @!p1 [hbm4b:s24+s1], $0x200, $0x38;
	[tilespmem:$0x1FF40] =	vst v63  }
0xc2: {  	_ =	swait.ge [sflag:s18], $0x1000  }
0xc3: {  	[sflag:s18] =	ssyncset.done $0x0  }
0xc4: {  	[sflag:s18] =	ssyncadd.s32 $0xFFFFF000  }
0xc5: {  	_ =	swait.ge [sflag:s18], $0x1000  }
0xc6: {  	[sflag:s18] =	ssyncset.done $0x0  }
0xc7: {  	s5 =	simm.s32 $0x280;
	s6 =	simm.s32 $0x2400;
	[sflag:s18] =	ssyncadd.s32 $0xFFFFF000  }
0xc8: {  	[spmem:s2] =	stream.indirect.scatter.add.f32 [tilespmem:s6], [sflag:$0x6], $0x20, s5, s9, $0xb8;
	[tilespmem:$0x1FF40] =	vst v63  }
0xc9: {  	s10 =	simm.s32 $0x380;
	s13 =	simm.s32 $0x3400  }
0xca: {  	[spmem:s2] =	stream.indirect.scatter.add.f32 [tilespmem:s13], [sflag:$0x6], $0x20, s10, s9, $0xb8;
	[tilespmem:$0x1FF40] =	vst v63  }
0xcb: {  	_ =	swait.ge [sflag:s20], $0x1000  }
0xcc: {  	[sflag:s20] =	ssyncset.done $0x0  }
0xcd: {  	[sflag:s20] =	ssyncadd.s32 $0xFFFFF000  }
0xce: {  	_ =	swait.ge [sflag:s20], $0x1000  }
0xcf: {  	[sflag:s20] =	ssyncset.done $0x0  }
0xd0: {  	[sflag:s20] =	ssyncadd.s32 $0xFFFFF000  }
0xd1: {  	_ =	swait.ge [sflag:s21], $0x1000  }
0xd2: {  	[sflag:s21] =	ssyncset.done $0x0  }
0xd3: {  	[sflag:s21] =	ssyncadd.s32 $0xFFFFF000  }
0xd4: {  	_ =	swait.ge [sflag:s21], $0x1000  }
0xd5: {  	[sflag:s21] =	ssyncset.done $0x0  }
0xd6: {  	[sflag:s21] =	ssyncadd.s32 $0xFFFFF000  }
0xd7: {  	[bflag:$0x0] =	sbarrier.arrive $0xFFFF  }
0xd8: {  	[tilespmem:s7], [sflag:$0x8] =	stream.linear.gather [spmem:s17], $0x3140, $0x38;
	[tilespmem:$0x1FF40] =	vst v63  }
0xd9: {  	_ =	swait.ge [sflag:s22], $0x3140  }
0xda: {  	s13 =	simm.s32 $0x8;
	[sflag:s22] =	ssyncset.done $0x0  }
0xdb: {  	s13 =	simm.s32 @!p0 $0x7;
	s24 =	rddreg [dreg:$0x4];
	[sflag:s22] =	ssyncadd.s32 $0xFFFFCEC0  }
0xdc: {  	[hbm4b:s24+s3] =	stream.linear.scatter [tilespmem:s7], [sflag:s13], $0x3140, $0x38;
	[tilespmem:$0x1FF40] =	vst v63  }
0xdd: {  	_ =	swait.ge [sflag:s13], $0x3140  }
0xde: {  	[sflag:s13] =	ssyncset.done $0x0  }
0xdf: {  	s25 =	rddreg [dreg:$0xe];
	[sflag:s13] =	ssyncadd.s32 $0xFFFFCEC0  }
0xe0: {  	[tilespmem:s7], [sflag:$0x8] =	stream.linear.gather [spmem:s25], $0x3140, $0x38;
	[tilespmem:$0x1FF40] =	vst v63  }
0xe1: {  	_ =	swait.ge [sflag:s22], $0x3140  }
0xe2: {  	[sflag:s22] =	ssyncset.done $0x0  }
0xe3: {  	s26 =	rddreg [dreg:$0x5];
	[sflag:s22] =	ssyncadd.s32 $0xFFFFCEC0  }
0xe4: {  	[hbm4b:s26+s3] =	stream.linear.scatter [tilespmem:s7], [sflag:s13], $0x3140, $0x38;
	[tilespmem:$0x1FF40] =	vst v63  }
0xe5: {  	_ =	swait.ge [sflag:s13], $0x3140  }
0xe6: {  	[sflag:s13] =	ssyncset.done $0x0  }
0xe7: {  	s28 =	rddreg [dreg:$0xf];
	[sflag:s13] =	ssyncadd.s32 $0xFFFFCEC0  }
0xe8: {  	[tilespmem:s7], [sflag:$0x8] =	stream.linear.gather [spmem:s28], $0x3140, $0x38;
	[tilespmem:$0x1FF40] =	vst v63  }
0xe9: {  	_ =	swait.ge [sflag:s22], $0x3140  }
0xea: {  	[sflag:s22] =	ssyncset.done $0x0  }
0xeb: {  	s29 =	rddreg [dreg:$0x6];
	[sflag:s22] =	ssyncadd.s32 $0xFFFFCEC0  }
0xec: {  	[hbm4b:s29+s3] =	stream.linear.scatter [tilespmem:s7], [sflag:s13], $0x3140, $0x38;
	[tilespmem:$0x1FF40] =	vst v63  }
0xed: {  	_ =	swait.ge [sflag:s13], $0x3140  }
0xee: {  	[sflag:s13] =	ssyncset.done $0x0  }
0xef: {  	s31 =	rddreg [dreg:$0x10];
	[sflag:s13] =	ssyncadd.s32 $0xFFFFCEC0  }
0xf0: {  	[tilespmem:s7], [sflag:$0x8] =	stream.linear.gather [spmem:s31], $0x3140, $0x38;
	[tilespmem:$0x1FF40] =	vst v63  }
0xf1: {  	_ =	swait.ge [sflag:s22], $0x3140  }
0xf2: {  	[sflag:s22] =	ssyncset.done $0x0  }
0xf3: {  	s1 =	rddreg [dreg:$0x7];
	[sflag:s22] =	ssyncadd.s32 $0xFFFFCEC0  }
0xf4: {  	[hbm4b:s1+s3] =	stream.linear.scatter [tilespmem:s7], [sflag:s13], $0x3140, $0x38;
	[tilespmem:$0x1FF40] =	vst v63  }
0xf5: {  	_ =	swait.ge [sflag:s13], $0x3140  }
0xf6: {  	[sflag:s13] =	ssyncset.done $0x0  }
0xf7: {  	s5 =	rddreg [dreg:$0x11];
	[sflag:s13] =	ssyncadd.s32 $0xFFFFCEC0  }
0xf8: {  	[tilespmem:s7], [sflag:$0x8] =	stream.linear.gather [spmem:s5], $0x3140, $0x38;
	[tilespmem:$0x1FF40] =	vst v63  }
0xf9: {  	_ =	swait.ge [sflag:s22], $0x3140  }
0xfa: {  	[sflag:s22] =	ssyncset.done $0x0  }
0xfb: {  	s6 =	rddreg [dreg:$0x8];
	[sflag:s22] =	ssyncadd.s32 $0xFFFFCEC0  }
0xfc: {  	[hbm4b:s6+s3] =	stream.linear.scatter [tilespmem:s7], [sflag:s13], $0x3140, $0x38;
	[tilespmem:$0x1FF40] =	vst v63  }
0xfd: {  	_ =	swait.ge [sflag:s13], $0x3140  }
0xfe: {  	[sflag:s13] =	ssyncset.done $0x0  }
0xff: {  	s10 =	rddreg [dreg:$0x12];
	[sflag:s13] =	ssyncadd.s32 $0xFFFFCEC0  }
0x100: {  	[tilespmem:s7], [sflag:$0x8] =	stream.linear.gather [spmem:s10], $0x3140, $0x38;
	[tilespmem:$0x1FF40] =	vst v63  }
0x101: {  	_ =	swait.ge [sflag:s22], $0x3140  }
0x102: {  	[sflag:s22] =	ssyncset.done $0x0  }
0x103: {  	s24 =	rddreg [dreg:$0x9];
	[sflag:s22] =	ssyncadd.s32 $0xFFFFCEC0  }
0x104: {  	[hbm4b:s24+s3] =	stream.linear.scatter [tilespmem:s7], [sflag:s13], $0x3140, $0x38;
	[tilespmem:$0x1FF40] =	vst v63  }
0x105: {  	_ =	swait.ge [sflag:s13], $0x3140  }
0x106: {  	[sflag:s13] =	ssyncset.done $0x0  }
0x107: {  	s25 =	rddreg [dreg:$0x13];
	[sflag:s13] =	ssyncadd.s32 $0xFFFFCEC0  }
0x108: {  	[tilespmem:s7], [sflag:$0x8] =	stream.linear.gather [spmem:s25], $0x3140, $0x38;
	[tilespmem:$0x1FF40] =	vst v63  }
0x109: {  	_ =	swait.ge [sflag:s22], $0x3140  }
0x10a: {  	[sflag:s22] =	ssyncset.done $0x0  }
0x10b: {  	s26 =	rddreg [dreg:$0xa];
	[sflag:s22] =	ssyncadd.s32 $0xFFFFCEC0  }
0x10c: {  	[hbm4b:s26+s3] =	stream.linear.scatter [tilespmem:s7], [sflag:s13], $0x3140, $0x38;
	[tilespmem:$0x1FF40] =	vst v63  }
0x10d: {  	_ =	swait.ge [sflag:s13], $0x3140  }
0x10e: {  	[sflag:s13] =	ssyncset.done $0x0  }
0x10f: {  	s28 =	rddreg [dreg:$0x14];
	[sflag:s13] =	ssyncadd.s32 $0xFFFFCEC0  }
0x110: {  	[tilespmem:s7], [sflag:$0x8] =	stream.linear.gather [spmem:s28], $0x3140, $0x38;
	[tilespmem:$0x1FF40] =	vst v63  }
0x111: {  	_ =	swait.ge [sflag:s22], $0x3140  }
0x112: {  	[sflag:s22] =	ssyncset.done $0x0  }
0x113: {  	s29 =	rddreg [dreg:$0xb];
	[sflag:s22] =	ssyncadd.s32 $0xFFFFCEC0  }
0x114: {  	[hbm4b:s29+s3] =	stream.linear.scatter [tilespmem:s7], [sflag:s13], $0x3140, $0x38;
	[tilespmem:$0x1FF40] =	vst v63  }
0x115: {  	_ =	swait.ge [sflag:s13], $0x3140  }
0x116: {  	s23 =	sadd.s32 $0x1, s23;
	s31 =	rddreg [dreg:$0xc]  }
0x117: {  	p1 =	sne.s32 s23, s31  }
.Ltmp2:
0x118: {  	_ = 	snop;
	(pc) =	sbr.rel @p1 .LBB2_1-.Ltmp2, $3  }
0x119: {  	_ =	sdelay $0x1  }
0x11a: {  	[sflag:s13] =	ssyncset.done $0x0  }
0x11b: {  	[sflag:s13] =	ssyncadd.s32 $0xFFFFCEC0  }
0x11c: {  	_ =	sfence.sel $0x180000  }
0x11d: {  	[bflag:$0x0] =	sbarrier.arrive $0xFFFF  }
0x11e: {  	_ =	strace $0x9000004A  }
0x11f: {  	s0 =	stileid.u32;
	[bflag:$0x2] =	sbarrier.arrive $0xFFFF  }
0x120: {  	p0 =	sne.s32 s0, $0x0;
	s0 =	rddreg [dreg:$0x2]  }
0x121: {  	s0 =	sadd.s32 @!p0 $0x100000, s0  }
0x122: {  	[sflag:s0] =	ssyncadd.tile.s32 @!p0 $0x1;
	_ =	shalt  }
.Lfunc_end2:
_tile_overlayer_lowered:
.L_overlay_start_2:
0x123: {  	(tag) =	ssettag $0x2  }
0x124: {  	s0 =	rddreg [dreg:$0x0];
	s2 =	stileid.u32  }
0x125: {  	s1 =	rddreg [dreg:$0x1];
	p0 =	sne.s32 s2, $0x0  }
0x126: {  	s3 =	rddreg [dreg:$0x2];
	[bflag:$0x3] =	sbarrier.arrive $0xFFFF;
	s2 =	simm.s32 @!p0 $0x1C07  }
0x127: {  	[timem:s3], [sflag:s2] =	dma.local @!p0 [hbm:s0], s1  }
0x128: {  	s0 =	simm.s32 @!p0 $0x7  }
0x129: {  	_ =	swait.ge @!p0 [sflag:s0], s1  }
0x12a: {  	s1 =	ssub.s32 @!p0 $0x0, s1;
	[sflag:s0] =	ssyncset.done @!p0 $0x0  }
0x12b: {  	[sflag:s0] =	ssyncadd.s32 @!p0 s1  }
0x12c: {  	[bflag:$0x3] =	sbarrier.arrive $0xFFFF  }
0x12d: {  	_ =	shalt  }

// kernel: kernel.16.cloned.1.call-start
scs
__scs_entry_jumppad:
0x0: {  	(pc) =	sbr.rel $0x88, $3  }
0x1: {  	(tag) =	ssettag $0x0;
	lr =	simm.s32 $0x1  }
0x2: {  	[smem:$0x3F8B] =	sst lr;
	_ =	strace $0xD0000000  }
0x3: {  	_ = 	snop  }
0x4: {  	_ = 	snop  }
0x5: {  	_ = 	snop  }
0x6: {  	_ = 	snop  }
0x7: {  	_ = 	snop  }
__scs_overlays_trampoline_lowered:
0x8: {  	[smem:$0x3F9A] =	sst s0  }
0x9: {  	[smem:$0x3F9B] =	sst s1  }
0xa: {  	[smem:$0x3F9C] =	sst s2  }
0xb: {  	[smem:$0x3F9D] =	sst s3  }
0xc: {  	[smem:$0x3F9E] =	sst s4  }
0xd: {  	[smem:$0x3F9F] =	sst s5  }
0xe: {  	[smem:$0x3FA0] =	sst s6  }
0xf: {  	[smem:$0x3FA1] =	sst s7  }
0x10: {  	[smem:$0x3FA2] =	sst s8  }
0x11: {  	[smem:$0x3FA3] =	sst s9;
	s0 =	simm.s32 @!p0 $0x0  }
0x12: {  	s1 =	sld [smem:$0x3F89];
	s0 =	simm.s32 @p0 $0x1  }
0x13: {  	[smem:$0x3FA4] =	sst s0;
	s0 =	simm.s32 @!p1 $0x0  }
0x14: {  	s2 =	sld [smem:$0x3F88];
	s0 =	simm.s32 @p1 $0x1  }
0x15: {  	[smem:$0x3FA5] =	sst s0;
	s0 =	simm.s32 @!p2 $0x0  }
0x16: {  	s3 =	sld [smem:$0x3FDB];
	s0 =	simm.s32 @p2 $0x1  }
0x17: {  	s4 =	simm.s32 $0x1BF5;
	[smem:$0x3FA7] =	sst s0  }
0x18: {  	s0 =	sld [smem:$0x3F8A];
	_ =	swait.ge [sflag:s4], $0x0  }
0x19: {  	s7 =	sld [smem:$0x3F8B]  }
0x1a: {  	s8 =	sadd.s32 $0xFFFFE003, lr  }
0x1b: {  	s9 =	sadd.s32 $0xFFFFFEF7, lr;
	s5 =	simm.s32 $0xFFFFFFFF;
	p2 =	slt.u32 s8, $0xFFFFF086  }
0x1c: {  	p1 =	slt.u32 s9, $0xF7A;
	s5 =	simm.s32 @!p2 $0x0  }
0x1d: {  	s5 =	simm.s32 @p1 $0x1;
	p0 =	seq.s32 s7, s2  }
0x1e: {  	s7 =	smul.u32 @!p0 $0xF7A, s2;
	p2 =	seq.s32 @!p0 s5, $0x0  }
0x1f: {  	s9 =	smul.u32 $0xF7A, s1;
	s8 =	simm.s32 @!p0 $0x1BF5;
	p2 =	por !p2, p0  }
0x20: {  	[sflag:s8] =	ssyncset.s32 @!p0 $0xFFFFF086;
	s6 =	sadd.s32 @!p0 s3, s7;
	s7 =	simm.s32 @!p0 $0x108  }
0x21: {  	s3 =	sadd.s32 s3, s9;
	s6 =	sadd.s32 @!p0 $0x88, s6;
	s7 =	simm.s32 @p2 $0x1082  }
0x22: {  	[simem:s7], [sflag:s8] =	dma.local @!p0 [hbm:s6], $0xF7A  }
0x23: {  	s9 =	sor.u32 $0xD0000000, s2;
	s6 =	simm.s32 $0x108;
	_ =	swait.ge @!p0 [sflag:s8], $0x0  }
0x24: {  	s3 =	sadd.s32 $0x88, s3;
	s6 =	simm.s32 @!p1 $0x1082;
	[sflag:s4] =	ssyncset.s32 $0xFFFFF086  }
0x25: {  	[simem:s6], [sflag:s4] =	dma.local [hbm:s3], $0xF7A  }
0x26: {  	[smem:$0x3F8B] =	sst s1;
	(tag) =	ssettag s2;
	_ =	strace s9  }
0x27: {  	s1 =	sld [smem:$0x3F9B]  }
0x28: {  	s2 =	sld [smem:$0x3F9C]  }
0x29: {  	s4 =	sld [smem:$0x3F9E]  }
0x2a: {  	p0 =	seq.s32 s5, $0x0;
	s5 =	sld [smem:$0x3F9F]  }
0x2b: {  	s6 =	sld [smem:$0x3FA0]  }
0x2c: {  	s7 =	sld [smem:$0x3FA1]  }
0x2d: {  	s3 =	simm.s32 $0x108;
	s8 =	sld [smem:$0x3FA2]  }
0x2e: {  	s3 =	simm.s32 @!p0 $0x1082;
	s9 =	sld [smem:$0x3FA3]  }
0x2f: {  	lr =	sadd.s32 s0, s3;
	s0 =	sld [smem:$0x3F9A]  }
0x30: {  	s3 =	sld [smem:$0x3F9D]  }
0x31: {  	[smem:$0x3FA6] =	sst s10  }
0x32: {  	s10 =	sld [smem:$0x3FA4];
	_ =	sdelay $0x3  }
0x33: {  	p0 =	seq.s32 s10, $0x1;
	s10 =	sld [smem:$0x3FA6];
	_ =	sdelay $0x3  }
0x34: {  	[smem:$0x3FA6] =	sst s10  }
0x35: {  	s10 =	sld [smem:$0x3FA5];
	_ =	sdelay $0x3  }
0x36: {  	p1 =	seq.s32 s10, $0x1;
	s10 =	sld [smem:$0x3FA6];
	_ =	sdelay $0x3  }
0x37: {  	[smem:$0x3FA6] =	sst s10  }
0x38: {  	s10 =	sld [smem:$0x3FA7]  }
0x39: {  	_ = 	snop;
	(pc) =	sbr.ind lr, $3  }
0x3a: {  	_ = 	snop  }
0x3b: {  	_ = 	snop  }
0x3c: {  	p2 =	seq.s32 s10, $0x1;
	s10 =	sld [smem:$0x3FA6]  }
0x3d: {  	_ =	shalt  }
0x3e: {  	_ =	shalt  }
0x3f: {  	_ =	shalt  }
0x40: {  	_ =	shalt  }
0x41: {  	_ =	shalt  }
0x42: {  	_ =	shalt  }
0x43: {  	_ =	shalt  }
0x44: {  	_ =	shalt  }
0x45: {  	_ =	shalt  }
0x46: {  	_ =	shalt  }
0x47: {  	_ =	shalt  }
0x48: {  	_ =	shalt  }
0x49: {  	_ =	shalt  }
0x4a: {  	_ =	shalt  }
0x4b: {  	_ =	shalt  }
0x4c: {  	_ =	shalt  }
0x4d: {  	_ =	shalt  }
0x4e: {  	_ =	shalt  }
0x4f: {  	_ =	shalt  }
0x50: {  	_ =	shalt  }
0x51: {  	_ =	shalt  }
0x52: {  	_ =	shalt  }
0x53: {  	_ =	shalt  }
0x54: {  	_ =	shalt  }
0x55: {  	_ =	shalt  }
0x56: {  	_ =	shalt  }
0x57: {  	_ =	shalt  }
0x58: {  	_ =	shalt  }
0x59: {  	_ =	shalt  }
0x5a: {  	_ =	shalt  }
0x5b: {  	_ =	shalt  }
0x5c: {  	_ =	shalt  }
0x5d: {  	_ =	shalt  }
0x5e: {  	_ =	shalt  }
0x5f: {  	_ =	shalt  }
0x60: {  	_ =	shalt  }
0x61: {  	_ =	shalt  }
0x62: {  	_ =	shalt  }
0x63: {  	_ =	shalt  }
0x64: {  	_ =	shalt  }
0x65: {  	_ =	shalt  }
0x66: {  	_ =	shalt  }
0x67: {  	_ =	shalt  }
0x68: {  	_ =	shalt  }
0x69: {  	_ =	shalt  }
0x6a: {  	_ =	shalt  }
0x6b: {  	_ =	shalt  }
0x6c: {  	_ =	shalt  }
0x6d: {  	_ =	shalt  }
0x6e: {  	_ =	shalt  }
0x6f: {  	_ =	shalt  }
0x70: {  	_ =	shalt  }
0x71: {  	_ =	shalt  }
0x72: {  	_ =	shalt  }
0x73: {  	_ =	shalt  }
0x74: {  	_ =	shalt  }
0x75: {  	_ =	shalt  }
0x76: {  	_ =	shalt  }
0x77: {  	_ =	shalt  }
0x78: {  	_ =	shalt  }
0x79: {  	_ =	shalt  }
0x7a: {  	_ =	shalt  }
0x7b: {  	_ =	shalt  }
0x7c: {  	_ =	shalt  }
0x7d: {  	_ =	shalt  }
0x7e: {  	_ =	shalt  }
0x7f: {  	_ =	shalt  }
0x80: {  	_ =	shalt  }
0x81: {  	_ =	shalt  }
0x82: {  	_ =	shalt  }
0x83: {  	_ =	shalt  }
0x84: {  	_ =	shalt  }
0x85: {  	_ =	shalt  }
0x86: {  	_ =	shalt  }
0x87: {  	_ =	shalt  }
.Lfunc_end0:
.L_simem_size_0:
called_computation.2_lowered:
.L_overlay_start_0:
0x88: {  	s2 =	sld [smem:$0x3FD9]  }
0x89: {  	s3 =	sld [smem:$0x3FFE];
	_ =	sdelay $0x1  }
0x8a: {  	s1 =	srdreg.scid  }
0x8b: {  	s0 =	sand.u32 $0x1, s1  }
0x8c: {  	s16 =	sshll.u32 s0, $0xA;
	s2 =	sadd.s32 s3, s2  }
0x8d: {  	s2 =	sadd.s32 s2, s16  }
0x8e: {  	[smem:$0x3FB2] =	sst s2  }
0x8f: {  	_ = 	snop  }
0x90: {  	(tm) =	ssettm $0x1  }
0x91: {  	s17 =	sld [smem:$0x3FFB];
	_ =	sdelay $0x3  }
0x92: {  	_ =	strace s17  }
0x93: {  	s2 =	sld [smem:$0x3FFC];
	_ =	sdelay $0x3  }
0x94: {  	_ =	strace s2  }
0x95: {  	s2 =	sld [smem:$0x3FFD];
	_ =	sdelay $0x3  }
0x96: {  	_ =	strace s2  }
0x97: {  	_ =	strace $0x8FFFFFFF  }
0x98: {  	s18 =	sld [smem:$0x3FDB];
	_ =	sdelay $0x1  }
0x99: {  	s19 =	simm.s32 $_scs_section_size  }
0x9a: {  	s4 =	simm.s32 $_size__tile_overlayer_lowered;
	s5 =	simm.s32 $_tile_overlayer_lowered  }
0x9b: {  	s22 =	simm.s32 $0x1BFF;
	s21 =	sshll.u32 s5, $0x1;
	s2 =	sadd.s32 s19, s18  }
0x9c: {  	s6 =	simm.s32 $0x0;
	s20 =	sshll.u32 s4, $0x1;
	s4 =	sadd.s32 s21, s2  }
0x9d: {  	[timem:s6], [sflag:s22] =	dma.local [hbm:s4], s20  }
0x9e: {  	_ =	swait.ge [sflag:s22], s20  }
0x9f: {  	s3 =	ssub.s32 $0x0, s20;
	[sflag:s22] =	ssyncset.done $0x0  }
0xa0: {  	[sflag:s22] =	ssyncadd.s32 s3;
	_ =	sdelay $0x1  }
0xa1: {  	s23 =	simm.s32 $0x1B8B  }
0xa2: {  	_ =	swait.ge [sflag:s23], $0x1  }
0xa3: {  	[sflag:s23] =	ssyncset.done $0x0  }
0xa4: {  	s25 =	simm.s32 $0x1B8E;
	s24 =	sld [smem:$0x3FFE];
	[sflag:s23] =	ssyncadd.s32 $0xFFFFFFFF  }
0xa5: {  	s26 =	simm.s32 $execute0_lowered;
	[smem:$0x3FD2] =	sst s25  }
0xa6: {  	s4 =	sshll.u32 s26, $0x1;
	_ =	strace $0x8000004C;
	[dreg:$0x1] =	wrdreg $0xFFFFFFFF  }
0xa7: {  	s28 =	simm.s32 $_size_execute0_lowered;
	s2 =	sadd.s32 s2, s4;
	[dreg:$0x0] =	wrdreg $0x0  }
0xa8: {  	s4 =	sshll.u32 s28, $0x1;
	[dreg:$0x2] =	wrdreg s2  }
0xa9: {  	[dreg:$0x3] =	wrdreg s4  }
0xaa: {  	[dreg:$0x4] =	wrdreg $0xC0  }
0xab: {  	_ =	task [dreg:s6], $0x5FFFF  }
0xac: {  	[dreg:$0x1] =	wrdreg $0xFFFFFFFF  }
0xad: {  	[dreg:$0x0] =	wrdreg $0x60  }
0xae: {  	[dreg:$0x2] =	wrdreg s24  }
0xaf: {  	[dreg:$0x3] =	wrdreg $0x75400  }
0xb0: {  	[dreg:$0x4] =	wrdreg $0x9  }
0xb1: {  	_ =	task.clear_ibuf [dreg:s6], $0x5FFFF;
	_ =	strace $0x9000004C  }
0xb2: {  	s29 =	simm.s32 $0x9;
	_ =	strace $0x8000004E  }
0xb3: {  	_ =	swait.ge [sflag:s29], $0x1  }
0xb4: {  	[sflag:s29] =	ssyncadd.s32 $0xFFFFFFFF  }
0xb5: {  	_ =	strace $0x9000004E  }
0xb6: {  	_ =	sfence  }
0xb7: {  	s30 =	sld [smem:$0x0];
	_ =	sdelay $0x2  }
0xb8: {  	s31 =	sshll.u32 s1, $0xD;
	s1 =	sshrl.u32 s1, $0x2  }
0xb9: {  	s3 =	sand.u32 $0x4000, s31;
	s1 =	sadd.s32 s1, s30  }
0xba: {  	s0 =	sor.u32 s3, s0;
	s1 =	sshll.u32 s1, $0x11  }
0xbb: {  	s0 =	sor.u32 s1, s0  }
0xbc: {  	s0 =	sadd.s32 $0x8F2B, s0  }
0xbd: {  	[sflag:s0] =	ssyncadd.remote.s32 $0x1  }
0xbe: {  	_ =	sfence.sel $0xFFFF  }
0xbf: {  	[dreg:$0x0] =	wrdreg $0xFFFFFFFF;
	(pc) =	sbr.abs _section_cstart, $3  }
0xc0: {  	[dreg:$0x1] =	wrdreg $0xFFFFFFFF  }
0xc1: {  	_ =	task.clear_ibuf [dreg:s6], $0x2FFFF;
	_ =	strace $0x9FFFFFFF  }
0xc2: {  	(tm) =	ssettm $0x7FFFFFFF  }
0xc3: {  	_ =	shalt  }
tec
execute0_lowered:
.L_overlay_start_1:
0x0: {  	(tag) =	ssettag $0x1  }
0x1: {  	s0 =	rddreg [dreg:$0x0]  }
0x2: {  	s2 =	rddreg [dreg:$0x1]  }
0x3: {  	s3 =	simm.s32 $0x0;
	s1 =	srdreg.scid;
	s17 =	stileid.u32  }
0x4: {  	[smem:$0x7FF] =	sst s3;
	s1 =	sand.u32 $0x1, s1;
	s10 =	smul.u32 $0xC50, s17  }
0x5: {  	s4 =	sshll.u32 s17, $0x1;
	s5 =	sadd.s32 $0x6600, s0;
	s12 =	smul.u32 $0x3140, s17  }
0x6: {  	s6 =	sadd.s32 $0x99200, s0;
	s8 =	sadd.s32 $0xCA600, s0;
	s14 =	smul.u32 $0x18800, s17  }
0x7: {  	s29 =	smul.u32 $0x62800, s17;
	_ =	strace $0x8000004D;
	s4 =	sor.u32 s1, s4  }
0x8: {  	s9 =	ssub.s32 $0x2, s1;
	p0 =	seq.s32 s1, $0x0;
	s1 =	smul.u32 $0xC400, s1  }
0x9: {  	s7 =	smul.u32 $0x1880, s4;
	s11 =	sshrl.u32 s9, $0x1;
	s8 =	smov.u32 @p0 s6  }
0xa: {  	s4 =	smul.u32 $0xC400, s4;
	s19 =	sadd.s32 $0x18A, s10;
	s20 =	sadd.s32 $0x49E, s10  }
0xb: {  	s23 =	sadd.s32 $0x628, s10;
	s16 =	sadd.s32 $0x7B2, s10;
	s26 =	sadd.s32 $0x93C, s10  }
0xc: {  	s9 =	ssub.s32 s9, s11;
	s6 =	sadd.s32 s8, s12;
	s11 =	sshll.u32 s19, $0x2  }
0xd: {  	s12 =	sadd.s32 $0x314, s10;
	s13 =	sshll.u32 s20, $0x2;
	s24 =	sshll.u32 s23, $0x2  }
0xe: {  	s25 =	sshll.u32 s16, $0x2;
	s10 =	sadd.s32 $0xAC6, s10;
	s15 =	sshll.u32 s26, $0x2  }
0xf: {  	s1 =	sadd.s32 s1, s14;
	s14 =	sadd.s32 $0x37600, s0;
	s18 =	sadd.s32 s5, s7  }
0x10: {  	[dreg:$0x4] =	wrdreg s6;
	s7 =	sadd.s32 s8, s11;
	s21 =	sshll.u32 s12, $0x2  }
0x11: {  	s22 =	sadd.s32 s8, s13;
	s13 =	sadd.s32 s8, s24;
	s28 =	sshll.u32 s10, $0x2  }
0x12: {  	s15 =	sadd.s32 s8, s15;
	s1 =	sadd.s32 $0x600, s1;
	[dreg:$0x5] =	wrdreg s7  }
0x13: {  	s4 =	sshrl.u32 s4, $0x3;
	s31 =	smax.u32 s9, $0x1;
	[dreg:$0x7] =	wrdreg s22  }
0x14: {  	s6 =	sshll.u32 s12, $0x5;
	s9 =	sshll.u32 s23, $0x5;
	[dreg:$0x8] =	wrdreg s13  }
0x15: {  	s12 =	sshll.u32 s16, $0x5;
	s16 =	sshll.u32 s26, $0x5;
	[dreg:$0xa] =	wrdreg s15  }
0x16: {  	s7 =	sadd.s32 s8, s21;
	s13 =	sadd.s32 s8, s25;
	[dreg:$0xc] =	wrdreg s31  }
0x17: {  	s8 =	sadd.s32 s8, s28;
	s1 =	sshrl.u32 s1, $0x3;
	[dreg:$0x3] =	wrdreg s18  }
0x18: {  	s4 =	sadd.s32 s5, s4;
	s15 =	sadd.s32 $0x68400, s0;
	[dreg:$0x6] =	wrdreg s7  }
0x19: {  	s11 =	sadd.s32 s9, s2;
	s22 =	sadd.s32 $0x40, s18;
	[dreg:$0x9] =	wrdreg s13  }
0x1a: {  	s9 =	simm.s32 $0x80;
	s18 =	simm.s32 $0x4;
	[dreg:$0xb] =	wrdreg s8  }
0x1b: {  	s30 =	sadd.s32 s1, s5;
	s4 =	sadd.s32 $0x80, s4;
	[dreg:$0x11] =	wrdreg s11  }
0x1c: {  	s5 =	sshll.u32 s19, $0x5;
	s8 =	sshll.u32 s20, $0x5;
	[dreg:$0x15] =	wrdreg s22  }
0x1d: {  	s20 =	sshll.u32 s10, $0x5;
	[dreg:$0xd] =	wrdreg s4;
	s0 =	sadd.s32 s5, s2  }
0x1e: {  	s1 =	sshrl.u32 s29, $0x2;
	s21 =	sadd.s32 s20, s2;
	[dreg:$0xe] =	wrdreg s0  }
0x1f: {  	s17 =	sadd.s32 s1, s2;
	s0 =	sadd.s32 s6, s2;
	[dreg:$0x14] =	wrdreg s21  }
0x20: {  	s19 =	smov.u32 s15;
	s23 =	sadd.s32 $0x3140, s17;
	[dreg:$0xf] =	wrdreg s0  }
0x21: {  	s7 =	simm.s32 $0x4400;
	s24 =	sadd.s32 $0x6280, s17;
	[dreg:$0x16] =	wrdreg s23  }
0x22: {  	s11 =	simm.s32 $0x1400;
	s25 =	sadd.s32 $0x93C0, s17;
	[dreg:$0x17] =	wrdreg s24  }
0x23: {  	s22 =	simm.s32 $0x8;
	s26 =	sadd.s32 $0xC500, s17;
	[dreg:$0x18] =	wrdreg s25  }
0x24: {  	s19 =	smov.u32 @p0 s14;
	s28 =	sadd.s32 $0xF640, s17;
	[dreg:$0x19] =	wrdreg s26  }
0x25: {  	s4 =	simm.s32 $0x1;
	s29 =	sadd.s32 $0x12780, s17;
	[dreg:$0x1a] =	wrdreg s28  }
0x26: {  	s20 =	simm.s32 $0x5;
	s31 =	sadd.s32 $0x158C0, s17;
	[dreg:$0x1b] =	wrdreg s29  }
0x27: {  	s21 =	simm.s32 $0x6;
	s0 =	sadd.s32 s8, s2;
	[dreg:$0x1c] =	wrdreg s31  }
0x28: {  	s8 =	simm.s32 $0x7;
	[dreg:$0x10] =	wrdreg s0;
	s0 =	sadd.s32 s12, s2  }
0x29: {  	s23 =	simm.s32 $0x0;
	[dreg:$0x12] =	wrdreg s0;
	s0 =	sadd.s32 s16, s2  }
0x2a: {  	v0 =	vimm.f32 $0.0e+00;
	s12 =	simm.s32 $0x3;
	s16 =	simm.s32 $0x2;
	[dreg:$0x13] =	wrdreg s0  }
.LBB2_1:
0x2b: {  	s0 =	rddreg [dreg:$0x3]  }
0x2c: {  	s28 =	rddreg [dreg:$0x15];
	s29 =	sand.u32 $0xFF80, s3  }
0x2d: {  	[tilespmem:s3], [sflag:$0x1] =	stream.linear.gather [hbm4b:s0+s3], $0x200, $0x38;
	[tilespmem:$0x1FF40] =	vst v63  }
0x2e: {  	s1 =	simm.s32 $0x200;
	s31 =	sand.u32 $0x10, s3;
	s5 =	sshrl.u32 s29, $0x2  }
0x2f: {  	[tilespmem:s1], [sflag:$0x2] =	stream.linear.gather [hbm4b:s28+s3], $0x200, $0x38;
	[tilespmem:$0x1FF40] =	vst v63  }
0x30: {  	s0 =	simm.s32 $0x40;
	s5 =	sor.u32 s31, s5;
	s1 =	simm.s32 $0x0  }
.LBB2_2:
0x31: {  	p1 =	sne.s32 s0, $0xC4C0  }
0x32: {  	[tilespmem:s5+$0x4400] =	vst v0;
	s1 =	sadd.s32 $0x10, s1;
	s5 =	smov.u32 s0;
	s0 =	sadd.s32 $0x40, s0  }
.Ltmp0:
0x33: {  	(pc) =	sbr.rel @p1 .LBB2_2-.Ltmp0, $4  }
0x34: {  	_ = 	snop  }
0x35: {  	s5 =	sand.u32 $0xFF80, s5  }
0x36: {  	s10 =	sand.u32 $0x10, s1;
	s5 =	sshrl.u32 s5, $0x2  }
0x37: {  	s5 =	sor.u32 s10, s5  }
0x38: {  	[tilespmem:s5+$0x4400] =	vst v0  }
0x39: {  	[spmem:s17] =	stream.linear.scatter [tilespmem:s7], [sflag:$0x7], $0x3140, $0x38;
	[tilespmem:$0x1FF40] =	vst v63  }
0x3a: {  	_ =	swait.ge [sflag:s8], $0x3140  }
0x3b: {  	[sflag:s8] =	ssyncset.done $0x0  }
0x3c: {  	s0 =	rddreg [dreg:$0x16];
	[sflag:s8] =	ssyncadd.s32 $0xFFFFCEC0  }
0x3d: {  	[spmem:s0] =	stream.linear.scatter [tilespmem:s7], [sflag:$0x7], $0x3140, $0x38;
	[tilespmem:$0x1FF40] =	vst v63  }
0x3e: {  	_ =	swait.ge [sflag:s8], $0x3140  }
0x3f: {  	[sflag:s8] =	ssyncset.done $0x0  }
0x40: {  	s10 =	rddreg [dreg:$0x17];
	[sflag:s8] =	ssyncadd.s32 $0xFFFFCEC0  }
0x41: {  	[spmem:s10] =	stream.linear.scatter [tilespmem:s7], [sflag:$0x7], $0x3140, $0x38;
	[tilespmem:$0x1FF40] =	vst v63  }
0x42: {  	_ =	swait.ge [sflag:s8], $0x3140  }
0x43: {  	[sflag:s8] =	ssyncset.done $0x0  }
0x44: {  	s13 =	rddreg [dreg:$0x18];
	[sflag:s8] =	ssyncadd.s32 $0xFFFFCEC0  }
0x45: {  	[spmem:s13] =	stream.linear.scatter [tilespmem:s7], [sflag:$0x7], $0x3140, $0x38;
	[tilespmem:$0x1FF40] =	vst v63  }
0x46: {  	_ =	swait.ge [sflag:s8], $0x3140  }
0x47: {  	[sflag:s8] =	ssyncset.done $0x0  }
0x48: {  	s24 =	rddreg [dreg:$0x19];
	[sflag:s8] =	ssyncadd.s32 $0xFFFFCEC0  }
0x49: {  	[spmem:s24] =	stream.linear.scatter [tilespmem:s7], [sflag:$0x7], $0x3140, $0x38;
	[tilespmem:$0x1FF40] =	vst v63  }
0x4a: {  	_ =	swait.ge [sflag:s8], $0x3140  }
0x4b: {  	[sflag:s8] =	ssyncset.done $0x0  }
0x4c: {  	s25 =	rddreg [dreg:$0x1a];
	[sflag:s8] =	ssyncadd.s32 $0xFFFFCEC0  }
0x4d: {  	[spmem:s25] =	stream.linear.scatter [tilespmem:s7], [sflag:$0x7], $0x3140, $0x38;
	[tilespmem:$0x1FF40] =	vst v63  }
0x4e: {  	_ =	swait.ge [sflag:s8], $0x3140  }
0x4f: {  	[sflag:s8] =	ssyncset.done $0x0  }
0x50: {  	s26 =	rddreg [dreg:$0x1b];
	[sflag:s8] =	ssyncadd.s32 $0xFFFFCEC0  }
0x51: {  	[spmem:s26] =	stream.linear.scatter [tilespmem:s7], [sflag:$0x7], $0x3140, $0x38;
	[tilespmem:$0x1FF40] =	vst v63  }
0x52: {  	_ =	swait.ge [sflag:s8], $0x3140  }
0x53: {  	[sflag:s8] =	ssyncset.done $0x0  }
0x54: {  	s1 =	rddreg [dreg:$0x1c];
	[sflag:s8] =	ssyncadd.s32 $0xFFFFCEC0  }
0x55: {  	[spmem:s1] =	stream.linear.scatter [tilespmem:s7], [sflag:$0x7], $0x3140, $0x38;
	[tilespmem:$0x1FF40] =	vst v63  }
0x56: {  	_ =	swait.ge [sflag:s8], $0x3140  }
0x57: {  	[sflag:s8] =	ssyncset.done $0x0  }
0x58: {  	[sflag:s8] =	ssyncadd.s32 $0xFFFFCEC0  }
0x59: {  	_ =	swait.ge [sflag:s4], $0x200  }
0x5a: {  	[sflag:s4] =	ssyncset.done $0x0  }
0x5b: {  	s6 =	simm.s32 $0x400;
	[sflag:s4] =	ssyncadd.s32 $0xFFFFFE00  }
0x5c: {  	[tilespmem:s6], [sflag:$0x3] =	stream.indirect.gather [hbm4b:s19+s9], $0x20, s3, s9, $0xb8;
	[tilespmem:$0x1FF40] =	vst v63  }
0x5d: {  	s5 =	simm.s32 $0x100  }
0x5e: {  	[tilespmem:s11], [sflag:$0x3] =	stream.indirect.gather [hbm4b:s19+s9], $0x20, s5, s9, $0xb8;
	[tilespmem:$0x1FF40] =	vst v63  }
0x5f: {  	[bflag:$0x0] =	sbarrier.arrive $0xFFFF  }
0x60: {  	_ =	swait.ge [sflag:s12], $0x1000  }
0x61: {  	[sflag:s12] =	ssyncset.done $0x0  }
0x62: {  	[sflag:s12] =	ssyncadd.s32 $0xFFFFF000  }
0x63: {  	_ =	swait.ge [sflag:s12], $0x1000  }
0x64: {  	[sflag:s12] =	ssyncset.done $0x0  }
0x65: {  	[sflag:s12] =	ssyncadd.s32 $0xFFFFF000  }
0x66: {  	_ =	swait.ge [sflag:s16], $0x200  }
0x67: {  	s0 =	simm.s32 @p0 $0x80;
	[sflag:s16] =	ssyncset.done $0x0  }
0x68: {  	s1 =	simm.s32 @p0 $0x200;
	s5 =	simm.s32 @p0 $0x2400;
	[sflag:s16] =	ssyncadd.s32 $0xFFFFFE00  }
0x69: {  	[tilespmem:s5], [sflag:$0x4] =	stream.indirect.gather @p0 [hbm4b:s14+s0], $0x20, s1, s0, $0xb8;
	[tilespmem:$0x1FF40] =	vst v63  }
0x6a: {  	s1 =	simm.s32 @p0 $0x300;
	s5 =	simm.s32 @p0 $0x3400  }
0x6b: {  	[tilespmem:s5], [sflag:$0x4] =	stream.indirect.gather @p0 [hbm4b:s14+s0], $0x20, s1, s0, $0xb8;
	[tilespmem:$0x1FF40] =	vst v63  }
0x6c: {  	s0 =	simm.s32 @!p0 $0x80;
	s1 =	simm.s32 @!p0 $0x200;
	s5 =	simm.s32 @!p0 $0x2400  }
0x6d: {  	[tilespmem:s5], [sflag:$0x4] =	stream.indirect.gather @!p0 [hbm4b:s15+s0], $0x20, s1, s0, $0xb8;
	[tilespmem:$0x1FF40] =	vst v63  }
0x6e: {  	s1 =	simm.s32 @!p0 $0x300;
	s5 =	simm.s32 @!p0 $0x3400  }
0x6f: {  	[tilespmem:s5], [sflag:$0x4] =	stream.indirect.gather @!p0 [hbm4b:s15+s0], $0x20, s1, s0, $0xb8;
	[tilespmem:$0x1FF40] =	vst v63  }
0x70: {  	s24 =	simm.s32 $0x1  }
0x71: {  	[spmem:s2] =	stream.indirect.scatter.add.f32 [tilespmem:s6], [sflag:$0x5], $0x20, s9, s9, $0xb8;
	[tilespmem:$0x1FF40] =	vst v63  }
0x72: {  	s10 =	simm.s32 $0x180;
	s1 =	sand.u32 $0x1, s24  }
0x73: {  	[spmem:s2] =	stream.indirect.scatter.add.f32 [tilespmem:s11], [sflag:$0x5], $0x20, s10, s9, $0xb8;
	[tilespmem:$0x1FF40] =	vst v63  }
0x74: {  	s13 =	rddreg [dreg:$0xd];
	s0 =	sadd.s32 $0x3, s1  }
0x75: {  	[tilespmem:s3], [sflag:$0x1] =	stream.linear.gather [hbm4b:s13+s3], $0x200, $0x38;
	[tilespmem:$0x1FF40] =	vst v63  }
0x76: {  	_ =	swait.ge [sflag:s0], $0x1000  }
0x77: {  	[sflag:s0] =	ssyncset.done $0x0  }
0x78: {  	[sflag:s0] =	ssyncadd.s32 $0xFFFFF000  }
0x79: {  	s25 =	simm.s32 $0x2;
	_ =	swait.ge [sflag:s0], $0x1000  }
0x7a: {  	s5 =	sand.u32 $0x1, s25;
	[sflag:s0] =	ssyncset.done $0x0  }
0x7b: {  	s26 =	sadd.s32 $0x1, s5;
	[sflag:s0] =	ssyncadd.s32 $0xFFFFF000  }
0x7c: {  	_ =	swait.ge [sflag:s26], $0x200  }
0x7d: {  	[sflag:s26] =	ssyncset.done $0x0  }
0x7e: {  	s6 =	sadd.s32 $0x5, s5;
	[sflag:s26] =	ssyncadd.s32 $0xFFFFFE00  }
0x7f: {  	p1 =	por $0x0, $0x0;
	s28 =	simm.s32 $0x4;
	_ =	swait.ge [sflag:s6], $0x1000  }
0x80: {  	p2 =	por $0x0, $0x0;
	s25 =	simm.s32 $0x3;
	[sflag:s6] =	ssyncset.done $0x0  }
0x81: {  	s24 =	sadd.s32 $0x40, s30;
	s29 =	sadd.s32 @!p1 $0x1, s1;
	[sflag:s6] =	ssyncadd.s32 $0xFFFFF000  }
0x82: {  	p1 =	por p1, p1;
	s10 =	sshll.u32 s1, $0xD;
	_ =	swait.ge [sflag:s6], $0x1000  }
0x83: {  	s13 =	sshll.u32 s5, $0xD;
	s26 =	sadd.s32 $0x3, s5;
	[sflag:s6] =	ssyncset.done $0x0  }
0x84: {  	s5 =	sshll.u32 s5, $0x9;
	[sflag:s6] =	ssyncadd.s32 $0xFFFFF000;
	s6 =	sor.u32 $0x400, s13  }
0x85: {  	[tilespmem:s6], [sflag:s26] =	stream.indirect.gather [hbm4b:s19+s9], $0x20, s5, s9, $0xb8;
	[tilespmem:$0x1FF40] =	vst v63  }
0x86: {  	s0 =	sshll.u32 s1, $0x9;
	s13 =	sor.u32 $0x1400, s13;
	s5 =	sor.u32 $0x100, s5  }
0x87: {  	[tilespmem:s13], [sflag:s26] =	stream.indirect.gather [hbm4b:s19+s9], $0x20, s5, s9, $0xb8;
	[tilespmem:$0x1FF40] =	vst v63  }
0x88: {  	s1 =	sadd.s32 $0x5, s1;
	s6 =	sor.u32 $0x80, s0;
	s26 =	sor.u32 $0x400, s10  }
0x89: {  	[spmem:s2] =	stream.indirect.scatter.add.f32 [tilespmem:s26], [sflag:s1], $0x20, s6, s9, $0xb8;
	[tilespmem:$0x1FF40] =	vst v63  }
0x8a: {  	s31 =	sor.u32 $0x1400, s10;
	s10 =	sor.u32 $0x180, s0;
	s26 =	simm.s32 $0x2  }
0x8b: {  	s5 =	simm.s32 @!p1 $0x0;
	s13 =	smov.u32 s30;
	s26 =	sand.u32 $0x1, s26  }
.LBB2_4:
0x8c: {  	[spmem:s2] =	stream.indirect.scatter.add.f32 [tilespmem:s31], [sflag:s1], $0x20, s10, s9, $0xb8;
	[tilespmem:$0x1FF40] =	vst v63  }
0x8d: {  	s1 =	smov.u32 s28  }
0x8e: {  	s10 =	sadd.s32 $0x3, s26;
	s31 =	sshll.u32 s26, $0xD;
	s6 =	sadd.s32 @!p2 $0x1, s26  }
0x8f: {  	[tilespmem:s0], [sflag:s29] =	stream.linear.gather @!p1 [hbm4b:s13+s5], $0x200, $0x38;
	[tilespmem:$0x1FF40] =	vst v63  }
0x90: {  	s28 =	sadd.s32 $0x1, s28;
	s29 =	smov.u32 s6;
	_ =	swait.ge [sflag:s10], $0x1000  }
0x91: {  	p3 =	sne.s32 s28, $0x62;
	s13 =	smov.u32 s24;
	[sflag:s10] =	ssyncset.done $0x0  }
0x92: {  	p1 =	por p2, p2;
	[sflag:s10] =	ssyncadd.s32 $0xFFFFF000  }
0x93: {  	_ =	swait.ge [sflag:s10], $0x1000  }
0x94: {  	s0 =	sand.u32 $0x1, s25;
	s25 =	smov.u32 s1;
	[sflag:s10] =	ssyncset.done $0x0  }
0x95: {  	s1 =	sadd.s32 $0x1, s0;
	s5 =	sshll.u32 s0, $0xD;
	[sflag:s10] =	ssyncadd.s32 $0xFFFFF000  }
0x96: {  	_ =	swait.ge [sflag:s1], $0x200  }
0x97: {  	[sflag:s1] =	ssyncset.done $0x0  }
0x98: {  	[sflag:s1] =	ssyncadd.s32 $0xFFFFFE00;
	s1 =	sadd.s32 $0x5, s0  }
0x99: {  	_ =	swait.ge [sflag:s1], $0x1000  }
0x9a: {  	[sflag:s1] =	ssyncset.done $0x0  }
0x9b: {  	[sflag:s1] =	ssyncadd.s32 $0xFFFFF000  }
0x9c: {  	_ =	swait.ge [sflag:s1], $0x1000  }
0x9d: {  	s24 =	sadd.s32 $0x40, s24;
	s6 =	sadd.s32 $0x3, s0;
	[sflag:s1] =	ssyncset.done $0x0  }
0x9e: {  	s0 =	sshll.u32 s0, $0x9;
	[sflag:s1] =	ssyncadd.s32 $0xFFFFF000;
	s1 =	sor.u32 $0x400, s5  }
0x9f: {  	[tilespmem:s1], [sflag:s6] =	stream.indirect.gather [hbm4b:s19+s9], $0x20, s0, s9, $0xb8;
	[tilespmem:$0x1FF40] =	vst v63  }
0xa0: {  	s1 =	sor.u32 $0x1400, s5;
	s5 =	sor.u32 $0x100, s0;
	s0 =	sshll.u32 s26, $0x9  }
0xa1: {  	[tilespmem:s1], [sflag:s6] =	stream.indirect.gather [hbm4b:s19+s9], $0x20, s5, s9, $0xb8;
	[tilespmem:$0x1FF40] =	vst v63  }
.Ltmp1:
0xa2: {  	_ = 	snop;
	(pc) =	sbr.rel @p3 .LBB2_4-.Ltmp1, $4  }
0xa3: {  	s5 =	sor.u32 $0x400, s31;
	s6 =	sor.u32 $0x80, s0;
	s1 =	sadd.s32 $0x5, s26  }
0xa4: {  	[spmem:s2] =	stream.indirect.scatter.add.f32 [tilespmem:s5], [sflag:s1], $0x20, s6, s9, $0xb8;
	[tilespmem:$0x1FF40] =	vst v63  }
0xa5: {  	s10 =	sor.u32 $0x180, s0;
	s31 =	sor.u32 $0x1400, s31;
	s5 =	sadd.s32 $0xFFFFFFFF, s25  }
0xa6: {  	s26 =	sand.u32 $0x1, s5;
	p2 =	sgt.u32 s5, $0x5F;
	s5 =	simm.s32 @!p1 $0x0  }
0xa7: {  	[spmem:s2] =	stream.indirect.scatter.add.f32 [tilespmem:s31], [sflag:s1], $0x20, s10, s9, $0xb8;
	[tilespmem:$0x1FF40] =	vst v63  }
0xa8: {  	s6 =	sadd.s32 $0x3, s26  }
0xa9: {  	[tilespmem:s0], [sflag:s29] =	stream.linear.gather @!p1 [hbm4b:s13+s5], $0x200, $0x38;
	[tilespmem:$0x1FF40] =	vst v63  }
0xaa: {  	_ =	swait.ge [sflag:s6], $0x1000  }
0xab: {  	[sflag:s6] =	ssyncset.done $0x0  }
0xac: {  	[sflag:s6] =	ssyncadd.s32 $0xFFFFF000  }
0xad: {  	_ =	swait.ge [sflag:s6], $0x1000  }
0xae: {  	s10 =	sand.u32 $0x1, s25;
	[sflag:s6] =	ssyncset.done $0x0  }
0xaf: {  	s13 =	sadd.s32 $0x1, s10;
	[sflag:s6] =	ssyncadd.s32 $0xFFFFF000  }
0xb0: {  	_ =	swait.ge [sflag:s13], $0x200  }
0xb1: {  	[sflag:s13] =	ssyncset.done $0x0  }
0xb2: {  	s25 =	sadd.s32 $0x5, s10;
	[sflag:s13] =	ssyncadd.s32 $0xFFFFFE00  }
0xb3: {  	_ =	swait.ge [sflag:s25], $0x1000  }
0xb4: {  	[sflag:s25] =	ssyncset.done $0x0  }
0xb5: {  	[sflag:s25] =	ssyncadd.s32 $0xFFFFF000  }
0xb6: {  	s28 =	sadd.s32 $0x3, s10;
	_ =	swait.ge [sflag:s25], $0x1000  }
0xb7: {  	s1 =	sshll.u32 s10, $0x9;
	s6 =	sshll.u32 s10, $0xD;
	[sflag:s25] =	ssyncset.done $0x0  }
0xb8: {  	s5 =	sshll.u32 s26, $0xD;
	s29 =	sor.u32 $0x400, s6;
	[sflag:s25] =	ssyncadd.s32 $0xFFFFF000  }
0xb9: {  	[tilespmem:s29], [sflag:s28] =	stream.indirect.gather [hbm4b:s19+s9], $0x20, s1, s9, $0xb8;
	[tilespmem:$0x1FF40] =	vst v63  }
0xba: {  	s31 =	sor.u32 $0x1400, s6;
	s6 =	sshll.u32 s26, $0x9;
	s1 =	sor.u32 $0x100, s1  }
0xbb: {  	[tilespmem:s31], [sflag:s28] =	stream.indirect.gather [hbm4b:s19+s9], $0x20, s1, s9, $0xb8;
	[tilespmem:$0x1FF40] =	vst v63  }
0xbc: {  	s13 =	sor.u32 $0x400, s5;
	s25 =	sor.u32 $0x80, s6;
	s28 =	sadd.s32 $0x5, s26  }
0xbd: {  	[spmem:s2] =	stream.indirect.scatter.add.f32 [tilespmem:s13], [sflag:s28], $0x20, s25, s9, $0xb8;
	[tilespmem:$0x1FF40] =	vst v63  }
0xbe: {  	p1 =	por p2, p2;
	s29 =	sor.u32 $0x1400, s5;
	s31 =	sor.u32 $0x180, s6  }
0xbf: {  	[spmem:s2] =	stream.indirect.scatter.add.f32 [tilespmem:s29], [sflag:s28], $0x20, s31, s9, $0xb8;
	[tilespmem:$0x1FF40] =	vst v63  }
0xc0: {  	s0 =	sadd.s32 @!p2 $0x1, s26;
	s1 =	simm.s32 @!p1 $0x0  }
0xc1: {  	[tilespmem:s6], [sflag:s0] =	stream.linear.gather @!p1 [hbm4b:s24+s1], $0x200, $0x38;
	[tilespmem:$0x1FF40] =	vst v63  }
0xc2: {  	_ =	swait.ge [sflag:s18], $0x1000  }
0xc3: {  	[sflag:s18] =	ssyncset.done $0x0  }
0xc4: {  	[sflag:s18] =	ssyncadd.s32 $0xFFFFF000  }
0xc5: {  	_ =	swait.ge [sflag:s18], $0x1000  }
0xc6: {  	[sflag:s18] =	ssyncset.done $0x0  }
0xc7: {  	s5 =	simm.s32 $0x280;
	s6 =	simm.s32 $0x2400;
	[sflag:s18] =	ssyncadd.s32 $0xFFFFF000  }
0xc8: {  	[spmem:s2] =	stream.indirect.scatter.add.f32 [tilespmem:s6], [sflag:$0x6], $0x20, s5, s9, $0xb8;
	[tilespmem:$0x1FF40] =	vst v63  }
0xc9: {  	s10 =	simm.s32 $0x380;
	s13 =	simm.s32 $0x3400  }
0xca: {  	[spmem:s2] =	stream.indirect.scatter.add.f32 [tilespmem:s13], [sflag:$0x6], $0x20, s10, s9, $0xb8;
	[tilespmem:$0x1FF40] =	vst v63  }
0xcb: {  	_ =	swait.ge [sflag:s20], $0x1000  }
0xcc: {  	[sflag:s20] =	ssyncset.done $0x0  }
0xcd: {  	[sflag:s20] =	ssyncadd.s32 $0xFFFFF000  }
0xce: {  	_ =	swait.ge [sflag:s20], $0x1000  }
0xcf: {  	[sflag:s20] =	ssyncset.done $0x0  }
0xd0: {  	[sflag:s20] =	ssyncadd.s32 $0xFFFFF000  }
0xd1: {  	_ =	swait.ge [sflag:s21], $0x1000  }
0xd2: {  	[sflag:s21] =	ssyncset.done $0x0  }
0xd3: {  	[sflag:s21] =	ssyncadd.s32 $0xFFFFF000  }
0xd4: {  	_ =	swait.ge [sflag:s21], $0x1000  }
0xd5: {  	[sflag:s21] =	ssyncset.done $0x0  }
0xd6: {  	[sflag:s21] =	ssyncadd.s32 $0xFFFFF000  }
0xd7: {  	[bflag:$0x0] =	sbarrier.arrive $0xFFFF  }
0xd8: {  	[tilespmem:s7], [sflag:$0x8] =	stream.linear.gather [spmem:s17], $0x3140, $0x38;
	[tilespmem:$0x1FF40] =	vst v63  }
0xd9: {  	_ =	swait.ge [sflag:s22], $0x3140  }
0xda: {  	s13 =	simm.s32 $0x8;
	[sflag:s22] =	ssyncset.done $0x0  }
0xdb: {  	s13 =	simm.s32 @!p0 $0x7;
	s24 =	rddreg [dreg:$0x4];
	[sflag:s22] =	ssyncadd.s32 $0xFFFFCEC0  }
0xdc: {  	[hbm4b:s24+s3] =	stream.linear.scatter [tilespmem:s7], [sflag:s13], $0x3140, $0x38;
	[tilespmem:$0x1FF40] =	vst v63  }
0xdd: {  	_ =	swait.ge [sflag:s13], $0x3140  }
0xde: {  	[sflag:s13] =	ssyncset.done $0x0  }
0xdf: {  	s25 =	rddreg [dreg:$0xe];
	[sflag:s13] =	ssyncadd.s32 $0xFFFFCEC0  }
0xe0: {  	[tilespmem:s7], [sflag:$0x8] =	stream.linear.gather [spmem:s25], $0x3140, $0x38;
	[tilespmem:$0x1FF40] =	vst v63  }
0xe1: {  	_ =	swait.ge [sflag:s22], $0x3140  }
0xe2: {  	[sflag:s22] =	ssyncset.done $0x0  }
0xe3: {  	s26 =	rddreg [dreg:$0x5];
	[sflag:s22] =	ssyncadd.s32 $0xFFFFCEC0  }
0xe4: {  	[hbm4b:s26+s3] =	stream.linear.scatter [tilespmem:s7], [sflag:s13], $0x3140, $0x38;
	[tilespmem:$0x1FF40] =	vst v63  }
0xe5: {  	_ =	swait.ge [sflag:s13], $0x3140  }
0xe6: {  	[sflag:s13] =	ssyncset.done $0x0  }
0xe7: {  	s28 =	rddreg [dreg:$0xf];
	[sflag:s13] =	ssyncadd.s32 $0xFFFFCEC0  }
0xe8: {  	[tilespmem:s7], [sflag:$0x8] =	stream.linear.gather [spmem:s28], $0x3140, $0x38;
	[tilespmem:$0x1FF40] =	vst v63  }
0xe9: {  	_ =	swait.ge [sflag:s22], $0x3140  }
0xea: {  	[sflag:s22] =	ssyncset.done $0x0  }
0xeb: {  	s29 =	rddreg [dreg:$0x6];
	[sflag:s22] =	ssyncadd.s32 $0xFFFFCEC0  }
0xec: {  	[hbm4b:s29+s3] =	stream.linear.scatter [tilespmem:s7], [sflag:s13], $0x3140, $0x38;
	[tilespmem:$0x1FF40] =	vst v63  }
0xed: {  	_ =	swait.ge [sflag:s13], $0x3140  }
0xee: {  	[sflag:s13] =	ssyncset.done $0x0  }
0xef: {  	s31 =	rddreg [dreg:$0x10];
	[sflag:s13] =	ssyncadd.s32 $0xFFFFCEC0  }
0xf0: {  	[tilespmem:s7], [sflag:$0x8] =	stream.linear.gather [spmem:s31], $0x3140, $0x38;
	[tilespmem:$0x1FF40] =	vst v63  }
0xf1: {  	_ =	swait.ge [sflag:s22], $0x3140  }
0xf2: {  	[sflag:s22] =	ssyncset.done $0x0  }
0xf3: {  	s1 =	rddreg [dreg:$0x7];
	[sflag:s22] =	ssyncadd.s32 $0xFFFFCEC0  }
0xf4: {  	[hbm4b:s1+s3] =	stream.linear.scatter [tilespmem:s7], [sflag:s13], $0x3140, $0x38;
	[tilespmem:$0x1FF40] =	vst v63  }
0xf5: {  	_ =	swait.ge [sflag:s13], $0x3140  }
0xf6: {  	[sflag:s13] =	ssyncset.done $0x0  }
0xf7: {  	s5 =	rddreg [dreg:$0x11];
	[sflag:s13] =	ssyncadd.s32 $0xFFFFCEC0  }
0xf8: {  	[tilespmem:s7], [sflag:$0x8] =	stream.linear.gather [spmem:s5], $0x3140, $0x38;
	[tilespmem:$0x1FF40] =	vst v63  }
0xf9: {  	_ =	swait.ge [sflag:s22], $0x3140  }
0xfa: {  	[sflag:s22] =	ssyncset.done $0x0  }
0xfb: {  	s6 =	rddreg [dreg:$0x8];
	[sflag:s22] =	ssyncadd.s32 $0xFFFFCEC0  }
0xfc: {  	[hbm4b:s6+s3] =	stream.linear.scatter [tilespmem:s7], [sflag:s13], $0x3140, $0x38;
	[tilespmem:$0x1FF40] =	vst v63  }
0xfd: {  	_ =	swait.ge [sflag:s13], $0x3140  }
0xfe: {  	[sflag:s13] =	ssyncset.done $0x0  }
0xff: {  	s10 =	rddreg [dreg:$0x12];
	[sflag:s13] =	ssyncadd.s32 $0xFFFFCEC0  }
0x100: {  	[tilespmem:s7], [sflag:$0x8] =	stream.linear.gather [spmem:s10], $0x3140, $0x38;
	[tilespmem:$0x1FF40] =	vst v63  }
0x101: {  	_ =	swait.ge [sflag:s22], $0x3140  }
0x102: {  	[sflag:s22] =	ssyncset.done $0x0  }
0x103: {  	s24 =	rddreg [dreg:$0x9];
	[sflag:s22] =	ssyncadd.s32 $0xFFFFCEC0  }
0x104: {  	[hbm4b:s24+s3] =	stream.linear.scatter [tilespmem:s7], [sflag:s13], $0x3140, $0x38;
	[tilespmem:$0x1FF40] =	vst v63  }
0x105: {  	_ =	swait.ge [sflag:s13], $0x3140  }
0x106: {  	[sflag:s13] =	ssyncset.done $0x0  }
0x107: {  	s25 =	rddreg [dreg:$0x13];
	[sflag:s13] =	ssyncadd.s32 $0xFFFFCEC0  }
0x108: {  	[tilespmem:s7], [sflag:$0x8] =	stream.linear.gather [spmem:s25], $0x3140, $0x38;
	[tilespmem:$0x1FF40] =	vst v63  }
0x109: {  	_ =	swait.ge [sflag:s22], $0x3140  }
0x10a: {  	[sflag:s22] =	ssyncset.done $0x0  }
0x10b: {  	s26 =	rddreg [dreg:$0xa];
	[sflag:s22] =	ssyncadd.s32 $0xFFFFCEC0  }
0x10c: {  	[hbm4b:s26+s3] =	stream.linear.scatter [tilespmem:s7], [sflag:s13], $0x3140, $0x38;
	[tilespmem:$0x1FF40] =	vst v63  }
0x10d: {  	_ =	swait.ge [sflag:s13], $0x3140  }
0x10e: {  	[sflag:s13] =	ssyncset.done $0x0  }
0x10f: {  	s28 =	rddreg [dreg:$0x14];
	[sflag:s13] =	ssyncadd.s32 $0xFFFFCEC0  }
0x110: {  	[tilespmem:s7], [sflag:$0x8] =	stream.linear.gather [spmem:s28], $0x3140, $0x38;
	[tilespmem:$0x1FF40] =	vst v63  }
0x111: {  	_ =	swait.ge [sflag:s22], $0x3140  }
0x112: {  	[sflag:s22] =	ssyncset.done $0x0  }
0x113: {  	s29 =	rddreg [dreg:$0xb];
	[sflag:s22] =	ssyncadd.s32 $0xFFFFCEC0  }
0x114: {  	[hbm4b:s29+s3] =	stream.linear.scatter [tilespmem:s7], [sflag:s13], $0x3140, $0x38;
	[tilespmem:$0x1FF40] =	vst v63  }
0x115: {  	_ =	swait.ge [sflag:s13], $0x3140  }
0x116: {  	s23 =	sadd.s32 $0x1, s23;
	s31 =	rddreg [dreg:$0xc]  }
0x117: {  	p1 =	sne.s32 s23, s31  }
.Ltmp2:
0x118: {  	_ = 	snop;
	(pc) =	sbr.rel @p1 .LBB2_1-.Ltmp2, $3  }
0x119: {  	_ =	sdelay $0x1  }
0x11a: {  	[sflag:s13] =	ssyncset.done $0x0  }
0x11b: {  	[sflag:s13] =	ssyncadd.s32 $0xFFFFCEC0  }
0x11c: {  	_ =	sfence.sel $0x180000  }
0x11d: {  	[bflag:$0x0] =	sbarrier.arrive $0xFFFF  }
0x11e: {  	_ =	strace $0x9000004D  }
0x11f: {  	s0 =	stileid.u32;
	[bflag:$0x2] =	sbarrier.arrive $0xFFFF  }
0x120: {  	p0 =	sne.s32 s0, $0x0;
	s0 =	rddreg [dreg:$0x2]  }
0x121: {  	s0 =	sadd.s32 @!p0 $0x100000, s0  }
0x122: {  	[sflag:s0] =	ssyncadd.tile.s32 @!p0 $0x1;
	_ =	shalt  }
.Lfunc_end2:
_tile_overlayer_lowered:
.L_overlay_start_2:
0x123: {  	(tag) =	ssettag $0x2  }
0x124: {  	s0 =	rddreg [dreg:$0x0];
	s2 =	stileid.u32  }
0x125: {  	s1 =	rddreg [dreg:$0x1];
	p0 =	sne.s32 s2, $0x0  }
0x126: {  	s3 =	rddreg [dreg:$0x2];
	[bflag:$0x3] =	sbarrier.arrive $0xFFFF;
	s2 =	simm.s32 @!p0 $0x1C07  }
0x127: {  	[timem:s3], [sflag:s2] =	dma.local @!p0 [hbm:s0], s1  }
0x128: {  	s0 =	simm.s32 @!p0 $0x7  }
0x129: {  	_ =	swait.ge @!p0 [sflag:s0], s1  }
0x12a: {  	s1 =	ssub.s32 @!p0 $0x0, s1;
	[sflag:s0] =	ssyncset.done @!p0 $0x0  }
0x12b: {  	[sflag:s0] =	ssyncadd.s32 @!p0 s1  }
0x12c: {  	[bflag:$0x3] =	sbarrier.arrive $0xFFFF  }
0x12d: {  	_ =	shalt  }

</sc_bundles>
